<compile_context>
chip_gen: v7x
topology: tpu7x:2x2x1
jax: 0.10.2.dev20260603
libtpu: 0.0.44.dev20260713+nightly
codegen_flags: <defaults>
</compile_context>

<pallas_src>
import functools

import jax
import jax.numpy as jnp
from jax import lax
from jax.experimental import pallas as pl
from jax.experimental.pallas import tpu as pltpu
from jax.experimental.pallas import tpu_sc as plsc

N, F, H, E = 10000, 128, 8, 320000
D = F // H

NC, NS = 2, 16
NW = NC * NS
NSPLIT = 2
EC = E // NSPLIT

RPT = 624
N_COVERED = RPT * NS
N_REM = N - N_COVERED

_f32 = jnp.float32
_i32 = jnp.int32

_SC_MESH = plsc.VectorSubcoreMesh(core_axis_name="c", subcore_axis_name="s",
                                  num_cores=NC, num_subcores=NS)


def _leaky(x):
    return jnp.where(x >= 0, x, 0.2 * x)


def _node_body(h_ref, wsT, bs, wdT, bd, w1T, b1, w2T, b2, k_ref,
               gsrc_ref, gdst_ref, base_ref):
    h = h_ref[...]
    gs = jnp.dot(h, wsT[...], preferred_element_type=_f32) + bs[...]
    gd = jnp.dot(h, wdT[...], preferred_element_type=_f32) + bd[...]
    gsrc_ref[...] = gs
    gdst_ref[...] = gd
    x = _leaky(gd)
    u = _leaky(jnp.dot(x, w1T[...], preferred_element_type=_f32) + b1[...])
    t = jnp.dot(u, w2T[...], preferred_element_type=_f32) + b2[...]
    a = jax.nn.sigmoid(t)
    arep = jnp.dot(a, k_ref[...], preferred_element_type=_f32)
    base_ref[...] = arep * gd


def _node_call(h, wsT, bs, wdT, bd, w1T, b1, w2T, b2, k):
    R = 2000
    grid = (N // R,)
    row_spec = pl.BlockSpec((R, F), lambda i: (i, 0))
    full = lambda shape: pl.BlockSpec(shape, lambda i: tuple(0 for _ in shape))
    return pl.pallas_call(
        _node_body,
        grid=grid,
        in_specs=[row_spec, full((F, F)), full((1, F)), full((F, F)), full((1, F)),
                  full((F, 32)), full((1, 32)), full((32, H)), full((1, H)),
                  full((H, F))],
        out_specs=[row_spec, row_spec, row_spec],
        out_shape=[jax.ShapeDtypeStruct((N, F), _f32)] * 3,
    )(h, wsT, bs, wdT, bd, w1T, b1, w2T, b2, k)


def _edge_body(ms_ref, md_ref, w1T, b1, w2T, b2, k_ref, w_ref):
    ms = ms_ref[...]
    s = ms + md_ref[...]
    x = _leaky(s)
    u = _leaky(jnp.dot(x, w1T[...], preferred_element_type=_f32) + b1[...])
    t = jnp.dot(u, w2T[...], preferred_element_type=_f32) + b2[...]
    a = jax.nn.sigmoid(t)
    arep = jnp.dot(a, k_ref[...], preferred_element_type=_f32)
    w_ref[...] = arep * ms


def _edge_call(msrc, mdst, w1T, b1, w2T, b2, k):
    TE = 2000
    ne = msrc.shape[0]
    grid = (ne // TE,)
    row_spec = pl.BlockSpec((TE, F), lambda i: (i, 0))
    full = lambda shape: pl.BlockSpec(shape, lambda i: tuple(0 for _ in shape))
    return pl.pallas_call(
        _edge_body,
        grid=grid,
        in_specs=[row_spec, row_spec, full((F, 32)), full((1, 32)),
                  full((32, H)), full((1, H)), full((H, F))],
        out_specs=row_spec,
        out_shape=jax.ShapeDtypeStruct((ne, F), _f32),
    )(msrc, mdst, w1T, b1, w2T, b2, k)


def _combine_body(b_ref, p00, p01, p10, p11, o_ref):
    o_ref[...] = (b_ref[...] + p00[...] + p01[...]) + (p10[...] + p11[...])


def _combine_call(base, partials):
    R = 2000
    row_spec = pl.BlockSpec((R, F), lambda i: (i, 0))
    return pl.pallas_call(
        _combine_body,
        grid=(N // R,),
        in_specs=[row_spec] * 5,
        out_specs=row_spec,
        out_shape=jax.ShapeDtypeStruct((N, F), _f32),
    )(base, *partials)


def _make_gather(ec, ch, nb):
    epw = ec // NW
    n_chunk = epw // ch
    n_group = n_chunk // nb
    assert epw % ch == 0 and n_chunk % nb == 0 and ch % 8 == 0

    @functools.partial(
        pl.kernel,
        out_type=[jax.ShapeDtypeStruct((ec, F), _f32),
                  jax.ShapeDtypeStruct((ec, F), _f32)],
        mesh=_SC_MESH,
        scratch_types=[
            pltpu.VMEM((epw,), _i32),
            pltpu.VMEM((epw,), _i32),
            pltpu.VMEM((nb, ch, F), _f32),
            pltpu.VMEM((nb, ch, F), _f32),
        ] + [pltpu.SemaphoreType.DMA] * (4 * nb),
    )
    def gather_kernel(src_hbm, dst_hbm, gsrc_hbm, gdst_hbm, msrc_hbm, mdst_hbm,
                      idxs_all, idxd_all, rows_s, rows_d, *sems):
        gs = sems[0:nb]
        gd = sems[nb:2 * nb]
        ss = sems[2 * nb:3 * nb]
        sd = sems[3 * nb:4 * nb]
        wid = lax.axis_index("s") * NC + lax.axis_index("c")
        ebase = wid * epw

        pltpu.sync_copy(src_hbm.at[pl.ds(ebase, epw)], idxs_all)
        pltpu.sync_copy(dst_hbm.at[pl.ds(ebase, epw)], idxd_all)

        def fire_gather(k, b):
            off = k * ch
            pltpu.async_copy(gsrc_hbm.at[idxs_all.at[pl.ds(off, ch)]],
                             rows_s.at[b], gs[b])
            pltpu.async_copy(gdst_hbm.at[idxd_all.at[pl.ds(off, ch)]],
                             rows_d.at[b], gd[b])

        def wait_gather(k, b):
            off = k * ch
            pltpu.make_async_copy(gsrc_hbm.at[idxs_all.at[pl.ds(off, ch)]],
                                  rows_s.at[b], gs[b]).wait()
            pltpu.make_async_copy(gdst_hbm.at[idxd_all.at[pl.ds(off, ch)]],
                                  rows_d.at[b], gd[b]).wait()

        def fire_store(k, b):
            off = ebase + k * ch
            pltpu.async_copy(rows_s.at[b], msrc_hbm.at[pl.ds(off, ch)], ss[b])
            pltpu.async_copy(rows_d.at[b], mdst_hbm.at[pl.ds(off, ch)], sd[b])

        def wait_store(k, b):
            off = ebase + k * ch
            pltpu.make_async_copy(rows_s.at[b], msrc_hbm.at[pl.ds(off, ch)],
                                  ss[b]).wait()
            pltpu.make_async_copy(rows_d.at[b], mdst_hbm.at[pl.ds(off, ch)],
                                  sd[b]).wait()

        fire_gather(0, 0)
        fire_gather(1, 1)

        def group(g, carry):
            for b in range(nb):
                k = g * nb + b
                slot_next = (b + 2) % nb

                @pl.when(k >= nb - 2)
                def _():
                    wait_store(k, slot_next)

                @pl.when(k + 2 < n_chunk)
                def _():
                    fire_gather(k + 2, slot_next)

                wait_gather(k, b)
                fire_store(k, b)
            return carry

        lax.fori_loop(0, n_group, group, 0)

        for k in range(n_chunk - (nb - 2), n_chunk):
            wait_store(k, k % nb)

    return gather_kernel


def _make_scatter(ec, ch, nb):
    epw = ec // NW
    n_chunk = epw // ch
    n_group = n_chunk // nb
    assert epw % ch == 0 and n_chunk % nb == 0 and ch % 8 == 0

    @functools.partial(
        pl.kernel,
        out_type=jax.ShapeDtypeStruct((NC, N, F), _f32),
        mesh=_SC_MESH,
        scratch_types=[
            pltpu.VMEM_SHARED((N, F), _f32),
        ] + [pltpu.VMEM((ch,), _i32)] * nb + [
            pltpu.VMEM((nb, ch, F), _f32),
        ] + [pltpu.SemaphoreType.DMA] * (3 * nb),
    )
    def scatter_kernel(dst_hbm, w_hbm, zeros_hbm, out_hbm, acc, *rest):
        idxs = rest[0:nb]
        rows = rest[nb]
        sems = rest[nb + 1:]
        li = sems[0:nb]
        lr = sems[nb:2 * nb]
        sc = sems[2 * nb:3 * nb]
        c = lax.axis_index("c")
        s = lax.axis_index("s")
        wid = s * NC + c
        ebase = wid * epw
        rbase = s * RPT

        pltpu.sync_copy(zeros_hbm.at[pl.ds(rbase, RPT)],
                        acc.at[pl.ds(rbase, RPT)])

        @pl.when(s == 0)
        def _():
            pltpu.sync_copy(zeros_hbm.at[pl.ds(N_COVERED, N_REM)],
                            acc.at[pl.ds(N_COVERED, N_REM)])

        plsc.subcore_barrier()

        def fire_load(k, b):
            off = ebase + k * ch
            pltpu.async_copy(dst_hbm.at[pl.ds(off, ch)], idxs[b], li[b])
            pltpu.async_copy(w_hbm.at[pl.ds(off, ch)], rows.at[b], lr[b])

        def wait_load(k, b):
            off = ebase + k * ch
            pltpu.make_async_copy(dst_hbm.at[pl.ds(off, ch)], idxs[b],
                                  li[b]).wait()
            pltpu.make_async_copy(w_hbm.at[pl.ds(off, ch)], rows.at[b],
                                  lr[b]).wait()

        def fire_scatter(b):
            pltpu.async_copy(rows.at[b], acc.at[idxs[b]], sc[b], add=True)

        def wait_scatter(b):
            pltpu.make_async_copy(rows.at[b], acc.at[idxs[b]], sc[b]).wait()

        fire_load(0, 0)
        fire_load(1, 1)

        def group(g, carry):
            for b in range(nb):
                k = g * nb + b
                slot_next = (b + 2) % nb

                @pl.when(k >= nb - 2)
                def _():
                    wait_scatter(slot_next)

                @pl.when(k + 2 < n_chunk)
                def _():
                    fire_load(k + 2, slot_next)

                wait_load(k, b)
                fire_scatter(b)
            return carry

        lax.fori_loop(0, n_group, group, 0)

        for k in range(n_chunk - (nb - 2), n_chunk):
            wait_scatter(k % nb)

        plsc.subcore_barrier()
        pltpu.sync_copy(acc.at[pl.ds(rbase, RPT)],
                        out_hbm.at[c, pl.ds(rbase, RPT)])

        @pl.when(s == 0)
        def _():
            pltpu.sync_copy(acc.at[pl.ds(N_COVERED, N_REM)],
                            out_hbm.at[c, pl.ds(N_COVERED, N_REM)])

    return scatter_kernel


_gather_half = _make_gather(EC, ch=40, nb=5)
_scatter_half = _make_scatter(EC, ch=40, nb=5)


def kernel(h, edge_index, W_src_w, W_src_b, W_dst_w, W_dst_b,
           asrc_w1, asrc_b1, asrc_w2, asrc_b2,
           adst_w1, adst_b1, adst_w2, adst_b2):
    src = edge_index[0]
    dst = edge_index[1]
    k = jnp.kron(jnp.eye(H, dtype=_f32), jnp.ones((1, D), _f32))
    zeros = jnp.zeros((N, F), _f32)

    gsrc, gdst, base = _node_call(
        h, W_src_w.T, W_src_b.reshape(1, F), W_dst_w.T, W_dst_b.reshape(1, F),
        adst_w1.T, adst_b1.reshape(1, 32), adst_w2.T, adst_b2.reshape(1, H), k)

    w1T = asrc_w1.T
    b1 = asrc_b1.reshape(1, 32)
    w2T = asrc_w2.T
    b2 = asrc_b2.reshape(1, H)

    partials = []
    msgs = [_gather_half(src[i * EC:(i + 1) * EC], dst[i * EC:(i + 1) * EC],
                         gsrc, gdst) for i in range(NSPLIT)]
    for i in range(NSPLIT):
        msrc, mdst = msgs[i]
        weighted = _edge_call(msrc, mdst, w1T, b1, w2T, b2, k)
        p = _scatter_half(dst[i * EC:(i + 1) * EC], weighted, zeros)
        partials.extend([p[0], p[1]])

    return _combine_call(base, partials)

# --- scband reference (transcript-rebuilt; emitter-appended) ---
"""Pipeline reference for scband-mindconv-12567074308479 (READ-ONLY COPY).

The authoritative reference and input builder live on the scoring server;
editing this copy changes nothing except your own understanding.
"""

import jax, jax.numpy as jnp
import numpy as np

N, F, H, E = 10000, 128, 8, 320000
D = F // H

def _leaky_relu(x):
    return jnp.where(x >= 0, x, 0.2 * x)

def _linear_init(key, out_f, in_f):
    k1, k2 = jax.random.split(key)
    bound = 1.0 / np.sqrt(in_f)
    w = jax.random.uniform(k1, (out_f, in_f), minval=-bound, maxval=bound, dtype=jnp.float32)
    b = jax.random.uniform(k2, (out_f,), minval=-bound, maxval=bound, dtype=jnp.float32)
    return w, b

def setup_inputs(seed: int = 0):
    key = jax.random.key(seed)
    ks = jax.random.split(key, 8)
    h = jax.random.normal(ks[0], (N, F), dtype=jnp.float32)
    edge_index = jax.random.randint(ks[1], (2, E), 0, N, dtype=jnp.int32)
    W_src_w, W_src_b = _linear_init(ks[2], F, F)
    W_dst_w, W_dst_b = _linear_init(ks[3], F, F)
    asrc_w1, asrc_b1 = _linear_init(ks[4], 32, F)
    asrc_w2, asrc_b2 = _linear_init(ks[5], H, 32)
    adst_w1, adst_b1 = _linear_init(ks[6], 32, F)
    adst_w2, adst_b2 = _linear_init(ks[7], H, 32)
    return {"h": h, "edge_index": edge_index, "W_src_w": W_src_w, "W_src_b": W_src_b, "W_dst_w": W_dst_w, "W_dst_b": W_dst_b, "asrc_w1": asrc_w1, "asrc_b1": asrc_b1, "asrc_w2": asrc_w2, "asrc_b2": asrc_b2, "adst_w1": adst_w1, "adst_b1": adst_b1, "adst_w2": adst_w2, "adst_b2": adst_b2}

def _mlp(x, w1, b1, w2, b2):
    x = _leaky_relu(x)
    x = x @ w1.T + b1
    x = _leaky_relu(x)
    return x @ w2.T + b2

def reference(h, edge_index, W_src_w, W_src_b, W_dst_w, W_dst_b, asrc_w1, asrc_b1, asrc_w2, asrc_b2, adst_w1, adst_b1, adst_w2, adst_b2):
    src, dst = edge_index[0], edge_index[1]
    g_src = h @ W_src_w.T + W_src_b
    g_dst = h @ W_dst_w.T + W_dst_b
    msg_src = g_src[src]
    msg_dst = g_dst[dst]
    a_src = jax.nn.sigmoid(_mlp(msg_src + msg_dst, asrc_w1, asrc_b1, asrc_w2, asrc_b2))[..., None]
    a_dst = jax.nn.sigmoid(_mlp(g_dst, adst_w1, adst_b1, adst_w2, adst_b2))[..., None]
    agg = jax.ops.segment_sum(a_src * msg_src.reshape(E, H, D), dst, num_segments=N)
    h_next = a_dst * g_dst.reshape(N, H, D) + agg
    return h_next.reshape(N, -1)

if __name__ == "__main__":
    import jax
    _d = setup_inputs()
    print(jax.jit(kernel)(*tuple(_d.values())))

</pallas_src>

<mosaic_0001>
#map = affine_map<(d0, d1) -> (0)>
#map1 = affine_map<(d0, d1) -> (0, 0)>
#map2 = affine_map<(d0, d1) -> (0, 0, 0)>
module attributes {stable_mosaic.version = 14 : i64} {
  func.func @scatter_kernel(%arg0: i32, %arg1: i32, %arg2: memref<160000xi32, #tpu.memory_space<hbm>>, %arg3: memref<160000x128xf32, #tpu.memory_space<hbm>>, %arg4: memref<10000x128xf32, #tpu.memory_space<hbm>>, %arg5: memref<2x10000x128xf32, #tpu.memory_space<hbm>>, %arg6: memref<10000x128xf32, #tpu.memory_space<vmem_shared>>, %arg7: memref<40xi32, #tpu.memory_space<vmem>>, %arg8: memref<40xi32, #tpu.memory_space<vmem>>, %arg9: memref<40xi32, #tpu.memory_space<vmem>>, %arg10: memref<40xi32, #tpu.memory_space<vmem>>, %arg11: memref<40xi32, #tpu.memory_space<vmem>>, %arg12: memref<5x40x128xf32, #tpu.memory_space<vmem>>, %arg13: memref<!tpu.dma_semaphore, #tpu.memory_space<semaphore_mem>>, %arg14: memref<!tpu.dma_semaphore, #tpu.memory_space<semaphore_mem>>, %arg15: memref<!tpu.dma_semaphore, #tpu.memory_space<semaphore_mem>>, %arg16: memref<!tpu.dma_semaphore, #tpu.memory_space<semaphore_mem>>, %arg17: memref<!tpu.dma_semaphore, #tpu.memory_space<semaphore_mem>>, %arg18: memref<!tpu.dma_semaphore, #tpu.memory_space<semaphore_mem>>, %arg19: memref<!tpu.dma_semaphore, #tpu.memory_space<semaphore_mem>>, %arg20: memref<!tpu.dma_semaphore, #tpu.memory_space<semaphore_mem>>, %arg21: memref<!tpu.dma_semaphore, #tpu.memory_space<semaphore_mem>>, %arg22: memref<!tpu.dma_semaphore, #tpu.memory_space<semaphore_mem>>, %arg23: memref<!tpu.dma_semaphore, #tpu.memory_space<semaphore_mem>>, %arg24: memref<!tpu.dma_semaphore, #tpu.memory_space<semaphore_mem>>, %arg25: memref<!tpu.dma_semaphore, #tpu.memory_space<semaphore_mem>>, %arg26: memref<!tpu.dma_semaphore, #tpu.memory_space<semaphore_mem>>, %arg27: memref<!tpu.dma_semaphore, #tpu.memory_space<semaphore_mem>>) attributes {dimension_semantics = [#tpu.dimension_semantics<core_parallel>, #tpu.dimension_semantics<subcore_parallel>], iteration_bounds = array<i64: 2, 16>, scalar_prefetch = 0 : i64, scratch_operands = 22 : i64, tpu.core_type = #tpu.core_type<sc_vector_subcore>, window_params = [{transform_indices = #map}, {transform_indices = #map1}, {transform_indices = #map1}, {transform_indices = #map2}]} {
    %mul3A = arith.constant 2 : i32
    %mul3A_0 = arith.muli %arg1, %mul3A : i32
    %add3A = arith.addi %mul3A_0, %arg0 : i32
    %mul3A_1 = arith.constant 5000 : i32
    %mul3A_2 = arith.muli %add3A, %mul3A_1 : i32
    %mul3A_3 = arith.constant 624 : i32
    %mul3A_4 = arith.muli %arg1, %mul3A_3 : i32
    "tpu.region"() ({
      %run_scoped3A = tpu.sem_alloc : memref<!tpu.dma_semaphore, #tpu.memory_space<semaphore_mem>>
      %dma_start3A_74 = arith.constant 0 : i32
      %dma_start3A_75 = tpu.memref_slice %arg6[%mul3A_4, %dma_start3A_74] : memref<10000x128xf32, #tpu.memory_space<vmem_shared>> -> memref<624x128xf32, #tpu.memory_space<vmem_shared>>
      %dma_start3A_76 = arith.constant 0 : i32
      %dma_start3A_77 = tpu.memref_slice %arg4[%mul3A_4, %dma_start3A_76] : memref<10000x128xf32, #tpu.memory_space<hbm>> -> memref<624x128xf32, #tpu.memory_space<hbm>>
      tpu.enqueue_dma source(%dma_start3A_77 : memref<624x128xf32, #tpu.memory_space<hbm>>) target(%dma_start3A_75 : memref<624x128xf32, #tpu.memory_space<vmem_shared>>) target_semaphore(%run_scoped3A : memref<!tpu.dma_semaphore, #tpu.memory_space<semaphore_mem>>)
      %dma_wait3A_78 = arith.constant 0 : i32
      %dma_wait3A_79 = tpu.memref_slice %arg6[%mul3A_4, %dma_wait3A_78] : memref<10000x128xf32, #tpu.memory_space<vmem_shared>> -> memref<624x128xf32, #tpu.memory_space<vmem_shared>>
      %dma_wait3A_80 = arith.constant 0 : i32
      %dma_wait3A_81 = tpu.memref_slice %arg4[%mul3A_4, %dma_wait3A_80] : memref<10000x128xf32, #tpu.memory_space<hbm>> -> memref<624x128xf32, #tpu.memory_space<hbm>>
      tpu.wait_dma2 semaphore(%run_scoped3A : memref<!tpu.dma_semaphore, #tpu.memory_space<semaphore_mem>>) src(%dma_wait3A_81 : memref<624x128xf32, #tpu.memory_space<hbm>>) dst(%dma_wait3A_79 : memref<624x128xf32, #tpu.memory_space<vmem_shared>>)
      tpu.yield
    }) : () -> ()
    %eq3A = arith.constant 0 : i32
    %eq3A_5 = arith.cmpi eq, %arg1, %eq3A : i32
    %convert_element_type3A = arith.extui %eq3A_5 : i1 to i32
    %cond3A = arith.constant 0 : i32
    %cond3A_6 = arith.cmpi ne, %convert_element_type3A, %cond3A : i32
    scf.if %cond3A_6 {
      "tpu.region"() ({
        %run_scoped3A = tpu.sem_alloc : memref<!tpu.dma_semaphore, #tpu.memory_space<semaphore_mem>>
        %dma_start3A_74 = arith.constant 9984 : i32
        %dma_start3A_75 = arith.constant 0 : i32
        %dma_start3A_76 = tpu.memref_slice %arg6[%dma_start3A_74, %dma_start3A_75] : memref<10000x128xf32, #tpu.memory_space<vmem_shared>> -> memref<16x128xf32, #tpu.memory_space<vmem_shared>>
        %dma_start3A_77 = arith.constant 9984 : i32
        %dma_start3A_78 = arith.constant 0 : i32
        %dma_start3A_79 = tpu.memref_slice %arg4[%dma_start3A_77, %dma_start3A_78] : memref<10000x128xf32, #tpu.memory_space<hbm>> -> memref<16x128xf32, #tpu.memory_space<hbm>>
        tpu.enqueue_dma source(%dma_start3A_79 : memref<16x128xf32, #tpu.memory_space<hbm>>) target(%dma_start3A_76 : memref<16x128xf32, #tpu.memory_space<vmem_shared>>) target_semaphore(%run_scoped3A : memref<!tpu.dma_semaphore, #tpu.memory_space<semaphore_mem>>)
        %dma_wait3A_80 = arith.constant 9984 : i32
        %dma_wait3A_81 = arith.constant 0 : i32
        %dma_wait3A_82 = tpu.memref_slice %arg6[%dma_wait3A_80, %dma_wait3A_81] : memref<10000x128xf32, #tpu.memory_space<vmem_shared>> -> memref<16x128xf32, #tpu.memory_space<vmem_shared>>
        %dma_wait3A_83 = arith.constant 9984 : i32
        %dma_wait3A_84 = arith.constant 0 : i32
        %dma_wait3A_85 = tpu.memref_slice %arg4[%dma_wait3A_83, %dma_wait3A_84] : memref<10000x128xf32, #tpu.memory_space<hbm>> -> memref<16x128xf32, #tpu.memory_space<hbm>>
        tpu.wait_dma2 semaphore(%run_scoped3A : memref<!tpu.dma_semaphore, #tpu.memory_space<semaphore_mem>>) src(%dma_wait3A_85 : memref<16x128xf32, #tpu.memory_space<hbm>>) dst(%dma_wait3A_82 : memref<16x128xf32, #tpu.memory_space<vmem_shared>>)
        tpu.yield
      }) : () -> ()
    } else {
    }
    %barrier3A = arith.constant 0 : index
    tpu.barrier barrier_id(%barrier3A)
    %add3A_7 = arith.constant 0 : i32
    %add3A_8 = arith.addi %mul3A_2, %add3A_7 : i32
    %dma_start3A = tpu.memref_slice %arg2[%add3A_8] : memref<160000xi32, #tpu.memory_space<hbm>> -> memref<40xi32, #tpu.memory_space<hbm>>
    %dma_start3A_9 = tpu.memref_slice %arg2[%add3A_8] : memref<160000xi32, #tpu.memory_space<hbm>> -> memref<40xi32, #tpu.memory_space<hbm>>
    tpu.enqueue_dma source(%dma_start3A_9 : memref<40xi32, #tpu.memory_space<hbm>>) target(%arg7 : memref<40xi32, #tpu.memory_space<vmem>>) target_semaphore(%arg13 : memref<!tpu.dma_semaphore, #tpu.memory_space<semaphore_mem>>)
    %dma_start3A_10 = arith.constant 0 : i32
    %dma_start3A_11 = arith.constant 0 : i32
    %dma_start3A_12 = arith.constant 0 : i32
    %dma_start3A_13 = tpu.memref_slice %arg12[%dma_start3A_10, %dma_start3A_11, %dma_start3A_12] : memref<5x40x128xf32, #tpu.memory_space<vmem>> -> memref<1x40x128xf32, #tpu.memory_space<vmem>>
    %dma_start3A_14 = tpu.memref_squeeze %dma_start3A_13 : memref<1x40x128xf32, #tpu.memory_space<vmem>> -> memref<40x128xf32, #tpu.memory_space<vmem>>
    %dma_start3A_15 = arith.constant 0 : i32
    %dma_start3A_16 = tpu.memref_slice %arg3[%add3A_8, %dma_start3A_15] : memref<160000x128xf32, #tpu.memory_space<hbm>> -> memref<40x128xf32, #tpu.memory_space<hbm>>
    %dma_start3A_17 = arith.constant 0 : i32
    %dma_start3A_18 = arith.constant 0 : i32
    %dma_start3A_19 = tpu.memref_slice %arg12[%dma_start3A_10, %dma_start3A_17, %dma_start3A_18] : memref<5x40x128xf32, #tpu.memory_space<vmem>> -> memref<1x40x128xf32, #tpu.memory_space<vmem>>
    %dma_start3A_20 = tpu.memref_squeeze %dma_start3A_19 : memref<1x40x128xf32, #tpu.memory_space<vmem>> -> memref<40x128xf32, #tpu.memory_space<vmem>>
    %dma_start3A_21 = arith.constant 0 : i32
    %dma_start3A_22 = tpu.memref_slice %arg3[%add3A_8, %dma_start3A_21] : memref<160000x128xf32, #tpu.memory_space<hbm>> -> memref<40x128xf32, #tpu.memory_space<hbm>>
    tpu.enqueue_dma source(%dma_start3A_22 : memref<40x128xf32, #tpu.memory_space<hbm>>) target(%dma_start3A_20 : memref<40x128xf32, #tpu.memory_space<vmem>>) target_semaphore(%arg18 : memref<!tpu.dma_semaphore, #tpu.memory_space<semaphore_mem>>)
    %add3A_23 = arith.constant 40 : i32
    %add3A_24 = arith.addi %mul3A_2, %add3A_23 : i32
    %dma_start3A_25 = tpu.memref_slice %arg2[%add3A_24] : memref<160000xi32, #tpu.memory_space<hbm>> -> memref<40xi32, #tpu.memory_space<hbm>>
    %dma_start3A_26 = tpu.memref_slice %arg2[%add3A_24] : memref<160000xi32, #tpu.memory_space<hbm>> -> memref<40xi32, #tpu.memory_space<hbm>>
    tpu.enqueue_dma source(%dma_start3A_26 : memref<40xi32, #tpu.memory_space<hbm>>) target(%arg8 : memref<40xi32, #tpu.memory_space<vmem>>) target_semaphore(%arg14 : memref<!tpu.dma_semaphore, #tpu.memory_space<semaphore_mem>>)
    %dma_start3A_27 = arith.constant 1 : i32
    %dma_start3A_28 = arith.constant 0 : i32
    %dma_start3A_29 = arith.constant 0 : i32
    %dma_start3A_30 = tpu.memref_slice %arg12[%dma_start3A_27, %dma_start3A_28, %dma_start3A_29] : memref<5x40x128xf32, #tpu.memory_space<vmem>> -> memref<1x40x128xf32, #tpu.memory_space<vmem>>
    %dma_start3A_31 = tpu.memref_squeeze %dma_start3A_30 : memref<1x40x128xf32, #tpu.memory_space<vmem>> -> memref<40x128xf32, #tpu.memory_space<vmem>>
    %dma_start3A_32 = arith.constant 0 : i32
    %dma_start3A_33 = tpu.memref_slice %arg3[%add3A_24, %dma_start3A_32] : memref<160000x128xf32, #tpu.memory_space<hbm>> -> memref<40x128xf32, #tpu.memory_space<hbm>>
    %dma_start3A_34 = arith.constant 0 : i32
    %dma_start3A_35 = arith.constant 0 : i32
    %dma_start3A_36 = tpu.memref_slice %arg12[%dma_start3A_27, %dma_start3A_34, %dma_start3A_35] : memref<5x40x128xf32, #tpu.memory_space<vmem>> -> memref<1x40x128xf32, #tpu.memory_space<vmem>>
    %dma_start3A_37 = tpu.memref_squeeze %dma_start3A_36 : memref<1x40x128xf32, #tpu.memory_space<vmem>> -> memref<40x128xf32, #tpu.memory_space<vmem>>
    %dma_start3A_38 = arith.constant 0 : i32
    %dma_start3A_39 = tpu.memref_slice %arg3[%add3A_24, %dma_start3A_38] : memref<160000x128xf32, #tpu.memory_space<hbm>> -> memref<40x128xf32, #tpu.memory_space<hbm>>
    tpu.enqueue_dma source(%dma_start3A_39 : memref<40x128xf32, #tpu.memory_space<hbm>>) target(%dma_start3A_37 : memref<40x128xf32, #tpu.memory_space<vmem>>) target_semaphore(%arg19 : memref<!tpu.dma_semaphore, #tpu.memory_space<semaphore_mem>>)
    %scan3A = arith.constant 0 : i32
    %scan3A_40 = arith.constant 0 : i32
    %scan3A_41 = arith.constant 25 : i32
    %scan3A_42 = arith.addi %scan3A_40, %scan3A_41 : i32
    %scan3A_43 = arith.constant 1 : i32
    scf.for %scan3A_74 = %scan3A_40 to %scan3A_42 step %scan3A_43  : i32 {
      %mul3A_75 = arith.constant 5 : i32
      %mul3A_76 = arith.muli %scan3A_74, %mul3A_75 : i32
      %add3A_77 = arith.constant 0 : i32
      %add3A_78 = arith.addi %mul3A_76, %add3A_77 : i32
      %ge3A = arith.constant 3 : i32
      %ge3A_79 = arith.cmpi sge, %add3A_78, %ge3A : i32
      %convert_element_type3A_80 = arith.extui %ge3A_79 : i1 to i32
      %cond3A_81 = arith.constant 0 : i32
      %cond3A_82 = arith.cmpi ne, %convert_element_type3A_80, %cond3A_81 : i32
      scf.if %cond3A_82 {
        %dma_wait3A_283 = arith.constant 2 : i32
        %dma_wait3A_284 = arith.constant 0 : i32
        %dma_wait3A_285 = arith.constant 0 : i32
        %dma_wait3A_286 = tpu.memref_slice %arg12[%dma_wait3A_283, %dma_wait3A_284, %dma_wait3A_285] : memref<5x40x128xf32, #tpu.memory_space<vmem>> -> memref<1x40x128xf32, #tpu.memory_space<vmem>>
        %dma_wait3A_287 = tpu.memref_squeeze %dma_wait3A_286 : memref<1x40x128xf32, #tpu.memory_space<vmem>> -> memref<40x128xf32, #tpu.memory_space<vmem>>
        %dma_wait3A_288 = arith.constant 0 : i32
        %dma_wait3A_289 = arith.constant 0 : i32
        %dma_wait3A_290 = tpu.memref_slice %arg6[%dma_wait3A_288, %dma_wait3A_289] : memref<10000x128xf32, #tpu.memory_space<vmem_shared>> -> memref<10000x128xf32, #tpu.memory_space<vmem_shared>>
        tpu.wait_indirect_dma semaphore(%arg25 : memref<!tpu.dma_semaphore, #tpu.memory_space<semaphore_mem>>) src(%dma_wait3A_287 : memref<40x128xf32, #tpu.memory_space<vmem>>) dst(%dma_wait3A_290 : memref<10000x128xf32, #tpu.memory_space<vmem_shared>>)
      } else {
      }
      %add3A_83 = arith.constant 2 : i32
      %add3A_84 = arith.addi %add3A_78, %add3A_83 : i32
      %lt3A = arith.constant 125 : i32
      %lt3A_85 = arith.cmpi slt, %add3A_84, %lt3A : i32
      %convert_element_type3A_86 = arith.extui %lt3A_85 : i1 to i32
      %cond3A_87 = arith.constant 0 : i32
      %cond3A_88 = arith.cmpi ne, %convert_element_type3A_86, %cond3A_87 : i32
      scf.if %cond3A_88 {
        %add3A_283 = arith.constant 2 : i32
        %add3A_284 = arith.addi %add3A_78, %add3A_283 : i32
        %mul3A_285 = arith.constant 40 : i32
        %mul3A_286 = arith.muli %add3A_284, %mul3A_285 : i32
        %add3A_287 = arith.addi %mul3A_2, %mul3A_286 : i32
        %dma_start3A_288 = tpu.memref_slice %arg2[%add3A_287] : memref<160000xi32, #tpu.memory_space<hbm>> -> memref<40xi32, #tpu.memory_space<hbm>>
        %dma_start3A_289 = tpu.memref_slice %arg2[%add3A_287] : memref<160000xi32, #tpu.memory_space<hbm>> -> memref<40xi32, #tpu.memory_space<hbm>>
        tpu.enqueue_dma source(%dma_start3A_289 : memref<40xi32, #tpu.memory_space<hbm>>) target(%arg9 : memref<40xi32, #tpu.memory_space<vmem>>) target_semaphore(%arg15 : memref<!tpu.dma_semaphore, #tpu.memory_space<semaphore_mem>>)
        %dma_start3A_290 = arith.constant 2 : i32
        %dma_start3A_291 = arith.constant 0 : i32
        %dma_start3A_292 = arith.constant 0 : i32
        %dma_start3A_293 = tpu.memref_slice %arg12[%dma_start3A_290, %dma_start3A_291, %dma_start3A_292] : memref<5x40x128xf32, #tpu.memory_space<vmem>> -> memref<1x40x128xf32, #tpu.memory_space<vmem>>
        %dma_start3A_294 = tpu.memref_squeeze %dma_start3A_293 : memref<1x40x128xf32, #tpu.memory_space<vmem>> -> memref<40x128xf32, #tpu.memory_space<vmem>>
        %dma_start3A_295 = arith.constant 0 : i32
        %dma_start3A_296 = tpu.memref_slice %arg3[%add3A_287, %dma_start3A_295] : memref<160000x128xf32, #tpu.memory_space<hbm>> -> memref<40x128xf32, #tpu.memory_space<hbm>>
        %dma_start3A_297 = arith.constant 0 : i32
        %dma_start3A_298 = arith.constant 0 : i32
        %dma_start3A_299 = tpu.memref_slice %arg12[%dma_start3A_290, %dma_start3A_297, %dma_start3A_298] : memref<5x40x128xf32, #tpu.memory_space<vmem>> -> memref<1x40x128xf32, #tpu.memory_space<vmem>>
        %dma_start3A_300 = tpu.memref_squeeze %dma_start3A_299 : memref<1x40x128xf32, #tpu.memory_space<vmem>> -> memref<40x128xf32, #tpu.memory_space<vmem>>
        %dma_start3A_301 = arith.constant 0 : i32
        %dma_start3A_302 = tpu.memref_slice %arg3[%add3A_287, %dma_start3A_301] : memref<160000x128xf32, #tpu.memory_space<hbm>> -> memref<40x128xf32, #tpu.memory_space<hbm>>
        tpu.enqueue_dma source(%dma_start3A_302 : memref<40x128xf32, #tpu.memory_space<hbm>>) target(%dma_start3A_300 : memref<40x128xf32, #tpu.memory_space<vmem>>) target_semaphore(%arg20 : memref<!tpu.dma_semaphore, #tpu.memory_space<semaphore_mem>>)
      } else {
      }
      %mul3A_89 = arith.constant 40 : i32
      %mul3A_90 = arith.muli %add3A_78, %mul3A_89 : i32
      %add3A_91 = arith.addi %mul3A_2, %mul3A_90 : i32
      %dma_wait3A_92 = tpu.memref_slice %arg2[%add3A_91] : memref<160000xi32, #tpu.memory_space<hbm>> -> memref<40xi32, #tpu.memory_space<hbm>>
      %dma_wait3A_93 = tpu.memref_slice %arg2[%add3A_91] : memref<160000xi32, #tpu.memory_space<hbm>> -> memref<40xi32, #tpu.memory_space<hbm>>
      tpu.wait_dma2 semaphore(%arg13 : memref<!tpu.dma_semaphore, #tpu.memory_space<semaphore_mem>>) src(%dma_wait3A_93 : memref<40xi32, #tpu.memory_space<hbm>>) dst(%arg7 : memref<40xi32, #tpu.memory_space<vmem>>)
      %dma_wait3A_94 = arith.constant 0 : i32
      %dma_wait3A_95 = arith.constant 0 : i32
      %dma_wait3A_96 = arith.constant 0 : i32
      %dma_wait3A_97 = tpu.memref_slice %arg12[%dma_wait3A_94, %dma_wait3A_95, %dma_wait3A_96] : memref<5x40x128xf32, #tpu.memory_space<vmem>> -> memref<1x40x128xf32, #tpu.memory_space<vmem>>
      %dma_wait3A_98 = tpu.memref_squeeze %dma_wait3A_97 : memref<1x40x128xf32, #tpu.memory_space<vmem>> -> memref<40x128xf32, #tpu.memory_space<vmem>>
      %dma_wait3A_99 = arith.constant 0 : i32
      %dma_wait3A_100 = tpu.memref_slice %arg3[%add3A_91, %dma_wait3A_99] : memref<160000x128xf32, #tpu.memory_space<hbm>> -> memref<40x128xf32, #tpu.memory_space<hbm>>
      %dma_wait3A_101 = arith.constant 0 : i32
      %dma_wait3A_102 = arith.constant 0 : i32
      %dma_wait3A_103 = tpu.memref_slice %arg12[%dma_wait3A_94, %dma_wait3A_101, %dma_wait3A_102] : memref<5x40x128xf32, #tpu.memory_space<vmem>> -> memref<1x40x128xf32, #tpu.memory_space<vmem>>
      %dma_wait3A_104 = tpu.memref_squeeze %dma_wait3A_103 : memref<1x40x128xf32, #tpu.memory_space<vmem>> -> memref<40x128xf32, #tpu.memory_space<vmem>>
      %dma_wait3A_105 = arith.constant 0 : i32
      %dma_wait3A_106 = tpu.memref_slice %arg3[%add3A_91, %dma_wait3A_105] : memref<160000x128xf32, #tpu.memory_space<hbm>> -> memref<40x128xf32, #tpu.memory_space<hbm>>
      tpu.wait_dma2 semaphore(%arg18 : memref<!tpu.dma_semaphore, #tpu.memory_space<semaphore_mem>>) src(%dma_wait3A_106 : memref<40x128xf32, #tpu.memory_space<hbm>>) dst(%dma_wait3A_104 : memref<40x128xf32, #tpu.memory_space<vmem>>)
      %dma_start3A_107 = arith.constant 0 : i32
      %dma_start3A_108 = arith.constant 0 : i32
      %dma_start3A_109 = arith.constant 0 : i32
      %dma_start3A_110 = tpu.memref_slice %arg12[%dma_start3A_107, %dma_start3A_108, %dma_start3A_109] : memref<5x40x128xf32, #tpu.memory_space<vmem>> -> memref<1x40x128xf32, #tpu.memory_space<vmem>>
      %dma_start3A_111 = tpu.memref_squeeze %dma_start3A_110 : memref<1x40x128xf32, #tpu.memory_space<vmem>> -> memref<40x128xf32, #tpu.memory_space<vmem>>
      %dma_start3A_112 = arith.constant 0 : i32
      %dma_start3A_113 = arith.constant 0 : i32
      %dma_start3A_114 = tpu.memref_slice %arg6[%dma_start3A_112, %dma_start3A_113] : memref<10000x128xf32, #tpu.memory_space<vmem_shared>> -> memref<10000x128xf32, #tpu.memory_space<vmem_shared>>
      tpu.enqueue_indirect_dma source(%dma_start3A_111 : memref<40x128xf32, #tpu.memory_space<vmem>>) target(%dma_start3A_114 : memref<10000x128xf32, #tpu.memory_space<vmem_shared>>) offsets(%arg7 : memref<40xi32, #tpu.memory_space<vmem>>) semaphore(%arg23 : memref<!tpu.dma_semaphore, #tpu.memory_space<semaphore_mem>>) {add = true}
      %mul3A_115 = arith.constant 5 : i32
      %mul3A_116 = arith.muli %scan3A_74, %mul3A_115 : i32
      %add3A_117 = arith.constant 1 : i32
      %add3A_118 = arith.addi %mul3A_116, %add3A_117 : i32
      %ge3A_119 = arith.constant 3 : i32
      %ge3A_120 = arith.cmpi sge, %add3A_118, %ge3A_119 : i32
      %convert_element_type3A_121 = arith.extui %ge3A_120 : i1 to i32
      %cond3A_122 = arith.constant 0 : i32
      %cond3A_123 = arith.cmpi ne, %convert_element_type3A_121, %cond3A_122 : i32
      scf.if %cond3A_123 {
        %dma_wait3A_283 = arith.constant 3 : i32
        %dma_wait3A_284 = arith.constant 0 : i32
        %dma_wait3A_285 = arith.constant 0 : i32
        %dma_wait3A_286 = tpu.memref_slice %arg12[%dma_wait3A_283, %dma_wait3A_284, %dma_wait3A_285] : memref<5x40x128xf32, #tpu.memory_space<vmem>> -> memref<1x40x128xf32, #tpu.memory_space<vmem>>
        %dma_wait3A_287 = tpu.memref_squeeze %dma_wait3A_286 : memref<1x40x128xf32, #tpu.memory_space<vmem>> -> memref<40x128xf32, #tpu.memory_space<vmem>>
        %dma_wait3A_288 = arith.constant 0 : i32
        %dma_wait3A_289 = arith.constant 0 : i32
        %dma_wait3A_290 = tpu.memref_slice %arg6[%dma_wait3A_288, %dma_wait3A_289] : memref<10000x128xf32, #tpu.memory_space<vmem_shared>> -> memref<10000x128xf32, #tpu.memory_space<vmem_shared>>
        tpu.wait_indirect_dma semaphore(%arg26 : memref<!tpu.dma_semaphore, #tpu.memory_space<semaphore_mem>>) src(%dma_wait3A_287 : memref<40x128xf32, #tpu.memory_space<vmem>>) dst(%dma_wait3A_290 : memref<10000x128xf32, #tpu.memory_space<vmem_shared>>)
      } else {
      }
      %add3A_124 = arith.constant 2 : i32
      %add3A_125 = arith.addi %add3A_118, %add3A_124 : i32
      %lt3A_126 = arith.constant 125 : i32
      %lt3A_127 = arith.cmpi slt, %add3A_125, %lt3A_126 : i32
      %convert_element_type3A_128 = arith.extui %lt3A_127 : i1 to i32
      %cond3A_129 = arith.constant 0 : i32
      %cond3A_130 = arith.cmpi ne, %convert_element_type3A_128, %cond3A_129 : i32
      scf.if %cond3A_130 {
        %add3A_283 = arith.constant 2 : i32
        %add3A_284 = arith.addi %add3A_118, %add3A_283 : i32
        %mul3A_285 = arith.constant 40 : i32
        %mul3A_286 = arith.muli %add3A_284, %mul3A_285 : i32
        %add3A_287 = arith.addi %mul3A_2, %mul3A_286 : i32
        %dma_start3A_288 = tpu.memref_slice %arg2[%add3A_287] : memref<160000xi32, #tpu.memory_space<hbm>> -> memref<40xi32, #tpu.memory_space<hbm>>
        %dma_start3A_289 = tpu.memref_slice %arg2[%add3A_287] : memref<160000xi32, #tpu.memory_space<hbm>> -> memref<40xi32, #tpu.memory_space<hbm>>
        tpu.enqueue_dma source(%dma_start3A_289 : memref<40xi32, #tpu.memory_space<hbm>>) target(%arg10 : memref<40xi32, #tpu.memory_space<vmem>>) target_semaphore(%arg16 : memref<!tpu.dma_semaphore, #tpu.memory_space<semaphore_mem>>)
        %dma_start3A_290 = arith.constant 3 : i32
        %dma_start3A_291 = arith.constant 0 : i32
        %dma_start3A_292 = arith.constant 0 : i32
        %dma_start3A_293 = tpu.memref_slice %arg12[%dma_start3A_290, %dma_start3A_291, %dma_start3A_292] : memref<5x40x128xf32, #tpu.memory_space<vmem>> -> memref<1x40x128xf32, #tpu.memory_space<vmem>>
        %dma_start3A_294 = tpu.memref_squeeze %dma_start3A_293 : memref<1x40x128xf32, #tpu.memory_space<vmem>> -> memref<40x128xf32, #tpu.memory_space<vmem>>
        %dma_start3A_295 = arith.constant 0 : i32
        %dma_start3A_296 = tpu.memref_slice %arg3[%add3A_287, %dma_start3A_295] : memref<160000x128xf32, #tpu.memory_space<hbm>> -> memref<40x128xf32, #tpu.memory_space<hbm>>
        %dma_start3A_297 = arith.constant 0 : i32
        %dma_start3A_298 = arith.constant 0 : i32
        %dma_start3A_299 = tpu.memref_slice %arg12[%dma_start3A_290, %dma_start3A_297, %dma_start3A_298] : memref<5x40x128xf32, #tpu.memory_space<vmem>> -> memref<1x40x128xf32, #tpu.memory_space<vmem>>
        %dma_start3A_300 = tpu.memref_squeeze %dma_start3A_299 : memref<1x40x128xf32, #tpu.memory_space<vmem>> -> memref<40x128xf32, #tpu.memory_space<vmem>>
        %dma_start3A_301 = arith.constant 0 : i32
        %dma_start3A_302 = tpu.memref_slice %arg3[%add3A_287, %dma_start3A_301] : memref<160000x128xf32, #tpu.memory_space<hbm>> -> memref<40x128xf32, #tpu.memory_space<hbm>>
        tpu.enqueue_dma source(%dma_start3A_302 : memref<40x128xf32, #tpu.memory_space<hbm>>) target(%dma_start3A_300 : memref<40x128xf32, #tpu.memory_space<vmem>>) target_semaphore(%arg21 : memref<!tpu.dma_semaphore, #tpu.memory_space<semaphore_mem>>)
      } else {
      }
      %mul3A_131 = arith.constant 40 : i32
      %mul3A_132 = arith.muli %add3A_118, %mul3A_131 : i32
      %add3A_133 = arith.addi %mul3A_2, %mul3A_132 : i32
      %dma_wait3A_134 = tpu.memref_slice %arg2[%add3A_133] : memref<160000xi32, #tpu.memory_space<hbm>> -> memref<40xi32, #tpu.memory_space<hbm>>
      %dma_wait3A_135 = tpu.memref_slice %arg2[%add3A_133] : memref<160000xi32, #tpu.memory_space<hbm>> -> memref<40xi32, #tpu.memory_space<hbm>>
      tpu.wait_dma2 semaphore(%arg14 : memref<!tpu.dma_semaphore, #tpu.memory_space<semaphore_mem>>) src(%dma_wait3A_135 : memref<40xi32, #tpu.memory_space<hbm>>) dst(%arg8 : memref<40xi32, #tpu.memory_space<vmem>>)
      %dma_wait3A_136 = arith.constant 1 : i32
      %dma_wait3A_137 = arith.constant 0 : i32
      %dma_wait3A_138 = arith.constant 0 : i32
      %dma_wait3A_139 = tpu.memref_slice %arg12[%dma_wait3A_136, %dma_wait3A_137, %dma_wait3A_138] : memref<5x40x128xf32, #tpu.memory_space<vmem>> -> memref<1x40x128xf32, #tpu.memory_space<vmem>>
      %dma_wait3A_140 = tpu.memref_squeeze %dma_wait3A_139 : memref<1x40x128xf32, #tpu.memory_space<vmem>> -> memref<40x128xf32, #tpu.memory_space<vmem>>
      %dma_wait3A_141 = arith.constant 0 : i32
      %dma_wait3A_142 = tpu.memref_slice %arg3[%add3A_133, %dma_wait3A_141] : memref<160000x128xf32, #tpu.memory_space<hbm>> -> memref<40x128xf32, #tpu.memory_space<hbm>>
      %dma_wait3A_143 = arith.constant 0 : i32
      %dma_wait3A_144 = arith.constant 0 : i32
      %dma_wait3A_145 = tpu.memref_slice %arg12[%dma_wait3A_136, %dma_wait3A_143, %dma_wait3A_144] : memref<5x40x128xf32, #tpu.memory_space<vmem>> -> memref<1x40x128xf32, #tpu.memory_space<vmem>>
      %dma_wait3A_146 = tpu.memref_squeeze %dma_wait3A_145 : memref<1x40x128xf32, #tpu.memory_space<vmem>> -> memref<40x128xf32, #tpu.memory_space<vmem>>
      %dma_wait3A_147 = arith.constant 0 : i32
      %dma_wait3A_148 = tpu.memref_slice %arg3[%add3A_133, %dma_wait3A_147] : memref<160000x128xf32, #tpu.memory_space<hbm>> -> memref<40x128xf32, #tpu.memory_space<hbm>>
      tpu.wait_dma2 semaphore(%arg19 : memref<!tpu.dma_semaphore, #tpu.memory_space<semaphore_mem>>) src(%dma_wait3A_148 : memref<40x128xf32, #tpu.memory_space<hbm>>) dst(%dma_wait3A_146 : memref<40x128xf32, #tpu.memory_space<vmem>>)
      %dma_start3A_149 = arith.constant 1 : i32
      %dma_start3A_150 = arith.constant 0 : i32
      %dma_start3A_151 = arith.constant 0 : i32
      %dma_start3A_152 = tpu.memref_slice %arg12[%dma_start3A_149, %dma_start3A_150, %dma_start3A_151] : memref<5x40x128xf32, #tpu.memory_space<vmem>> -> memref<1x40x128xf32, #tpu.memory_space<vmem>>
      %dma_start3A_153 = tpu.memref_squeeze %dma_start3A_152 : memref<1x40x128xf32, #tpu.memory_space<vmem>> -> memref<40x128xf32, #tpu.memory_space<vmem>>
      %dma_start3A_154 = arith.constant 0 : i32
      %dma_start3A_155 = arith.constant 0 : i32
      %dma_start3A_156 = tpu.memref_slice %arg6[%dma_start3A_154, %dma_start3A_155] : memref<10000x128xf32, #tpu.memory_space<vmem_shared>> -> memref<10000x128xf32, #tpu.memory_space<vmem_shared>>
      tpu.enqueue_indirect_dma source(%dma_start3A_153 : memref<40x128xf32, #tpu.memory_space<vmem>>) target(%dma_start3A_156 : memref<10000x128xf32, #tpu.memory_space<vmem_shared>>) offsets(%arg8 : memref<40xi32, #tpu.memory_space<vmem>>) semaphore(%arg24 : memref<!tpu.dma_semaphore, #tpu.memory_space<semaphore_mem>>) {add = true}
      %mul3A_157 = arith.constant 5 : i32
      %mul3A_158 = arith.muli %scan3A_74, %mul3A_157 : i32
      %add3A_159 = arith.constant 2 : i32
      %add3A_160 = arith.addi %mul3A_158, %add3A_159 : i32
      %ge3A_161 = arith.constant 3 : i32
      %ge3A_162 = arith.cmpi sge, %add3A_160, %ge3A_161 : i32
      %convert_element_type3A_163 = arith.extui %ge3A_162 : i1 to i32
      %cond3A_164 = arith.constant 0 : i32
      %cond3A_165 = arith.cmpi ne, %convert_element_type3A_163, %cond3A_164 : i32
      scf.if %cond3A_165 {
        %dma_wait3A_283 = arith.constant 4 : i32
        %dma_wait3A_284 = arith.constant 0 : i32
        %dma_wait3A_285 = arith.constant 0 : i32
        %dma_wait3A_286 = tpu.memref_slice %arg12[%dma_wait3A_283, %dma_wait3A_284, %dma_wait3A_285] : memref<5x40x128xf32, #tpu.memory_space<vmem>> -> memref<1x40x128xf32, #tpu.memory_space<vmem>>
        %dma_wait3A_287 = tpu.memref_squeeze %dma_wait3A_286 : memref<1x40x128xf32, #tpu.memory_space<vmem>> -> memref<40x128xf32, #tpu.memory_space<vmem>>
        %dma_wait3A_288 = arith.constant 0 : i32
        %dma_wait3A_289 = arith.constant 0 : i32
        %dma_wait3A_290 = tpu.memref_slice %arg6[%dma_wait3A_288, %dma_wait3A_289] : memref<10000x128xf32, #tpu.memory_space<vmem_shared>> -> memref<10000x128xf32, #tpu.memory_space<vmem_shared>>
        tpu.wait_indirect_dma semaphore(%arg27 : memref<!tpu.dma_semaphore, #tpu.memory_space<semaphore_mem>>) src(%dma_wait3A_287 : memref<40x128xf32, #tpu.memory_space<vmem>>) dst(%dma_wait3A_290 : memref<10000x128xf32, #tpu.memory_space<vmem_shared>>)
      } else {
      }
      %add3A_166 = arith.constant 2 : i32
      %add3A_167 = arith.addi %add3A_160, %add3A_166 : i32
      %lt3A_168 = arith.constant 125 : i32
      %lt3A_169 = arith.cmpi slt, %add3A_167, %lt3A_168 : i32
      %convert_element_type3A_170 = arith.extui %lt3A_169 : i1 to i32
      %cond3A_171 = arith.constant 0 : i32
      %cond3A_172 = arith.cmpi ne, %convert_element_type3A_170, %cond3A_171 : i32
      scf.if %cond3A_172 {
        %add3A_283 = arith.constant 2 : i32
        %add3A_284 = arith.addi %add3A_160, %add3A_283 : i32
        %mul3A_285 = arith.constant 40 : i32
        %mul3A_286 = arith.muli %add3A_284, %mul3A_285 : i32
        %add3A_287 = arith.addi %mul3A_2, %mul3A_286 : i32
        %dma_start3A_288 = tpu.memref_slice %arg2[%add3A_287] : memref<160000xi32, #tpu.memory_space<hbm>> -> memref<40xi32, #tpu.memory_space<hbm>>
        %dma_start3A_289 = tpu.memref_slice %arg2[%add3A_287] : memref<160000xi32, #tpu.memory_space<hbm>> -> memref<40xi32, #tpu.memory_space<hbm>>
        tpu.enqueue_dma source(%dma_start3A_289 : memref<40xi32, #tpu.memory_space<hbm>>) target(%arg11 : memref<40xi32, #tpu.memory_space<vmem>>) target_semaphore(%arg17 : memref<!tpu.dma_semaphore, #tpu.memory_space<semaphore_mem>>)
        %dma_start3A_290 = arith.constant 4 : i32
        %dma_start3A_291 = arith.constant 0 : i32
        %dma_start3A_292 = arith.constant 0 : i32
        %dma_start3A_293 = tpu.memref_slice %arg12[%dma_start3A_290, %dma_start3A_291, %dma_start3A_292] : memref<5x40x128xf32, #tpu.memory_space<vmem>> -> memref<1x40x128xf32, #tpu.memory_space<vmem>>
        %dma_start3A_294 = tpu.memref_squeeze %dma_start3A_293 : memref<1x40x128xf32, #tpu.memory_space<vmem>> -> memref<40x128xf32, #tpu.memory_space<vmem>>
        %dma_start3A_295 = arith.constant 0 : i32
        %dma_start3A_296 = tpu.memref_slice %arg3[%add3A_287, %dma_start3A_295] : memref<160000x128xf32, #tpu.memory_space<hbm>> -> memref<40x128xf32, #tpu.memory_space<hbm>>
        %dma_start3A_297 = arith.constant 0 : i32
        %dma_start3A_298 = arith.constant 0 : i32
        %dma_start3A_299 = tpu.memref_slice %arg12[%dma_start3A_290, %dma_start3A_297, %dma_start3A_298] : memref<5x40x128xf32, #tpu.memory_space<vmem>> -> memref<1x40x128xf32, #tpu.memory_space<vmem>>
        %dma_start3A_300 = tpu.memref_squeeze %dma_start3A_299 : memref<1x40x128xf32, #tpu.memory_space<vmem>> -> memref<40x128xf32, #tpu.memory_space<vmem>>
        %dma_start3A_301 = arith.constant 0 : i32
        %dma_start3A_302 = tpu.memref_slice %arg3[%add3A_287, %dma_start3A_301] : memref<160000x128xf32, #tpu.memory_space<hbm>> -> memref<40x128xf32, #tpu.memory_space<hbm>>
        tpu.enqueue_dma source(%dma_start3A_302 : memref<40x128xf32, #tpu.memory_space<hbm>>) target(%dma_start3A_300 : memref<40x128xf32, #tpu.memory_space<vmem>>) target_semaphore(%arg22 : memref<!tpu.dma_semaphore, #tpu.memory_space<semaphore_mem>>)
      } else {
      }
      %mul3A_173 = arith.constant 40 : i32
      %mul3A_174 = arith.muli %add3A_160, %mul3A_173 : i32
      %add3A_175 = arith.addi %mul3A_2, %mul3A_174 : i32
      %dma_wait3A_176 = tpu.memref_slice %arg2[%add3A_175] : memref<160000xi32, #tpu.memory_space<hbm>> -> memref<40xi32, #tpu.memory_space<hbm>>
      %dma_wait3A_177 = tpu.memref_slice %arg2[%add3A_175] : memref<160000xi32, #tpu.memory_space<hbm>> -> memref<40xi32, #tpu.memory_space<hbm>>
      tpu.wait_dma2 semaphore(%arg15 : memref<!tpu.dma_semaphore, #tpu.memory_space<semaphore_mem>>) src(%dma_wait3A_177 : memref<40xi32, #tpu.memory_space<hbm>>) dst(%arg9 : memref<40xi32, #tpu.memory_space<vmem>>)
      %dma_wait3A_178 = arith.constant 2 : i32
      %dma_wait3A_179 = arith.constant 0 : i32
      %dma_wait3A_180 = arith.constant 0 : i32
      %dma_wait3A_181 = tpu.memref_slice %arg12[%dma_wait3A_178, %dma_wait3A_179, %dma_wait3A_180] : memref<5x40x128xf32, #tpu.memory_space<vmem>> -> memref<1x40x128xf32, #tpu.memory_space<vmem>>
      %dma_wait3A_182 = tpu.memref_squeeze %dma_wait3A_181 : memref<1x40x128xf32, #tpu.memory_space<vmem>> -> memref<40x128xf32, #tpu.memory_space<vmem>>
      %dma_wait3A_183 = arith.constant 0 : i32
      %dma_wait3A_184 = tpu.memref_slice %arg3[%add3A_175, %dma_wait3A_183] : memref<160000x128xf32, #tpu.memory_space<hbm>> -> memref<40x128xf32, #tpu.memory_space<hbm>>
      %dma_wait3A_185 = arith.constant 0 : i32
      %dma_wait3A_186 = arith.constant 0 : i32
      %dma_wait3A_187 = tpu.memref_slice %arg12[%dma_wait3A_178, %dma_wait3A_185, %dma_wait3A_186] : memref<5x40x128xf32, #tpu.memory_space<vmem>> -> memref<1x40x128xf32, #tpu.memory_space<vmem>>
      %dma_wait3A_188 = tpu.memref_squeeze %dma_wait3A_187 : memref<1x40x128xf32, #tpu.memory_space<vmem>> -> memref<40x128xf32, #tpu.memory_space<vmem>>
      %dma_wait3A_189 = arith.constant 0 : i32
      %dma_wait3A_190 = tpu.memref_slice %arg3[%add3A_175, %dma_wait3A_189] : memref<160000x128xf32, #tpu.memory_space<hbm>> -> memref<40x128xf32, #tpu.memory_space<hbm>>
      tpu.wait_dma2 semaphore(%arg20 : memref<!tpu.dma_semaphore, #tpu.memory_space<semaphore_mem>>) src(%dma_wait3A_190 : memref<40x128xf32, #tpu.memory_space<hbm>>) dst(%dma_wait3A_188 : memref<40x128xf32, #tpu.memory_space<vmem>>)
      %dma_start3A_191 = arith.constant 2 : i32
      %dma_start3A_192 = arith.constant 0 : i32
      %dma_start3A_193 = arith.constant 0 : i32
      %dma_start3A_194 = tpu.memref_slice %arg12[%dma_start3A_191, %dma_start3A_192, %dma_start3A_193] : memref<5x40x128xf32, #tpu.memory_space<vmem>> -> memref<1x40x128xf32, #tpu.memory_space<vmem>>
      %dma_start3A_195 = tpu.memref_squeeze %dma_start3A_194 : memref<1x40x128xf32, #tpu.memory_space<vmem>> -> memref<40x128xf32, #tpu.memory_space<vmem>>
      %dma_start3A_196 = arith.constant 0 : i32
      %dma_start3A_197 = arith.constant 0 : i32
      %dma_start3A_198 = tpu.memref_slice %arg6[%dma_start3A_196, %dma_start3A_197] : memref<10000x128xf32, #tpu.memory_space<vmem_shared>> -> memref<10000x128xf32, #tpu.memory_space<vmem_shared>>
      tpu.enqueue_indirect_dma source(%dma_start3A_195 : memref<40x128xf32, #tpu.memory_space<vmem>>) target(%dma_start3A_198 : memref<10000x128xf32, #tpu.memory_space<vmem_shared>>) offsets(%arg9 : memref<40xi32, #tpu.memory_space<vmem>>) semaphore(%arg25 : memref<!tpu.dma_semaphore, #tpu.memory_space<semaphore_mem>>) {add = true}
      %mul3A_199 = arith.constant 5 : i32
      %mul3A_200 = arith.muli %scan3A_74, %mul3A_199 : i32
      %add3A_201 = arith.constant 3 : i32
      %add3A_202 = arith.addi %mul3A_200, %add3A_201 : i32
      %ge3A_203 = arith.constant 3 : i32
      %ge3A_204 = arith.cmpi sge, %add3A_202, %ge3A_203 : i32
      %convert_element_type3A_205 = arith.extui %ge3A_204 : i1 to i32
      %cond3A_206 = arith.constant 0 : i32
      %cond3A_207 = arith.cmpi ne, %convert_element_type3A_205, %cond3A_206 : i32
      scf.if %cond3A_207 {
        %dma_wait3A_283 = arith.constant 0 : i32
        %dma_wait3A_284 = arith.constant 0 : i32
        %dma_wait3A_285 = arith.constant 0 : i32
        %dma_wait3A_286 = tpu.memref_slice %arg12[%dma_wait3A_283, %dma_wait3A_284, %dma_wait3A_285] : memref<5x40x128xf32, #tpu.memory_space<vmem>> -> memref<1x40x128xf32, #tpu.memory_space<vmem>>
        %dma_wait3A_287 = tpu.memref_squeeze %dma_wait3A_286 : memref<1x40x128xf32, #tpu.memory_space<vmem>> -> memref<40x128xf32, #tpu.memory_space<vmem>>
        %dma_wait3A_288 = arith.constant 0 : i32
        %dma_wait3A_289 = arith.constant 0 : i32
        %dma_wait3A_290 = tpu.memref_slice %arg6[%dma_wait3A_288, %dma_wait3A_289] : memref<10000x128xf32, #tpu.memory_space<vmem_shared>> -> memref<10000x128xf32, #tpu.memory_space<vmem_shared>>
        tpu.wait_indirect_dma semaphore(%arg23 : memref<!tpu.dma_semaphore, #tpu.memory_space<semaphore_mem>>) src(%dma_wait3A_287 : memref<40x128xf32, #tpu.memory_space<vmem>>) dst(%dma_wait3A_290 : memref<10000x128xf32, #tpu.memory_space<vmem_shared>>)
      } else {
      }
      %add3A_208 = arith.constant 2 : i32
      %add3A_209 = arith.addi %add3A_202, %add3A_208 : i32
      %lt3A_210 = arith.constant 125 : i32
      %lt3A_211 = arith.cmpi slt, %add3A_209, %lt3A_210 : i32
      %convert_element_type3A_212 = arith.extui %lt3A_211 : i1 to i32
      %cond3A_213 = arith.constant 0 : i32
      %cond3A_214 = arith.cmpi ne, %convert_element_type3A_212, %cond3A_213 : i32
      scf.if %cond3A_214 {
        %add3A_283 = arith.constant 2 : i32
        %add3A_284 = arith.addi %add3A_202, %add3A_283 : i32
        %mul3A_285 = arith.constant 40 : i32
        %mul3A_286 = arith.muli %add3A_284, %mul3A_285 : i32
        %add3A_287 = arith.addi %mul3A_2, %mul3A_286 : i32
        %dma_start3A_288 = tpu.memref_slice %arg2[%add3A_287] : memref<160000xi32, #tpu.memory_space<hbm>> -> memref<40xi32, #tpu.memory_space<hbm>>
        %dma_start3A_289 = tpu.memref_slice %arg2[%add3A_287] : memref<160000xi32, #tpu.memory_space<hbm>> -> memref<40xi32, #tpu.memory_space<hbm>>
        tpu.enqueue_dma source(%dma_start3A_289 : memref<40xi32, #tpu.memory_space<hbm>>) target(%arg7 : memref<40xi32, #tpu.memory_space<vmem>>) target_semaphore(%arg13 : memref<!tpu.dma_semaphore, #tpu.memory_space<semaphore_mem>>)
        %dma_start3A_290 = arith.constant 0 : i32
        %dma_start3A_291 = arith.constant 0 : i32
        %dma_start3A_292 = arith.constant 0 : i32
        %dma_start3A_293 = tpu.memref_slice %arg12[%dma_start3A_290, %dma_start3A_291, %dma_start3A_292] : memref<5x40x128xf32, #tpu.memory_space<vmem>> -> memref<1x40x128xf32, #tpu.memory_space<vmem>>
        %dma_start3A_294 = tpu.memref_squeeze %dma_start3A_293 : memref<1x40x128xf32, #tpu.memory_space<vmem>> -> memref<40x128xf32, #tpu.memory_space<vmem>>
        %dma_start3A_295 = arith.constant 0 : i32
        %dma_start3A_296 = tpu.memref_slice %arg3[%add3A_287, %dma_start3A_295] : memref<160000x128xf32, #tpu.memory_space<hbm>> -> memref<40x128xf32, #tpu.memory_space<hbm>>
        %dma_start3A_297 = arith.constant 0 : i32
        %dma_start3A_298 = arith.constant 0 : i32
        %dma_start3A_299 = tpu.memref_slice %arg12[%dma_start3A_290, %dma_start3A_297, %dma_start3A_298] : memref<5x40x128xf32, #tpu.memory_space<vmem>> -> memref<1x40x128xf32, #tpu.memory_space<vmem>>
        %dma_start3A_300 = tpu.memref_squeeze %dma_start3A_299 : memref<1x40x128xf32, #tpu.memory_space<vmem>> -> memref<40x128xf32, #tpu.memory_space<vmem>>
        %dma_start3A_301 = arith.constant 0 : i32
        %dma_start3A_302 = tpu.memref_slice %arg3[%add3A_287, %dma_start3A_301] : memref<160000x128xf32, #tpu.memory_space<hbm>> -> memref<40x128xf32, #tpu.memory_space<hbm>>
        tpu.enqueue_dma source(%dma_start3A_302 : memref<40x128xf32, #tpu.memory_space<hbm>>) target(%dma_start3A_300 : memref<40x128xf32, #tpu.memory_space<vmem>>) target_semaphore(%arg18 : memref<!tpu.dma_semaphore, #tpu.memory_space<semaphore_mem>>)
      } else {
      }
      %mul3A_215 = arith.constant 40 : i32
      %mul3A_216 = arith.muli %add3A_202, %mul3A_215 : i32
      %add3A_217 = arith.addi %mul3A_2, %mul3A_216 : i32
      %dma_wait3A_218 = tpu.memref_slice %arg2[%add3A_217] : memref<160000xi32, #tpu.memory_space<hbm>> -> memref<40xi32, #tpu.memory_space<hbm>>
      %dma_wait3A_219 = tpu.memref_slice %arg2[%add3A_217] : memref<160000xi32, #tpu.memory_space<hbm>> -> memref<40xi32, #tpu.memory_space<hbm>>
      tpu.wait_dma2 semaphore(%arg16 : memref<!tpu.dma_semaphore, #tpu.memory_space<semaphore_mem>>) src(%dma_wait3A_219 : memref<40xi32, #tpu.memory_space<hbm>>) dst(%arg10 : memref<40xi32, #tpu.memory_space<vmem>>)
      %dma_wait3A_220 = arith.constant 3 : i32
      %dma_wait3A_221 = arith.constant 0 : i32
      %dma_wait3A_222 = arith.constant 0 : i32
      %dma_wait3A_223 = tpu.memref_slice %arg12[%dma_wait3A_220, %dma_wait3A_221, %dma_wait3A_222] : memref<5x40x128xf32, #tpu.memory_space<vmem>> -> memref<1x40x128xf32, #tpu.memory_space<vmem>>
      %dma_wait3A_224 = tpu.memref_squeeze %dma_wait3A_223 : memref<1x40x128xf32, #tpu.memory_space<vmem>> -> memref<40x128xf32, #tpu.memory_space<vmem>>
      %dma_wait3A_225 = arith.constant 0 : i32
      %dma_wait3A_226 = tpu.memref_slice %arg3[%add3A_217, %dma_wait3A_225] : memref<160000x128xf32, #tpu.memory_space<hbm>> -> memref<40x128xf32, #tpu.memory_space<hbm>>
      %dma_wait3A_227 = arith.constant 0 : i32
      %dma_wait3A_228 = arith.constant 0 : i32
      %dma_wait3A_229 = tpu.memref_slice %arg12[%dma_wait3A_220, %dma_wait3A_227, %dma_wait3A_228] : memref<5x40x128xf32, #tpu.memory_space<vmem>> -> memref<1x40x128xf32, #tpu.memory_space<vmem>>
      %dma_wait3A_230 = tpu.memref_squeeze %dma_wait3A_229 : memref<1x40x128xf32, #tpu.memory_space<vmem>> -> memref<40x128xf32, #tpu.memory_space<vmem>>
      %dma_wait3A_231 = arith.constant 0 : i32
      %dma_wait3A_232 = tpu.memref_slice %arg3[%add3A_217, %dma_wait3A_231] : memref<160000x128xf32, #tpu.memory_space<hbm>> -> memref<40x128xf32, #tpu.memory_space<hbm>>
      tpu.wait_dma2 semaphore(%arg21 : memref<!tpu.dma_semaphore, #tpu.memory_space<semaphore_mem>>) src(%dma_wait3A_232 : memref<40x128xf32, #tpu.memory_space<hbm>>) dst(%dma_wait3A_230 : memref<40x128xf32, #tpu.memory_space<vmem>>)
      %dma_start3A_233 = arith.constant 3 : i32
      %dma_start3A_234 = arith.constant 0 : i32
      %dma_start3A_235 = arith.constant 0 : i32
      %dma_start3A_236 = tpu.memref_slice %arg12[%dma_start3A_233, %dma_start3A_234, %dma_start3A_235] : memref<5x40x128xf32, #tpu.memory_space<vmem>> -> memref<1x40x128xf32, #tpu.memory_space<vmem>>
      %dma_start3A_237 = tpu.memref_squeeze %dma_start3A_236 : memref<1x40x128xf32, #tpu.memory_space<vmem>> -> memref<40x128xf32, #tpu.memory_space<vmem>>
      %dma_start3A_238 = arith.constant 0 : i32
      %dma_start3A_239 = arith.constant 0 : i32
      %dma_start3A_240 = tpu.memref_slice %arg6[%dma_start3A_238, %dma_start3A_239] : memref<10000x128xf32, #tpu.memory_space<vmem_shared>> -> memref<10000x128xf32, #tpu.memory_space<vmem_shared>>
      tpu.enqueue_indirect_dma source(%dma_start3A_237 : memref<40x128xf32, #tpu.memory_space<vmem>>) target(%dma_start3A_240 : memref<10000x128xf32, #tpu.memory_space<vmem_shared>>) offsets(%arg10 : memref<40xi32, #tpu.memory_space<vmem>>) semaphore(%arg26 : memref<!tpu.dma_semaphore, #tpu.memory_space<semaphore_mem>>) {add = true}
      %mul3A_241 = arith.constant 5 : i32
      %mul3A_242 = arith.muli %scan3A_74, %mul3A_241 : i32
      %add3A_243 = arith.constant 4 : i32
      %add3A_244 = arith.addi %mul3A_242, %add3A_243 : i32
      %ge3A_245 = arith.constant 3 : i32
      %ge3A_246 = arith.cmpi sge, %add3A_244, %ge3A_245 : i32
      %convert_element_type3A_247 = arith.extui %ge3A_246 : i1 to i32
      %cond3A_248 = arith.constant 0 : i32
      %cond3A_249 = arith.cmpi ne, %convert_element_type3A_247, %cond3A_248 : i32
      scf.if %cond3A_249 {
        %dma_wait3A_283 = arith.constant 1 : i32
        %dma_wait3A_284 = arith.constant 0 : i32
        %dma_wait3A_285 = arith.constant 0 : i32
        %dma_wait3A_286 = tpu.memref_slice %arg12[%dma_wait3A_283, %dma_wait3A_284, %dma_wait3A_285] : memref<5x40x128xf32, #tpu.memory_space<vmem>> -> memref<1x40x128xf32, #tpu.memory_space<vmem>>
        %dma_wait3A_287 = tpu.memref_squeeze %dma_wait3A_286 : memref<1x40x128xf32, #tpu.memory_space<vmem>> -> memref<40x128xf32, #tpu.memory_space<vmem>>
        %dma_wait3A_288 = arith.constant 0 : i32
        %dma_wait3A_289 = arith.constant 0 : i32
        %dma_wait3A_290 = tpu.memref_slice %arg6[%dma_wait3A_288, %dma_wait3A_289] : memref<10000x128xf32, #tpu.memory_space<vmem_shared>> -> memref<10000x128xf32, #tpu.memory_space<vmem_shared>>
        tpu.wait_indirect_dma semaphore(%arg24 : memref<!tpu.dma_semaphore, #tpu.memory_space<semaphore_mem>>) src(%dma_wait3A_287 : memref<40x128xf32, #tpu.memory_space<vmem>>) dst(%dma_wait3A_290 : memref<10000x128xf32, #tpu.memory_space<vmem_shared>>)
      } else {
      }
      %add3A_250 = arith.constant 2 : i32
      %add3A_251 = arith.addi %add3A_244, %add3A_250 : i32
      %lt3A_252 = arith.constant 125 : i32
      %lt3A_253 = arith.cmpi slt, %add3A_251, %lt3A_252 : i32
      %convert_element_type3A_254 = arith.extui %lt3A_253 : i1 to i32
      %cond3A_255 = arith.constant 0 : i32
      %cond3A_256 = arith.cmpi ne, %convert_element_type3A_254, %cond3A_255 : i32
      scf.if %cond3A_256 {
        %add3A_283 = arith.constant 2 : i32
        %add3A_284 = arith.addi %add3A_244, %add3A_283 : i32
        %mul3A_285 = arith.constant 40 : i32
        %mul3A_286 = arith.muli %add3A_284, %mul3A_285 : i32
        %add3A_287 = arith.addi %mul3A_2, %mul3A_286 : i32
        %dma_start3A_288 = tpu.memref_slice %arg2[%add3A_287] : memref<160000xi32, #tpu.memory_space<hbm>> -> memref<40xi32, #tpu.memory_space<hbm>>
        %dma_start3A_289 = tpu.memref_slice %arg2[%add3A_287] : memref<160000xi32, #tpu.memory_space<hbm>> -> memref<40xi32, #tpu.memory_space<hbm>>
        tpu.enqueue_dma source(%dma_start3A_289 : memref<40xi32, #tpu.memory_space<hbm>>) target(%arg8 : memref<40xi32, #tpu.memory_space<vmem>>) target_semaphore(%arg14 : memref<!tpu.dma_semaphore, #tpu.memory_space<semaphore_mem>>)
        %dma_start3A_290 = arith.constant 1 : i32
        %dma_start3A_291 = arith.constant 0 : i32
        %dma_start3A_292 = arith.constant 0 : i32
        %dma_start3A_293 = tpu.memref_slice %arg12[%dma_start3A_290, %dma_start3A_291, %dma_start3A_292] : memref<5x40x128xf32, #tpu.memory_space<vmem>> -> memref<1x40x128xf32, #tpu.memory_space<vmem>>
        %dma_start3A_294 = tpu.memref_squeeze %dma_start3A_293 : memref<1x40x128xf32, #tpu.memory_space<vmem>> -> memref<40x128xf32, #tpu.memory_space<vmem>>
        %dma_start3A_295 = arith.constant 0 : i32
        %dma_start3A_296 = tpu.memref_slice %arg3[%add3A_287, %dma_start3A_295] : memref<160000x128xf32, #tpu.memory_space<hbm>> -> memref<40x128xf32, #tpu.memory_space<hbm>>
        %dma_start3A_297 = arith.constant 0 : i32
        %dma_start3A_298 = arith.constant 0 : i32
        %dma_start3A_299 = tpu.memref_slice %arg12[%dma_start3A_290, %dma_start3A_297, %dma_start3A_298] : memref<5x40x128xf32, #tpu.memory_space<vmem>> -> memref<1x40x128xf32, #tpu.memory_space<vmem>>
        %dma_start3A_300 = tpu.memref_squeeze %dma_start3A_299 : memref<1x40x128xf32, #tpu.memory_space<vmem>> -> memref<40x128xf32, #tpu.memory_space<vmem>>
        %dma_start3A_301 = arith.constant 0 : i32
        %dma_start3A_302 = tpu.memref_slice %arg3[%add3A_287, %dma_start3A_301] : memref<160000x128xf32, #tpu.memory_space<hbm>> -> memref<40x128xf32, #tpu.memory_space<hbm>>
        tpu.enqueue_dma source(%dma_start3A_302 : memref<40x128xf32, #tpu.memory_space<hbm>>) target(%dma_start3A_300 : memref<40x128xf32, #tpu.memory_space<vmem>>) target_semaphore(%arg19 : memref<!tpu.dma_semaphore, #tpu.memory_space<semaphore_mem>>)
      } else {
      }
      %mul3A_257 = arith.constant 40 : i32
      %mul3A_258 = arith.muli %add3A_244, %mul3A_257 : i32
      %add3A_259 = arith.addi %mul3A_2, %mul3A_258 : i32
      %dma_wait3A_260 = tpu.memref_slice %arg2[%add3A_259] : memref<160000xi32, #tpu.memory_space<hbm>> -> memref<40xi32, #tpu.memory_space<hbm>>
      %dma_wait3A_261 = tpu.memref_slice %arg2[%add3A_259] : memref<160000xi32, #tpu.memory_space<hbm>> -> memref<40xi32, #tpu.memory_space<hbm>>
      tpu.wait_dma2 semaphore(%arg17 : memref<!tpu.dma_semaphore, #tpu.memory_space<semaphore_mem>>) src(%dma_wait3A_261 : memref<40xi32, #tpu.memory_space<hbm>>) dst(%arg11 : memref<40xi32, #tpu.memory_space<vmem>>)
      %dma_wait3A_262 = arith.constant 4 : i32
      %dma_wait3A_263 = arith.constant 0 : i32
      %dma_wait3A_264 = arith.constant 0 : i32
      %dma_wait3A_265 = tpu.memref_slice %arg12[%dma_wait3A_262, %dma_wait3A_263, %dma_wait3A_264] : memref<5x40x128xf32, #tpu.memory_space<vmem>> -> memref<1x40x128xf32, #tpu.memory_space<vmem>>
      %dma_wait3A_266 = tpu.memref_squeeze %dma_wait3A_265 : memref<1x40x128xf32, #tpu.memory_space<vmem>> -> memref<40x128xf32, #tpu.memory_space<vmem>>
      %dma_wait3A_267 = arith.constant 0 : i32
      %dma_wait3A_268 = tpu.memref_slice %arg3[%add3A_259, %dma_wait3A_267] : memref<160000x128xf32, #tpu.memory_space<hbm>> -> memref<40x128xf32, #tpu.memory_space<hbm>>
      %dma_wait3A_269 = arith.constant 0 : i32
      %dma_wait3A_270 = arith.constant 0 : i32
      %dma_wait3A_271 = tpu.memref_slice %arg12[%dma_wait3A_262, %dma_wait3A_269, %dma_wait3A_270] : memref<5x40x128xf32, #tpu.memory_space<vmem>> -> memref<1x40x128xf32, #tpu.memory_space<vmem>>
      %dma_wait3A_272 = tpu.memref_squeeze %dma_wait3A_271 : memref<1x40x128xf32, #tpu.memory_space<vmem>> -> memref<40x128xf32, #tpu.memory_space<vmem>>
      %dma_wait3A_273 = arith.constant 0 : i32
      %dma_wait3A_274 = tpu.memref_slice %arg3[%add3A_259, %dma_wait3A_273] : memref<160000x128xf32, #tpu.memory_space<hbm>> -> memref<40x128xf32, #tpu.memory_space<hbm>>
      tpu.wait_dma2 semaphore(%arg22 : memref<!tpu.dma_semaphore, #tpu.memory_space<semaphore_mem>>) src(%dma_wait3A_274 : memref<40x128xf32, #tpu.memory_space<hbm>>) dst(%dma_wait3A_272 : memref<40x128xf32, #tpu.memory_space<vmem>>)
      %dma_start3A_275 = arith.constant 4 : i32
      %dma_start3A_276 = arith.constant 0 : i32
      %dma_start3A_277 = arith.constant 0 : i32
      %dma_start3A_278 = tpu.memref_slice %arg12[%dma_start3A_275, %dma_start3A_276, %dma_start3A_277] : memref<5x40x128xf32, #tpu.memory_space<vmem>> -> memref<1x40x128xf32, #tpu.memory_space<vmem>>
      %dma_start3A_279 = tpu.memref_squeeze %dma_start3A_278 : memref<1x40x128xf32, #tpu.memory_space<vmem>> -> memref<40x128xf32, #tpu.memory_space<vmem>>
      %dma_start3A_280 = arith.constant 0 : i32
      %dma_start3A_281 = arith.constant 0 : i32
      %dma_start3A_282 = tpu.memref_slice %arg6[%dma_start3A_280, %dma_start3A_281] : memref<10000x128xf32, #tpu.memory_space<vmem_shared>> -> memref<10000x128xf32, #tpu.memory_space<vmem_shared>>
      tpu.enqueue_indirect_dma source(%dma_start3A_279 : memref<40x128xf32, #tpu.memory_space<vmem>>) target(%dma_start3A_282 : memref<10000x128xf32, #tpu.memory_space<vmem_shared>>) offsets(%arg11 : memref<40xi32, #tpu.memory_space<vmem>>) semaphore(%arg27 : memref<!tpu.dma_semaphore, #tpu.memory_space<semaphore_mem>>) {add = true}
    }
    %scan3A_44 = arith.constant 25 : i32
    %dma_wait3A = arith.constant 2 : i32
    %dma_wait3A_45 = arith.constant 0 : i32
    %dma_wait3A_46 = arith.constant 0 : i32
    %dma_wait3A_47 = tpu.memref_slice %arg12[%dma_wait3A, %dma_wait3A_45, %dma_wait3A_46] : memref<5x40x128xf32, #tpu.memory_space<vmem>> -> memref<1x40x128xf32, #tpu.memory_space<vmem>>
    %dma_wait3A_48 = tpu.memref_squeeze %dma_wait3A_47 : memref<1x40x128xf32, #tpu.memory_space<vmem>> -> memref<40x128xf32, #tpu.memory_space<vmem>>
    %dma_wait3A_49 = arith.constant 0 : i32
    %dma_wait3A_50 = arith.constant 0 : i32
    %dma_wait3A_51 = tpu.memref_slice %arg6[%dma_wait3A_49, %dma_wait3A_50] : memref<10000x128xf32, #tpu.memory_space<vmem_shared>> -> memref<10000x128xf32, #tpu.memory_space<vmem_shared>>
    tpu.wait_indirect_dma semaphore(%arg25 : memref<!tpu.dma_semaphore, #tpu.memory_space<semaphore_mem>>) src(%dma_wait3A_48 : memref<40x128xf32, #tpu.memory_space<vmem>>) dst(%dma_wait3A_51 : memref<10000x128xf32, #tpu.memory_space<vmem_shared>>)
    %dma_wait3A_52 = arith.constant 3 : i32
    %dma_wait3A_53 = arith.constant 0 : i32
    %dma_wait3A_54 = arith.constant 0 : i32
    %dma_wait3A_55 = tpu.memref_slice %arg12[%dma_wait3A_52, %dma_wait3A_53, %dma_wait3A_54] : memref<5x40x128xf32, #tpu.memory_space<vmem>> -> memref<1x40x128xf32, #tpu.memory_space<vmem>>
    %dma_wait3A_56 = tpu.memref_squeeze %dma_wait3A_55 : memref<1x40x128xf32, #tpu.memory_space<vmem>> -> memref<40x128xf32, #tpu.memory_space<vmem>>
    %dma_wait3A_57 = arith.constant 0 : i32
    %dma_wait3A_58 = arith.constant 0 : i32
    %dma_wait3A_59 = tpu.memref_slice %arg6[%dma_wait3A_57, %dma_wait3A_58] : memref<10000x128xf32, #tpu.memory_space<vmem_shared>> -> memref<10000x128xf32, #tpu.memory_space<vmem_shared>>
    tpu.wait_indirect_dma semaphore(%arg26 : memref<!tpu.dma_semaphore, #tpu.memory_space<semaphore_mem>>) src(%dma_wait3A_56 : memref<40x128xf32, #tpu.memory_space<vmem>>) dst(%dma_wait3A_59 : memref<10000x128xf32, #tpu.memory_space<vmem_shared>>)
    %dma_wait3A_60 = arith.constant 4 : i32
    %dma_wait3A_61 = arith.constant 0 : i32
    %dma_wait3A_62 = arith.constant 0 : i32
    %dma_wait3A_63 = tpu.memref_slice %arg12[%dma_wait3A_60, %dma_wait3A_61, %dma_wait3A_62] : memref<5x40x128xf32, #tpu.memory_space<vmem>> -> memref<1x40x128xf32, #tpu.memory_space<vmem>>
    %dma_wait3A_64 = tpu.memref_squeeze %dma_wait3A_63 : memref<1x40x128xf32, #tpu.memory_space<vmem>> -> memref<40x128xf32, #tpu.memory_space<vmem>>
    %dma_wait3A_65 = arith.constant 0 : i32
    %dma_wait3A_66 = arith.constant 0 : i32
    %dma_wait3A_67 = tpu.memref_slice %arg6[%dma_wait3A_65, %dma_wait3A_66] : memref<10000x128xf32, #tpu.memory_space<vmem_shared>> -> memref<10000x128xf32, #tpu.memory_space<vmem_shared>>
    tpu.wait_indirect_dma semaphore(%arg27 : memref<!tpu.dma_semaphore, #tpu.memory_space<semaphore_mem>>) src(%dma_wait3A_64 : memref<40x128xf32, #tpu.memory_space<vmem>>) dst(%dma_wait3A_67 : memref<10000x128xf32, #tpu.memory_space<vmem_shared>>)
    %barrier3A_68 = arith.constant 0 : index
    tpu.barrier barrier_id(%barrier3A_68)
    "tpu.region"() ({
      %run_scoped3A = tpu.sem_alloc : memref<!tpu.dma_semaphore, #tpu.memory_space<semaphore_mem>>
      %dma_start3A_74 = arith.constant 0 : i32
      %dma_start3A_75 = tpu.memref_slice %arg5[%arg0, %mul3A_4, %dma_start3A_74] : memref<2x10000x128xf32, #tpu.memory_space<hbm>> -> memref<1x624x128xf32, #tpu.memory_space<hbm>>
      %dma_start3A_76 = tpu.memref_squeeze %dma_start3A_75 : memref<1x624x128xf32, #tpu.memory_space<hbm>> -> memref<624x128xf32, #tpu.memory_space<hbm>>
      %dma_start3A_77 = arith.constant 0 : i32
      %dma_start3A_78 = tpu.memref_slice %arg6[%mul3A_4, %dma_start3A_77] : memref<10000x128xf32, #tpu.memory_space<vmem_shared>> -> memref<624x128xf32, #tpu.memory_space<vmem_shared>>
      tpu.enqueue_dma source(%dma_start3A_78 : memref<624x128xf32, #tpu.memory_space<vmem_shared>>) target(%dma_start3A_76 : memref<624x128xf32, #tpu.memory_space<hbm>>) target_semaphore(%run_scoped3A : memref<!tpu.dma_semaphore, #tpu.memory_space<semaphore_mem>>)
      %dma_wait3A_79 = arith.constant 0 : i32
      %dma_wait3A_80 = tpu.memref_slice %arg5[%arg0, %mul3A_4, %dma_wait3A_79] : memref<2x10000x128xf32, #tpu.memory_space<hbm>> -> memref<1x624x128xf32, #tpu.memory_space<hbm>>
      %dma_wait3A_81 = tpu.memref_squeeze %dma_wait3A_80 : memref<1x624x128xf32, #tpu.memory_space<hbm>> -> memref<624x128xf32, #tpu.memory_space<hbm>>
      %dma_wait3A_82 = arith.constant 0 : i32
      %dma_wait3A_83 = tpu.memref_slice %arg6[%mul3A_4, %dma_wait3A_82] : memref<10000x128xf32, #tpu.memory_space<vmem_shared>> -> memref<624x128xf32, #tpu.memory_space<vmem_shared>>
      tpu.wait_dma2 semaphore(%run_scoped3A : memref<!tpu.dma_semaphore, #tpu.memory_space<semaphore_mem>>) src(%dma_wait3A_83 : memref<624x128xf32, #tpu.memory_space<vmem_shared>>) dst(%dma_wait3A_81 : memref<624x128xf32, #tpu.memory_space<hbm>>)
      tpu.yield
    }) : () -> ()
    %eq3A_69 = arith.constant 0 : i32
    %eq3A_70 = arith.cmpi eq, %arg1, %eq3A_69 : i32
    %convert_element_type3A_71 = arith.extui %eq3A_70 : i1 to i32
    %cond3A_72 = arith.constant 0 : i32
    %cond3A_73 = arith.cmpi ne, %convert_element_type3A_71, %cond3A_72 : i32
    scf.if %cond3A_73 {
      "tpu.region"() ({
        %run_scoped3A = tpu.sem_alloc : memref<!tpu.dma_semaphore, #tpu.memory_space<semaphore_mem>>
        %dma_start3A_74 = arith.constant 9984 : i32
        %dma_start3A_75 = arith.constant 0 : i32
        %dma_start3A_76 = tpu.memref_slice %arg5[%arg0, %dma_start3A_74, %dma_start3A_75] : memref<2x10000x128xf32, #tpu.memory_space<hbm>> -> memref<1x16x128xf32, #tpu.memory_space<hbm>>
        %dma_start3A_77 = tpu.memref_squeeze %dma_start3A_76 : memref<1x16x128xf32, #tpu.memory_space<hbm>> -> memref<16x128xf32, #tpu.memory_space<hbm>>
        %dma_start3A_78 = arith.constant 9984 : i32
        %dma_start3A_79 = arith.constant 0 : i32
        %dma_start3A_80 = tpu.memref_slice %arg6[%dma_start3A_78, %dma_start3A_79] : memref<10000x128xf32, #tpu.memory_space<vmem_shared>> -> memref<16x128xf32, #tpu.memory_space<vmem_shared>>
        tpu.enqueue_dma source(%dma_start3A_80 : memref<16x128xf32, #tpu.memory_space<vmem_shared>>) target(%dma_start3A_77 : memref<16x128xf32, #tpu.memory_space<hbm>>) target_semaphore(%run_scoped3A : memref<!tpu.dma_semaphore, #tpu.memory_space<semaphore_mem>>)
        %dma_wait3A_81 = arith.constant 9984 : i32
        %dma_wait3A_82 = arith.constant 0 : i32
        %dma_wait3A_83 = tpu.memref_slice %arg5[%arg0, %dma_wait3A_81, %dma_wait3A_82] : memref<2x10000x128xf32, #tpu.memory_space<hbm>> -> memref<1x16x128xf32, #tpu.memory_space<hbm>>
        %dma_wait3A_84 = tpu.memref_squeeze %dma_wait3A_83 : memref<1x16x128xf32, #tpu.memory_space<hbm>> -> memref<16x128xf32, #tpu.memory_space<hbm>>
        %dma_wait3A_85 = arith.constant 9984 : i32
        %dma_wait3A_86 = arith.constant 0 : i32
        %dma_wait3A_87 = tpu.memref_slice %arg6[%dma_wait3A_85, %dma_wait3A_86] : memref<10000x128xf32, #tpu.memory_space<vmem_shared>> -> memref<16x128xf32, #tpu.memory_space<vmem_shared>>
        tpu.wait_dma2 semaphore(%run_scoped3A : memref<!tpu.dma_semaphore, #tpu.memory_space<semaphore_mem>>) src(%dma_wait3A_87 : memref<16x128xf32, #tpu.memory_space<vmem_shared>>) dst(%dma_wait3A_84 : memref<16x128xf32, #tpu.memory_space<hbm>>)
        tpu.yield
      }) : () -> ()
    } else {
    }
    return
  }
}

#map = affine_map<(d0, d1) -> (0)>
#map1 = affine_map<(d0, d1) -> (0, 0)>
module attributes {stable_mosaic.version = 14 : i64} {
  func.func @gather_kernel(%arg0: i32, %arg1: i32, %arg2: memref<160000xi32, #tpu.memory_space<hbm>>, %arg3: memref<160000xi32, #tpu.memory_space<hbm>>, %arg4: memref<10000x128xf32, #tpu.memory_space<hbm>>, %arg5: memref<10000x128xf32, #tpu.memory_space<hbm>>, %arg6: memref<160000x128xf32, #tpu.memory_space<hbm>>, %arg7: memref<160000x128xf32, #tpu.memory_space<hbm>>, %arg8: memref<5000xi32, #tpu.memory_space<vmem>>, %arg9: memref<5000xi32, #tpu.memory_space<vmem>>, %arg10: memref<5x40x128xf32, #tpu.memory_space<vmem>>, %arg11: memref<5x40x128xf32, #tpu.memory_space<vmem>>, %arg12: memref<!tpu.dma_semaphore, #tpu.memory_space<semaphore_mem>>, %arg13: memref<!tpu.dma_semaphore, #tpu.memory_space<semaphore_mem>>, %arg14: memref<!tpu.dma_semaphore, #tpu.memory_space<semaphore_mem>>, %arg15: memref<!tpu.dma_semaphore, #tpu.memory_space<semaphore_mem>>, %arg16: memref<!tpu.dma_semaphore, #tpu.memory_space<semaphore_mem>>, %arg17: memref<!tpu.dma_semaphore, #tpu.memory_space<semaphore_mem>>, %arg18: memref<!tpu.dma_semaphore, #tpu.memory_space<semaphore_mem>>, %arg19: memref<!tpu.dma_semaphore, #tpu.memory_space<semaphore_mem>>, %arg20: memref<!tpu.dma_semaphore, #tpu.memory_space<semaphore_mem>>, %arg21: memref<!tpu.dma_semaphore, #tpu.memory_space<semaphore_mem>>, %arg22: memref<!tpu.dma_semaphore, #tpu.memory_space<semaphore_mem>>, %arg23: memref<!tpu.dma_semaphore, #tpu.memory_space<semaphore_mem>>, %arg24: memref<!tpu.dma_semaphore, #tpu.memory_space<semaphore_mem>>, %arg25: memref<!tpu.dma_semaphore, #tpu.memory_space<semaphore_mem>>, %arg26: memref<!tpu.dma_semaphore, #tpu.memory_space<semaphore_mem>>, %arg27: memref<!tpu.dma_semaphore, #tpu.memory_space<semaphore_mem>>, %arg28: memref<!tpu.dma_semaphore, #tpu.memory_space<semaphore_mem>>, %arg29: memref<!tpu.dma_semaphore, #tpu.memory_space<semaphore_mem>>, %arg30: memref<!tpu.dma_semaphore, #tpu.memory_space<semaphore_mem>>, %arg31: memref<!tpu.dma_semaphore, #tpu.memory_space<semaphore_mem>>) attributes {dimension_semantics = [#tpu.dimension_semantics<core_parallel>, #tpu.dimension_semantics<subcore_parallel>], iteration_bounds = array<i64: 2, 16>, scalar_prefetch = 0 : i64, scratch_operands = 24 : i64, tpu.core_type = #tpu.core_type<sc_vector_subcore>, window_params = [{transform_indices = #map}, {transform_indices = #map}, {transform_indices = #map1}, {transform_indices = #map1}, {transform_indices = #map1}, {transform_indices = #map1}]} {
    %mul3A = arith.constant 2 : i32
    %mul3A_0 = arith.muli %arg1, %mul3A : i32
    %add3A = arith.addi %mul3A_0, %arg0 : i32
    %mul3A_1 = arith.constant 5000 : i32
    %mul3A_2 = arith.muli %add3A, %mul3A_1 : i32
    "tpu.region"() ({
      %run_scoped3A = tpu.sem_alloc : memref<!tpu.dma_semaphore, #tpu.memory_space<semaphore_mem>>
      %dma_start3A_130 = tpu.memref_slice %arg2[%mul3A_2] : memref<160000xi32, #tpu.memory_space<hbm>> -> memref<5000xi32, #tpu.memory_space<hbm>>
      %dma_start3A_131 = tpu.memref_slice %arg2[%mul3A_2] : memref<160000xi32, #tpu.memory_space<hbm>> -> memref<5000xi32, #tpu.memory_space<hbm>>
      tpu.enqueue_dma source(%dma_start3A_131 : memref<5000xi32, #tpu.memory_space<hbm>>) target(%arg8 : memref<5000xi32, #tpu.memory_space<vmem>>) target_semaphore(%run_scoped3A : memref<!tpu.dma_semaphore, #tpu.memory_space<semaphore_mem>>)
      %dma_wait3A_132 = tpu.memref_slice %arg2[%mul3A_2] : memref<160000xi32, #tpu.memory_space<hbm>> -> memref<5000xi32, #tpu.memory_space<hbm>>
      %dma_wait3A_133 = tpu.memref_slice %arg2[%mul3A_2] : memref<160000xi32, #tpu.memory_space<hbm>> -> memref<5000xi32, #tpu.memory_space<hbm>>
      tpu.wait_dma2 semaphore(%run_scoped3A : memref<!tpu.dma_semaphore, #tpu.memory_space<semaphore_mem>>) src(%dma_wait3A_133 : memref<5000xi32, #tpu.memory_space<hbm>>) dst(%arg8 : memref<5000xi32, #tpu.memory_space<vmem>>)
      tpu.yield
    }) : () -> ()
    "tpu.region"() ({
      %run_scoped3A = tpu.sem_alloc : memref<!tpu.dma_semaphore, #tpu.memory_space<semaphore_mem>>
      %dma_start3A_130 = tpu.memref_slice %arg3[%mul3A_2] : memref<160000xi32, #tpu.memory_space<hbm>> -> memref<5000xi32, #tpu.memory_space<hbm>>
      %dma_start3A_131 = tpu.memref_slice %arg3[%mul3A_2] : memref<160000xi32, #tpu.memory_space<hbm>> -> memref<5000xi32, #tpu.memory_space<hbm>>
      tpu.enqueue_dma source(%dma_start3A_131 : memref<5000xi32, #tpu.memory_space<hbm>>) target(%arg9 : memref<5000xi32, #tpu.memory_space<vmem>>) target_semaphore(%run_scoped3A : memref<!tpu.dma_semaphore, #tpu.memory_space<semaphore_mem>>)
      %dma_wait3A_132 = tpu.memref_slice %arg3[%mul3A_2] : memref<160000xi32, #tpu.memory_space<hbm>> -> memref<5000xi32, #tpu.memory_space<hbm>>
      %dma_wait3A_133 = tpu.memref_slice %arg3[%mul3A_2] : memref<160000xi32, #tpu.memory_space<hbm>> -> memref<5000xi32, #tpu.memory_space<hbm>>
      tpu.wait_dma2 semaphore(%run_scoped3A : memref<!tpu.dma_semaphore, #tpu.memory_space<semaphore_mem>>) src(%dma_wait3A_133 : memref<5000xi32, #tpu.memory_space<hbm>>) dst(%arg9 : memref<5000xi32, #tpu.memory_space<vmem>>)
      tpu.yield
    }) : () -> ()
    %dma_start3A = arith.constant 0 : i32
    %dma_start3A_3 = arith.constant 0 : i32
    %dma_start3A_4 = arith.constant 0 : i32
    %dma_start3A_5 = tpu.memref_slice %arg10[%dma_start3A, %dma_start3A_3, %dma_start3A_4] : memref<5x40x128xf32, #tpu.memory_space<vmem>> -> memref<1x40x128xf32, #tpu.memory_space<vmem>>
    %dma_start3A_6 = tpu.memref_squeeze %dma_start3A_5 : memref<1x40x128xf32, #tpu.memory_space<vmem>> -> memref<40x128xf32, #tpu.memory_space<vmem>>
    %dma_start3A_7 = arith.constant 0 : i32
    %dma_start3A_8 = tpu.memref_slice %arg8[%dma_start3A_7] : memref<5000xi32, #tpu.memory_space<vmem>> -> memref<40xi32, #tpu.memory_space<vmem>>
    %dma_start3A_9 = arith.constant 0 : i32
    %dma_start3A_10 = arith.constant 0 : i32
    %dma_start3A_11 = tpu.memref_slice %arg4[%dma_start3A_9, %dma_start3A_10] : memref<10000x128xf32, #tpu.memory_space<hbm>> -> memref<10000x128xf32, #tpu.memory_space<hbm>>
    tpu.enqueue_indirect_dma source(%dma_start3A_11 : memref<10000x128xf32, #tpu.memory_space<hbm>>) target(%dma_start3A_6 : memref<40x128xf32, #tpu.memory_space<vmem>>) offsets(%dma_start3A_8 : memref<40xi32, #tpu.memory_space<vmem>>) semaphore(%arg12 : memref<!tpu.dma_semaphore, #tpu.memory_space<semaphore_mem>>)
    %dma_start3A_12 = arith.constant 0 : i32
    %dma_start3A_13 = arith.constant 0 : i32
    %dma_start3A_14 = arith.constant 0 : i32
    %dma_start3A_15 = tpu.memref_slice %arg11[%dma_start3A_12, %dma_start3A_13, %dma_start3A_14] : memref<5x40x128xf32, #tpu.memory_space<vmem>> -> memref<1x40x128xf32, #tpu.memory_space<vmem>>
    %dma_start3A_16 = tpu.memref_squeeze %dma_start3A_15 : memref<1x40x128xf32, #tpu.memory_space<vmem>> -> memref<40x128xf32, #tpu.memory_space<vmem>>
    %dma_start3A_17 = arith.constant 0 : i32
    %dma_start3A_18 = tpu.memref_slice %arg9[%dma_start3A_17] : memref<5000xi32, #tpu.memory_space<vmem>> -> memref<40xi32, #tpu.memory_space<vmem>>
    %dma_start3A_19 = arith.constant 0 : i32
    %dma_start3A_20 = arith.constant 0 : i32
    %dma_start3A_21 = tpu.memref_slice %arg5[%dma_start3A_19, %dma_start3A_20] : memref<10000x128xf32, #tpu.memory_space<hbm>> -> memref<10000x128xf32, #tpu.memory_space<hbm>>
    tpu.enqueue_indirect_dma source(%dma_start3A_21 : memref<10000x128xf32, #tpu.memory_space<hbm>>) target(%dma_start3A_16 : memref<40x128xf32, #tpu.memory_space<vmem>>) offsets(%dma_start3A_18 : memref<40xi32, #tpu.memory_space<vmem>>) semaphore(%arg17 : memref<!tpu.dma_semaphore, #tpu.memory_space<semaphore_mem>>)
    %dma_start3A_22 = arith.constant 1 : i32
    %dma_start3A_23 = arith.constant 0 : i32
    %dma_start3A_24 = arith.constant 0 : i32
    %dma_start3A_25 = tpu.memref_slice %arg10[%dma_start3A_22, %dma_start3A_23, %dma_start3A_24] : memref<5x40x128xf32, #tpu.memory_space<vmem>> -> memref<1x40x128xf32, #tpu.memory_space<vmem>>
    %dma_start3A_26 = tpu.memref_squeeze %dma_start3A_25 : memref<1x40x128xf32, #tpu.memory_space<vmem>> -> memref<40x128xf32, #tpu.memory_space<vmem>>
    %dma_start3A_27 = arith.constant 40 : i32
    %dma_start3A_28 = tpu.memref_slice %arg8[%dma_start3A_27] : memref<5000xi32, #tpu.memory_space<vmem>> -> memref<40xi32, #tpu.memory_space<vmem>>
    %dma_start3A_29 = arith.constant 0 : i32
    %dma_start3A_30 = arith.constant 0 : i32
    %dma_start3A_31 = tpu.memref_slice %arg4[%dma_start3A_29, %dma_start3A_30] : memref<10000x128xf32, #tpu.memory_space<hbm>> -> memref<10000x128xf32, #tpu.memory_space<hbm>>
    tpu.enqueue_indirect_dma source(%dma_start3A_31 : memref<10000x128xf32, #tpu.memory_space<hbm>>) target(%dma_start3A_26 : memref<40x128xf32, #tpu.memory_space<vmem>>) offsets(%dma_start3A_28 : memref<40xi32, #tpu.memory_space<vmem>>) semaphore(%arg13 : memref<!tpu.dma_semaphore, #tpu.memory_space<semaphore_mem>>)
    %dma_start3A_32 = arith.constant 1 : i32
    %dma_start3A_33 = arith.constant 0 : i32
    %dma_start3A_34 = arith.constant 0 : i32
    %dma_start3A_35 = tpu.memref_slice %arg11[%dma_start3A_32, %dma_start3A_33, %dma_start3A_34] : memref<5x40x128xf32, #tpu.memory_space<vmem>> -> memref<1x40x128xf32, #tpu.memory_space<vmem>>
    %dma_start3A_36 = tpu.memref_squeeze %dma_start3A_35 : memref<1x40x128xf32, #tpu.memory_space<vmem>> -> memref<40x128xf32, #tpu.memory_space<vmem>>
    %dma_start3A_37 = arith.constant 40 : i32
    %dma_start3A_38 = tpu.memref_slice %arg9[%dma_start3A_37] : memref<5000xi32, #tpu.memory_space<vmem>> -> memref<40xi32, #tpu.memory_space<vmem>>
    %dma_start3A_39 = arith.constant 0 : i32
    %dma_start3A_40 = arith.constant 0 : i32
    %dma_start3A_41 = tpu.memref_slice %arg5[%dma_start3A_39, %dma_start3A_40] : memref<10000x128xf32, #tpu.memory_space<hbm>> -> memref<10000x128xf32, #tpu.memory_space<hbm>>
    tpu.enqueue_indirect_dma source(%dma_start3A_41 : memref<10000x128xf32, #tpu.memory_space<hbm>>) target(%dma_start3A_36 : memref<40x128xf32, #tpu.memory_space<vmem>>) offsets(%dma_start3A_38 : memref<40xi32, #tpu.memory_space<vmem>>) semaphore(%arg18 : memref<!tpu.dma_semaphore, #tpu.memory_space<semaphore_mem>>)
    %scan3A = arith.constant 0 : i32
    %scan3A_42 = arith.constant 0 : i32
    %scan3A_43 = arith.constant 25 : i32
    %scan3A_44 = arith.addi %scan3A_42, %scan3A_43 : i32
    %scan3A_45 = arith.constant 1 : i32
    scf.for %scan3A_130 = %scan3A_42 to %scan3A_44 step %scan3A_45  : i32 {
      %mul3A_131 = arith.constant 5 : i32
      %mul3A_132 = arith.muli %scan3A_130, %mul3A_131 : i32
      %add3A_133 = arith.constant 0 : i32
      %add3A_134 = arith.addi %mul3A_132, %add3A_133 : i32
      %ge3A = arith.constant 3 : i32
      %ge3A_135 = arith.cmpi sge, %add3A_134, %ge3A : i32
      %convert_element_type3A = arith.extui %ge3A_135 : i1 to i32
      %cond3A = arith.constant 0 : i32
      %cond3A_136 = arith.cmpi ne, %convert_element_type3A, %cond3A : i32
      scf.if %cond3A_136 {
        %mul3A_452 = arith.constant 40 : i32
        %mul3A_453 = arith.muli %add3A_134, %mul3A_452 : i32
        %add3A_454 = arith.addi %mul3A_2, %mul3A_453 : i32
        %dma_wait3A_455 = arith.constant 2 : i32
        %dma_wait3A_456 = arith.constant 0 : i32
        %dma_wait3A_457 = arith.constant 0 : i32
        %dma_wait3A_458 = tpu.memref_slice %arg10[%dma_wait3A_455, %dma_wait3A_456, %dma_wait3A_457] : memref<5x40x128xf32, #tpu.memory_space<vmem>> -> memref<1x40x128xf32, #tpu.memory_space<vmem>>
        %dma_wait3A_459 = tpu.memref_squeeze %dma_wait3A_458 : memref<1x40x128xf32, #tpu.memory_space<vmem>> -> memref<40x128xf32, #tpu.memory_space<vmem>>
        %dma_wait3A_460 = arith.constant 0 : i32
        %dma_wait3A_461 = tpu.memref_slice %arg6[%add3A_454, %dma_wait3A_460] : memref<160000x128xf32, #tpu.memory_space<hbm>> -> memref<40x128xf32, #tpu.memory_space<hbm>>
        %dma_wait3A_462 = arith.constant 0 : i32
        %dma_wait3A_463 = tpu.memref_slice %arg6[%add3A_454, %dma_wait3A_462] : memref<160000x128xf32, #tpu.memory_space<hbm>> -> memref<40x128xf32, #tpu.memory_space<hbm>>
        %dma_wait3A_464 = arith.constant 0 : i32
        %dma_wait3A_465 = arith.constant 0 : i32
        %dma_wait3A_466 = tpu.memref_slice %arg10[%dma_wait3A_455, %dma_wait3A_464, %dma_wait3A_465] : memref<5x40x128xf32, #tpu.memory_space<vmem>> -> memref<1x40x128xf32, #tpu.memory_space<vmem>>
        %dma_wait3A_467 = tpu.memref_squeeze %dma_wait3A_466 : memref<1x40x128xf32, #tpu.memory_space<vmem>> -> memref<40x128xf32, #tpu.memory_space<vmem>>
        tpu.wait_dma2 semaphore(%arg24 : memref<!tpu.dma_semaphore, #tpu.memory_space<semaphore_mem>>) src(%dma_wait3A_467 : memref<40x128xf32, #tpu.memory_space<vmem>>) dst(%dma_wait3A_463 : memref<40x128xf32, #tpu.memory_space<hbm>>)
        %dma_wait3A_468 = arith.constant 2 : i32
        %dma_wait3A_469 = arith.constant 0 : i32
        %dma_wait3A_470 = arith.constant 0 : i32
        %dma_wait3A_471 = tpu.memref_slice %arg11[%dma_wait3A_468, %dma_wait3A_469, %dma_wait3A_470] : memref<5x40x128xf32, #tpu.memory_space<vmem>> -> memref<1x40x128xf32, #tpu.memory_space<vmem>>
        %dma_wait3A_472 = tpu.memref_squeeze %dma_wait3A_471 : memref<1x40x128xf32, #tpu.memory_space<vmem>> -> memref<40x128xf32, #tpu.memory_space<vmem>>
        %dma_wait3A_473 = arith.constant 0 : i32
        %dma_wait3A_474 = tpu.memref_slice %arg7[%add3A_454, %dma_wait3A_473] : memref<160000x128xf32, #tpu.memory_space<hbm>> -> memref<40x128xf32, #tpu.memory_space<hbm>>
        %dma_wait3A_475 = arith.constant 0 : i32
        %dma_wait3A_476 = tpu.memref_slice %arg7[%add3A_454, %dma_wait3A_475] : memref<160000x128xf32, #tpu.memory_space<hbm>> -> memref<40x128xf32, #tpu.memory_space<hbm>>
        %dma_wait3A_477 = arith.constant 0 : i32
        %dma_wait3A_478 = arith.constant 0 : i32
        %dma_wait3A_479 = tpu.memref_slice %arg11[%dma_wait3A_468, %dma_wait3A_477, %dma_wait3A_478] : memref<5x40x128xf32, #tpu.memory_space<vmem>> -> memref<1x40x128xf32, #tpu.memory_space<vmem>>
        %dma_wait3A_480 = tpu.memref_squeeze %dma_wait3A_479 : memref<1x40x128xf32, #tpu.memory_space<vmem>> -> memref<40x128xf32, #tpu.memory_space<vmem>>
        tpu.wait_dma2 semaphore(%arg29 : memref<!tpu.dma_semaphore, #tpu.memory_space<semaphore_mem>>) src(%dma_wait3A_480 : memref<40x128xf32, #tpu.memory_space<vmem>>) dst(%dma_wait3A_476 : memref<40x128xf32, #tpu.memory_space<hbm>>)
      } else {
      }
      %add3A_137 = arith.constant 2 : i32
      %add3A_138 = arith.addi %add3A_134, %add3A_137 : i32
      %lt3A = arith.constant 125 : i32
      %lt3A_139 = arith.cmpi slt, %add3A_138, %lt3A : i32
      %convert_element_type3A_140 = arith.extui %lt3A_139 : i1 to i32
      %cond3A_141 = arith.constant 0 : i32
      %cond3A_142 = arith.cmpi ne, %convert_element_type3A_140, %cond3A_141 : i32
      scf.if %cond3A_142 {
        %add3A_452 = arith.constant 2 : i32
        %add3A_453 = arith.addi %add3A_134, %add3A_452 : i32
        %mul3A_454 = arith.constant 40 : i32
        %mul3A_455 = arith.muli %add3A_453, %mul3A_454 : i32
        %dma_start3A_456 = arith.constant 2 : i32
        %dma_start3A_457 = arith.constant 0 : i32
        %dma_start3A_458 = arith.constant 0 : i32
        %dma_start3A_459 = tpu.memref_slice %arg10[%dma_start3A_456, %dma_start3A_457, %dma_start3A_458] : memref<5x40x128xf32, #tpu.memory_space<vmem>> -> memref<1x40x128xf32, #tpu.memory_space<vmem>>
        %dma_start3A_460 = tpu.memref_squeeze %dma_start3A_459 : memref<1x40x128xf32, #tpu.memory_space<vmem>> -> memref<40x128xf32, #tpu.memory_space<vmem>>
        %dma_start3A_461 = tpu.memref_slice %arg8[%mul3A_455] : memref<5000xi32, #tpu.memory_space<vmem>> -> memref<40xi32, #tpu.memory_space<vmem>>
        %dma_start3A_462 = arith.constant 0 : i32
        %dma_start3A_463 = arith.constant 0 : i32
        %dma_start3A_464 = tpu.memref_slice %arg4[%dma_start3A_462, %dma_start3A_463] : memref<10000x128xf32, #tpu.memory_space<hbm>> -> memref<10000x128xf32, #tpu.memory_space<hbm>>
        tpu.enqueue_indirect_dma source(%dma_start3A_464 : memref<10000x128xf32, #tpu.memory_space<hbm>>) target(%dma_start3A_460 : memref<40x128xf32, #tpu.memory_space<vmem>>) offsets(%dma_start3A_461 : memref<40xi32, #tpu.memory_space<vmem>>) semaphore(%arg14 : memref<!tpu.dma_semaphore, #tpu.memory_space<semaphore_mem>>)
        %dma_start3A_465 = arith.constant 2 : i32
        %dma_start3A_466 = arith.constant 0 : i32
        %dma_start3A_467 = arith.constant 0 : i32
        %dma_start3A_468 = tpu.memref_slice %arg11[%dma_start3A_465, %dma_start3A_466, %dma_start3A_467] : memref<5x40x128xf32, #tpu.memory_space<vmem>> -> memref<1x40x128xf32, #tpu.memory_space<vmem>>
        %dma_start3A_469 = tpu.memref_squeeze %dma_start3A_468 : memref<1x40x128xf32, #tpu.memory_space<vmem>> -> memref<40x128xf32, #tpu.memory_space<vmem>>
        %dma_start3A_470 = tpu.memref_slice %arg9[%mul3A_455] : memref<5000xi32, #tpu.memory_space<vmem>> -> memref<40xi32, #tpu.memory_space<vmem>>
        %dma_start3A_471 = arith.constant 0 : i32
        %dma_start3A_472 = arith.constant 0 : i32
        %dma_start3A_473 = tpu.memref_slice %arg5[%dma_start3A_471, %dma_start3A_472] : memref<10000x128xf32, #tpu.memory_space<hbm>> -> memref<10000x128xf32, #tpu.memory_space<hbm>>
        tpu.enqueue_indirect_dma source(%dma_start3A_473 : memref<10000x128xf32, #tpu.memory_space<hbm>>) target(%dma_start3A_469 : memref<40x128xf32, #tpu.memory_space<vmem>>) offsets(%dma_start3A_470 : memref<40xi32, #tpu.memory_space<vmem>>) semaphore(%arg19 : memref<!tpu.dma_semaphore, #tpu.memory_space<semaphore_mem>>)
      } else {
      }
      %mul3A_143 = arith.constant 40 : i32
      %mul3A_144 = arith.muli %add3A_134, %mul3A_143 : i32
      %dma_wait3A_145 = arith.constant 0 : i32
      %dma_wait3A_146 = arith.constant 0 : i32
      %dma_wait3A_147 = arith.constant 0 : i32
      %dma_wait3A_148 = tpu.memref_slice %arg10[%dma_wait3A_145, %dma_wait3A_146, %dma_wait3A_147] : memref<5x40x128xf32, #tpu.memory_space<vmem>> -> memref<1x40x128xf32, #tpu.memory_space<vmem>>
      %dma_wait3A_149 = tpu.memref_squeeze %dma_wait3A_148 : memref<1x40x128xf32, #tpu.memory_space<vmem>> -> memref<40x128xf32, #tpu.memory_space<vmem>>
      %dma_wait3A_150 = tpu.memref_slice %arg8[%mul3A_144] : memref<5000xi32, #tpu.memory_space<vmem>> -> memref<40xi32, #tpu.memory_space<vmem>>
      %dma_wait3A_151 = arith.constant 0 : i32
      %dma_wait3A_152 = arith.constant 0 : i32
      %dma_wait3A_153 = tpu.memref_slice %arg4[%dma_wait3A_151, %dma_wait3A_152] : memref<10000x128xf32, #tpu.memory_space<hbm>> -> memref<10000x128xf32, #tpu.memory_space<hbm>>
      tpu.wait_indirect_dma semaphore(%arg12 : memref<!tpu.dma_semaphore, #tpu.memory_space<semaphore_mem>>) src(%dma_wait3A_153 : memref<10000x128xf32, #tpu.memory_space<hbm>>) dst(%dma_wait3A_149 : memref<40x128xf32, #tpu.memory_space<vmem>>)
      %dma_wait3A_154 = arith.constant 0 : i32
      %dma_wait3A_155 = arith.constant 0 : i32
      %dma_wait3A_156 = arith.constant 0 : i32
      %dma_wait3A_157 = tpu.memref_slice %arg11[%dma_wait3A_154, %dma_wait3A_155, %dma_wait3A_156] : memref<5x40x128xf32, #tpu.memory_space<vmem>> -> memref<1x40x128xf32, #tpu.memory_space<vmem>>
      %dma_wait3A_158 = tpu.memref_squeeze %dma_wait3A_157 : memref<1x40x128xf32, #tpu.memory_space<vmem>> -> memref<40x128xf32, #tpu.memory_space<vmem>>
      %dma_wait3A_159 = tpu.memref_slice %arg9[%mul3A_144] : memref<5000xi32, #tpu.memory_space<vmem>> -> memref<40xi32, #tpu.memory_space<vmem>>
      %dma_wait3A_160 = arith.constant 0 : i32
      %dma_wait3A_161 = arith.constant 0 : i32
      %dma_wait3A_162 = tpu.memref_slice %arg5[%dma_wait3A_160, %dma_wait3A_161] : memref<10000x128xf32, #tpu.memory_space<hbm>> -> memref<10000x128xf32, #tpu.memory_space<hbm>>
      tpu.wait_indirect_dma semaphore(%arg17 : memref<!tpu.dma_semaphore, #tpu.memory_space<semaphore_mem>>) src(%dma_wait3A_162 : memref<10000x128xf32, #tpu.memory_space<hbm>>) dst(%dma_wait3A_158 : memref<40x128xf32, #tpu.memory_space<vmem>>)
      %mul3A_163 = arith.constant 40 : i32
      %mul3A_164 = arith.muli %add3A_134, %mul3A_163 : i32
      %add3A_165 = arith.addi %mul3A_2, %mul3A_164 : i32
      %dma_start3A_166 = arith.constant 0 : i32
      %dma_start3A_167 = arith.constant 0 : i32
      %dma_start3A_168 = arith.constant 0 : i32
      %dma_start3A_169 = tpu.memref_slice %arg10[%dma_start3A_166, %dma_start3A_167, %dma_start3A_168] : memref<5x40x128xf32, #tpu.memory_space<vmem>> -> memref<1x40x128xf32, #tpu.memory_space<vmem>>
      %dma_start3A_170 = tpu.memref_squeeze %dma_start3A_169 : memref<1x40x128xf32, #tpu.memory_space<vmem>> -> memref<40x128xf32, #tpu.memory_space<vmem>>
      %dma_start3A_171 = arith.constant 0 : i32
      %dma_start3A_172 = tpu.memref_slice %arg6[%add3A_165, %dma_start3A_171] : memref<160000x128xf32, #tpu.memory_space<hbm>> -> memref<40x128xf32, #tpu.memory_space<hbm>>
      %dma_start3A_173 = arith.constant 0 : i32
      %dma_start3A_174 = tpu.memref_slice %arg6[%add3A_165, %dma_start3A_173] : memref<160000x128xf32, #tpu.memory_space<hbm>> -> memref<40x128xf32, #tpu.memory_space<hbm>>
      %dma_start3A_175 = arith.constant 0 : i32
      %dma_start3A_176 = arith.constant 0 : i32
      %dma_start3A_177 = tpu.memref_slice %arg10[%dma_start3A_166, %dma_start3A_175, %dma_start3A_176] : memref<5x40x128xf32, #tpu.memory_space<vmem>> -> memref<1x40x128xf32, #tpu.memory_space<vmem>>
      %dma_start3A_178 = tpu.memref_squeeze %dma_start3A_177 : memref<1x40x128xf32, #tpu.memory_space<vmem>> -> memref<40x128xf32, #tpu.memory_space<vmem>>
      tpu.enqueue_dma source(%dma_start3A_178 : memref<40x128xf32, #tpu.memory_space<vmem>>) target(%dma_start3A_174 : memref<40x128xf32, #tpu.memory_space<hbm>>) target_semaphore(%arg22 : memref<!tpu.dma_semaphore, #tpu.memory_space<semaphore_mem>>)
      %dma_start3A_179 = arith.constant 0 : i32
      %dma_start3A_180 = arith.constant 0 : i32
      %dma_start3A_181 = arith.constant 0 : i32
      %dma_start3A_182 = tpu.memref_slice %arg11[%dma_start3A_179, %dma_start3A_180, %dma_start3A_181] : memref<5x40x128xf32, #tpu.memory_space<vmem>> -> memref<1x40x128xf32, #tpu.memory_space<vmem>>
      %dma_start3A_183 = tpu.memref_squeeze %dma_start3A_182 : memref<1x40x128xf32, #tpu.memory_space<vmem>> -> memref<40x128xf32, #tpu.memory_space<vmem>>
      %dma_start3A_184 = arith.constant 0 : i32
      %dma_start3A_185 = tpu.memref_slice %arg7[%add3A_165, %dma_start3A_184] : memref<160000x128xf32, #tpu.memory_space<hbm>> -> memref<40x128xf32, #tpu.memory_space<hbm>>
      %dma_start3A_186 = arith.constant 0 : i32
      %dma_start3A_187 = tpu.memref_slice %arg7[%add3A_165, %dma_start3A_186] : memref<160000x128xf32, #tpu.memory_space<hbm>> -> memref<40x128xf32, #tpu.memory_space<hbm>>
      %dma_start3A_188 = arith.constant 0 : i32
      %dma_start3A_189 = arith.constant 0 : i32
      %dma_start3A_190 = tpu.memref_slice %arg11[%dma_start3A_179, %dma_start3A_188, %dma_start3A_189] : memref<5x40x128xf32, #tpu.memory_space<vmem>> -> memref<1x40x128xf32, #tpu.memory_space<vmem>>
      %dma_start3A_191 = tpu.memref_squeeze %dma_start3A_190 : memref<1x40x128xf32, #tpu.memory_space<vmem>> -> memref<40x128xf32, #tpu.memory_space<vmem>>
      tpu.enqueue_dma source(%dma_start3A_191 : memref<40x128xf32, #tpu.memory_space<vmem>>) target(%dma_start3A_187 : memref<40x128xf32, #tpu.memory_space<hbm>>) target_semaphore(%arg27 : memref<!tpu.dma_semaphore, #tpu.memory_space<semaphore_mem>>)
      %mul3A_192 = arith.constant 5 : i32
      %mul3A_193 = arith.muli %scan3A_130, %mul3A_192 : i32
      %add3A_194 = arith.constant 1 : i32
      %add3A_195 = arith.addi %mul3A_193, %add3A_194 : i32
      %ge3A_196 = arith.constant 3 : i32
      %ge3A_197 = arith.cmpi sge, %add3A_195, %ge3A_196 : i32
      %convert_element_type3A_198 = arith.extui %ge3A_197 : i1 to i32
      %cond3A_199 = arith.constant 0 : i32
      %cond3A_200 = arith.cmpi ne, %convert_element_type3A_198, %cond3A_199 : i32
      scf.if %cond3A_200 {
        %mul3A_452 = arith.constant 40 : i32
        %mul3A_453 = arith.muli %add3A_195, %mul3A_452 : i32
        %add3A_454 = arith.addi %mul3A_2, %mul3A_453 : i32
        %dma_wait3A_455 = arith.constant 3 : i32
        %dma_wait3A_456 = arith.constant 0 : i32
        %dma_wait3A_457 = arith.constant 0 : i32
        %dma_wait3A_458 = tpu.memref_slice %arg10[%dma_wait3A_455, %dma_wait3A_456, %dma_wait3A_457] : memref<5x40x128xf32, #tpu.memory_space<vmem>> -> memref<1x40x128xf32, #tpu.memory_space<vmem>>
        %dma_wait3A_459 = tpu.memref_squeeze %dma_wait3A_458 : memref<1x40x128xf32, #tpu.memory_space<vmem>> -> memref<40x128xf32, #tpu.memory_space<vmem>>
        %dma_wait3A_460 = arith.constant 0 : i32
        %dma_wait3A_461 = tpu.memref_slice %arg6[%add3A_454, %dma_wait3A_460] : memref<160000x128xf32, #tpu.memory_space<hbm>> -> memref<40x128xf32, #tpu.memory_space<hbm>>
        %dma_wait3A_462 = arith.constant 0 : i32
        %dma_wait3A_463 = tpu.memref_slice %arg6[%add3A_454, %dma_wait3A_462] : memref<160000x128xf32, #tpu.memory_space<hbm>> -> memref<40x128xf32, #tpu.memory_space<hbm>>
        %dma_wait3A_464 = arith.constant 0 : i32
        %dma_wait3A_465 = arith.constant 0 : i32
        %dma_wait3A_466 = tpu.memref_slice %arg10[%dma_wait3A_455, %dma_wait3A_464, %dma_wait3A_465] : memref<5x40x128xf32, #tpu.memory_space<vmem>> -> memref<1x40x128xf32, #tpu.memory_space<vmem>>
        %dma_wait3A_467 = tpu.memref_squeeze %dma_wait3A_466 : memref<1x40x128xf32, #tpu.memory_space<vmem>> -> memref<40x128xf32, #tpu.memory_space<vmem>>
        tpu.wait_dma2 semaphore(%arg25 : memref<!tpu.dma_semaphore, #tpu.memory_space<semaphore_mem>>) src(%dma_wait3A_467 : memref<40x128xf32, #tpu.memory_space<vmem>>) dst(%dma_wait3A_463 : memref<40x128xf32, #tpu.memory_space<hbm>>)
        %dma_wait3A_468 = arith.constant 3 : i32
        %dma_wait3A_469 = arith.constant 0 : i32
        %dma_wait3A_470 = arith.constant 0 : i32
        %dma_wait3A_471 = tpu.memref_slice %arg11[%dma_wait3A_468, %dma_wait3A_469, %dma_wait3A_470] : memref<5x40x128xf32, #tpu.memory_space<vmem>> -> memref<1x40x128xf32, #tpu.memory_space<vmem>>
        %dma_wait3A_472 = tpu.memref_squeeze %dma_wait3A_471 : memref<1x40x128xf32, #tpu.memory_space<vmem>> -> memref<40x128xf32, #tpu.memory_space<vmem>>
        %dma_wait3A_473 = arith.constant 0 : i32
        %dma_wait3A_474 = tpu.memref_slice %arg7[%add3A_454, %dma_wait3A_473] : memref<160000x128xf32, #tpu.memory_space<hbm>> -> memref<40x128xf32, #tpu.memory_space<hbm>>
        %dma_wait3A_475 = arith.constant 0 : i32
        %dma_wait3A_476 = tpu.memref_slice %arg7[%add3A_454, %dma_wait3A_475] : memref<160000x128xf32, #tpu.memory_space<hbm>> -> memref<40x128xf32, #tpu.memory_space<hbm>>
        %dma_wait3A_477 = arith.constant 0 : i32
        %dma_wait3A_478 = arith.constant 0 : i32
        %dma_wait3A_479 = tpu.memref_slice %arg11[%dma_wait3A_468, %dma_wait3A_477, %dma_wait3A_478] : memref<5x40x128xf32, #tpu.memory_space<vmem>> -> memref<1x40x128xf32, #tpu.memory_space<vmem>>
        %dma_wait3A_480 = tpu.memref_squeeze %dma_wait3A_479 : memref<1x40x128xf32, #tpu.memory_space<vmem>> -> memref<40x128xf32, #tpu.memory_space<vmem>>
        tpu.wait_dma2 semaphore(%arg30 : memref<!tpu.dma_semaphore, #tpu.memory_space<semaphore_mem>>) src(%dma_wait3A_480 : memref<40x128xf32, #tpu.memory_space<vmem>>) dst(%dma_wait3A_476 : memref<40x128xf32, #tpu.memory_space<hbm>>)
      } else {
      }
      %add3A_201 = arith.constant 2 : i32
      %add3A_202 = arith.addi %add3A_195, %add3A_201 : i32
      %lt3A_203 = arith.constant 125 : i32
      %lt3A_204 = arith.cmpi slt, %add3A_202, %lt3A_203 : i32
      %convert_element_type3A_205 = arith.extui %lt3A_204 : i1 to i32
      %cond3A_206 = arith.constant 0 : i32
      %cond3A_207 = arith.cmpi ne, %convert_element_type3A_205, %cond3A_206 : i32
      scf.if %cond3A_207 {
        %add3A_452 = arith.constant 2 : i32
        %add3A_453 = arith.addi %add3A_195, %add3A_452 : i32
        %mul3A_454 = arith.constant 40 : i32
        %mul3A_455 = arith.muli %add3A_453, %mul3A_454 : i32
        %dma_start3A_456 = arith.constant 3 : i32
        %dma_start3A_457 = arith.constant 0 : i32
        %dma_start3A_458 = arith.constant 0 : i32
        %dma_start3A_459 = tpu.memref_slice %arg10[%dma_start3A_456, %dma_start3A_457, %dma_start3A_458] : memref<5x40x128xf32, #tpu.memory_space<vmem>> -> memref<1x40x128xf32, #tpu.memory_space<vmem>>
        %dma_start3A_460 = tpu.memref_squeeze %dma_start3A_459 : memref<1x40x128xf32, #tpu.memory_space<vmem>> -> memref<40x128xf32, #tpu.memory_space<vmem>>
        %dma_start3A_461 = tpu.memref_slice %arg8[%mul3A_455] : memref<5000xi32, #tpu.memory_space<vmem>> -> memref<40xi32, #tpu.memory_space<vmem>>
        %dma_start3A_462 = arith.constant 0 : i32
        %dma_start3A_463 = arith.constant 0 : i32
        %dma_start3A_464 = tpu.memref_slice %arg4[%dma_start3A_462, %dma_start3A_463] : memref<10000x128xf32, #tpu.memory_space<hbm>> -> memref<10000x128xf32, #tpu.memory_space<hbm>>
        tpu.enqueue_indirect_dma source(%dma_start3A_464 : memref<10000x128xf32, #tpu.memory_space<hbm>>) target(%dma_start3A_460 : memref<40x128xf32, #tpu.memory_space<vmem>>) offsets(%dma_start3A_461 : memref<40xi32, #tpu.memory_space<vmem>>) semaphore(%arg15 : memref<!tpu.dma_semaphore, #tpu.memory_space<semaphore_mem>>)
        %dma_start3A_465 = arith.constant 3 : i32
        %dma_start3A_466 = arith.constant 0 : i32
        %dma_start3A_467 = arith.constant 0 : i32
        %dma_start3A_468 = tpu.memref_slice %arg11[%dma_start3A_465, %dma_start3A_466, %dma_start3A_467] : memref<5x40x128xf32, #tpu.memory_space<vmem>> -> memref<1x40x128xf32, #tpu.memory_space<vmem>>
        %dma_start3A_469 = tpu.memref_squeeze %dma_start3A_468 : memref<1x40x128xf32, #tpu.memory_space<vmem>> -> memref<40x128xf32, #tpu.memory_space<vmem>>
        %dma_start3A_470 = tpu.memref_slice %arg9[%mul3A_455] : memref<5000xi32, #tpu.memory_space<vmem>> -> memref<40xi32, #tpu.memory_space<vmem>>
        %dma_start3A_471 = arith.constant 0 : i32
        %dma_start3A_472 = arith.constant 0 : i32
        %dma_start3A_473 = tpu.memref_slice %arg5[%dma_start3A_471, %dma_start3A_472] : memref<10000x128xf32, #tpu.memory_space<hbm>> -> memref<10000x128xf32, #tpu.memory_space<hbm>>
        tpu.enqueue_indirect_dma source(%dma_start3A_473 : memref<10000x128xf32, #tpu.memory_space<hbm>>) target(%dma_start3A_469 : memref<40x128xf32, #tpu.memory_space<vmem>>) offsets(%dma_start3A_470 : memref<40xi32, #tpu.memory_space<vmem>>) semaphore(%arg20 : memref<!tpu.dma_semaphore, #tpu.memory_space<semaphore_mem>>)
      } else {
      }
      %mul3A_208 = arith.constant 40 : i32
      %mul3A_209 = arith.muli %add3A_195, %mul3A_208 : i32
      %dma_wait3A_210 = arith.constant 1 : i32
      %dma_wait3A_211 = arith.constant 0 : i32
      %dma_wait3A_212 = arith.constant 0 : i32
      %dma_wait3A_213 = tpu.memref_slice %arg10[%dma_wait3A_210, %dma_wait3A_211, %dma_wait3A_212] : memref<5x40x128xf32, #tpu.memory_space<vmem>> -> memref<1x40x128xf32, #tpu.memory_space<vmem>>
      %dma_wait3A_214 = tpu.memref_squeeze %dma_wait3A_213 : memref<1x40x128xf32, #tpu.memory_space<vmem>> -> memref<40x128xf32, #tpu.memory_space<vmem>>
      %dma_wait3A_215 = tpu.memref_slice %arg8[%mul3A_209] : memref<5000xi32, #tpu.memory_space<vmem>> -> memref<40xi32, #tpu.memory_space<vmem>>
      %dma_wait3A_216 = arith.constant 0 : i32
      %dma_wait3A_217 = arith.constant 0 : i32
      %dma_wait3A_218 = tpu.memref_slice %arg4[%dma_wait3A_216, %dma_wait3A_217] : memref<10000x128xf32, #tpu.memory_space<hbm>> -> memref<10000x128xf32, #tpu.memory_space<hbm>>
      tpu.wait_indirect_dma semaphore(%arg13 : memref<!tpu.dma_semaphore, #tpu.memory_space<semaphore_mem>>) src(%dma_wait3A_218 : memref<10000x128xf32, #tpu.memory_space<hbm>>) dst(%dma_wait3A_214 : memref<40x128xf32, #tpu.memory_space<vmem>>)
      %dma_wait3A_219 = arith.constant 1 : i32
      %dma_wait3A_220 = arith.constant 0 : i32
      %dma_wait3A_221 = arith.constant 0 : i32
      %dma_wait3A_222 = tpu.memref_slice %arg11[%dma_wait3A_219, %dma_wait3A_220, %dma_wait3A_221] : memref<5x40x128xf32, #tpu.memory_space<vmem>> -> memref<1x40x128xf32, #tpu.memory_space<vmem>>
      %dma_wait3A_223 = tpu.memref_squeeze %dma_wait3A_222 : memref<1x40x128xf32, #tpu.memory_space<vmem>> -> memref<40x128xf32, #tpu.memory_space<vmem>>
      %dma_wait3A_224 = tpu.memref_slice %arg9[%mul3A_209] : memref<5000xi32, #tpu.memory_space<vmem>> -> memref<40xi32, #tpu.memory_space<vmem>>
      %dma_wait3A_225 = arith.constant 0 : i32
      %dma_wait3A_226 = arith.constant 0 : i32
      %dma_wait3A_227 = tpu.memref_slice %arg5[%dma_wait3A_225, %dma_wait3A_226] : memref<10000x128xf32, #tpu.memory_space<hbm>> -> memref<10000x128xf32, #tpu.memory_space<hbm>>
      tpu.wait_indirect_dma semaphore(%arg18 : memref<!tpu.dma_semaphore, #tpu.memory_space<semaphore_mem>>) src(%dma_wait3A_227 : memref<10000x128xf32, #tpu.memory_space<hbm>>) dst(%dma_wait3A_223 : memref<40x128xf32, #tpu.memory_space<vmem>>)
      %mul3A_228 = arith.constant 40 : i32
      %mul3A_229 = arith.muli %add3A_195, %mul3A_228 : i32
      %add3A_230 = arith.addi %mul3A_2, %mul3A_229 : i32
      %dma_start3A_231 = arith.constant 1 : i32
      %dma_start3A_232 = arith.constant 0 : i32
      %dma_start3A_233 = arith.constant 0 : i32
      %dma_start3A_234 = tpu.memref_slice %arg10[%dma_start3A_231, %dma_start3A_232, %dma_start3A_233] : memref<5x40x128xf32, #tpu.memory_space<vmem>> -> memref<1x40x128xf32, #tpu.memory_space<vmem>>
      %dma_start3A_235 = tpu.memref_squeeze %dma_start3A_234 : memref<1x40x128xf32, #tpu.memory_space<vmem>> -> memref<40x128xf32, #tpu.memory_space<vmem>>
      %dma_start3A_236 = arith.constant 0 : i32
      %dma_start3A_237 = tpu.memref_slice %arg6[%add3A_230, %dma_start3A_236] : memref<160000x128xf32, #tpu.memory_space<hbm>> -> memref<40x128xf32, #tpu.memory_space<hbm>>
      %dma_start3A_238 = arith.constant 0 : i32
      %dma_start3A_239 = tpu.memref_slice %arg6[%add3A_230, %dma_start3A_238] : memref<160000x128xf32, #tpu.memory_space<hbm>> -> memref<40x128xf32, #tpu.memory_space<hbm>>
      %dma_start3A_240 = arith.constant 0 : i32
      %dma_start3A_241 = arith.constant 0 : i32
      %dma_start3A_242 = tpu.memref_slice %arg10[%dma_start3A_231, %dma_start3A_240, %dma_start3A_241] : memref<5x40x128xf32, #tpu.memory_space<vmem>> -> memref<1x40x128xf32, #tpu.memory_space<vmem>>
      %dma_start3A_243 = tpu.memref_squeeze %dma_start3A_242 : memref<1x40x128xf32, #tpu.memory_space<vmem>> -> memref<40x128xf32, #tpu.memory_space<vmem>>
      tpu.enqueue_dma source(%dma_start3A_243 : memref<40x128xf32, #tpu.memory_space<vmem>>) target(%dma_start3A_239 : memref<40x128xf32, #tpu.memory_space<hbm>>) target_semaphore(%arg23 : memref<!tpu.dma_semaphore, #tpu.memory_space<semaphore_mem>>)
      %dma_start3A_244 = arith.constant 1 : i32
      %dma_start3A_245 = arith.constant 0 : i32
      %dma_start3A_246 = arith.constant 0 : i32
      %dma_start3A_247 = tpu.memref_slice %arg11[%dma_start3A_244, %dma_start3A_245, %dma_start3A_246] : memref<5x40x128xf32, #tpu.memory_space<vmem>> -> memref<1x40x128xf32, #tpu.memory_space<vmem>>
      %dma_start3A_248 = tpu.memref_squeeze %dma_start3A_247 : memref<1x40x128xf32, #tpu.memory_space<vmem>> -> memref<40x128xf32, #tpu.memory_space<vmem>>
      %dma_start3A_249 = arith.constant 0 : i32
      %dma_start3A_250 = tpu.memref_slice %arg7[%add3A_230, %dma_start3A_249] : memref<160000x128xf32, #tpu.memory_space<hbm>> -> memref<40x128xf32, #tpu.memory_space<hbm>>
      %dma_start3A_251 = arith.constant 0 : i32
      %dma_start3A_252 = tpu.memref_slice %arg7[%add3A_230, %dma_start3A_251] : memref<160000x128xf32, #tpu.memory_space<hbm>> -> memref<40x128xf32, #tpu.memory_space<hbm>>
      %dma_start3A_253 = arith.constant 0 : i32
      %dma_start3A_254 = arith.constant 0 : i32
      %dma_start3A_255 = tpu.memref_slice %arg11[%dma_start3A_244, %dma_start3A_253, %dma_start3A_254] : memref<5x40x128xf32, #tpu.memory_space<vmem>> -> memref<1x40x128xf32, #tpu.memory_space<vmem>>
      %dma_start3A_256 = tpu.memref_squeeze %dma_start3A_255 : memref<1x40x128xf32, #tpu.memory_space<vmem>> -> memref<40x128xf32, #tpu.memory_space<vmem>>
      tpu.enqueue_dma source(%dma_start3A_256 : memref<40x128xf32, #tpu.memory_space<vmem>>) target(%dma_start3A_252 : memref<40x128xf32, #tpu.memory_space<hbm>>) target_semaphore(%arg28 : memref<!tpu.dma_semaphore, #tpu.memory_space<semaphore_mem>>)
      %mul3A_257 = arith.constant 5 : i32
      %mul3A_258 = arith.muli %scan3A_130, %mul3A_257 : i32
      %add3A_259 = arith.constant 2 : i32
      %add3A_260 = arith.addi %mul3A_258, %add3A_259 : i32
      %ge3A_261 = arith.constant 3 : i32
      %ge3A_262 = arith.cmpi sge, %add3A_260, %ge3A_261 : i32
      %convert_element_type3A_263 = arith.extui %ge3A_262 : i1 to i32
      %cond3A_264 = arith.constant 0 : i32
      %cond3A_265 = arith.cmpi ne, %convert_element_type3A_263, %cond3A_264 : i32
      scf.if %cond3A_265 {
        %mul3A_452 = arith.constant 40 : i32
        %mul3A_453 = arith.muli %add3A_260, %mul3A_452 : i32
        %add3A_454 = arith.addi %mul3A_2, %mul3A_453 : i32
        %dma_wait3A_455 = arith.constant 4 : i32
        %dma_wait3A_456 = arith.constant 0 : i32
        %dma_wait3A_457 = arith.constant 0 : i32
        %dma_wait3A_458 = tpu.memref_slice %arg10[%dma_wait3A_455, %dma_wait3A_456, %dma_wait3A_457] : memref<5x40x128xf32, #tpu.memory_space<vmem>> -> memref<1x40x128xf32, #tpu.memory_space<vmem>>
        %dma_wait3A_459 = tpu.memref_squeeze %dma_wait3A_458 : memref<1x40x128xf32, #tpu.memory_space<vmem>> -> memref<40x128xf32, #tpu.memory_space<vmem>>
        %dma_wait3A_460 = arith.constant 0 : i32
        %dma_wait3A_461 = tpu.memref_slice %arg6[%add3A_454, %dma_wait3A_460] : memref<160000x128xf32, #tpu.memory_space<hbm>> -> memref<40x128xf32, #tpu.memory_space<hbm>>
        %dma_wait3A_462 = arith.constant 0 : i32
        %dma_wait3A_463 = tpu.memref_slice %arg6[%add3A_454, %dma_wait3A_462] : memref<160000x128xf32, #tpu.memory_space<hbm>> -> memref<40x128xf32, #tpu.memory_space<hbm>>
        %dma_wait3A_464 = arith.constant 0 : i32
        %dma_wait3A_465 = arith.constant 0 : i32
        %dma_wait3A_466 = tpu.memref_slice %arg10[%dma_wait3A_455, %dma_wait3A_464, %dma_wait3A_465] : memref<5x40x128xf32, #tpu.memory_space<vmem>> -> memref<1x40x128xf32, #tpu.memory_space<vmem>>
        %dma_wait3A_467 = tpu.memref_squeeze %dma_wait3A_466 : memref<1x40x128xf32, #tpu.memory_space<vmem>> -> memref<40x128xf32, #tpu.memory_space<vmem>>
        tpu.wait_dma2 semaphore(%arg26 : memref<!tpu.dma_semaphore, #tpu.memory_space<semaphore_mem>>) src(%dma_wait3A_467 : memref<40x128xf32, #tpu.memory_space<vmem>>) dst(%dma_wait3A_463 : memref<40x128xf32, #tpu.memory_space<hbm>>)
        %dma_wait3A_468 = arith.constant 4 : i32
        %dma_wait3A_469 = arith.constant 0 : i32
        %dma_wait3A_470 = arith.constant 0 : i32
        %dma_wait3A_471 = tpu.memref_slice %arg11[%dma_wait3A_468, %dma_wait3A_469, %dma_wait3A_470] : memref<5x40x128xf32, #tpu.memory_space<vmem>> -> memref<1x40x128xf32, #tpu.memory_space<vmem>>
        %dma_wait3A_472 = tpu.memref_squeeze %dma_wait3A_471 : memref<1x40x128xf32, #tpu.memory_space<vmem>> -> memref<40x128xf32, #tpu.memory_space<vmem>>
        %dma_wait3A_473 = arith.constant 0 : i32
        %dma_wait3A_474 = tpu.memref_slice %arg7[%add3A_454, %dma_wait3A_473] : memref<160000x128xf32, #tpu.memory_space<hbm>> -> memref<40x128xf32, #tpu.memory_space<hbm>>
        %dma_wait3A_475 = arith.constant 0 : i32
        %dma_wait3A_476 = tpu.memref_slice %arg7[%add3A_454, %dma_wait3A_475] : memref<160000x128xf32, #tpu.memory_space<hbm>> -> memref<40x128xf32, #tpu.memory_space<hbm>>
        %dma_wait3A_477 = arith.constant 0 : i32
        %dma_wait3A_478 = arith.constant 0 : i32
        %dma_wait3A_479 = tpu.memref_slice %arg11[%dma_wait3A_468, %dma_wait3A_477, %dma_wait3A_478] : memref<5x40x128xf32, #tpu.memory_space<vmem>> -> memref<1x40x128xf32, #tpu.memory_space<vmem>>
        %dma_wait3A_480 = tpu.memref_squeeze %dma_wait3A_479 : memref<1x40x128xf32, #tpu.memory_space<vmem>> -> memref<40x128xf32, #tpu.memory_space<vmem>>
        tpu.wait_dma2 semaphore(%arg31 : memref<!tpu.dma_semaphore, #tpu.memory_space<semaphore_mem>>) src(%dma_wait3A_480 : memref<40x128xf32, #tpu.memory_space<vmem>>) dst(%dma_wait3A_476 : memref<40x128xf32, #tpu.memory_space<hbm>>)
      } else {
      }
      %add3A_266 = arith.constant 2 : i32
      %add3A_267 = arith.addi %add3A_260, %add3A_266 : i32
      %lt3A_268 = arith.constant 125 : i32
      %lt3A_269 = arith.cmpi slt, %add3A_267, %lt3A_268 : i32
      %convert_element_type3A_270 = arith.extui %lt3A_269 : i1 to i32
      %cond3A_271 = arith.constant 0 : i32
      %cond3A_272 = arith.cmpi ne, %convert_element_type3A_270, %cond3A_271 : i32
      scf.if %cond3A_272 {
        %add3A_452 = arith.constant 2 : i32
        %add3A_453 = arith.addi %add3A_260, %add3A_452 : i32
        %mul3A_454 = arith.constant 40 : i32
        %mul3A_455 = arith.muli %add3A_453, %mul3A_454 : i32
        %dma_start3A_456 = arith.constant 4 : i32
        %dma_start3A_457 = arith.constant 0 : i32
        %dma_start3A_458 = arith.constant 0 : i32
        %dma_start3A_459 = tpu.memref_slice %arg10[%dma_start3A_456, %dma_start3A_457, %dma_start3A_458] : memref<5x40x128xf32, #tpu.memory_space<vmem>> -> memref<1x40x128xf32, #tpu.memory_space<vmem>>
        %dma_start3A_460 = tpu.memref_squeeze %dma_start3A_459 : memref<1x40x128xf32, #tpu.memory_space<vmem>> -> memref<40x128xf32, #tpu.memory_space<vmem>>
        %dma_start3A_461 = tpu.memref_slice %arg8[%mul3A_455] : memref<5000xi32, #tpu.memory_space<vmem>> -> memref<40xi32, #tpu.memory_space<vmem>>
        %dma_start3A_462 = arith.constant 0 : i32
        %dma_start3A_463 = arith.constant 0 : i32
        %dma_start3A_464 = tpu.memref_slice %arg4[%dma_start3A_462, %dma_start3A_463] : memref<10000x128xf32, #tpu.memory_space<hbm>> -> memref<10000x128xf32, #tpu.memory_space<hbm>>
        tpu.enqueue_indirect_dma source(%dma_start3A_464 : memref<10000x128xf32, #tpu.memory_space<hbm>>) target(%dma_start3A_460 : memref<40x128xf32, #tpu.memory_space<vmem>>) offsets(%dma_start3A_461 : memref<40xi32, #tpu.memory_space<vmem>>) semaphore(%arg16 : memref<!tpu.dma_semaphore, #tpu.memory_space<semaphore_mem>>)
        %dma_start3A_465 = arith.constant 4 : i32
        %dma_start3A_466 = arith.constant 0 : i32
        %dma_start3A_467 = arith.constant 0 : i32
        %dma_start3A_468 = tpu.memref_slice %arg11[%dma_start3A_465, %dma_start3A_466, %dma_start3A_467] : memref<5x40x128xf32, #tpu.memory_space<vmem>> -> memref<1x40x128xf32, #tpu.memory_space<vmem>>
        %dma_start3A_469 = tpu.memref_squeeze %dma_start3A_468 : memref<1x40x128xf32, #tpu.memory_space<vmem>> -> memref<40x128xf32, #tpu.memory_space<vmem>>
        %dma_start3A_470 = tpu.memref_slice %arg9[%mul3A_455] : memref<5000xi32, #tpu.memory_space<vmem>> -> memref<40xi32, #tpu.memory_space<vmem>>
        %dma_start3A_471 = arith.constant 0 : i32
        %dma_start3A_472 = arith.constant 0 : i32
        %dma_start3A_473 = tpu.memref_slice %arg5[%dma_start3A_471, %dma_start3A_472] : memref<10000x128xf32, #tpu.memory_space<hbm>> -> memref<10000x128xf32, #tpu.memory_space<hbm>>
        tpu.enqueue_indirect_dma source(%dma_start3A_473 : memref<10000x128xf32, #tpu.memory_space<hbm>>) target(%dma_start3A_469 : memref<40x128xf32, #tpu.memory_space<vmem>>) offsets(%dma_start3A_470 : memref<40xi32, #tpu.memory_space<vmem>>) semaphore(%arg21 : memref<!tpu.dma_semaphore, #tpu.memory_space<semaphore_mem>>)
      } else {
      }
      %mul3A_273 = arith.constant 40 : i32
      %mul3A_274 = arith.muli %add3A_260, %mul3A_273 : i32
      %dma_wait3A_275 = arith.constant 2 : i32
      %dma_wait3A_276 = arith.constant 0 : i32
      %dma_wait3A_277 = arith.constant 0 : i32
      %dma_wait3A_278 = tpu.memref_slice %arg10[%dma_wait3A_275, %dma_wait3A_276, %dma_wait3A_277] : memref<5x40x128xf32, #tpu.memory_space<vmem>> -> memref<1x40x128xf32, #tpu.memory_space<vmem>>
      %dma_wait3A_279 = tpu.memref_squeeze %dma_wait3A_278 : memref<1x40x128xf32, #tpu.memory_space<vmem>> -> memref<40x128xf32, #tpu.memory_space<vmem>>
      %dma_wait3A_280 = tpu.memref_slice %arg8[%mul3A_274] : memref<5000xi32, #tpu.memory_space<vmem>> -> memref<40xi32, #tpu.memory_space<vmem>>
      %dma_wait3A_281 = arith.constant 0 : i32
      %dma_wait3A_282 = arith.constant 0 : i32
      %dma_wait3A_283 = tpu.memref_slice %arg4[%dma_wait3A_281, %dma_wait3A_282] : memref<10000x128xf32, #tpu.memory_space<hbm>> -> memref<10000x128xf32, #tpu.memory_space<hbm>>
      tpu.wait_indirect_dma semaphore(%arg14 : memref<!tpu.dma_semaphore, #tpu.memory_space<semaphore_mem>>) src(%dma_wait3A_283 : memref<10000x128xf32, #tpu.memory_space<hbm>>) dst(%dma_wait3A_279 : memref<40x128xf32, #tpu.memory_space<vmem>>)
      %dma_wait3A_284 = arith.constant 2 : i32
      %dma_wait3A_285 = arith.constant 0 : i32
      %dma_wait3A_286 = arith.constant 0 : i32
      %dma_wait3A_287 = tpu.memref_slice %arg11[%dma_wait3A_284, %dma_wait3A_285, %dma_wait3A_286] : memref<5x40x128xf32, #tpu.memory_space<vmem>> -> memref<1x40x128xf32, #tpu.memory_space<vmem>>
      %dma_wait3A_288 = tpu.memref_squeeze %dma_wait3A_287 : memref<1x40x128xf32, #tpu.memory_space<vmem>> -> memref<40x128xf32, #tpu.memory_space<vmem>>
      %dma_wait3A_289 = tpu.memref_slice %arg9[%mul3A_274] : memref<5000xi32, #tpu.memory_space<vmem>> -> memref<40xi32, #tpu.memory_space<vmem>>
      %dma_wait3A_290 = arith.constant 0 : i32
      %dma_wait3A_291 = arith.constant 0 : i32
      %dma_wait3A_292 = tpu.memref_slice %arg5[%dma_wait3A_290, %dma_wait3A_291] : memref<10000x128xf32, #tpu.memory_space<hbm>> -> memref<10000x128xf32, #tpu.memory_space<hbm>>
      tpu.wait_indirect_dma semaphore(%arg19 : memref<!tpu.dma_semaphore, #tpu.memory_space<semaphore_mem>>) src(%dma_wait3A_292 : memref<10000x128xf32, #tpu.memory_space<hbm>>) dst(%dma_wait3A_288 : memref<40x128xf32, #tpu.memory_space<vmem>>)
      %mul3A_293 = arith.constant 40 : i32
      %mul3A_294 = arith.muli %add3A_260, %mul3A_293 : i32
      %add3A_295 = arith.addi %mul3A_2, %mul3A_294 : i32
      %dma_start3A_296 = arith.constant 2 : i32
      %dma_start3A_297 = arith.constant 0 : i32
      %dma_start3A_298 = arith.constant 0 : i32
      %dma_start3A_299 = tpu.memref_slice %arg10[%dma_start3A_296, %dma_start3A_297, %dma_start3A_298] : memref<5x40x128xf32, #tpu.memory_space<vmem>> -> memref<1x40x128xf32, #tpu.memory_space<vmem>>
      %dma_start3A_300 = tpu.memref_squeeze %dma_start3A_299 : memref<1x40x128xf32, #tpu.memory_space<vmem>> -> memref<40x128xf32, #tpu.memory_space<vmem>>
      %dma_start3A_301 = arith.constant 0 : i32
      %dma_start3A_302 = tpu.memref_slice %arg6[%add3A_295, %dma_start3A_301] : memref<160000x128xf32, #tpu.memory_space<hbm>> -> memref<40x128xf32, #tpu.memory_space<hbm>>
      %dma_start3A_303 = arith.constant 0 : i32
      %dma_start3A_304 = tpu.memref_slice %arg6[%add3A_295, %dma_start3A_303] : memref<160000x128xf32, #tpu.memory_space<hbm>> -> memref<40x128xf32, #tpu.memory_space<hbm>>
      %dma_start3A_305 = arith.constant 0 : i32
      %dma_start3A_306 = arith.constant 0 : i32
      %dma_start3A_307 = tpu.memref_slice %arg10[%dma_start3A_296, %dma_start3A_305, %dma_start3A_306] : memref<5x40x128xf32, #tpu.memory_space<vmem>> -> memref<1x40x128xf32, #tpu.memory_space<vmem>>
      %dma_start3A_308 = tpu.memref_squeeze %dma_start3A_307 : memref<1x40x128xf32, #tpu.memory_space<vmem>> -> memref<40x128xf32, #tpu.memory_space<vmem>>
      tpu.enqueue_dma source(%dma_start3A_308 : memref<40x128xf32, #tpu.memory_space<vmem>>) target(%dma_start3A_304 : memref<40x128xf32, #tpu.memory_space<hbm>>) target_semaphore(%arg24 : memref<!tpu.dma_semaphore, #tpu.memory_space<semaphore_mem>>)
      %dma_start3A_309 = arith.constant 2 : i32
      %dma_start3A_310 = arith.constant 0 : i32
      %dma_start3A_311 = arith.constant 0 : i32
      %dma_start3A_312 = tpu.memref_slice %arg11[%dma_start3A_309, %dma_start3A_310, %dma_start3A_311] : memref<5x40x128xf32, #tpu.memory_space<vmem>> -> memref<1x40x128xf32, #tpu.memory_space<vmem>>
      %dma_start3A_313 = tpu.memref_squeeze %dma_start3A_312 : memref<1x40x128xf32, #tpu.memory_space<vmem>> -> memref<40x128xf32, #tpu.memory_space<vmem>>
      %dma_start3A_314 = arith.constant 0 : i32
      %dma_start3A_315 = tpu.memref_slice %arg7[%add3A_295, %dma_start3A_314] : memref<160000x128xf32, #tpu.memory_space<hbm>> -> memref<40x128xf32, #tpu.memory_space<hbm>>
      %dma_start3A_316 = arith.constant 0 : i32
      %dma_start3A_317 = tpu.memref_slice %arg7[%add3A_295, %dma_start3A_316] : memref<160000x128xf32, #tpu.memory_space<hbm>> -> memref<40x128xf32, #tpu.memory_space<hbm>>
      %dma_start3A_318 = arith.constant 0 : i32
      %dma_start3A_319 = arith.constant 0 : i32
      %dma_start3A_320 = tpu.memref_slice %arg11[%dma_start3A_309, %dma_start3A_318, %dma_start3A_319] : memref<5x40x128xf32, #tpu.memory_space<vmem>> -> memref<1x40x128xf32, #tpu.memory_space<vmem>>
      %dma_start3A_321 = tpu.memref_squeeze %dma_start3A_320 : memref<1x40x128xf32, #tpu.memory_space<vmem>> -> memref<40x128xf32, #tpu.memory_space<vmem>>
      tpu.enqueue_dma source(%dma_start3A_321 : memref<40x128xf32, #tpu.memory_space<vmem>>) target(%dma_start3A_317 : memref<40x128xf32, #tpu.memory_space<hbm>>) target_semaphore(%arg29 : memref<!tpu.dma_semaphore, #tpu.memory_space<semaphore_mem>>)
      %mul3A_322 = arith.constant 5 : i32
      %mul3A_323 = arith.muli %scan3A_130, %mul3A_322 : i32
      %add3A_324 = arith.constant 3 : i32
      %add3A_325 = arith.addi %mul3A_323, %add3A_324 : i32
      %ge3A_326 = arith.constant 3 : i32
      %ge3A_327 = arith.cmpi sge, %add3A_325, %ge3A_326 : i32
      %convert_element_type3A_328 = arith.extui %ge3A_327 : i1 to i32
      %cond3A_329 = arith.constant 0 : i32
      %cond3A_330 = arith.cmpi ne, %convert_element_type3A_328, %cond3A_329 : i32
      scf.if %cond3A_330 {
        %mul3A_452 = arith.constant 40 : i32
        %mul3A_453 = arith.muli %add3A_325, %mul3A_452 : i32
        %add3A_454 = arith.addi %mul3A_2, %mul3A_453 : i32
        %dma_wait3A_455 = arith.constant 0 : i32
        %dma_wait3A_456 = arith.constant 0 : i32
        %dma_wait3A_457 = arith.constant 0 : i32
        %dma_wait3A_458 = tpu.memref_slice %arg10[%dma_wait3A_455, %dma_wait3A_456, %dma_wait3A_457] : memref<5x40x128xf32, #tpu.memory_space<vmem>> -> memref<1x40x128xf32, #tpu.memory_space<vmem>>
        %dma_wait3A_459 = tpu.memref_squeeze %dma_wait3A_458 : memref<1x40x128xf32, #tpu.memory_space<vmem>> -> memref<40x128xf32, #tpu.memory_space<vmem>>
        %dma_wait3A_460 = arith.constant 0 : i32
        %dma_wait3A_461 = tpu.memref_slice %arg6[%add3A_454, %dma_wait3A_460] : memref<160000x128xf32, #tpu.memory_space<hbm>> -> memref<40x128xf32, #tpu.memory_space<hbm>>
        %dma_wait3A_462 = arith.constant 0 : i32
        %dma_wait3A_463 = tpu.memref_slice %arg6[%add3A_454, %dma_wait3A_462] : memref<160000x128xf32, #tpu.memory_space<hbm>> -> memref<40x128xf32, #tpu.memory_space<hbm>>
        %dma_wait3A_464 = arith.constant 0 : i32
        %dma_wait3A_465 = arith.constant 0 : i32
        %dma_wait3A_466 = tpu.memref_slice %arg10[%dma_wait3A_455, %dma_wait3A_464, %dma_wait3A_465] : memref<5x40x128xf32, #tpu.memory_space<vmem>> -> memref<1x40x128xf32, #tpu.memory_space<vmem>>
        %dma_wait3A_467 = tpu.memref_squeeze %dma_wait3A_466 : memref<1x40x128xf32, #tpu.memory_space<vmem>> -> memref<40x128xf32, #tpu.memory_space<vmem>>
        tpu.wait_dma2 semaphore(%arg22 : memref<!tpu.dma_semaphore, #tpu.memory_space<semaphore_mem>>) src(%dma_wait3A_467 : memref<40x128xf32, #tpu.memory_space<vmem>>) dst(%dma_wait3A_463 : memref<40x128xf32, #tpu.memory_space<hbm>>)
        %dma_wait3A_468 = arith.constant 0 : i32
        %dma_wait3A_469 = arith.constant 0 : i32
        %dma_wait3A_470 = arith.constant 0 : i32
        %dma_wait3A_471 = tpu.memref_slice %arg11[%dma_wait3A_468, %dma_wait3A_469, %dma_wait3A_470] : memref<5x40x128xf32, #tpu.memory_space<vmem>> -> memref<1x40x128xf32, #tpu.memory_space<vmem>>
        %dma_wait3A_472 = tpu.memref_squeeze %dma_wait3A_471 : memref<1x40x128xf32, #tpu.memory_space<vmem>> -> memref<40x128xf32, #tpu.memory_space<vmem>>
        %dma_wait3A_473 = arith.constant 0 : i32
        %dma_wait3A_474 = tpu.memref_slice %arg7[%add3A_454, %dma_wait3A_473] : memref<160000x128xf32, #tpu.memory_space<hbm>> -> memref<40x128xf32, #tpu.memory_space<hbm>>
        %dma_wait3A_475 = arith.constant 0 : i32
        %dma_wait3A_476 = tpu.memref_slice %arg7[%add3A_454, %dma_wait3A_475] : memref<160000x128xf32, #tpu.memory_space<hbm>> -> memref<40x128xf32, #tpu.memory_space<hbm>>
        %dma_wait3A_477 = arith.constant 0 : i32
        %dma_wait3A_478 = arith.constant 0 : i32
        %dma_wait3A_479 = tpu.memref_slice %arg11[%dma_wait3A_468, %dma_wait3A_477, %dma_wait3A_478] : memref<5x40x128xf32, #tpu.memory_space<vmem>> -> memref<1x40x128xf32, #tpu.memory_space<vmem>>
        %dma_wait3A_480 = tpu.memref_squeeze %dma_wait3A_479 : memref<1x40x128xf32, #tpu.memory_space<vmem>> -> memref<40x128xf32, #tpu.memory_space<vmem>>
        tpu.wait_dma2 semaphore(%arg27 : memref<!tpu.dma_semaphore, #tpu.memory_space<semaphore_mem>>) src(%dma_wait3A_480 : memref<40x128xf32, #tpu.memory_space<vmem>>) dst(%dma_wait3A_476 : memref<40x128xf32, #tpu.memory_space<hbm>>)
      } else {
      }
      %add3A_331 = arith.constant 2 : i32
      %add3A_332 = arith.addi %add3A_325, %add3A_331 : i32
      %lt3A_333 = arith.constant 125 : i32
      %lt3A_334 = arith.cmpi slt, %add3A_332, %lt3A_333 : i32
      %convert_element_type3A_335 = arith.extui %lt3A_334 : i1 to i32
      %cond3A_336 = arith.constant 0 : i32
      %cond3A_337 = arith.cmpi ne, %convert_element_type3A_335, %cond3A_336 : i32
      scf.if %cond3A_337 {
        %add3A_452 = arith.constant 2 : i32
        %add3A_453 = arith.addi %add3A_325, %add3A_452 : i32
        %mul3A_454 = arith.constant 40 : i32
        %mul3A_455 = arith.muli %add3A_453, %mul3A_454 : i32
        %dma_start3A_456 = arith.constant 0 : i32
        %dma_start3A_457 = arith.constant 0 : i32
        %dma_start3A_458 = arith.constant 0 : i32
        %dma_start3A_459 = tpu.memref_slice %arg10[%dma_start3A_456, %dma_start3A_457, %dma_start3A_458] : memref<5x40x128xf32, #tpu.memory_space<vmem>> -> memref<1x40x128xf32, #tpu.memory_space<vmem>>
        %dma_start3A_460 = tpu.memref_squeeze %dma_start3A_459 : memref<1x40x128xf32, #tpu.memory_space<vmem>> -> memref<40x128xf32, #tpu.memory_space<vmem>>
        %dma_start3A_461 = tpu.memref_slice %arg8[%mul3A_455] : memref<5000xi32, #tpu.memory_space<vmem>> -> memref<40xi32, #tpu.memory_space<vmem>>
        %dma_start3A_462 = arith.constant 0 : i32
        %dma_start3A_463 = arith.constant 0 : i32
        %dma_start3A_464 = tpu.memref_slice %arg4[%dma_start3A_462, %dma_start3A_463] : memref<10000x128xf32, #tpu.memory_space<hbm>> -> memref<10000x128xf32, #tpu.memory_space<hbm>>
        tpu.enqueue_indirect_dma source(%dma_start3A_464 : memref<10000x128xf32, #tpu.memory_space<hbm>>) target(%dma_start3A_460 : memref<40x128xf32, #tpu.memory_space<vmem>>) offsets(%dma_start3A_461 : memref<40xi32, #tpu.memory_space<vmem>>) semaphore(%arg12 : memref<!tpu.dma_semaphore, #tpu.memory_space<semaphore_mem>>)
        %dma_start3A_465 = arith.constant 0 : i32
        %dma_start3A_466 = arith.constant 0 : i32
        %dma_start3A_467 = arith.constant 0 : i32
        %dma_start3A_468 = tpu.memref_slice %arg11[%dma_start3A_465, %dma_start3A_466, %dma_start3A_467] : memref<5x40x128xf32, #tpu.memory_space<vmem>> -> memref<1x40x128xf32, #tpu.memory_space<vmem>>
        %dma_start3A_469 = tpu.memref_squeeze %dma_start3A_468 : memref<1x40x128xf32, #tpu.memory_space<vmem>> -> memref<40x128xf32, #tpu.memory_space<vmem>>
        %dma_start3A_470 = tpu.memref_slice %arg9[%mul3A_455] : memref<5000xi32, #tpu.memory_space<vmem>> -> memref<40xi32, #tpu.memory_space<vmem>>
        %dma_start3A_471 = arith.constant 0 : i32
        %dma_start3A_472 = arith.constant 0 : i32
        %dma_start3A_473 = tpu.memref_slice %arg5[%dma_start3A_471, %dma_start3A_472] : memref<10000x128xf32, #tpu.memory_space<hbm>> -> memref<10000x128xf32, #tpu.memory_space<hbm>>
        tpu.enqueue_indirect_dma source(%dma_start3A_473 : memref<10000x128xf32, #tpu.memory_space<hbm>>) target(%dma_start3A_469 : memref<40x128xf32, #tpu.memory_space<vmem>>) offsets(%dma_start3A_470 : memref<40xi32, #tpu.memory_space<vmem>>) semaphore(%arg17 : memref<!tpu.dma_semaphore, #tpu.memory_space<semaphore_mem>>)
      } else {
      }
      %mul3A_338 = arith.constant 40 : i32
      %mul3A_339 = arith.muli %add3A_325, %mul3A_338 : i32
      %dma_wait3A_340 = arith.constant 3 : i32
      %dma_wait3A_341 = arith.constant 0 : i32
      %dma_wait3A_342 = arith.constant 0 : i32
      %dma_wait3A_343 = tpu.memref_slice %arg10[%dma_wait3A_340, %dma_wait3A_341, %dma_wait3A_342] : memref<5x40x128xf32, #tpu.memory_space<vmem>> -> memref<1x40x128xf32, #tpu.memory_space<vmem>>
      %dma_wait3A_344 = tpu.memref_squeeze %dma_wait3A_343 : memref<1x40x128xf32, #tpu.memory_space<vmem>> -> memref<40x128xf32, #tpu.memory_space<vmem>>
      %dma_wait3A_345 = tpu.memref_slice %arg8[%mul3A_339] : memref<5000xi32, #tpu.memory_space<vmem>> -> memref<40xi32, #tpu.memory_space<vmem>>
      %dma_wait3A_346 = arith.constant 0 : i32
      %dma_wait3A_347 = arith.constant 0 : i32
      %dma_wait3A_348 = tpu.memref_slice %arg4[%dma_wait3A_346, %dma_wait3A_347] : memref<10000x128xf32, #tpu.memory_space<hbm>> -> memref<10000x128xf32, #tpu.memory_space<hbm>>
      tpu.wait_indirect_dma semaphore(%arg15 : memref<!tpu.dma_semaphore, #tpu.memory_space<semaphore_mem>>) src(%dma_wait3A_348 : memref<10000x128xf32, #tpu.memory_space<hbm>>) dst(%dma_wait3A_344 : memref<40x128xf32, #tpu.memory_space<vmem>>)
      %dma_wait3A_349 = arith.constant 3 : i32
      %dma_wait3A_350 = arith.constant 0 : i32
      %dma_wait3A_351 = arith.constant 0 : i32
      %dma_wait3A_352 = tpu.memref_slice %arg11[%dma_wait3A_349, %dma_wait3A_350, %dma_wait3A_351] : memref<5x40x128xf32, #tpu.memory_space<vmem>> -> memref<1x40x128xf32, #tpu.memory_space<vmem>>
      %dma_wait3A_353 = tpu.memref_squeeze %dma_wait3A_352 : memref<1x40x128xf32, #tpu.memory_space<vmem>> -> memref<40x128xf32, #tpu.memory_space<vmem>>
      %dma_wait3A_354 = tpu.memref_slice %arg9[%mul3A_339] : memref<5000xi32, #tpu.memory_space<vmem>> -> memref<40xi32, #tpu.memory_space<vmem>>
      %dma_wait3A_355 = arith.constant 0 : i32
      %dma_wait3A_356 = arith.constant 0 : i32
      %dma_wait3A_357 = tpu.memref_slice %arg5[%dma_wait3A_355, %dma_wait3A_356] : memref<10000x128xf32, #tpu.memory_space<hbm>> -> memref<10000x128xf32, #tpu.memory_space<hbm>>
      tpu.wait_indirect_dma semaphore(%arg20 : memref<!tpu.dma_semaphore, #tpu.memory_space<semaphore_mem>>) src(%dma_wait3A_357 : memref<10000x128xf32, #tpu.memory_space<hbm>>) dst(%dma_wait3A_353 : memref<40x128xf32, #tpu.memory_space<vmem>>)
      %mul3A_358 = arith.constant 40 : i32
      %mul3A_359 = arith.muli %add3A_325, %mul3A_358 : i32
      %add3A_360 = arith.addi %mul3A_2, %mul3A_359 : i32
      %dma_start3A_361 = arith.constant 3 : i32
      %dma_start3A_362 = arith.constant 0 : i32
      %dma_start3A_363 = arith.constant 0 : i32
      %dma_start3A_364 = tpu.memref_slice %arg10[%dma_start3A_361, %dma_start3A_362, %dma_start3A_363] : memref<5x40x128xf32, #tpu.memory_space<vmem>> -> memref<1x40x128xf32, #tpu.memory_space<vmem>>
      %dma_start3A_365 = tpu.memref_squeeze %dma_start3A_364 : memref<1x40x128xf32, #tpu.memory_space<vmem>> -> memref<40x128xf32, #tpu.memory_space<vmem>>
      %dma_start3A_366 = arith.constant 0 : i32
      %dma_start3A_367 = tpu.memref_slice %arg6[%add3A_360, %dma_start3A_366] : memref<160000x128xf32, #tpu.memory_space<hbm>> -> memref<40x128xf32, #tpu.memory_space<hbm>>
      %dma_start3A_368 = arith.constant 0 : i32
      %dma_start3A_369 = tpu.memref_slice %arg6[%add3A_360, %dma_start3A_368] : memref<160000x128xf32, #tpu.memory_space<hbm>> -> memref<40x128xf32, #tpu.memory_space<hbm>>
      %dma_start3A_370 = arith.constant 0 : i32
      %dma_start3A_371 = arith.constant 0 : i32
      %dma_start3A_372 = tpu.memref_slice %arg10[%dma_start3A_361, %dma_start3A_370, %dma_start3A_371] : memref<5x40x128xf32, #tpu.memory_space<vmem>> -> memref<1x40x128xf32, #tpu.memory_space<vmem>>
      %dma_start3A_373 = tpu.memref_squeeze %dma_start3A_372 : memref<1x40x128xf32, #tpu.memory_space<vmem>> -> memref<40x128xf32, #tpu.memory_space<vmem>>
      tpu.enqueue_dma source(%dma_start3A_373 : memref<40x128xf32, #tpu.memory_space<vmem>>) target(%dma_start3A_369 : memref<40x128xf32, #tpu.memory_space<hbm>>) target_semaphore(%arg25 : memref<!tpu.dma_semaphore, #tpu.memory_space<semaphore_mem>>)
      %dma_start3A_374 = arith.constant 3 : i32
      %dma_start3A_375 = arith.constant 0 : i32
      %dma_start3A_376 = arith.constant 0 : i32
      %dma_start3A_377 = tpu.memref_slice %arg11[%dma_start3A_374, %dma_start3A_375, %dma_start3A_376] : memref<5x40x128xf32, #tpu.memory_space<vmem>> -> memref<1x40x128xf32, #tpu.memory_space<vmem>>
      %dma_start3A_378 = tpu.memref_squeeze %dma_start3A_377 : memref<1x40x128xf32, #tpu.memory_space<vmem>> -> memref<40x128xf32, #tpu.memory_space<vmem>>
      %dma_start3A_379 = arith.constant 0 : i32
      %dma_start3A_380 = tpu.memref_slice %arg7[%add3A_360, %dma_start3A_379] : memref<160000x128xf32, #tpu.memory_space<hbm>> -> memref<40x128xf32, #tpu.memory_space<hbm>>
      %dma_start3A_381 = arith.constant 0 : i32
      %dma_start3A_382 = tpu.memref_slice %arg7[%add3A_360, %dma_start3A_381] : memref<160000x128xf32, #tpu.memory_space<hbm>> -> memref<40x128xf32, #tpu.memory_space<hbm>>
      %dma_start3A_383 = arith.constant 0 : i32
      %dma_start3A_384 = arith.constant 0 : i32
      %dma_start3A_385 = tpu.memref_slice %arg11[%dma_start3A_374, %dma_start3A_383, %dma_start3A_384] : memref<5x40x128xf32, #tpu.memory_space<vmem>> -> memref<1x40x128xf32, #tpu.memory_space<vmem>>
      %dma_start3A_386 = tpu.memref_squeeze %dma_start3A_385 : memref<1x40x128xf32, #tpu.memory_space<vmem>> -> memref<40x128xf32, #tpu.memory_space<vmem>>
      tpu.enqueue_dma source(%dma_start3A_386 : memref<40x128xf32, #tpu.memory_space<vmem>>) target(%dma_start3A_382 : memref<40x128xf32, #tpu.memory_space<hbm>>) target_semaphore(%arg30 : memref<!tpu.dma_semaphore, #tpu.memory_space<semaphore_mem>>)
      %mul3A_387 = arith.constant 5 : i32
      %mul3A_388 = arith.muli %scan3A_130, %mul3A_387 : i32
      %add3A_389 = arith.constant 4 : i32
      %add3A_390 = arith.addi %mul3A_388, %add3A_389 : i32
      %ge3A_391 = arith.constant 3 : i32
      %ge3A_392 = arith.cmpi sge, %add3A_390, %ge3A_391 : i32
      %convert_element_type3A_393 = arith.extui %ge3A_392 : i1 to i32
      %cond3A_394 = arith.constant 0 : i32
      %cond3A_395 = arith.cmpi ne, %convert_element_type3A_393, %cond3A_394 : i32
      scf.if %cond3A_395 {
        %mul3A_452 = arith.constant 40 : i32
        %mul3A_453 = arith.muli %add3A_390, %mul3A_452 : i32
        %add3A_454 = arith.addi %mul3A_2, %mul3A_453 : i32
        %dma_wait3A_455 = arith.constant 1 : i32
        %dma_wait3A_456 = arith.constant 0 : i32
        %dma_wait3A_457 = arith.constant 0 : i32
        %dma_wait3A_458 = tpu.memref_slice %arg10[%dma_wait3A_455, %dma_wait3A_456, %dma_wait3A_457] : memref<5x40x128xf32, #tpu.memory_space<vmem>> -> memref<1x40x128xf32, #tpu.memory_space<vmem>>
        %dma_wait3A_459 = tpu.memref_squeeze %dma_wait3A_458 : memref<1x40x128xf32, #tpu.memory_space<vmem>> -> memref<40x128xf32, #tpu.memory_space<vmem>>
        %dma_wait3A_460 = arith.constant 0 : i32
        %dma_wait3A_461 = tpu.memref_slice %arg6[%add3A_454, %dma_wait3A_460] : memref<160000x128xf32, #tpu.memory_space<hbm>> -> memref<40x128xf32, #tpu.memory_space<hbm>>
        %dma_wait3A_462 = arith.constant 0 : i32
        %dma_wait3A_463 = tpu.memref_slice %arg6[%add3A_454, %dma_wait3A_462] : memref<160000x128xf32, #tpu.memory_space<hbm>> -> memref<40x128xf32, #tpu.memory_space<hbm>>
        %dma_wait3A_464 = arith.constant 0 : i32
        %dma_wait3A_465 = arith.constant 0 : i32
        %dma_wait3A_466 = tpu.memref_slice %arg10[%dma_wait3A_455, %dma_wait3A_464, %dma_wait3A_465] : memref<5x40x128xf32, #tpu.memory_space<vmem>> -> memref<1x40x128xf32, #tpu.memory_space<vmem>>
        %dma_wait3A_467 = tpu.memref_squeeze %dma_wait3A_466 : memref<1x40x128xf32, #tpu.memory_space<vmem>> -> memref<40x128xf32, #tpu.memory_space<vmem>>
        tpu.wait_dma2 semaphore(%arg23 : memref<!tpu.dma_semaphore, #tpu.memory_space<semaphore_mem>>) src(%dma_wait3A_467 : memref<40x128xf32, #tpu.memory_space<vmem>>) dst(%dma_wait3A_463 : memref<40x128xf32, #tpu.memory_space<hbm>>)
        %dma_wait3A_468 = arith.constant 1 : i32
        %dma_wait3A_469 = arith.constant 0 : i32
        %dma_wait3A_470 = arith.constant 0 : i32
        %dma_wait3A_471 = tpu.memref_slice %arg11[%dma_wait3A_468, %dma_wait3A_469, %dma_wait3A_470] : memref<5x40x128xf32, #tpu.memory_space<vmem>> -> memref<1x40x128xf32, #tpu.memory_space<vmem>>
        %dma_wait3A_472 = tpu.memref_squeeze %dma_wait3A_471 : memref<1x40x128xf32, #tpu.memory_space<vmem>> -> memref<40x128xf32, #tpu.memory_space<vmem>>
        %dma_wait3A_473 = arith.constant 0 : i32
        %dma_wait3A_474 = tpu.memref_slice %arg7[%add3A_454, %dma_wait3A_473] : memref<160000x128xf32, #tpu.memory_space<hbm>> -> memref<40x128xf32, #tpu.memory_space<hbm>>
        %dma_wait3A_475 = arith.constant 0 : i32
        %dma_wait3A_476 = tpu.memref_slice %arg7[%add3A_454, %dma_wait3A_475] : memref<160000x128xf32, #tpu.memory_space<hbm>> -> memref<40x128xf32, #tpu.memory_space<hbm>>
        %dma_wait3A_477 = arith.constant 0 : i32
        %dma_wait3A_478 = arith.constant 0 : i32
        %dma_wait3A_479 = tpu.memref_slice %arg11[%dma_wait3A_468, %dma_wait3A_477, %dma_wait3A_478] : memref<5x40x128xf32, #tpu.memory_space<vmem>> -> memref<1x40x128xf32, #tpu.memory_space<vmem>>
        %dma_wait3A_480 = tpu.memref_squeeze %dma_wait3A_479 : memref<1x40x128xf32, #tpu.memory_space<vmem>> -> memref<40x128xf32, #tpu.memory_space<vmem>>
        tpu.wait_dma2 semaphore(%arg28 : memref<!tpu.dma_semaphore, #tpu.memory_space<semaphore_mem>>) src(%dma_wait3A_480 : memref<40x128xf32, #tpu.memory_space<vmem>>) dst(%dma_wait3A_476 : memref<40x128xf32, #tpu.memory_space<hbm>>)
      } else {
      }
      %add3A_396 = arith.constant 2 : i32
      %add3A_397 = arith.addi %add3A_390, %add3A_396 : i32
      %lt3A_398 = arith.constant 125 : i32
      %lt3A_399 = arith.cmpi slt, %add3A_397, %lt3A_398 : i32
      %convert_element_type3A_400 = arith.extui %lt3A_399 : i1 to i32
      %cond3A_401 = arith.constant 0 : i32
      %cond3A_402 = arith.cmpi ne, %convert_element_type3A_400, %cond3A_401 : i32
      scf.if %cond3A_402 {
        %add3A_452 = arith.constant 2 : i32
        %add3A_453 = arith.addi %add3A_390, %add3A_452 : i32
        %mul3A_454 = arith.constant 40 : i32
        %mul3A_455 = arith.muli %add3A_453, %mul3A_454 : i32
        %dma_start3A_456 = arith.constant 1 : i32
        %dma_start3A_457 = arith.constant 0 : i32
        %dma_start3A_458 = arith.constant 0 : i32
        %dma_start3A_459 = tpu.memref_slice %arg10[%dma_start3A_456, %dma_start3A_457, %dma_start3A_458] : memref<5x40x128xf32, #tpu.memory_space<vmem>> -> memref<1x40x128xf32, #tpu.memory_space<vmem>>
        %dma_start3A_460 = tpu.memref_squeeze %dma_start3A_459 : memref<1x40x128xf32, #tpu.memory_space<vmem>> -> memref<40x128xf32, #tpu.memory_space<vmem>>
        %dma_start3A_461 = tpu.memref_slice %arg8[%mul3A_455] : memref<5000xi32, #tpu.memory_space<vmem>> -> memref<40xi32, #tpu.memory_space<vmem>>
        %dma_start3A_462 = arith.constant 0 : i32
        %dma_start3A_463 = arith.constant 0 : i32
        %dma_start3A_464 = tpu.memref_slice %arg4[%dma_start3A_462, %dma_start3A_463] : memref<10000x128xf32, #tpu.memory_space<hbm>> -> memref<10000x128xf32, #tpu.memory_space<hbm>>
        tpu.enqueue_indirect_dma source(%dma_start3A_464 : memref<10000x128xf32, #tpu.memory_space<hbm>>) target(%dma_start3A_460 : memref<40x128xf32, #tpu.memory_space<vmem>>) offsets(%dma_start3A_461 : memref<40xi32, #tpu.memory_space<vmem>>) semaphore(%arg13 : memref<!tpu.dma_semaphore, #tpu.memory_space<semaphore_mem>>)
        %dma_start3A_465 = arith.constant 1 : i32
        %dma_start3A_466 = arith.constant 0 : i32
        %dma_start3A_467 = arith.constant 0 : i32
        %dma_start3A_468 = tpu.memref_slice %arg11[%dma_start3A_465, %dma_start3A_466, %dma_start3A_467] : memref<5x40x128xf32, #tpu.memory_space<vmem>> -> memref<1x40x128xf32, #tpu.memory_space<vmem>>
        %dma_start3A_469 = tpu.memref_squeeze %dma_start3A_468 : memref<1x40x128xf32, #tpu.memory_space<vmem>> -> memref<40x128xf32, #tpu.memory_space<vmem>>
        %dma_start3A_470 = tpu.memref_slice %arg9[%mul3A_455] : memref<5000xi32, #tpu.memory_space<vmem>> -> memref<40xi32, #tpu.memory_space<vmem>>
        %dma_start3A_471 = arith.constant 0 : i32
        %dma_start3A_472 = arith.constant 0 : i32
        %dma_start3A_473 = tpu.memref_slice %arg5[%dma_start3A_471, %dma_start3A_472] : memref<10000x128xf32, #tpu.memory_space<hbm>> -> memref<10000x128xf32, #tpu.memory_space<hbm>>
        tpu.enqueue_indirect_dma source(%dma_start3A_473 : memref<10000x128xf32, #tpu.memory_space<hbm>>) target(%dma_start3A_469 : memref<40x128xf32, #tpu.memory_space<vmem>>) offsets(%dma_start3A_470 : memref<40xi32, #tpu.memory_space<vmem>>) semaphore(%arg18 : memref<!tpu.dma_semaphore, #tpu.memory_space<semaphore_mem>>)
      } else {
      }
      %mul3A_403 = arith.constant 40 : i32
      %mul3A_404 = arith.muli %add3A_390, %mul3A_403 : i32
      %dma_wait3A_405 = arith.constant 4 : i32
      %dma_wait3A_406 = arith.constant 0 : i32
      %dma_wait3A_407 = arith.constant 0 : i32
      %dma_wait3A_408 = tpu.memref_slice %arg10[%dma_wait3A_405, %dma_wait3A_406, %dma_wait3A_407] : memref<5x40x128xf32, #tpu.memory_space<vmem>> -> memref<1x40x128xf32, #tpu.memory_space<vmem>>
      %dma_wait3A_409 = tpu.memref_squeeze %dma_wait3A_408 : memref<1x40x128xf32, #tpu.memory_space<vmem>> -> memref<40x128xf32, #tpu.memory_space<vmem>>
      %dma_wait3A_410 = tpu.memref_slice %arg8[%mul3A_404] : memref<5000xi32, #tpu.memory_space<vmem>> -> memref<40xi32, #tpu.memory_space<vmem>>
      %dma_wait3A_411 = arith.constant 0 : i32
      %dma_wait3A_412 = arith.constant 0 : i32
      %dma_wait3A_413 = tpu.memref_slice %arg4[%dma_wait3A_411, %dma_wait3A_412] : memref<10000x128xf32, #tpu.memory_space<hbm>> -> memref<10000x128xf32, #tpu.memory_space<hbm>>
      tpu.wait_indirect_dma semaphore(%arg16 : memref<!tpu.dma_semaphore, #tpu.memory_space<semaphore_mem>>) src(%dma_wait3A_413 : memref<10000x128xf32, #tpu.memory_space<hbm>>) dst(%dma_wait3A_409 : memref<40x128xf32, #tpu.memory_space<vmem>>)
      %dma_wait3A_414 = arith.constant 4 : i32
      %dma_wait3A_415 = arith.constant 0 : i32
      %dma_wait3A_416 = arith.constant 0 : i32
      %dma_wait3A_417 = tpu.memref_slice %arg11[%dma_wait3A_414, %dma_wait3A_415, %dma_wait3A_416] : memref<5x40x128xf32, #tpu.memory_space<vmem>> -> memref<1x40x128xf32, #tpu.memory_space<vmem>>
      %dma_wait3A_418 = tpu.memref_squeeze %dma_wait3A_417 : memref<1x40x128xf32, #tpu.memory_space<vmem>> -> memref<40x128xf32, #tpu.memory_space<vmem>>
      %dma_wait3A_419 = tpu.memref_slice %arg9[%mul3A_404] : memref<5000xi32, #tpu.memory_space<vmem>> -> memref<40xi32, #tpu.memory_space<vmem>>
      %dma_wait3A_420 = arith.constant 0 : i32
      %dma_wait3A_421 = arith.constant 0 : i32
      %dma_wait3A_422 = tpu.memref_slice %arg5[%dma_wait3A_420, %dma_wait3A_421] : memref<10000x128xf32, #tpu.memory_space<hbm>> -> memref<10000x128xf32, #tpu.memory_space<hbm>>
      tpu.wait_indirect_dma semaphore(%arg21 : memref<!tpu.dma_semaphore, #tpu.memory_space<semaphore_mem>>) src(%dma_wait3A_422 : memref<10000x128xf32, #tpu.memory_space<hbm>>) dst(%dma_wait3A_418 : memref<40x128xf32, #tpu.memory_space<vmem>>)
      %mul3A_423 = arith.constant 40 : i32
      %mul3A_424 = arith.muli %add3A_390, %mul3A_423 : i32
      %add3A_425 = arith.addi %mul3A_2, %mul3A_424 : i32
      %dma_start3A_426 = arith.constant 4 : i32
      %dma_start3A_427 = arith.constant 0 : i32
      %dma_start3A_428 = arith.constant 0 : i32
      %dma_start3A_429 = tpu.memref_slice %arg10[%dma_start3A_426, %dma_start3A_427, %dma_start3A_428] : memref<5x40x128xf32, #tpu.memory_space<vmem>> -> memref<1x40x128xf32, #tpu.memory_space<vmem>>
      %dma_start3A_430 = tpu.memref_squeeze %dma_start3A_429 : memref<1x40x128xf32, #tpu.memory_space<vmem>> -> memref<40x128xf32, #tpu.memory_space<vmem>>
      %dma_start3A_431 = arith.constant 0 : i32
      %dma_start3A_432 = tpu.memref_slice %arg6[%add3A_425, %dma_start3A_431] : memref<160000x128xf32, #tpu.memory_space<hbm>> -> memref<40x128xf32, #tpu.memory_space<hbm>>
      %dma_start3A_433 = arith.constant 0 : i32
      %dma_start3A_434 = tpu.memref_slice %arg6[%add3A_425, %dma_start3A_433] : memref<160000x128xf32, #tpu.memory_space<hbm>> -> memref<40x128xf32, #tpu.memory_space<hbm>>
      %dma_start3A_435 = arith.constant 0 : i32
      %dma_start3A_436 = arith.constant 0 : i32
      %dma_start3A_437 = tpu.memref_slice %arg10[%dma_start3A_426, %dma_start3A_435, %dma_start3A_436] : memref<5x40x128xf32, #tpu.memory_space<vmem>> -> memref<1x40x128xf32, #tpu.memory_space<vmem>>
      %dma_start3A_438 = tpu.memref_squeeze %dma_start3A_437 : memref<1x40x128xf32, #tpu.memory_space<vmem>> -> memref<40x128xf32, #tpu.memory_space<vmem>>
      tpu.enqueue_dma source(%dma_start3A_438 : memref<40x128xf32, #tpu.memory_space<vmem>>) target(%dma_start3A_434 : memref<40x128xf32, #tpu.memory_space<hbm>>) target_semaphore(%arg26 : memref<!tpu.dma_semaphore, #tpu.memory_space<semaphore_mem>>)
      %dma_start3A_439 = arith.constant 4 : i32
      %dma_start3A_440 = arith.constant 0 : i32
      %dma_start3A_441 = arith.constant 0 : i32
      %dma_start3A_442 = tpu.memref_slice %arg11[%dma_start3A_439, %dma_start3A_440, %dma_start3A_441] : memref<5x40x128xf32, #tpu.memory_space<vmem>> -> memref<1x40x128xf32, #tpu.memory_space<vmem>>
      %dma_start3A_443 = tpu.memref_squeeze %dma_start3A_442 : memref<1x40x128xf32, #tpu.memory_space<vmem>> -> memref<40x128xf32, #tpu.memory_space<vmem>>
      %dma_start3A_444 = arith.constant 0 : i32
      %dma_start3A_445 = tpu.memref_slice %arg7[%add3A_425, %dma_start3A_444] : memref<160000x128xf32, #tpu.memory_space<hbm>> -> memref<40x128xf32, #tpu.memory_space<hbm>>
      %dma_start3A_446 = arith.constant 0 : i32
      %dma_start3A_447 = tpu.memref_slice %arg7[%add3A_425, %dma_start3A_446] : memref<160000x128xf32, #tpu.memory_space<hbm>> -> memref<40x128xf32, #tpu.memory_space<hbm>>
      %dma_start3A_448 = arith.constant 0 : i32
      %dma_start3A_449 = arith.constant 0 : i32
      %dma_start3A_450 = tpu.memref_slice %arg11[%dma_start3A_439, %dma_start3A_448, %dma_start3A_449] : memref<5x40x128xf32, #tpu.memory_space<vmem>> -> memref<1x40x128xf32, #tpu.memory_space<vmem>>
      %dma_start3A_451 = tpu.memref_squeeze %dma_start3A_450 : memref<1x40x128xf32, #tpu.memory_space<vmem>> -> memref<40x128xf32, #tpu.memory_space<vmem>>
      tpu.enqueue_dma source(%dma_start3A_451 : memref<40x128xf32, #tpu.memory_space<vmem>>) target(%dma_start3A_447 : memref<40x128xf32, #tpu.memory_space<hbm>>) target_semaphore(%arg31 : memref<!tpu.dma_semaphore, #tpu.memory_space<semaphore_mem>>)
    }
    %scan3A_46 = arith.constant 25 : i32
    %add3A_47 = arith.constant 4880 : i32
    %add3A_48 = arith.addi %mul3A_2, %add3A_47 : i32
    %dma_wait3A = arith.constant 2 : i32
    %dma_wait3A_49 = arith.constant 0 : i32
    %dma_wait3A_50 = arith.constant 0 : i32
    %dma_wait3A_51 = tpu.memref_slice %arg10[%dma_wait3A, %dma_wait3A_49, %dma_wait3A_50] : memref<5x40x128xf32, #tpu.memory_space<vmem>> -> memref<1x40x128xf32, #tpu.memory_space<vmem>>
    %dma_wait3A_52 = tpu.memref_squeeze %dma_wait3A_51 : memref<1x40x128xf32, #tpu.memory_space<vmem>> -> memref<40x128xf32, #tpu.memory_space<vmem>>
    %dma_wait3A_53 = arith.constant 0 : i32
    %dma_wait3A_54 = tpu.memref_slice %arg6[%add3A_48, %dma_wait3A_53] : memref<160000x128xf32, #tpu.memory_space<hbm>> -> memref<40x128xf32, #tpu.memory_space<hbm>>
    %dma_wait3A_55 = arith.constant 0 : i32
    %dma_wait3A_56 = tpu.memref_slice %arg6[%add3A_48, %dma_wait3A_55] : memref<160000x128xf32, #tpu.memory_space<hbm>> -> memref<40x128xf32, #tpu.memory_space<hbm>>
    %dma_wait3A_57 = arith.constant 0 : i32
    %dma_wait3A_58 = arith.constant 0 : i32
    %dma_wait3A_59 = tpu.memref_slice %arg10[%dma_wait3A, %dma_wait3A_57, %dma_wait3A_58] : memref<5x40x128xf32, #tpu.memory_space<vmem>> -> memref<1x40x128xf32, #tpu.memory_space<vmem>>
    %dma_wait3A_60 = tpu.memref_squeeze %dma_wait3A_59 : memref<1x40x128xf32, #tpu.memory_space<vmem>> -> memref<40x128xf32, #tpu.memory_space<vmem>>
    tpu.wait_dma2 semaphore(%arg24 : memref<!tpu.dma_semaphore, #tpu.memory_space<semaphore_mem>>) src(%dma_wait3A_60 : memref<40x128xf32, #tpu.memory_space<vmem>>) dst(%dma_wait3A_56 : memref<40x128xf32, #tpu.memory_space<hbm>>)
    %dma_wait3A_61 = arith.constant 2 : i32
    %dma_wait3A_62 = arith.constant 0 : i32
    %dma_wait3A_63 = arith.constant 0 : i32
    %dma_wait3A_64 = tpu.memref_slice %arg11[%dma_wait3A_61, %dma_wait3A_62, %dma_wait3A_63] : memref<5x40x128xf32, #tpu.memory_space<vmem>> -> memref<1x40x128xf32, #tpu.memory_space<vmem>>
    %dma_wait3A_65 = tpu.memref_squeeze %dma_wait3A_64 : memref<1x40x128xf32, #tpu.memory_space<vmem>> -> memref<40x128xf32, #tpu.memory_space<vmem>>
    %dma_wait3A_66 = arith.constant 0 : i32
    %dma_wait3A_67 = tpu.memref_slice %arg7[%add3A_48, %dma_wait3A_66] : memref<160000x128xf32, #tpu.memory_space<hbm>> -> memref<40x128xf32, #tpu.memory_space<hbm>>
    %dma_wait3A_68 = arith.constant 0 : i32
    %dma_wait3A_69 = tpu.memref_slice %arg7[%add3A_48, %dma_wait3A_68] : memref<160000x128xf32, #tpu.memory_space<hbm>> -> memref<40x128xf32, #tpu.memory_space<hbm>>
    %dma_wait3A_70 = arith.constant 0 : i32
    %dma_wait3A_71 = arith.constant 0 : i32
    %dma_wait3A_72 = tpu.memref_slice %arg11[%dma_wait3A_61, %dma_wait3A_70, %dma_wait3A_71] : memref<5x40x128xf32, #tpu.memory_space<vmem>> -> memref<1x40x128xf32, #tpu.memory_space<vmem>>
    %dma_wait3A_73 = tpu.memref_squeeze %dma_wait3A_72 : memref<1x40x128xf32, #tpu.memory_space<vmem>> -> memref<40x128xf32, #tpu.memory_space<vmem>>
    tpu.wait_dma2 semaphore(%arg29 : memref<!tpu.dma_semaphore, #tpu.memory_space<semaphore_mem>>) src(%dma_wait3A_73 : memref<40x128xf32, #tpu.memory_space<vmem>>) dst(%dma_wait3A_69 : memref<40x128xf32, #tpu.memory_space<hbm>>)
    %add3A_74 = arith.constant 4920 : i32
    %add3A_75 = arith.addi %mul3A_2, %add3A_74 : i32
    %dma_wait3A_76 = arith.constant 3 : i32
    %dma_wait3A_77 = arith.constant 0 : i32
    %dma_wait3A_78 = arith.constant 0 : i32
    %dma_wait3A_79 = tpu.memref_slice %arg10[%dma_wait3A_76, %dma_wait3A_77, %dma_wait3A_78] : memref<5x40x128xf32, #tpu.memory_space<vmem>> -> memref<1x40x128xf32, #tpu.memory_space<vmem>>
    %dma_wait3A_80 = tpu.memref_squeeze %dma_wait3A_79 : memref<1x40x128xf32, #tpu.memory_space<vmem>> -> memref<40x128xf32, #tpu.memory_space<vmem>>
    %dma_wait3A_81 = arith.constant 0 : i32
    %dma_wait3A_82 = tpu.memref_slice %arg6[%add3A_75, %dma_wait3A_81] : memref<160000x128xf32, #tpu.memory_space<hbm>> -> memref<40x128xf32, #tpu.memory_space<hbm>>
    %dma_wait3A_83 = arith.constant 0 : i32
    %dma_wait3A_84 = tpu.memref_slice %arg6[%add3A_75, %dma_wait3A_83] : memref<160000x128xf32, #tpu.memory_space<hbm>> -> memref<40x128xf32, #tpu.memory_space<hbm>>
    %dma_wait3A_85 = arith.constant 0 : i32
    %dma_wait3A_86 = arith.constant 0 : i32
    %dma_wait3A_87 = tpu.memref_slice %arg10[%dma_wait3A_76, %dma_wait3A_85, %dma_wait3A_86] : memref<5x40x128xf32, #tpu.memory_space<vmem>> -> memref<1x40x128xf32, #tpu.memory_space<vmem>>
    %dma_wait3A_88 = tpu.memref_squeeze %dma_wait3A_87 : memref<1x40x128xf32, #tpu.memory_space<vmem>> -> memref<40x128xf32, #tpu.memory_space<vmem>>
    tpu.wait_dma2 semaphore(%arg25 : memref<!tpu.dma_semaphore, #tpu.memory_space<semaphore_mem>>) src(%dma_wait3A_88 : memref<40x128xf32, #tpu.memory_space<vmem>>) dst(%dma_wait3A_84 : memref<40x128xf32, #tpu.memory_space<hbm>>)
    %dma_wait3A_89 = arith.constant 3 : i32
    %dma_wait3A_90 = arith.constant 0 : i32
    %dma_wait3A_91 = arith.constant 0 : i32
    %dma_wait3A_92 = tpu.memref_slice %arg11[%dma_wait3A_89, %dma_wait3A_90, %dma_wait3A_91] : memref<5x40x128xf32, #tpu.memory_space<vmem>> -> memref<1x40x128xf32, #tpu.memory_space<vmem>>
    %dma_wait3A_93 = tpu.memref_squeeze %dma_wait3A_92 : memref<1x40x128xf32, #tpu.memory_space<vmem>> -> memref<40x128xf32, #tpu.memory_space<vmem>>
    %dma_wait3A_94 = arith.constant 0 : i32
    %dma_wait3A_95 = tpu.memref_slice %arg7[%add3A_75, %dma_wait3A_94] : memref<160000x128xf32, #tpu.memory_space<hbm>> -> memref<40x128xf32, #tpu.memory_space<hbm>>
    %dma_wait3A_96 = arith.constant 0 : i32
    %dma_wait3A_97 = tpu.memref_slice %arg7[%add3A_75, %dma_wait3A_96] : memref<160000x128xf32, #tpu.memory_space<hbm>> -> memref<40x128xf32, #tpu.memory_space<hbm>>
    %dma_wait3A_98 = arith.constant 0 : i32
    %dma_wait3A_99 = arith.constant 0 : i32
    %dma_wait3A_100 = tpu.memref_slice %arg11[%dma_wait3A_89, %dma_wait3A_98, %dma_wait3A_99] : memref<5x40x128xf32, #tpu.memory_space<vmem>> -> memref<1x40x128xf32, #tpu.memory_space<vmem>>
    %dma_wait3A_101 = tpu.memref_squeeze %dma_wait3A_100 : memref<1x40x128xf32, #tpu.memory_space<vmem>> -> memref<40x128xf32, #tpu.memory_space<vmem>>
    tpu.wait_dma2 semaphore(%arg30 : memref<!tpu.dma_semaphore, #tpu.memory_space<semaphore_mem>>) src(%dma_wait3A_101 : memref<40x128xf32, #tpu.memory_space<vmem>>) dst(%dma_wait3A_97 : memref<40x128xf32, #tpu.memory_space<hbm>>)
    %add3A_102 = arith.constant 4960 : i32
    %add3A_103 = arith.addi %mul3A_2, %add3A_102 : i32
    %dma_wait3A_104 = arith.constant 4 : i32
    %dma_wait3A_105 = arith.constant 0 : i32
    %dma_wait3A_106 = arith.constant 0 : i32
    %dma_wait3A_107 = tpu.memref_slice %arg10[%dma_wait3A_104, %dma_wait3A_105, %dma_wait3A_106] : memref<5x40x128xf32, #tpu.memory_space<vmem>> -> memref<1x40x128xf32, #tpu.memory_space<vmem>>
    %dma_wait3A_108 = tpu.memref_squeeze %dma_wait3A_107 : memref<1x40x128xf32, #tpu.memory_space<vmem>> -> memref<40x128xf32, #tpu.memory_space<vmem>>
    %dma_wait3A_109 = arith.constant 0 : i32
    %dma_wait3A_110 = tpu.memref_slice %arg6[%add3A_103, %dma_wait3A_109] : memref<160000x128xf32, #tpu.memory_space<hbm>> -> memref<40x128xf32, #tpu.memory_space<hbm>>
    %dma_wait3A_111 = arith.constant 0 : i32
    %dma_wait3A_112 = tpu.memref_slice %arg6[%add3A_103, %dma_wait3A_111] : memref<160000x128xf32, #tpu.memory_space<hbm>> -> memref<40x128xf32, #tpu.memory_space<hbm>>
    %dma_wait3A_113 = arith.constant 0 : i32
    %dma_wait3A_114 = arith.constant 0 : i32
    %dma_wait3A_115 = tpu.memref_slice %arg10[%dma_wait3A_104, %dma_wait3A_113, %dma_wait3A_114] : memref<5x40x128xf32, #tpu.memory_space<vmem>> -> memref<1x40x128xf32, #tpu.memory_space<vmem>>
    %dma_wait3A_116 = tpu.memref_squeeze %dma_wait3A_115 : memref<1x40x128xf32, #tpu.memory_space<vmem>> -> memref<40x128xf32, #tpu.memory_space<vmem>>
    tpu.wait_dma2 semaphore(%arg26 : memref<!tpu.dma_semaphore, #tpu.memory_space<semaphore_mem>>) src(%dma_wait3A_116 : memref<40x128xf32, #tpu.memory_space<vmem>>) dst(%dma_wait3A_112 : memref<40x128xf32, #tpu.memory_space<hbm>>)
    %dma_wait3A_117 = arith.constant 4 : i32
    %dma_wait3A_118 = arith.constant 0 : i32
    %dma_wait3A_119 = arith.constant 0 : i32
    %dma_wait3A_120 = tpu.memref_slice %arg11[%dma_wait3A_117, %dma_wait3A_118, %dma_wait3A_119] : memref<5x40x128xf32, #tpu.memory_space<vmem>> -> memref<1x40x128xf32, #tpu.memory_space<vmem>>
    %dma_wait3A_121 = tpu.memref_squeeze %dma_wait3A_120 : memref<1x40x128xf32, #tpu.memory_space<vmem>> -> memref<40x128xf32, #tpu.memory_space<vmem>>
    %dma_wait3A_122 = arith.constant 0 : i32
    %dma_wait3A_123 = tpu.memref_slice %arg7[%add3A_103, %dma_wait3A_122] : memref<160000x128xf32, #tpu.memory_space<hbm>> -> memref<40x128xf32, #tpu.memory_space<hbm>>
    %dma_wait3A_124 = arith.constant 0 : i32
    %dma_wait3A_125 = tpu.memref_slice %arg7[%add3A_103, %dma_wait3A_124] : memref<160000x128xf32, #tpu.memory_space<hbm>> -> memref<40x128xf32, #tpu.memory_space<hbm>>
    %dma_wait3A_126 = arith.constant 0 : i32
    %dma_wait3A_127 = arith.constant 0 : i32
    %dma_wait3A_128 = tpu.memref_slice %arg11[%dma_wait3A_117, %dma_wait3A_126, %dma_wait3A_127] : memref<5x40x128xf32, #tpu.memory_space<vmem>> -> memref<1x40x128xf32, #tpu.memory_space<vmem>>
    %dma_wait3A_129 = tpu.memref_squeeze %dma_wait3A_128 : memref<1x40x128xf32, #tpu.memory_space<vmem>> -> memref<40x128xf32, #tpu.memory_space<vmem>>
    tpu.wait_dma2 semaphore(%arg31 : memref<!tpu.dma_semaphore, #tpu.memory_space<semaphore_mem>>) src(%dma_wait3A_129 : memref<40x128xf32, #tpu.memory_space<vmem>>) dst(%dma_wait3A_125 : memref<40x128xf32, #tpu.memory_space<hbm>>)
    return
  }
}

#map = affine_map<(d0, d1) -> (0)>
#map1 = affine_map<(d0, d1) -> (0, 0)>
#map2 = affine_map<(d0, d1) -> (0, 0, 0)>
module attributes {stable_mosaic.version = 14 : i64} {
  func.func @scatter_kernel(%arg0: i32, %arg1: i32, %arg2: memref<160000xi32, #tpu.memory_space<hbm>>, %arg3: memref<160000x128xf32, #tpu.memory_space<hbm>>, %arg4: memref<10000x128xf32, #tpu.memory_space<hbm>>, %arg5: memref<2x10000x128xf32, #tpu.memory_space<hbm>>, %arg6: memref<10000x128xf32, #tpu.memory_space<vmem_shared>>, %arg7: memref<40xi32, #tpu.memory_space<vmem>>, %arg8: memref<40xi32, #tpu.memory_space<vmem>>, %arg9: memref<40xi32, #tpu.memory_space<vmem>>, %arg10: memref<40xi32, #tpu.memory_space<vmem>>, %arg11: memref<40xi32, #tpu.memory_space<vmem>>, %arg12: memref<5x40x128xf32, #tpu.memory_space<vmem>>, %arg13: memref<!tpu.dma_semaphore, #tpu.memory_space<semaphore_mem>>, %arg14: memref<!tpu.dma_semaphore, #tpu.memory_space<semaphore_mem>>, %arg15: memref<!tpu.dma_semaphore, #tpu.memory_space<semaphore_mem>>, %arg16: memref<!tpu.dma_semaphore, #tpu.memory_space<semaphore_mem>>, %arg17: memref<!tpu.dma_semaphore, #tpu.memory_space<semaphore_mem>>, %arg18: memref<!tpu.dma_semaphore, #tpu.memory_space<semaphore_mem>>, %arg19: memref<!tpu.dma_semaphore, #tpu.memory_space<semaphore_mem>>, %arg20: memref<!tpu.dma_semaphore, #tpu.memory_space<semaphore_mem>>, %arg21: memref<!tpu.dma_semaphore, #tpu.memory_space<semaphore_mem>>, %arg22: memref<!tpu.dma_semaphore, #tpu.memory_space<semaphore_mem>>, %arg23: memref<!tpu.dma_semaphore, #tpu.memory_space<semaphore_mem>>, %arg24: memref<!tpu.dma_semaphore, #tpu.memory_space<semaphore_mem>>, %arg25: memref<!tpu.dma_semaphore, #tpu.memory_space<semaphore_mem>>, %arg26: memref<!tpu.dma_semaphore, #tpu.memory_space<semaphore_mem>>, %arg27: memref<!tpu.dma_semaphore, #tpu.memory_space<semaphore_mem>>) attributes {dimension_semantics = [#tpu.dimension_semantics<core_parallel>, #tpu.dimension_semantics<subcore_parallel>], iteration_bounds = array<i64: 2, 16>, scalar_prefetch = 0 : i64, scratch_operands = 22 : i64, tpu.core_type = #tpu.core_type<sc_vector_subcore>, window_params = [{transform_indices = #map}, {transform_indices = #map1}, {transform_indices = #map1}, {transform_indices = #map2}]} {
    %mul3A = arith.constant 2 : i32
    %mul3A_0 = arith.muli %arg1, %mul3A : i32
    %add3A = arith.addi %mul3A_0, %arg0 : i32
    %mul3A_1 = arith.constant 5000 : i32
    %mul3A_2 = arith.muli %add3A, %mul3A_1 : i32
    %mul3A_3 = arith.constant 624 : i32
    %mul3A_4 = arith.muli %arg1, %mul3A_3 : i32
    "tpu.region"() ({
      %run_scoped3A = tpu.sem_alloc : memref<!tpu.dma_semaphore, #tpu.memory_space<semaphore_mem>>
      %dma_start3A_74 = arith.constant 0 : i32
      %dma_start3A_75 = tpu.memref_slice %arg6[%mul3A_4, %dma_start3A_74] : memref<10000x128xf32, #tpu.memory_space<vmem_shared>> -> memref<624x128xf32, #tpu.memory_space<vmem_shared>>
      %dma_start3A_76 = arith.constant 0 : i32
      %dma_start3A_77 = tpu.memref_slice %arg4[%mul3A_4, %dma_start3A_76] : memref<10000x128xf32, #tpu.memory_space<hbm>> -> memref<624x128xf32, #tpu.memory_space<hbm>>
      tpu.enqueue_dma source(%dma_start3A_77 : memref<624x128xf32, #tpu.memory_space<hbm>>) target(%dma_start3A_75 : memref<624x128xf32, #tpu.memory_space<vmem_shared>>) target_semaphore(%run_scoped3A : memref<!tpu.dma_semaphore, #tpu.memory_space<semaphore_mem>>)
      %dma_wait3A_78 = arith.constant 0 : i32
      %dma_wait3A_79 = tpu.memref_slice %arg6[%mul3A_4, %dma_wait3A_78] : memref<10000x128xf32, #tpu.memory_space<vmem_shared>> -> memref<624x128xf32, #tpu.memory_space<vmem_shared>>
      %dma_wait3A_80 = arith.constant 0 : i32
      %dma_wait3A_81 = tpu.memref_slice %arg4[%mul3A_4, %dma_wait3A_80] : memref<10000x128xf32, #tpu.memory_space<hbm>> -> memref<624x128xf32, #tpu.memory_space<hbm>>
      tpu.wait_dma2 semaphore(%run_scoped3A : memref<!tpu.dma_semaphore, #tpu.memory_space<semaphore_mem>>) src(%dma_wait3A_81 : memref<624x128xf32, #tpu.memory_space<hbm>>) dst(%dma_wait3A_79 : memref<624x128xf32, #tpu.memory_space<vmem_shared>>)
      tpu.yield
    }) : () -> ()
    %eq3A = arith.constant 0 : i32
    %eq3A_5 = arith.cmpi eq, %arg1, %eq3A : i32
    %convert_element_type3A = arith.extui %eq3A_5 : i1 to i32
    %cond3A = arith.constant 0 : i32
    %cond3A_6 = arith.cmpi ne, %convert_element_type3A, %cond3A : i32
    scf.if %cond3A_6 {
      "tpu.region"() ({
        %run_scoped3A = tpu.sem_alloc : memref<!tpu.dma_semaphore, #tpu.memory_space<semaphore_mem>>
        %dma_start3A_74 = arith.constant 9984 : i32
        %dma_start3A_75 = arith.constant 0 : i32
        %dma_start3A_76 = tpu.memref_slice %arg6[%dma_start3A_74, %dma_start3A_75] : memref<10000x128xf32, #tpu.memory_space<vmem_shared>> -> memref<16x128xf32, #tpu.memory_space<vmem_shared>>
        %dma_start3A_77 = arith.constant 9984 : i32
        %dma_start3A_78 = arith.constant 0 : i32
        %dma_start3A_79 = tpu.memref_slice %arg4[%dma_start3A_77, %dma_start3A_78] : memref<10000x128xf32, #tpu.memory_space<hbm>> -> memref<16x128xf32, #tpu.memory_space<hbm>>
        tpu.enqueue_dma source(%dma_start3A_79 : memref<16x128xf32, #tpu.memory_space<hbm>>) target(%dma_start3A_76 : memref<16x128xf32, #tpu.memory_space<vmem_shared>>) target_semaphore(%run_scoped3A : memref<!tpu.dma_semaphore, #tpu.memory_space<semaphore_mem>>)
        %dma_wait3A_80 = arith.constant 9984 : i32
        %dma_wait3A_81 = arith.constant 0 : i32
        %dma_wait3A_82 = tpu.memref_slice %arg6[%dma_wait3A_80, %dma_wait3A_81] : memref<10000x128xf32, #tpu.memory_space<vmem_shared>> -> memref<16x128xf32, #tpu.memory_space<vmem_shared>>
        %dma_wait3A_83 = arith.constant 9984 : i32
        %dma_wait3A_84 = arith.constant 0 : i32
        %dma_wait3A_85 = tpu.memref_slice %arg4[%dma_wait3A_83, %dma_wait3A_84] : memref<10000x128xf32, #tpu.memory_space<hbm>> -> memref<16x128xf32, #tpu.memory_space<hbm>>
        tpu.wait_dma2 semaphore(%run_scoped3A : memref<!tpu.dma_semaphore, #tpu.memory_space<semaphore_mem>>) src(%dma_wait3A_85 : memref<16x128xf32, #tpu.memory_space<hbm>>) dst(%dma_wait3A_82 : memref<16x128xf32, #tpu.memory_space<vmem_shared>>)
        tpu.yield
      }) : () -> ()
    } else {
    }
    %barrier3A = arith.constant 0 : index
    tpu.barrier barrier_id(%barrier3A)
    %add3A_7 = arith.constant 0 : i32
    %add3A_8 = arith.addi %mul3A_2, %add3A_7 : i32
    %dma_start3A = tpu.memref_slice %arg2[%add3A_8] : memref<160000xi32, #tpu.memory_space<hbm>> -> memref<40xi32, #tpu.memory_space<hbm>>
    %dma_start3A_9 = tpu.memref_slice %arg2[%add3A_8] : memref<160000xi32, #tpu.memory_space<hbm>> -> memref<40xi32, #tpu.memory_space<hbm>>
    tpu.enqueue_dma source(%dma_start3A_9 : memref<40xi32, #tpu.memory_space<hbm>>) target(%arg7 : memref<40xi32, #tpu.memory_space<vmem>>) target_semaphore(%arg13 : memref<!tpu.dma_semaphore, #tpu.memory_space<semaphore_mem>>)
    %dma_start3A_10 = arith.constant 0 : i32
    %dma_start3A_11 = arith.constant 0 : i32
    %dma_start3A_12 = arith.constant 0 : i32
    %dma_start3A_13 = tpu.memref_slice %arg12[%dma_start3A_10, %dma_start3A_11, %dma_start3A_12] : memref<5x40x128xf32, #tpu.memory_space<vmem>> -> memref<1x40x128xf32, #tpu.memory_space<vmem>>
    %dma_start3A_14 = tpu.memref_squeeze %dma_start3A_13 : memref<1x40x128xf32, #tpu.memory_space<vmem>> -> memref<40x128xf32, #tpu.memory_space<vmem>>
    %dma_start3A_15 = arith.constant 0 : i32
    %dma_start3A_16 = tpu.memref_slice %arg3[%add3A_8, %dma_start3A_15] : memref<160000x128xf32, #tpu.memory_space<hbm>> -> memref<40x128xf32, #tpu.memory_space<hbm>>
    %dma_start3A_17 = arith.constant 0 : i32
    %dma_start3A_18 = arith.constant 0 : i32
    %dma_start3A_19 = tpu.memref_slice %arg12[%dma_start3A_10, %dma_start3A_17, %dma_start3A_18] : memref<5x40x128xf32, #tpu.memory_space<vmem>> -> memref<1x40x128xf32, #tpu.memory_space<vmem>>
    %dma_start3A_20 = tpu.memref_squeeze %dma_start3A_19 : memref<1x40x128xf32, #tpu.memory_space<vmem>> -> memref<40x128xf32, #tpu.memory_space<vmem>>
    %dma_start3A_21 = arith.constant 0 : i32
    %dma_start3A_22 = tpu.memref_slice %arg3[%add3A_8, %dma_start3A_21] : memref<160000x128xf32, #tpu.memory_space<hbm>> -> memref<40x128xf32, #tpu.memory_space<hbm>>
    tpu.enqueue_dma source(%dma_start3A_22 : memref<40x128xf32, #tpu.memory_space<hbm>>) target(%dma_start3A_20 : memref<40x128xf32, #tpu.memory_space<vmem>>) target_semaphore(%arg18 : memref<!tpu.dma_semaphore, #tpu.memory_space<semaphore_mem>>)
    %add3A_23 = arith.constant 40 : i32
    %add3A_24 = arith.addi %mul3A_2, %add3A_23 : i32
    %dma_start3A_25 = tpu.memref_slice %arg2[%add3A_24] : memref<160000xi32, #tpu.memory_space<hbm>> -> memref<40xi32, #tpu.memory_space<hbm>>
    %dma_start3A_26 = tpu.memref_slice %arg2[%add3A_24] : memref<160000xi32, #tpu.memory_space<hbm>> -> memref<40xi32, #tpu.memory_space<hbm>>
    tpu.enqueue_dma source(%dma_start3A_26 : memref<40xi32, #tpu.memory_space<hbm>>) target(%arg8 : memref<40xi32, #tpu.memory_space<vmem>>) target_semaphore(%arg14 : memref<!tpu.dma_semaphore, #tpu.memory_space<semaphore_mem>>)
    %dma_start3A_27 = arith.constant 1 : i32
    %dma_start3A_28 = arith.constant 0 : i32
    %dma_start3A_29 = arith.constant 0 : i32
    %dma_start3A_30 = tpu.memref_slice %arg12[%dma_start3A_27, %dma_start3A_28, %dma_start3A_29] : memref<5x40x128xf32, #tpu.memory_space<vmem>> -> memref<1x40x128xf32, #tpu.memory_space<vmem>>
    %dma_start3A_31 = tpu.memref_squeeze %dma_start3A_30 : memref<1x40x128xf32, #tpu.memory_space<vmem>> -> memref<40x128xf32, #tpu.memory_space<vmem>>
    %dma_start3A_32 = arith.constant 0 : i32
    %dma_start3A_33 = tpu.memref_slice %arg3[%add3A_24, %dma_start3A_32] : memref<160000x128xf32, #tpu.memory_space<hbm>> -> memref<40x128xf32, #tpu.memory_space<hbm>>
    %dma_start3A_34 = arith.constant 0 : i32
    %dma_start3A_35 = arith.constant 0 : i32
    %dma_start3A_36 = tpu.memref_slice %arg12[%dma_start3A_27, %dma_start3A_34, %dma_start3A_35] : memref<5x40x128xf32, #tpu.memory_space<vmem>> -> memref<1x40x128xf32, #tpu.memory_space<vmem>>
    %dma_start3A_37 = tpu.memref_squeeze %dma_start3A_36 : memref<1x40x128xf32, #tpu.memory_space<vmem>> -> memref<40x128xf32, #tpu.memory_space<vmem>>
    %dma_start3A_38 = arith.constant 0 : i32
    %dma_start3A_39 = tpu.memref_slice %arg3[%add3A_24, %dma_start3A_38] : memref<160000x128xf32, #tpu.memory_space<hbm>> -> memref<40x128xf32, #tpu.memory_space<hbm>>
    tpu.enqueue_dma source(%dma_start3A_39 : memref<40x128xf32, #tpu.memory_space<hbm>>) target(%dma_start3A_37 : memref<40x128xf32, #tpu.memory_space<vmem>>) target_semaphore(%arg19 : memref<!tpu.dma_semaphore, #tpu.memory_space<semaphore_mem>>)
    %scan3A = arith.constant 0 : i32
    %scan3A_40 = arith.constant 0 : i32
    %scan3A_41 = arith.constant 25 : i32
    %scan3A_42 = arith.addi %scan3A_40, %scan3A_41 : i32
    %scan3A_43 = arith.constant 1 : i32
    scf.for %scan3A_74 = %scan3A_40 to %scan3A_42 step %scan3A_43  : i32 {
      %mul3A_75 = arith.constant 5 : i32
      %mul3A_76 = arith.muli %scan3A_74, %mul3A_75 : i32
      %add3A_77 = arith.constant 0 : i32
      %add3A_78 = arith.addi %mul3A_76, %add3A_77 : i32
      %ge3A = arith.constant 3 : i32
      %ge3A_79 = arith.cmpi sge, %add3A_78, %ge3A : i32
      %convert_element_type3A_80 = arith.extui %ge3A_79 : i1 to i32
      %cond3A_81 = arith.constant 0 : i32
      %cond3A_82 = arith.cmpi ne, %convert_element_type3A_80, %cond3A_81 : i32
      scf.if %cond3A_82 {
        %dma_wait3A_283 = arith.constant 2 : i32
        %dma_wait3A_284 = arith.constant 0 : i32
        %dma_wait3A_285 = arith.constant 0 : i32
        %dma_wait3A_286 = tpu.memref_slice %arg12[%dma_wait3A_283, %dma_wait3A_284, %dma_wait3A_285] : memref<5x40x128xf32, #tpu.memory_space<vmem>> -> memref<1x40x128xf32, #tpu.memory_space<vmem>>
        %dma_wait3A_287 = tpu.memref_squeeze %dma_wait3A_286 : memref<1x40x128xf32, #tpu.memory_space<vmem>> -> memref<40x128xf32, #tpu.memory_space<vmem>>
        %dma_wait3A_288 = arith.constant 0 : i32
        %dma_wait3A_289 = arith.constant 0 : i32
        %dma_wait3A_290 = tpu.memref_slice %arg6[%dma_wait3A_288, %dma_wait3A_289] : memref<10000x128xf32, #tpu.memory_space<vmem_shared>> -> memref<10000x128xf32, #tpu.memory_space<vmem_shared>>
        tpu.wait_indirect_dma semaphore(%arg25 : memref<!tpu.dma_semaphore, #tpu.memory_space<semaphore_mem>>) src(%dma_wait3A_287 : memref<40x128xf32, #tpu.memory_space<vmem>>) dst(%dma_wait3A_290 : memref<10000x128xf32, #tpu.memory_space<vmem_shared>>)
      } else {
      }
      %add3A_83 = arith.constant 2 : i32
      %add3A_84 = arith.addi %add3A_78, %add3A_83 : i32
      %lt3A = arith.constant 125 : i32
      %lt3A_85 = arith.cmpi slt, %add3A_84, %lt3A : i32
      %convert_element_type3A_86 = arith.extui %lt3A_85 : i1 to i32
      %cond3A_87 = arith.constant 0 : i32
      %cond3A_88 = arith.cmpi ne, %convert_element_type3A_86, %cond3A_87 : i32
      scf.if %cond3A_88 {
        %add3A_283 = arith.constant 2 : i32
        %add3A_284 = arith.addi %add3A_78, %add3A_283 : i32
        %mul3A_285 = arith.constant 40 : i32
        %mul3A_286 = arith.muli %add3A_284, %mul3A_285 : i32
        %add3A_287 = arith.addi %mul3A_2, %mul3A_286 : i32
        %dma_start3A_288 = tpu.memref_slice %arg2[%add3A_287] : memref<160000xi32, #tpu.memory_space<hbm>> -> memref<40xi32, #tpu.memory_space<hbm>>
        %dma_start3A_289 = tpu.memref_slice %arg2[%add3A_287] : memref<160000xi32, #tpu.memory_space<hbm>> -> memref<40xi32, #tpu.memory_space<hbm>>
        tpu.enqueue_dma source(%dma_start3A_289 : memref<40xi32, #tpu.memory_space<hbm>>) target(%arg9 : memref<40xi32, #tpu.memory_space<vmem>>) target_semaphore(%arg15 : memref<!tpu.dma_semaphore, #tpu.memory_space<semaphore_mem>>)
        %dma_start3A_290 = arith.constant 2 : i32
        %dma_start3A_291 = arith.constant 0 : i32
        %dma_start3A_292 = arith.constant 0 : i32
        %dma_start3A_293 = tpu.memref_slice %arg12[%dma_start3A_290, %dma_start3A_291, %dma_start3A_292] : memref<5x40x128xf32, #tpu.memory_space<vmem>> -> memref<1x40x128xf32, #tpu.memory_space<vmem>>
        %dma_start3A_294 = tpu.memref_squeeze %dma_start3A_293 : memref<1x40x128xf32, #tpu.memory_space<vmem>> -> memref<40x128xf32, #tpu.memory_space<vmem>>
        %dma_start3A_295 = arith.constant 0 : i32
        %dma_start3A_296 = tpu.memref_slice %arg3[%add3A_287, %dma_start3A_295] : memref<160000x128xf32, #tpu.memory_space<hbm>> -> memref<40x128xf32, #tpu.memory_space<hbm>>
        %dma_start3A_297 = arith.constant 0 : i32
        %dma_start3A_298 = arith.constant 0 : i32
        %dma_start3A_299 = tpu.memref_slice %arg12[%dma_start3A_290, %dma_start3A_297, %dma_start3A_298] : memref<5x40x128xf32, #tpu.memory_space<vmem>> -> memref<1x40x128xf32, #tpu.memory_space<vmem>>
        %dma_start3A_300 = tpu.memref_squeeze %dma_start3A_299 : memref<1x40x128xf32, #tpu.memory_space<vmem>> -> memref<40x128xf32, #tpu.memory_space<vmem>>
        %dma_start3A_301 = arith.constant 0 : i32
        %dma_start3A_302 = tpu.memref_slice %arg3[%add3A_287, %dma_start3A_301] : memref<160000x128xf32, #tpu.memory_space<hbm>> -> memref<40x128xf32, #tpu.memory_space<hbm>>
        tpu.enqueue_dma source(%dma_start3A_302 : memref<40x128xf32, #tpu.memory_space<hbm>>) target(%dma_start3A_300 : memref<40x128xf32, #tpu.memory_space<vmem>>) target_semaphore(%arg20 : memref<!tpu.dma_semaphore, #tpu.memory_space<semaphore_mem>>)
      } else {
      }
      %mul3A_89 = arith.constant 40 : i32
      %mul3A_90 = arith.muli %add3A_78, %mul3A_89 : i32
      %add3A_91 = arith.addi %mul3A_2, %mul3A_90 : i32
      %dma_wait3A_92 = tpu.memref_slice %arg2[%add3A_91] : memref<160000xi32, #tpu.memory_space<hbm>> -> memref<40xi32, #tpu.memory_space<hbm>>
      %dma_wait3A_93 = tpu.memref_slice %arg2[%add3A_91] : memref<160000xi32, #tpu.memory_space<hbm>> -> memref<40xi32, #tpu.memory_space<hbm>>
      tpu.wait_dma2 semaphore(%arg13 : memref<!tpu.dma_semaphore, #tpu.memory_space<semaphore_mem>>) src(%dma_wait3A_93 : memref<40xi32, #tpu.memory_space<hbm>>) dst(%arg7 : memref<40xi32, #tpu.memory_space<vmem>>)
      %dma_wait3A_94 = arith.constant 0 : i32
      %dma_wait3A_95 = arith.constant 0 : i32
      %dma_wait3A_96 = arith.constant 0 : i32
      %dma_wait3A_97 = tpu.memref_slice %arg12[%dma_wait3A_94, %dma_wait3A_95, %dma_wait3A_96] : memref<5x40x128xf32, #tpu.memory_space<vmem>> -> memref<1x40x128xf32, #tpu.memory_space<vmem>>
      %dma_wait3A_98 = tpu.memref_squeeze %dma_wait3A_97 : memref<1x40x128xf32, #tpu.memory_space<vmem>> -> memref<40x128xf32, #tpu.memory_space<vmem>>
      %dma_wait3A_99 = arith.constant 0 : i32
      %dma_wait3A_100 = tpu.memref_slice %arg3[%add3A_91, %dma_wait3A_99] : memref<160000x128xf32, #tpu.memory_space<hbm>> -> memref<40x128xf32, #tpu.memory_space<hbm>>
      %dma_wait3A_101 = arith.constant 0 : i32
      %dma_wait3A_102 = arith.constant 0 : i32
      %dma_wait3A_103 = tpu.memref_slice %arg12[%dma_wait3A_94, %dma_wait3A_101, %dma_wait3A_102] : memref<5x40x128xf32, #tpu.memory_space<vmem>> -> memref<1x40x128xf32, #tpu.memory_space<vmem>>
      %dma_wait3A_104 = tpu.memref_squeeze %dma_wait3A_103 : memref<1x40x128xf32, #tpu.memory_space<vmem>> -> memref<40x128xf32, #tpu.memory_space<vmem>>
      %dma_wait3A_105 = arith.constant 0 : i32
      %dma_wait3A_106 = tpu.memref_slice %arg3[%add3A_91, %dma_wait3A_105] : memref<160000x128xf32, #tpu.memory_space<hbm>> -> memref<40x128xf32, #tpu.memory_space<hbm>>
      tpu.wait_dma2 semaphore(%arg18 : memref<!tpu.dma_semaphore, #tpu.memory_space<semaphore_mem>>) src(%dma_wait3A_106 : memref<40x128xf32, #tpu.memory_space<hbm>>) dst(%dma_wait3A_104 : memref<40x128xf32, #tpu.memory_space<vmem>>)
      %dma_start3A_107 = arith.constant 0 : i32
      %dma_start3A_108 = arith.constant 0 : i32
      %dma_start3A_109 = arith.constant 0 : i32
      %dma_start3A_110 = tpu.memref_slice %arg12[%dma_start3A_107, %dma_start3A_108, %dma_start3A_109] : memref<5x40x128xf32, #tpu.memory_space<vmem>> -> memref<1x40x128xf32, #tpu.memory_space<vmem>>
      %dma_start3A_111 = tpu.memref_squeeze %dma_start3A_110 : memref<1x40x128xf32, #tpu.memory_space<vmem>> -> memref<40x128xf32, #tpu.memory_space<vmem>>
      %dma_start3A_112 = arith.constant 0 : i32
      %dma_start3A_113 = arith.constant 0 : i32
      %dma_start3A_114 = tpu.memref_slice %arg6[%dma_start3A_112, %dma_start3A_113] : memref<10000x128xf32, #tpu.memory_space<vmem_shared>> -> memref<10000x128xf32, #tpu.memory_space<vmem_shared>>
      tpu.enqueue_indirect_dma source(%dma_start3A_111 : memref<40x128xf32, #tpu.memory_space<vmem>>) target(%dma_start3A_114 : memref<10000x128xf32, #tpu.memory_space<vmem_shared>>) offsets(%arg7 : memref<40xi32, #tpu.memory_space<vmem>>) semaphore(%arg23 : memref<!tpu.dma_semaphore, #tpu.memory_space<semaphore_mem>>) {add = true}
      %mul3A_115 = arith.constant 5 : i32
      %mul3A_116 = arith.muli %scan3A_74, %mul3A_115 : i32
      %add3A_117 = arith.constant 1 : i32
      %add3A_118 = arith.addi %mul3A_116, %add3A_117 : i32
      %ge3A_119 = arith.constant 3 : i32
      %ge3A_120 = arith.cmpi sge, %add3A_118, %ge3A_119 : i32
      %convert_element_type3A_121 = arith.extui %ge3A_120 : i1 to i32
      %cond3A_122 = arith.constant 0 : i32
      %cond3A_123 = arith.cmpi ne, %convert_element_type3A_121, %cond3A_122 : i32
      scf.if %cond3A_123 {
        %dma_wait3A_283 = arith.constant 3 : i32
        %dma_wait3A_284 = arith.constant 0 : i32
        %dma_wait3A_285 = arith.constant 0 : i32
        %dma_wait3A_286 = tpu.memref_slice %arg12[%dma_wait3A_283, %dma_wait3A_284, %dma_wait3A_285] : memref<5x40x128xf32, #tpu.memory_space<vmem>> -> memref<1x40x128xf32, #tpu.memory_space<vmem>>
        %dma_wait3A_287 = tpu.memref_squeeze %dma_wait3A_286 : memref<1x40x128xf32, #tpu.memory_space<vmem>> -> memref<40x128xf32, #tpu.memory_space<vmem>>
        %dma_wait3A_288 = arith.constant 0 : i32
        %dma_wait3A_289 = arith.constant 0 : i32
        %dma_wait3A_290 = tpu.memref_slice %arg6[%dma_wait3A_288, %dma_wait3A_289] : memref<10000x128xf32, #tpu.memory_space<vmem_shared>> -> memref<10000x128xf32, #tpu.memory_space<vmem_shared>>
        tpu.wait_indirect_dma semaphore(%arg26 : memref<!tpu.dma_semaphore, #tpu.memory_space<semaphore_mem>>) src(%dma_wait3A_287 : memref<40x128xf32, #tpu.memory_space<vmem>>) dst(%dma_wait3A_290 : memref<10000x128xf32, #tpu.memory_space<vmem_shared>>)
      } else {
      }
      %add3A_124 = arith.constant 2 : i32
      %add3A_125 = arith.addi %add3A_118, %add3A_124 : i32
      %lt3A_126 = arith.constant 125 : i32
      %lt3A_127 = arith.cmpi slt, %add3A_125, %lt3A_126 : i32
      %convert_element_type3A_128 = arith.extui %lt3A_127 : i1 to i32
      %cond3A_129 = arith.constant 0 : i32
      %cond3A_130 = arith.cmpi ne, %convert_element_type3A_128, %cond3A_129 : i32
      scf.if %cond3A_130 {
        %add3A_283 = arith.constant 2 : i32
        %add3A_284 = arith.addi %add3A_118, %add3A_283 : i32
        %mul3A_285 = arith.constant 40 : i32
        %mul3A_286 = arith.muli %add3A_284, %mul3A_285 : i32
        %add3A_287 = arith.addi %mul3A_2, %mul3A_286 : i32
        %dma_start3A_288 = tpu.memref_slice %arg2[%add3A_287] : memref<160000xi32, #tpu.memory_space<hbm>> -> memref<40xi32, #tpu.memory_space<hbm>>
        %dma_start3A_289 = tpu.memref_slice %arg2[%add3A_287] : memref<160000xi32, #tpu.memory_space<hbm>> -> memref<40xi32, #tpu.memory_space<hbm>>
        tpu.enqueue_dma source(%dma_start3A_289 : memref<40xi32, #tpu.memory_space<hbm>>) target(%arg10 : memref<40xi32, #tpu.memory_space<vmem>>) target_semaphore(%arg16 : memref<!tpu.dma_semaphore, #tpu.memory_space<semaphore_mem>>)
        %dma_start3A_290 = arith.constant 3 : i32
        %dma_start3A_291 = arith.constant 0 : i32
        %dma_start3A_292 = arith.constant 0 : i32
        %dma_start3A_293 = tpu.memref_slice %arg12[%dma_start3A_290, %dma_start3A_291, %dma_start3A_292] : memref<5x40x128xf32, #tpu.memory_space<vmem>> -> memref<1x40x128xf32, #tpu.memory_space<vmem>>
        %dma_start3A_294 = tpu.memref_squeeze %dma_start3A_293 : memref<1x40x128xf32, #tpu.memory_space<vmem>> -> memref<40x128xf32, #tpu.memory_space<vmem>>
        %dma_start3A_295 = arith.constant 0 : i32
        %dma_start3A_296 = tpu.memref_slice %arg3[%add3A_287, %dma_start3A_295] : memref<160000x128xf32, #tpu.memory_space<hbm>> -> memref<40x128xf32, #tpu.memory_space<hbm>>
        %dma_start3A_297 = arith.constant 0 : i32
        %dma_start3A_298 = arith.constant 0 : i32
        %dma_start3A_299 = tpu.memref_slice %arg12[%dma_start3A_290, %dma_start3A_297, %dma_start3A_298] : memref<5x40x128xf32, #tpu.memory_space<vmem>> -> memref<1x40x128xf32, #tpu.memory_space<vmem>>
        %dma_start3A_300 = tpu.memref_squeeze %dma_start3A_299 : memref<1x40x128xf32, #tpu.memory_space<vmem>> -> memref<40x128xf32, #tpu.memory_space<vmem>>
        %dma_start3A_301 = arith.constant 0 : i32
        %dma_start3A_302 = tpu.memref_slice %arg3[%add3A_287, %dma_start3A_301] : memref<160000x128xf32, #tpu.memory_space<hbm>> -> memref<40x128xf32, #tpu.memory_space<hbm>>
        tpu.enqueue_dma source(%dma_start3A_302 : memref<40x128xf32, #tpu.memory_space<hbm>>) target(%dma_start3A_300 : memref<40x128xf32, #tpu.memory_space<vmem>>) target_semaphore(%arg21 : memref<!tpu.dma_semaphore, #tpu.memory_space<semaphore_mem>>)
      } else {
      }
      %mul3A_131 = arith.constant 40 : i32
      %mul3A_132 = arith.muli %add3A_118, %mul3A_131 : i32
      %add3A_133 = arith.addi %mul3A_2, %mul3A_132 : i32
      %dma_wait3A_134 = tpu.memref_slice %arg2[%add3A_133] : memref<160000xi32, #tpu.memory_space<hbm>> -> memref<40xi32, #tpu.memory_space<hbm>>
      %dma_wait3A_135 = tpu.memref_slice %arg2[%add3A_133] : memref<160000xi32, #tpu.memory_space<hbm>> -> memref<40xi32, #tpu.memory_space<hbm>>
      tpu.wait_dma2 semaphore(%arg14 : memref<!tpu.dma_semaphore, #tpu.memory_space<semaphore_mem>>) src(%dma_wait3A_135 : memref<40xi32, #tpu.memory_space<hbm>>) dst(%arg8 : memref<40xi32, #tpu.memory_space<vmem>>)
      %dma_wait3A_136 = arith.constant 1 : i32
      %dma_wait3A_137 = arith.constant 0 : i32
      %dma_wait3A_138 = arith.constant 0 : i32
      %dma_wait3A_139 = tpu.memref_slice %arg12[%dma_wait3A_136, %dma_wait3A_137, %dma_wait3A_138] : memref<5x40x128xf32, #tpu.memory_space<vmem>> -> memref<1x40x128xf32, #tpu.memory_space<vmem>>
      %dma_wait3A_140 = tpu.memref_squeeze %dma_wait3A_139 : memref<1x40x128xf32, #tpu.memory_space<vmem>> -> memref<40x128xf32, #tpu.memory_space<vmem>>
      %dma_wait3A_141 = arith.constant 0 : i32
      %dma_wait3A_142 = tpu.memref_slice %arg3[%add3A_133, %dma_wait3A_141] : memref<160000x128xf32, #tpu.memory_space<hbm>> -> memref<40x128xf32, #tpu.memory_space<hbm>>
      %dma_wait3A_143 = arith.constant 0 : i32
      %dma_wait3A_144 = arith.constant 0 : i32
      %dma_wait3A_145 = tpu.memref_slice %arg12[%dma_wait3A_136, %dma_wait3A_143, %dma_wait3A_144] : memref<5x40x128xf32, #tpu.memory_space<vmem>> -> memref<1x40x128xf32, #tpu.memory_space<vmem>>
      %dma_wait3A_146 = tpu.memref_squeeze %dma_wait3A_145 : memref<1x40x128xf32, #tpu.memory_space<vmem>> -> memref<40x128xf32, #tpu.memory_space<vmem>>
      %dma_wait3A_147 = arith.constant 0 : i32
      %dma_wait3A_148 = tpu.memref_slice %arg3[%add3A_133, %dma_wait3A_147] : memref<160000x128xf32, #tpu.memory_space<hbm>> -> memref<40x128xf32, #tpu.memory_space<hbm>>
      tpu.wait_dma2 semaphore(%arg19 : memref<!tpu.dma_semaphore, #tpu.memory_space<semaphore_mem>>) src(%dma_wait3A_148 : memref<40x128xf32, #tpu.memory_space<hbm>>) dst(%dma_wait3A_146 : memref<40x128xf32, #tpu.memory_space<vmem>>)
      %dma_start3A_149 = arith.constant 1 : i32
      %dma_start3A_150 = arith.constant 0 : i32
      %dma_start3A_151 = arith.constant 0 : i32
      %dma_start3A_152 = tpu.memref_slice %arg12[%dma_start3A_149, %dma_start3A_150, %dma_start3A_151] : memref<5x40x128xf32, #tpu.memory_space<vmem>> -> memref<1x40x128xf32, #tpu.memory_space<vmem>>
      %dma_start3A_153 = tpu.memref_squeeze %dma_start3A_152 : memref<1x40x128xf32, #tpu.memory_space<vmem>> -> memref<40x128xf32, #tpu.memory_space<vmem>>
      %dma_start3A_154 = arith.constant 0 : i32
      %dma_start3A_155 = arith.constant 0 : i32
      %dma_start3A_156 = tpu.memref_slice %arg6[%dma_start3A_154, %dma_start3A_155] : memref<10000x128xf32, #tpu.memory_space<vmem_shared>> -> memref<10000x128xf32, #tpu.memory_space<vmem_shared>>
      tpu.enqueue_indirect_dma source(%dma_start3A_153 : memref<40x128xf32, #tpu.memory_space<vmem>>) target(%dma_start3A_156 : memref<10000x128xf32, #tpu.memory_space<vmem_shared>>) offsets(%arg8 : memref<40xi32, #tpu.memory_space<vmem>>) semaphore(%arg24 : memref<!tpu.dma_semaphore, #tpu.memory_space<semaphore_mem>>) {add = true}
      %mul3A_157 = arith.constant 5 : i32
      %mul3A_158 = arith.muli %scan3A_74, %mul3A_157 : i32
      %add3A_159 = arith.constant 2 : i32
      %add3A_160 = arith.addi %mul3A_158, %add3A_159 : i32
      %ge3A_161 = arith.constant 3 : i32
      %ge3A_162 = arith.cmpi sge, %add3A_160, %ge3A_161 : i32
      %convert_element_type3A_163 = arith.extui %ge3A_162 : i1 to i32
      %cond3A_164 = arith.constant 0 : i32
      %cond3A_165 = arith.cmpi ne, %convert_element_type3A_163, %cond3A_164 : i32
      scf.if %cond3A_165 {
        %dma_wait3A_283 = arith.constant 4 : i32
        %dma_wait3A_284 = arith.constant 0 : i32
        %dma_wait3A_285 = arith.constant 0 : i32
        %dma_wait3A_286 = tpu.memref_slice %arg12[%dma_wait3A_283, %dma_wait3A_284, %dma_wait3A_285] : memref<5x40x128xf32, #tpu.memory_space<vmem>> -> memref<1x40x128xf32, #tpu.memory_space<vmem>>
        %dma_wait3A_287 = tpu.memref_squeeze %dma_wait3A_286 : memref<1x40x128xf32, #tpu.memory_space<vmem>> -> memref<40x128xf32, #tpu.memory_space<vmem>>
        %dma_wait3A_288 = arith.constant 0 : i32
        %dma_wait3A_289 = arith.constant 0 : i32
        %dma_wait3A_290 = tpu.memref_slice %arg6[%dma_wait3A_288, %dma_wait3A_289] : memref<10000x128xf32, #tpu.memory_space<vmem_shared>> -> memref<10000x128xf32, #tpu.memory_space<vmem_shared>>
        tpu.wait_indirect_dma semaphore(%arg27 : memref<!tpu.dma_semaphore, #tpu.memory_space<semaphore_mem>>) src(%dma_wait3A_287 : memref<40x128xf32, #tpu.memory_space<vmem>>) dst(%dma_wait3A_290 : memref<10000x128xf32, #tpu.memory_space<vmem_shared>>)
      } else {
      }
      %add3A_166 = arith.constant 2 : i32
      %add3A_167 = arith.addi %add3A_160, %add3A_166 : i32
      %lt3A_168 = arith.constant 125 : i32
      %lt3A_169 = arith.cmpi slt, %add3A_167, %lt3A_168 : i32
      %convert_element_type3A_170 = arith.extui %lt3A_169 : i1 to i32
      %cond3A_171 = arith.constant 0 : i32
      %cond3A_172 = arith.cmpi ne, %convert_element_type3A_170, %cond3A_171 : i32
      scf.if %cond3A_172 {
        %add3A_283 = arith.constant 2 : i32
        %add3A_284 = arith.addi %add3A_160, %add3A_283 : i32
        %mul3A_285 = arith.constant 40 : i32
        %mul3A_286 = arith.muli %add3A_284, %mul3A_285 : i32
        %add3A_287 = arith.addi %mul3A_2, %mul3A_286 : i32
        %dma_start3A_288 = tpu.memref_slice %arg2[%add3A_287] : memref<160000xi32, #tpu.memory_space<hbm>> -> memref<40xi32, #tpu.memory_space<hbm>>
        %dma_start3A_289 = tpu.memref_slice %arg2[%add3A_287] : memref<160000xi32, #tpu.memory_space<hbm>> -> memref<40xi32, #tpu.memory_space<hbm>>
        tpu.enqueue_dma source(%dma_start3A_289 : memref<40xi32, #tpu.memory_space<hbm>>) target(%arg11 : memref<40xi32, #tpu.memory_space<vmem>>) target_semaphore(%arg17 : memref<!tpu.dma_semaphore, #tpu.memory_space<semaphore_mem>>)
        %dma_start3A_290 = arith.constant 4 : i32
        %dma_start3A_291 = arith.constant 0 : i32
        %dma_start3A_292 = arith.constant 0 : i32
        %dma_start3A_293 = tpu.memref_slice %arg12[%dma_start3A_290, %dma_start3A_291, %dma_start3A_292] : memref<5x40x128xf32, #tpu.memory_space<vmem>> -> memref<1x40x128xf32, #tpu.memory_space<vmem>>
        %dma_start3A_294 = tpu.memref_squeeze %dma_start3A_293 : memref<1x40x128xf32, #tpu.memory_space<vmem>> -> memref<40x128xf32, #tpu.memory_space<vmem>>
        %dma_start3A_295 = arith.constant 0 : i32
        %dma_start3A_296 = tpu.memref_slice %arg3[%add3A_287, %dma_start3A_295] : memref<160000x128xf32, #tpu.memory_space<hbm>> -> memref<40x128xf32, #tpu.memory_space<hbm>>
        %dma_start3A_297 = arith.constant 0 : i32
        %dma_start3A_298 = arith.constant 0 : i32
        %dma_start3A_299 = tpu.memref_slice %arg12[%dma_start3A_290, %dma_start3A_297, %dma_start3A_298] : memref<5x40x128xf32, #tpu.memory_space<vmem>> -> memref<1x40x128xf32, #tpu.memory_space<vmem>>
        %dma_start3A_300 = tpu.memref_squeeze %dma_start3A_299 : memref<1x40x128xf32, #tpu.memory_space<vmem>> -> memref<40x128xf32, #tpu.memory_space<vmem>>
        %dma_start3A_301 = arith.constant 0 : i32
        %dma_start3A_302 = tpu.memref_slice %arg3[%add3A_287, %dma_start3A_301] : memref<160000x128xf32, #tpu.memory_space<hbm>> -> memref<40x128xf32, #tpu.memory_space<hbm>>
        tpu.enqueue_dma source(%dma_start3A_302 : memref<40x128xf32, #tpu.memory_space<hbm>>) target(%dma_start3A_300 : memref<40x128xf32, #tpu.memory_space<vmem>>) target_semaphore(%arg22 : memref<!tpu.dma_semaphore, #tpu.memory_space<semaphore_mem>>)
      } else {
      }
      %mul3A_173 = arith.constant 40 : i32
      %mul3A_174 = arith.muli %add3A_160, %mul3A_173 : i32
      %add3A_175 = arith.addi %mul3A_2, %mul3A_174 : i32
      %dma_wait3A_176 = tpu.memref_slice %arg2[%add3A_175] : memref<160000xi32, #tpu.memory_space<hbm>> -> memref<40xi32, #tpu.memory_space<hbm>>
      %dma_wait3A_177 = tpu.memref_slice %arg2[%add3A_175] : memref<160000xi32, #tpu.memory_space<hbm>> -> memref<40xi32, #tpu.memory_space<hbm>>
      tpu.wait_dma2 semaphore(%arg15 : memref<!tpu.dma_semaphore, #tpu.memory_space<semaphore_mem>>) src(%dma_wait3A_177 : memref<40xi32, #tpu.memory_space<hbm>>) dst(%arg9 : memref<40xi32, #tpu.memory_space<vmem>>)
      %dma_wait3A_178 = arith.constant 2 : i32
      %dma_wait3A_179 = arith.constant 0 : i32
      %dma_wait3A_180 = arith.constant 0 : i32
      %dma_wait3A_181 = tpu.memref_slice %arg12[%dma_wait3A_178, %dma_wait3A_179, %dma_wait3A_180] : memref<5x40x128xf32, #tpu.memory_space<vmem>> -> memref<1x40x128xf32, #tpu.memory_space<vmem>>
      %dma_wait3A_182 = tpu.memref_squeeze %dma_wait3A_181 : memref<1x40x128xf32, #tpu.memory_space<vmem>> -> memref<40x128xf32, #tpu.memory_space<vmem>>
      %dma_wait3A_183 = arith.constant 0 : i32
      %dma_wait3A_184 = tpu.memref_slice %arg3[%add3A_175, %dma_wait3A_183] : memref<160000x128xf32, #tpu.memory_space<hbm>> -> memref<40x128xf32, #tpu.memory_space<hbm>>
      %dma_wait3A_185 = arith.constant 0 : i32
      %dma_wait3A_186 = arith.constant 0 : i32
      %dma_wait3A_187 = tpu.memref_slice %arg12[%dma_wait3A_178, %dma_wait3A_185, %dma_wait3A_186] : memref<5x40x128xf32, #tpu.memory_space<vmem>> -> memref<1x40x128xf32, #tpu.memory_space<vmem>>
      %dma_wait3A_188 = tpu.memref_squeeze %dma_wait3A_187 : memref<1x40x128xf32, #tpu.memory_space<vmem>> -> memref<40x128xf32, #tpu.memory_space<vmem>>
      %dma_wait3A_189 = arith.constant 0 : i32
      %dma_wait3A_190 = tpu.memref_slice %arg3[%add3A_175, %dma_wait3A_189] : memref<160000x128xf32, #tpu.memory_space<hbm>> -> memref<40x128xf32, #tpu.memory_space<hbm>>
      tpu.wait_dma2 semaphore(%arg20 : memref<!tpu.dma_semaphore, #tpu.memory_space<semaphore_mem>>) src(%dma_wait3A_190 : memref<40x128xf32, #tpu.memory_space<hbm>>) dst(%dma_wait3A_188 : memref<40x128xf32, #tpu.memory_space<vmem>>)
      %dma_start3A_191 = arith.constant 2 : i32
      %dma_start3A_192 = arith.constant 0 : i32
      %dma_start3A_193 = arith.constant 0 : i32
      %dma_start3A_194 = tpu.memref_slice %arg12[%dma_start3A_191, %dma_start3A_192, %dma_start3A_193] : memref<5x40x128xf32, #tpu.memory_space<vmem>> -> memref<1x40x128xf32, #tpu.memory_space<vmem>>
      %dma_start3A_195 = tpu.memref_squeeze %dma_start3A_194 : memref<1x40x128xf32, #tpu.memory_space<vmem>> -> memref<40x128xf32, #tpu.memory_space<vmem>>
      %dma_start3A_196 = arith.constant 0 : i32
      %dma_start3A_197 = arith.constant 0 : i32
      %dma_start3A_198 = tpu.memref_slice %arg6[%dma_start3A_196, %dma_start3A_197] : memref<10000x128xf32, #tpu.memory_space<vmem_shared>> -> memref<10000x128xf32, #tpu.memory_space<vmem_shared>>
      tpu.enqueue_indirect_dma source(%dma_start3A_195 : memref<40x128xf32, #tpu.memory_space<vmem>>) target(%dma_start3A_198 : memref<10000x128xf32, #tpu.memory_space<vmem_shared>>) offsets(%arg9 : memref<40xi32, #tpu.memory_space<vmem>>) semaphore(%arg25 : memref<!tpu.dma_semaphore, #tpu.memory_space<semaphore_mem>>) {add = true}
      %mul3A_199 = arith.constant 5 : i32
      %mul3A_200 = arith.muli %scan3A_74, %mul3A_199 : i32
      %add3A_201 = arith.constant 3 : i32
      %add3A_202 = arith.addi %mul3A_200, %add3A_201 : i32
      %ge3A_203 = arith.constant 3 : i32
      %ge3A_204 = arith.cmpi sge, %add3A_202, %ge3A_203 : i32
      %convert_element_type3A_205 = arith.extui %ge3A_204 : i1 to i32
      %cond3A_206 = arith.constant 0 : i32
      %cond3A_207 = arith.cmpi ne, %convert_element_type3A_205, %cond3A_206 : i32
      scf.if %cond3A_207 {
        %dma_wait3A_283 = arith.constant 0 : i32
        %dma_wait3A_284 = arith.constant 0 : i32
        %dma_wait3A_285 = arith.constant 0 : i32
        %dma_wait3A_286 = tpu.memref_slice %arg12[%dma_wait3A_283, %dma_wait3A_284, %dma_wait3A_285] : memref<5x40x128xf32, #tpu.memory_space<vmem>> -> memref<1x40x128xf32, #tpu.memory_space<vmem>>
        %dma_wait3A_287 = tpu.memref_squeeze %dma_wait3A_286 : memref<1x40x128xf32, #tpu.memory_space<vmem>> -> memref<40x128xf32, #tpu.memory_space<vmem>>
        %dma_wait3A_288 = arith.constant 0 : i32
        %dma_wait3A_289 = arith.constant 0 : i32
        %dma_wait3A_290 = tpu.memref_slice %arg6[%dma_wait3A_288, %dma_wait3A_289] : memref<10000x128xf32, #tpu.memory_space<vmem_shared>> -> memref<10000x128xf32, #tpu.memory_space<vmem_shared>>
        tpu.wait_indirect_dma semaphore(%arg23 : memref<!tpu.dma_semaphore, #tpu.memory_space<semaphore_mem>>) src(%dma_wait3A_287 : memref<40x128xf32, #tpu.memory_space<vmem>>) dst(%dma_wait3A_290 : memref<10000x128xf32, #tpu.memory_space<vmem_shared>>)
      } else {
      }
      %add3A_208 = arith.constant 2 : i32
      %add3A_209 = arith.addi %add3A_202, %add3A_208 : i32
      %lt3A_210 = arith.constant 125 : i32
      %lt3A_211 = arith.cmpi slt, %add3A_209, %lt3A_210 : i32
      %convert_element_type3A_212 = arith.extui %lt3A_211 : i1 to i32
      %cond3A_213 = arith.constant 0 : i32
      %cond3A_214 = arith.cmpi ne, %convert_element_type3A_212, %cond3A_213 : i32
      scf.if %cond3A_214 {
        %add3A_283 = arith.constant 2 : i32
        %add3A_284 = arith.addi %add3A_202, %add3A_283 : i32
        %mul3A_285 = arith.constant 40 : i32
        %mul3A_286 = arith.muli %add3A_284, %mul3A_285 : i32
        %add3A_287 = arith.addi %mul3A_2, %mul3A_286 : i32
        %dma_start3A_288 = tpu.memref_slice %arg2[%add3A_287] : memref<160000xi32, #tpu.memory_space<hbm>> -> memref<40xi32, #tpu.memory_space<hbm>>
        %dma_start3A_289 = tpu.memref_slice %arg2[%add3A_287] : memref<160000xi32, #tpu.memory_space<hbm>> -> memref<40xi32, #tpu.memory_space<hbm>>
        tpu.enqueue_dma source(%dma_start3A_289 : memref<40xi32, #tpu.memory_space<hbm>>) target(%arg7 : memref<40xi32, #tpu.memory_space<vmem>>) target_semaphore(%arg13 : memref<!tpu.dma_semaphore, #tpu.memory_space<semaphore_mem>>)
        %dma_start3A_290 = arith.constant 0 : i32
        %dma_start3A_291 = arith.constant 0 : i32
        %dma_start3A_292 = arith.constant 0 : i32
        %dma_start3A_293 = tpu.memref_slice %arg12[%dma_start3A_290, %dma_start3A_291, %dma_start3A_292] : memref<5x40x128xf32, #tpu.memory_space<vmem>> -> memref<1x40x128xf32, #tpu.memory_space<vmem>>
        %dma_start3A_294 = tpu.memref_squeeze %dma_start3A_293 : memref<1x40x128xf32, #tpu.memory_space<vmem>> -> memref<40x128xf32, #tpu.memory_space<vmem>>
        %dma_start3A_295 = arith.constant 0 : i32
        %dma_start3A_296 = tpu.memref_slice %arg3[%add3A_287, %dma_start3A_295] : memref<160000x128xf32, #tpu.memory_space<hbm>> -> memref<40x128xf32, #tpu.memory_space<hbm>>
        %dma_start3A_297 = arith.constant 0 : i32
        %dma_start3A_298 = arith.constant 0 : i32
        %dma_start3A_299 = tpu.memref_slice %arg12[%dma_start3A_290, %dma_start3A_297, %dma_start3A_298] : memref<5x40x128xf32, #tpu.memory_space<vmem>> -> memref<1x40x128xf32, #tpu.memory_space<vmem>>
        %dma_start3A_300 = tpu.memref_squeeze %dma_start3A_299 : memref<1x40x128xf32, #tpu.memory_space<vmem>> -> memref<40x128xf32, #tpu.memory_space<vmem>>
        %dma_start3A_301 = arith.constant 0 : i32
        %dma_start3A_302 = tpu.memref_slice %arg3[%add3A_287, %dma_start3A_301] : memref<160000x128xf32, #tpu.memory_space<hbm>> -> memref<40x128xf32, #tpu.memory_space<hbm>>
        tpu.enqueue_dma source(%dma_start3A_302 : memref<40x128xf32, #tpu.memory_space<hbm>>) target(%dma_start3A_300 : memref<40x128xf32, #tpu.memory_space<vmem>>) target_semaphore(%arg18 : memref<!tpu.dma_semaphore, #tpu.memory_space<semaphore_mem>>)
      } else {
      }
      %mul3A_215 = arith.constant 40 : i32
      %mul3A_216 = arith.muli %add3A_202, %mul3A_215 : i32
      %add3A_217 = arith.addi %mul3A_2, %mul3A_216 : i32
      %dma_wait3A_218 = tpu.memref_slice %arg2[%add3A_217] : memref<160000xi32, #tpu.memory_space<hbm>> -> memref<40xi32, #tpu.memory_space<hbm>>
      %dma_wait3A_219 = tpu.memref_slice %arg2[%add3A_217] : memref<160000xi32, #tpu.memory_space<hbm>> -> memref<40xi32, #tpu.memory_space<hbm>>
      tpu.wait_dma2 semaphore(%arg16 : memref<!tpu.dma_semaphore, #tpu.memory_space<semaphore_mem>>) src(%dma_wait3A_219 : memref<40xi32, #tpu.memory_space<hbm>>) dst(%arg10 : memref<40xi32, #tpu.memory_space<vmem>>)
      %dma_wait3A_220 = arith.constant 3 : i32
      %dma_wait3A_221 = arith.constant 0 : i32
      %dma_wait3A_222 = arith.constant 0 : i32
      %dma_wait3A_223 = tpu.memref_slice %arg12[%dma_wait3A_220, %dma_wait3A_221, %dma_wait3A_222] : memref<5x40x128xf32, #tpu.memory_space<vmem>> -> memref<1x40x128xf32, #tpu.memory_space<vmem>>
      %dma_wait3A_224 = tpu.memref_squeeze %dma_wait3A_223 : memref<1x40x128xf32, #tpu.memory_space<vmem>> -> memref<40x128xf32, #tpu.memory_space<vmem>>
      %dma_wait3A_225 = arith.constant 0 : i32
      %dma_wait3A_226 = tpu.memref_slice %arg3[%add3A_217, %dma_wait3A_225] : memref<160000x128xf32, #tpu.memory_space<hbm>> -> memref<40x128xf32, #tpu.memory_space<hbm>>
      %dma_wait3A_227 = arith.constant 0 : i32
      %dma_wait3A_228 = arith.constant 0 : i32
      %dma_wait3A_229 = tpu.memref_slice %arg12[%dma_wait3A_220, %dma_wait3A_227, %dma_wait3A_228] : memref<5x40x128xf32, #tpu.memory_space<vmem>> -> memref<1x40x128xf32, #tpu.memory_space<vmem>>
      %dma_wait3A_230 = tpu.memref_squeeze %dma_wait3A_229 : memref<1x40x128xf32, #tpu.memory_space<vmem>> -> memref<40x128xf32, #tpu.memory_space<vmem>>
      %dma_wait3A_231 = arith.constant 0 : i32
      %dma_wait3A_232 = tpu.memref_slice %arg3[%add3A_217, %dma_wait3A_231] : memref<160000x128xf32, #tpu.memory_space<hbm>> -> memref<40x128xf32, #tpu.memory_space<hbm>>
      tpu.wait_dma2 semaphore(%arg21 : memref<!tpu.dma_semaphore, #tpu.memory_space<semaphore_mem>>) src(%dma_wait3A_232 : memref<40x128xf32, #tpu.memory_space<hbm>>) dst(%dma_wait3A_230 : memref<40x128xf32, #tpu.memory_space<vmem>>)
      %dma_start3A_233 = arith.constant 3 : i32
      %dma_start3A_234 = arith.constant 0 : i32
      %dma_start3A_235 = arith.constant 0 : i32
      %dma_start3A_236 = tpu.memref_slice %arg12[%dma_start3A_233, %dma_start3A_234, %dma_start3A_235] : memref<5x40x128xf32, #tpu.memory_space<vmem>> -> memref<1x40x128xf32, #tpu.memory_space<vmem>>
      %dma_start3A_237 = tpu.memref_squeeze %dma_start3A_236 : memref<1x40x128xf32, #tpu.memory_space<vmem>> -> memref<40x128xf32, #tpu.memory_space<vmem>>
      %dma_start3A_238 = arith.constant 0 : i32
      %dma_start3A_239 = arith.constant 0 : i32
      %dma_start3A_240 = tpu.memref_slice %arg6[%dma_start3A_238, %dma_start3A_239] : memref<10000x128xf32, #tpu.memory_space<vmem_shared>> -> memref<10000x128xf32, #tpu.memory_space<vmem_shared>>
      tpu.enqueue_indirect_dma source(%dma_start3A_237 : memref<40x128xf32, #tpu.memory_space<vmem>>) target(%dma_start3A_240 : memref<10000x128xf32, #tpu.memory_space<vmem_shared>>) offsets(%arg10 : memref<40xi32, #tpu.memory_space<vmem>>) semaphore(%arg26 : memref<!tpu.dma_semaphore, #tpu.memory_space<semaphore_mem>>) {add = true}
      %mul3A_241 = arith.constant 5 : i32
      %mul3A_242 = arith.muli %scan3A_74, %mul3A_241 : i32
      %add3A_243 = arith.constant 4 : i32
      %add3A_244 = arith.addi %mul3A_242, %add3A_243 : i32
      %ge3A_245 = arith.constant 3 : i32
      %ge3A_246 = arith.cmpi sge, %add3A_244, %ge3A_245 : i32
      %convert_element_type3A_247 = arith.extui %ge3A_246 : i1 to i32
      %cond3A_248 = arith.constant 0 : i32
      %cond3A_249 = arith.cmpi ne, %convert_element_type3A_247, %cond3A_248 : i32
      scf.if %cond3A_249 {
        %dma_wait3A_283 = arith.constant 1 : i32
        %dma_wait3A_284 = arith.constant 0 : i32
        %dma_wait3A_285 = arith.constant 0 : i32
        %dma_wait3A_286 = tpu.memref_slice %arg12[%dma_wait3A_283, %dma_wait3A_284, %dma_wait3A_285] : memref<5x40x128xf32, #tpu.memory_space<vmem>> -> memref<1x40x128xf32, #tpu.memory_space<vmem>>
        %dma_wait3A_287 = tpu.memref_squeeze %dma_wait3A_286 : memref<1x40x128xf32, #tpu.memory_space<vmem>> -> memref<40x128xf32, #tpu.memory_space<vmem>>
        %dma_wait3A_288 = arith.constant 0 : i32
        %dma_wait3A_289 = arith.constant 0 : i32
        %dma_wait3A_290 = tpu.memref_slice %arg6[%dma_wait3A_288, %dma_wait3A_289] : memref<10000x128xf32, #tpu.memory_space<vmem_shared>> -> memref<10000x128xf32, #tpu.memory_space<vmem_shared>>
        tpu.wait_indirect_dma semaphore(%arg24 : memref<!tpu.dma_semaphore, #tpu.memory_space<semaphore_mem>>) src(%dma_wait3A_287 : memref<40x128xf32, #tpu.memory_space<vmem>>) dst(%dma_wait3A_290 : memref<10000x128xf32, #tpu.memory_space<vmem_shared>>)
      } else {
      }
      %add3A_250 = arith.constant 2 : i32
      %add3A_251 = arith.addi %add3A_244, %add3A_250 : i32
      %lt3A_252 = arith.constant 125 : i32
      %lt3A_253 = arith.cmpi slt, %add3A_251, %lt3A_252 : i32
      %convert_element_type3A_254 = arith.extui %lt3A_253 : i1 to i32
      %cond3A_255 = arith.constant 0 : i32
      %cond3A_256 = arith.cmpi ne, %convert_element_type3A_254, %cond3A_255 : i32
      scf.if %cond3A_256 {
        %add3A_283 = arith.constant 2 : i32
        %add3A_284 = arith.addi %add3A_244, %add3A_283 : i32
        %mul3A_285 = arith.constant 40 : i32
        %mul3A_286 = arith.muli %add3A_284, %mul3A_285 : i32
        %add3A_287 = arith.addi %mul3A_2, %mul3A_286 : i32
        %dma_start3A_288 = tpu.memref_slice %arg2[%add3A_287] : memref<160000xi32, #tpu.memory_space<hbm>> -> memref<40xi32, #tpu.memory_space<hbm>>
        %dma_start3A_289 = tpu.memref_slice %arg2[%add3A_287] : memref<160000xi32, #tpu.memory_space<hbm>> -> memref<40xi32, #tpu.memory_space<hbm>>
        tpu.enqueue_dma source(%dma_start3A_289 : memref<40xi32, #tpu.memory_space<hbm>>) target(%arg8 : memref<40xi32, #tpu.memory_space<vmem>>) target_semaphore(%arg14 : memref<!tpu.dma_semaphore, #tpu.memory_space<semaphore_mem>>)
        %dma_start3A_290 = arith.constant 1 : i32
        %dma_start3A_291 = arith.constant 0 : i32
        %dma_start3A_292 = arith.constant 0 : i32
        %dma_start3A_293 = tpu.memref_slice %arg12[%dma_start3A_290, %dma_start3A_291, %dma_start3A_292] : memref<5x40x128xf32, #tpu.memory_space<vmem>> -> memref<1x40x128xf32, #tpu.memory_space<vmem>>
        %dma_start3A_294 = tpu.memref_squeeze %dma_start3A_293 : memref<1x40x128xf32, #tpu.memory_space<vmem>> -> memref<40x128xf32, #tpu.memory_space<vmem>>
        %dma_start3A_295 = arith.constant 0 : i32
        %dma_start3A_296 = tpu.memref_slice %arg3[%add3A_287, %dma_start3A_295] : memref<160000x128xf32, #tpu.memory_space<hbm>> -> memref<40x128xf32, #tpu.memory_space<hbm>>
        %dma_start3A_297 = arith.constant 0 : i32
        %dma_start3A_298 = arith.constant 0 : i32
        %dma_start3A_299 = tpu.memref_slice %arg12[%dma_start3A_290, %dma_start3A_297, %dma_start3A_298] : memref<5x40x128xf32, #tpu.memory_space<vmem>> -> memref<1x40x128xf32, #tpu.memory_space<vmem>>
        %dma_start3A_300 = tpu.memref_squeeze %dma_start3A_299 : memref<1x40x128xf32, #tpu.memory_space<vmem>> -> memref<40x128xf32, #tpu.memory_space<vmem>>
        %dma_start3A_301 = arith.constant 0 : i32
        %dma_start3A_302 = tpu.memref_slice %arg3[%add3A_287, %dma_start3A_301] : memref<160000x128xf32, #tpu.memory_space<hbm>> -> memref<40x128xf32, #tpu.memory_space<hbm>>
        tpu.enqueue_dma source(%dma_start3A_302 : memref<40x128xf32, #tpu.memory_space<hbm>>) target(%dma_start3A_300 : memref<40x128xf32, #tpu.memory_space<vmem>>) target_semaphore(%arg19 : memref<!tpu.dma_semaphore, #tpu.memory_space<semaphore_mem>>)
      } else {
      }
      %mul3A_257 = arith.constant 40 : i32
      %mul3A_258 = arith.muli %add3A_244, %mul3A_257 : i32
      %add3A_259 = arith.addi %mul3A_2, %mul3A_258 : i32
      %dma_wait3A_260 = tpu.memref_slice %arg2[%add3A_259] : memref<160000xi32, #tpu.memory_space<hbm>> -> memref<40xi32, #tpu.memory_space<hbm>>
      %dma_wait3A_261 = tpu.memref_slice %arg2[%add3A_259] : memref<160000xi32, #tpu.memory_space<hbm>> -> memref<40xi32, #tpu.memory_space<hbm>>
      tpu.wait_dma2 semaphore(%arg17 : memref<!tpu.dma_semaphore, #tpu.memory_space<semaphore_mem>>) src(%dma_wait3A_261 : memref<40xi32, #tpu.memory_space<hbm>>) dst(%arg11 : memref<40xi32, #tpu.memory_space<vmem>>)
      %dma_wait3A_262 = arith.constant 4 : i32
      %dma_wait3A_263 = arith.constant 0 : i32
      %dma_wait3A_264 = arith.constant 0 : i32
      %dma_wait3A_265 = tpu.memref_slice %arg12[%dma_wait3A_262, %dma_wait3A_263, %dma_wait3A_264] : memref<5x40x128xf32, #tpu.memory_space<vmem>> -> memref<1x40x128xf32, #tpu.memory_space<vmem>>
      %dma_wait3A_266 = tpu.memref_squeeze %dma_wait3A_265 : memref<1x40x128xf32, #tpu.memory_space<vmem>> -> memref<40x128xf32, #tpu.memory_space<vmem>>
      %dma_wait3A_267 = arith.constant 0 : i32
      %dma_wait3A_268 = tpu.memref_slice %arg3[%add3A_259, %dma_wait3A_267] : memref<160000x128xf32, #tpu.memory_space<hbm>> -> memref<40x128xf32, #tpu.memory_space<hbm>>
      %dma_wait3A_269 = arith.constant 0 : i32
      %dma_wait3A_270 = arith.constant 0 : i32
      %dma_wait3A_271 = tpu.memref_slice %arg12[%dma_wait3A_262, %dma_wait3A_269, %dma_wait3A_270] : memref<5x40x128xf32, #tpu.memory_space<vmem>> -> memref<1x40x128xf32, #tpu.memory_space<vmem>>
      %dma_wait3A_272 = tpu.memref_squeeze %dma_wait3A_271 : memref<1x40x128xf32, #tpu.memory_space<vmem>> -> memref<40x128xf32, #tpu.memory_space<vmem>>
      %dma_wait3A_273 = arith.constant 0 : i32
      %dma_wait3A_274 = tpu.memref_slice %arg3[%add3A_259, %dma_wait3A_273] : memref<160000x128xf32, #tpu.memory_space<hbm>> -> memref<40x128xf32, #tpu.memory_space<hbm>>
      tpu.wait_dma2 semaphore(%arg22 : memref<!tpu.dma_semaphore, #tpu.memory_space<semaphore_mem>>) src(%dma_wait3A_274 : memref<40x128xf32, #tpu.memory_space<hbm>>) dst(%dma_wait3A_272 : memref<40x128xf32, #tpu.memory_space<vmem>>)
      %dma_start3A_275 = arith.constant 4 : i32
      %dma_start3A_276 = arith.constant 0 : i32
      %dma_start3A_277 = arith.constant 0 : i32
      %dma_start3A_278 = tpu.memref_slice %arg12[%dma_start3A_275, %dma_start3A_276, %dma_start3A_277] : memref<5x40x128xf32, #tpu.memory_space<vmem>> -> memref<1x40x128xf32, #tpu.memory_space<vmem>>
      %dma_start3A_279 = tpu.memref_squeeze %dma_start3A_278 : memref<1x40x128xf32, #tpu.memory_space<vmem>> -> memref<40x128xf32, #tpu.memory_space<vmem>>
      %dma_start3A_280 = arith.constant 0 : i32
      %dma_start3A_281 = arith.constant 0 : i32
      %dma_start3A_282 = tpu.memref_slice %arg6[%dma_start3A_280, %dma_start3A_281] : memref<10000x128xf32, #tpu.memory_space<vmem_shared>> -> memref<10000x128xf32, #tpu.memory_space<vmem_shared>>
      tpu.enqueue_indirect_dma source(%dma_start3A_279 : memref<40x128xf32, #tpu.memory_space<vmem>>) target(%dma_start3A_282 : memref<10000x128xf32, #tpu.memory_space<vmem_shared>>) offsets(%arg11 : memref<40xi32, #tpu.memory_space<vmem>>) semaphore(%arg27 : memref<!tpu.dma_semaphore, #tpu.memory_space<semaphore_mem>>) {add = true}
    }
    %scan3A_44 = arith.constant 25 : i32
    %dma_wait3A = arith.constant 2 : i32
    %dma_wait3A_45 = arith.constant 0 : i32
    %dma_wait3A_46 = arith.constant 0 : i32
    %dma_wait3A_47 = tpu.memref_slice %arg12[%dma_wait3A, %dma_wait3A_45, %dma_wait3A_46] : memref<5x40x128xf32, #tpu.memory_space<vmem>> -> memref<1x40x128xf32, #tpu.memory_space<vmem>>
    %dma_wait3A_48 = tpu.memref_squeeze %dma_wait3A_47 : memref<1x40x128xf32, #tpu.memory_space<vmem>> -> memref<40x128xf32, #tpu.memory_space<vmem>>
    %dma_wait3A_49 = arith.constant 0 : i32
    %dma_wait3A_50 = arith.constant 0 : i32
    %dma_wait3A_51 = tpu.memref_slice %arg6[%dma_wait3A_49, %dma_wait3A_50] : memref<10000x128xf32, #tpu.memory_space<vmem_shared>> -> memref<10000x128xf32, #tpu.memory_space<vmem_shared>>
    tpu.wait_indirect_dma semaphore(%arg25 : memref<!tpu.dma_semaphore, #tpu.memory_space<semaphore_mem>>) src(%dma_wait3A_48 : memref<40x128xf32, #tpu.memory_space<vmem>>) dst(%dma_wait3A_51 : memref<10000x128xf32, #tpu.memory_space<vmem_shared>>)
    %dma_wait3A_52 = arith.constant 3 : i32
    %dma_wait3A_53 = arith.constant 0 : i32
    %dma_wait3A_54 = arith.constant 0 : i32
    %dma_wait3A_55 = tpu.memref_slice %arg12[%dma_wait3A_52, %dma_wait3A_53, %dma_wait3A_54] : memref<5x40x128xf32, #tpu.memory_space<vmem>> -> memref<1x40x128xf32, #tpu.memory_space<vmem>>
    %dma_wait3A_56 = tpu.memref_squeeze %dma_wait3A_55 : memref<1x40x128xf32, #tpu.memory_space<vmem>> -> memref<40x128xf32, #tpu.memory_space<vmem>>
    %dma_wait3A_57 = arith.constant 0 : i32
    %dma_wait3A_58 = arith.constant 0 : i32
    %dma_wait3A_59 = tpu.memref_slice %arg6[%dma_wait3A_57, %dma_wait3A_58] : memref<10000x128xf32, #tpu.memory_space<vmem_shared>> -> memref<10000x128xf32, #tpu.memory_space<vmem_shared>>
    tpu.wait_indirect_dma semaphore(%arg26 : memref<!tpu.dma_semaphore, #tpu.memory_space<semaphore_mem>>) src(%dma_wait3A_56 : memref<40x128xf32, #tpu.memory_space<vmem>>) dst(%dma_wait3A_59 : memref<10000x128xf32, #tpu.memory_space<vmem_shared>>)
    %dma_wait3A_60 = arith.constant 4 : i32
    %dma_wait3A_61 = arith.constant 0 : i32
    %dma_wait3A_62 = arith.constant 0 : i32
    %dma_wait3A_63 = tpu.memref_slice %arg12[%dma_wait3A_60, %dma_wait3A_61, %dma_wait3A_62] : memref<5x40x128xf32, #tpu.memory_space<vmem>> -> memref<1x40x128xf32, #tpu.memory_space<vmem>>
    %dma_wait3A_64 = tpu.memref_squeeze %dma_wait3A_63 : memref<1x40x128xf32, #tpu.memory_space<vmem>> -> memref<40x128xf32, #tpu.memory_space<vmem>>
    %dma_wait3A_65 = arith.constant 0 : i32
    %dma_wait3A_66 = arith.constant 0 : i32
    %dma_wait3A_67 = tpu.memref_slice %arg6[%dma_wait3A_65, %dma_wait3A_66] : memref<10000x128xf32, #tpu.memory_space<vmem_shared>> -> memref<10000x128xf32, #tpu.memory_space<vmem_shared>>
    tpu.wait_indirect_dma semaphore(%arg27 : memref<!tpu.dma_semaphore, #tpu.memory_space<semaphore_mem>>) src(%dma_wait3A_64 : memref<40x128xf32, #tpu.memory_space<vmem>>) dst(%dma_wait3A_67 : memref<10000x128xf32, #tpu.memory_space<vmem_shared>>)
    %barrier3A_68 = arith.constant 0 : index
    tpu.barrier barrier_id(%barrier3A_68)
    "tpu.region"() ({
      %run_scoped3A = tpu.sem_alloc : memref<!tpu.dma_semaphore, #tpu.memory_space<semaphore_mem>>
      %dma_start3A_74 = arith.constant 0 : i32
      %dma_start3A_75 = tpu.memref_slice %arg5[%arg0, %mul3A_4, %dma_start3A_74] : memref<2x10000x128xf32, #tpu.memory_space<hbm>> -> memref<1x624x128xf32, #tpu.memory_space<hbm>>
      %dma_start3A_76 = tpu.memref_squeeze %dma_start3A_75 : memref<1x624x128xf32, #tpu.memory_space<hbm>> -> memref<624x128xf32, #tpu.memory_space<hbm>>
      %dma_start3A_77 = arith.constant 0 : i32
      %dma_start3A_78 = tpu.memref_slice %arg6[%mul3A_4, %dma_start3A_77] : memref<10000x128xf32, #tpu.memory_space<vmem_shared>> -> memref<624x128xf32, #tpu.memory_space<vmem_shared>>
      tpu.enqueue_dma source(%dma_start3A_78 : memref<624x128xf32, #tpu.memory_space<vmem_shared>>) target(%dma_start3A_76 : memref<624x128xf32, #tpu.memory_space<hbm>>) target_semaphore(%run_scoped3A : memref<!tpu.dma_semaphore, #tpu.memory_space<semaphore_mem>>)
      %dma_wait3A_79 = arith.constant 0 : i32
      %dma_wait3A_80 = tpu.memref_slice %arg5[%arg0, %mul3A_4, %dma_wait3A_79] : memref<2x10000x128xf32, #tpu.memory_space<hbm>> -> memref<1x624x128xf32, #tpu.memory_space<hbm>>
      %dma_wait3A_81 = tpu.memref_squeeze %dma_wait3A_80 : memref<1x624x128xf32, #tpu.memory_space<hbm>> -> memref<624x128xf32, #tpu.memory_space<hbm>>
      %dma_wait3A_82 = arith.constant 0 : i32
      %dma_wait3A_83 = tpu.memref_slice %arg6[%mul3A_4, %dma_wait3A_82] : memref<10000x128xf32, #tpu.memory_space<vmem_shared>> -> memref<624x128xf32, #tpu.memory_space<vmem_shared>>
      tpu.wait_dma2 semaphore(%run_scoped3A : memref<!tpu.dma_semaphore, #tpu.memory_space<semaphore_mem>>) src(%dma_wait3A_83 : memref<624x128xf32, #tpu.memory_space<vmem_shared>>) dst(%dma_wait3A_81 : memref<624x128xf32, #tpu.memory_space<hbm>>)
      tpu.yield
    }) : () -> ()
    %eq3A_69 = arith.constant 0 : i32
    %eq3A_70 = arith.cmpi eq, %arg1, %eq3A_69 : i32
    %convert_element_type3A_71 = arith.extui %eq3A_70 : i1 to i32
    %cond3A_72 = arith.constant 0 : i32
    %cond3A_73 = arith.cmpi ne, %convert_element_type3A_71, %cond3A_72 : i32
    scf.if %cond3A_73 {
      "tpu.region"() ({
        %run_scoped3A = tpu.sem_alloc : memref<!tpu.dma_semaphore, #tpu.memory_space<semaphore_mem>>
        %dma_start3A_74 = arith.constant 9984 : i32
        %dma_start3A_75 = arith.constant 0 : i32
        %dma_start3A_76 = tpu.memref_slice %arg5[%arg0, %dma_start3A_74, %dma_start3A_75] : memref<2x10000x128xf32, #tpu.memory_space<hbm>> -> memref<1x16x128xf32, #tpu.memory_space<hbm>>
        %dma_start3A_77 = tpu.memref_squeeze %dma_start3A_76 : memref<1x16x128xf32, #tpu.memory_space<hbm>> -> memref<16x128xf32, #tpu.memory_space<hbm>>
        %dma_start3A_78 = arith.constant 9984 : i32
        %dma_start3A_79 = arith.constant 0 : i32
        %dma_start3A_80 = tpu.memref_slice %arg6[%dma_start3A_78, %dma_start3A_79] : memref<10000x128xf32, #tpu.memory_space<vmem_shared>> -> memref<16x128xf32, #tpu.memory_space<vmem_shared>>
        tpu.enqueue_dma source(%dma_start3A_80 : memref<16x128xf32, #tpu.memory_space<vmem_shared>>) target(%dma_start3A_77 : memref<16x128xf32, #tpu.memory_space<hbm>>) target_semaphore(%run_scoped3A : memref<!tpu.dma_semaphore, #tpu.memory_space<semaphore_mem>>)
        %dma_wait3A_81 = arith.constant 9984 : i32
        %dma_wait3A_82 = arith.constant 0 : i32
        %dma_wait3A_83 = tpu.memref_slice %arg5[%arg0, %dma_wait3A_81, %dma_wait3A_82] : memref<2x10000x128xf32, #tpu.memory_space<hbm>> -> memref<1x16x128xf32, #tpu.memory_space<hbm>>
        %dma_wait3A_84 = tpu.memref_squeeze %dma_wait3A_83 : memref<1x16x128xf32, #tpu.memory_space<hbm>> -> memref<16x128xf32, #tpu.memory_space<hbm>>
        %dma_wait3A_85 = arith.constant 9984 : i32
        %dma_wait3A_86 = arith.constant 0 : i32
        %dma_wait3A_87 = tpu.memref_slice %arg6[%dma_wait3A_85, %dma_wait3A_86] : memref<10000x128xf32, #tpu.memory_space<vmem_shared>> -> memref<16x128xf32, #tpu.memory_space<vmem_shared>>
        tpu.wait_dma2 semaphore(%run_scoped3A : memref<!tpu.dma_semaphore, #tpu.memory_space<semaphore_mem>>) src(%dma_wait3A_87 : memref<16x128xf32, #tpu.memory_space<vmem_shared>>) dst(%dma_wait3A_84 : memref<16x128xf32, #tpu.memory_space<hbm>>)
        tpu.yield
      }) : () -> ()
    } else {
    }
    return
  }
}

#map = affine_map<(d0, d1) -> (0)>
#map1 = affine_map<(d0, d1) -> (0, 0)>
module attributes {stable_mosaic.version = 14 : i64} {
  func.func @gather_kernel(%arg0: i32, %arg1: i32, %arg2: memref<160000xi32, #tpu.memory_space<hbm>>, %arg3: memref<160000xi32, #tpu.memory_space<hbm>>, %arg4: memref<10000x128xf32, #tpu.memory_space<hbm>>, %arg5: memref<10000x128xf32, #tpu.memory_space<hbm>>, %arg6: memref<160000x128xf32, #tpu.memory_space<hbm>>, %arg7: memref<160000x128xf32, #tpu.memory_space<hbm>>, %arg8: memref<5000xi32, #tpu.memory_space<vmem>>, %arg9: memref<5000xi32, #tpu.memory_space<vmem>>, %arg10: memref<5x40x128xf32, #tpu.memory_space<vmem>>, %arg11: memref<5x40x128xf32, #tpu.memory_space<vmem>>, %arg12: memref<!tpu.dma_semaphore, #tpu.memory_space<semaphore_mem>>, %arg13: memref<!tpu.dma_semaphore, #tpu.memory_space<semaphore_mem>>, %arg14: memref<!tpu.dma_semaphore, #tpu.memory_space<semaphore_mem>>, %arg15: memref<!tpu.dma_semaphore, #tpu.memory_space<semaphore_mem>>, %arg16: memref<!tpu.dma_semaphore, #tpu.memory_space<semaphore_mem>>, %arg17: memref<!tpu.dma_semaphore, #tpu.memory_space<semaphore_mem>>, %arg18: memref<!tpu.dma_semaphore, #tpu.memory_space<semaphore_mem>>, %arg19: memref<!tpu.dma_semaphore, #tpu.memory_space<semaphore_mem>>, %arg20: memref<!tpu.dma_semaphore, #tpu.memory_space<semaphore_mem>>, %arg21: memref<!tpu.dma_semaphore, #tpu.memory_space<semaphore_mem>>, %arg22: memref<!tpu.dma_semaphore, #tpu.memory_space<semaphore_mem>>, %arg23: memref<!tpu.dma_semaphore, #tpu.memory_space<semaphore_mem>>, %arg24: memref<!tpu.dma_semaphore, #tpu.memory_space<semaphore_mem>>, %arg25: memref<!tpu.dma_semaphore, #tpu.memory_space<semaphore_mem>>, %arg26: memref<!tpu.dma_semaphore, #tpu.memory_space<semaphore_mem>>, %arg27: memref<!tpu.dma_semaphore, #tpu.memory_space<semaphore_mem>>, %arg28: memref<!tpu.dma_semaphore, #tpu.memory_space<semaphore_mem>>, %arg29: memref<!tpu.dma_semaphore, #tpu.memory_space<semaphore_mem>>, %arg30: memref<!tpu.dma_semaphore, #tpu.memory_space<semaphore_mem>>, %arg31: memref<!tpu.dma_semaphore, #tpu.memory_space<semaphore_mem>>) attributes {dimension_semantics = [#tpu.dimension_semantics<core_parallel>, #tpu.dimension_semantics<subcore_parallel>], iteration_bounds = array<i64: 2, 16>, scalar_prefetch = 0 : i64, scratch_operands = 24 : i64, tpu.core_type = #tpu.core_type<sc_vector_subcore>, window_params = [{transform_indices = #map}, {transform_indices = #map}, {transform_indices = #map1}, {transform_indices = #map1}, {transform_indices = #map1}, {transform_indices = #map1}]} {
    %mul3A = arith.constant 2 : i32
    %mul3A_0 = arith.muli %arg1, %mul3A : i32
    %add3A = arith.addi %mul3A_0, %arg0 : i32
    %mul3A_1 = arith.constant 5000 : i32
    %mul3A_2 = arith.muli %add3A, %mul3A_1 : i32
    "tpu.region"() ({
      %run_scoped3A = tpu.sem_alloc : memref<!tpu.dma_semaphore, #tpu.memory_space<semaphore_mem>>
      %dma_start3A_130 = tpu.memref_slice %arg2[%mul3A_2] : memref<160000xi32, #tpu.memory_space<hbm>> -> memref<5000xi32, #tpu.memory_space<hbm>>
      %dma_start3A_131 = tpu.memref_slice %arg2[%mul3A_2] : memref<160000xi32, #tpu.memory_space<hbm>> -> memref<5000xi32, #tpu.memory_space<hbm>>
      tpu.enqueue_dma source(%dma_start3A_131 : memref<5000xi32, #tpu.memory_space<hbm>>) target(%arg8 : memref<5000xi32, #tpu.memory_space<vmem>>) target_semaphore(%run_scoped3A : memref<!tpu.dma_semaphore, #tpu.memory_space<semaphore_mem>>)
      %dma_wait3A_132 = tpu.memref_slice %arg2[%mul3A_2] : memref<160000xi32, #tpu.memory_space<hbm>> -> memref<5000xi32, #tpu.memory_space<hbm>>
      %dma_wait3A_133 = tpu.memref_slice %arg2[%mul3A_2] : memref<160000xi32, #tpu.memory_space<hbm>> -> memref<5000xi32, #tpu.memory_space<hbm>>
      tpu.wait_dma2 semaphore(%run_scoped3A : memref<!tpu.dma_semaphore, #tpu.memory_space<semaphore_mem>>) src(%dma_wait3A_133 : memref<5000xi32, #tpu.memory_space<hbm>>) dst(%arg8 : memref<5000xi32, #tpu.memory_space<vmem>>)
      tpu.yield
    }) : () -> ()
    "tpu.region"() ({
      %run_scoped3A = tpu.sem_alloc : memref<!tpu.dma_semaphore, #tpu.memory_space<semaphore_mem>>
      %dma_start3A_130 = tpu.memref_slice %arg3[%mul3A_2] : memref<160000xi32, #tpu.memory_space<hbm>> -> memref<5000xi32, #tpu.memory_space<hbm>>
      %dma_start3A_131 = tpu.memref_slice %arg3[%mul3A_2] : memref<160000xi32, #tpu.memory_space<hbm>> -> memref<5000xi32, #tpu.memory_space<hbm>>
      tpu.enqueue_dma source(%dma_start3A_131 : memref<5000xi32, #tpu.memory_space<hbm>>) target(%arg9 : memref<5000xi32, #tpu.memory_space<vmem>>) target_semaphore(%run_scoped3A : memref<!tpu.dma_semaphore, #tpu.memory_space<semaphore_mem>>)
      %dma_wait3A_132 = tpu.memref_slice %arg3[%mul3A_2] : memref<160000xi32, #tpu.memory_space<hbm>> -> memref<5000xi32, #tpu.memory_space<hbm>>
      %dma_wait3A_133 = tpu.memref_slice %arg3[%mul3A_2] : memref<160000xi32, #tpu.memory_space<hbm>> -> memref<5000xi32, #tpu.memory_space<hbm>>
      tpu.wait_dma2 semaphore(%run_scoped3A : memref<!tpu.dma_semaphore, #tpu.memory_space<semaphore_mem>>) src(%dma_wait3A_133 : memref<5000xi32, #tpu.memory_space<hbm>>) dst(%arg9 : memref<5000xi32, #tpu.memory_space<vmem>>)
      tpu.yield
    }) : () -> ()
    %dma_start3A = arith.constant 0 : i32
    %dma_start3A_3 = arith.constant 0 : i32
    %dma_start3A_4 = arith.constant 0 : i32
    %dma_start3A_5 = tpu.memref_slice %arg10[%dma_start3A, %dma_start3A_3, %dma_start3A_4] : memref<5x40x128xf32, #tpu.memory_space<vmem>> -> memref<1x40x128xf32, #tpu.memory_space<vmem>>
    %dma_start3A_6 = tpu.memref_squeeze %dma_start3A_5 : memref<1x40x128xf32, #tpu.memory_space<vmem>> -> memref<40x128xf32, #tpu.memory_space<vmem>>
    %dma_start3A_7 = arith.constant 0 : i32
    %dma_start3A_8 = tpu.memref_slice %arg8[%dma_start3A_7] : memref<5000xi32, #tpu.memory_space<vmem>> -> memref<40xi32, #tpu.memory_space<vmem>>
    %dma_start3A_9 = arith.constant 0 : i32
    %dma_start3A_10 = arith.constant 0 : i32
    %dma_start3A_11 = tpu.memref_slice %arg4[%dma_start3A_9, %dma_start3A_10] : memref<10000x128xf32, #tpu.memory_space<hbm>> -> memref<10000x128xf32, #tpu.memory_space<hbm>>
    tpu.enqueue_indirect_dma source(%dma_start3A_11 : memref<10000x128xf32, #tpu.memory_space<hbm>>) target(%dma_start3A_6 : memref<40x128xf32, #tpu.memory_space<vmem>>) offsets(%dma_start3A_8 : memref<40xi32, #tpu.memory_space<vmem>>) semaphore(%arg12 : memref<!tpu.dma_semaphore, #tpu.memory_space<semaphore_mem>>)
    %dma_start3A_12 = arith.constant 0 : i32
    %dma_start3A_13 = arith.constant 0 : i32
    %dma_start3A_14 = arith.constant 0 : i32
    %dma_start3A_15 = tpu.memref_slice %arg11[%dma_start3A_12, %dma_start3A_13, %dma_start3A_14] : memref<5x40x128xf32, #tpu.memory_space<vmem>> -> memref<1x40x128xf32, #tpu.memory_space<vmem>>
    %dma_start3A_16 = tpu.memref_squeeze %dma_start3A_15 : memref<1x40x128xf32, #tpu.memory_space<vmem>> -> memref<40x128xf32, #tpu.memory_space<vmem>>
    %dma_start3A_17 = arith.constant 0 : i32
    %dma_start3A_18 = tpu.memref_slice %arg9[%dma_start3A_17] : memref<5000xi32, #tpu.memory_space<vmem>> -> memref<40xi32, #tpu.memory_space<vmem>>
    %dma_start3A_19 = arith.constant 0 : i32
    %dma_start3A_20 = arith.constant 0 : i32
    %dma_start3A_21 = tpu.memref_slice %arg5[%dma_start3A_19, %dma_start3A_20] : memref<10000x128xf32, #tpu.memory_space<hbm>> -> memref<10000x128xf32, #tpu.memory_space<hbm>>
    tpu.enqueue_indirect_dma source(%dma_start3A_21 : memref<10000x128xf32, #tpu.memory_space<hbm>>) target(%dma_start3A_16 : memref<40x128xf32, #tpu.memory_space<vmem>>) offsets(%dma_start3A_18 : memref<40xi32, #tpu.memory_space<vmem>>) semaphore(%arg17 : memref<!tpu.dma_semaphore, #tpu.memory_space<semaphore_mem>>)
    %dma_start3A_22 = arith.constant 1 : i32
    %dma_start3A_23 = arith.constant 0 : i32
    %dma_start3A_24 = arith.constant 0 : i32
    %dma_start3A_25 = tpu.memref_slice %arg10[%dma_start3A_22, %dma_start3A_23, %dma_start3A_24] : memref<5x40x128xf32, #tpu.memory_space<vmem>> -> memref<1x40x128xf32, #tpu.memory_space<vmem>>
    %dma_start3A_26 = tpu.memref_squeeze %dma_start3A_25 : memref<1x40x128xf32, #tpu.memory_space<vmem>> -> memref<40x128xf32, #tpu.memory_space<vmem>>
    %dma_start3A_27 = arith.constant 40 : i32
    %dma_start3A_28 = tpu.memref_slice %arg8[%dma_start3A_27] : memref<5000xi32, #tpu.memory_space<vmem>> -> memref<40xi32, #tpu.memory_space<vmem>>
    %dma_start3A_29 = arith.constant 0 : i32
    %dma_start3A_30 = arith.constant 0 : i32
    %dma_start3A_31 = tpu.memref_slice %arg4[%dma_start3A_29, %dma_start3A_30] : memref<10000x128xf32, #tpu.memory_space<hbm>> -> memref<10000x128xf32, #tpu.memory_space<hbm>>
    tpu.enqueue_indirect_dma source(%dma_start3A_31 : memref<10000x128xf32, #tpu.memory_space<hbm>>) target(%dma_start3A_26 : memref<40x128xf32, #tpu.memory_space<vmem>>) offsets(%dma_start3A_28 : memref<40xi32, #tpu.memory_space<vmem>>) semaphore(%arg13 : memref<!tpu.dma_semaphore, #tpu.memory_space<semaphore_mem>>)
    %dma_start3A_32 = arith.constant 1 : i32
    %dma_start3A_33 = arith.constant 0 : i32
    %dma_start3A_34 = arith.constant 0 : i32
    %dma_start3A_35 = tpu.memref_slice %arg11[%dma_start3A_32, %dma_start3A_33, %dma_start3A_34] : memref<5x40x128xf32, #tpu.memory_space<vmem>> -> memref<1x40x128xf32, #tpu.memory_space<vmem>>
    %dma_start3A_36 = tpu.memref_squeeze %dma_start3A_35 : memref<1x40x128xf32, #tpu.memory_space<vmem>> -> memref<40x128xf32, #tpu.memory_space<vmem>>
    %dma_start3A_37 = arith.constant 40 : i32
    %dma_start3A_38 = tpu.memref_slice %arg9[%dma_start3A_37] : memref<5000xi32, #tpu.memory_space<vmem>> -> memref<40xi32, #tpu.memory_space<vmem>>
    %dma_start3A_39 = arith.constant 0 : i32
    %dma_start3A_40 = arith.constant 0 : i32
    %dma_start3A_41 = tpu.memref_slice %arg5[%dma_start3A_39, %dma_start3A_40] : memref<10000x128xf32, #tpu.memory_space<hbm>> -> memref<10000x128xf32, #tpu.memory_space<hbm>>
    tpu.enqueue_indirect_dma source(%dma_start3A_41 : memref<10000x128xf32, #tpu.memory_space<hbm>>) target(%dma_start3A_36 : memref<40x128xf32, #tpu.memory_space<vmem>>) offsets(%dma_start3A_38 : memref<40xi32, #tpu.memory_space<vmem>>) semaphore(%arg18 : memref<!tpu.dma_semaphore, #tpu.memory_space<semaphore_mem>>)
    %scan3A = arith.constant 0 : i32
    %scan3A_42 = arith.constant 0 : i32
    %scan3A_43 = arith.constant 25 : i32
    %scan3A_44 = arith.addi %scan3A_42, %scan3A_43 : i32
    %scan3A_45 = arith.constant 1 : i32
    scf.for %scan3A_130 = %scan3A_42 to %scan3A_44 step %scan3A_45  : i32 {
      %mul3A_131 = arith.constant 5 : i32
      %mul3A_132 = arith.muli %scan3A_130, %mul3A_131 : i32
      %add3A_133 = arith.constant 0 : i32
      %add3A_134 = arith.addi %mul3A_132, %add3A_133 : i32
      %ge3A = arith.constant 3 : i32
      %ge3A_135 = arith.cmpi sge, %add3A_134, %ge3A : i32
      %convert_element_type3A = arith.extui %ge3A_135 : i1 to i32
      %cond3A = arith.constant 0 : i32
      %cond3A_136 = arith.cmpi ne, %convert_element_type3A, %cond3A : i32
      scf.if %cond3A_136 {
        %mul3A_452 = arith.constant 40 : i32
        %mul3A_453 = arith.muli %add3A_134, %mul3A_452 : i32
        %add3A_454 = arith.addi %mul3A_2, %mul3A_453 : i32
        %dma_wait3A_455 = arith.constant 2 : i32
        %dma_wait3A_456 = arith.constant 0 : i32
        %dma_wait3A_457 = arith.constant 0 : i32
        %dma_wait3A_458 = tpu.memref_slice %arg10[%dma_wait3A_455, %dma_wait3A_456, %dma_wait3A_457] : memref<5x40x128xf32, #tpu.memory_space<vmem>> -> memref<1x40x128xf32, #tpu.memory_space<vmem>>
        %dma_wait3A_459 = tpu.memref_squeeze %dma_wait3A_458 : memref<1x40x128xf32, #tpu.memory_space<vmem>> -> memref<40x128xf32, #tpu.memory_space<vmem>>
        %dma_wait3A_460 = arith.constant 0 : i32
        %dma_wait3A_461 = tpu.memref_slice %arg6[%add3A_454, %dma_wait3A_460] : memref<160000x128xf32, #tpu.memory_space<hbm>> -> memref<40x128xf32, #tpu.memory_space<hbm>>
        %dma_wait3A_462 = arith.constant 0 : i32
        %dma_wait3A_463 = tpu.memref_slice %arg6[%add3A_454, %dma_wait3A_462] : memref<160000x128xf32, #tpu.memory_space<hbm>> -> memref<40x128xf32, #tpu.memory_space<hbm>>
        %dma_wait3A_464 = arith.constant 0 : i32
        %dma_wait3A_465 = arith.constant 0 : i32
        %dma_wait3A_466 = tpu.memref_slice %arg10[%dma_wait3A_455, %dma_wait3A_464, %dma_wait3A_465] : memref<5x40x128xf32, #tpu.memory_space<vmem>> -> memref<1x40x128xf32, #tpu.memory_space<vmem>>
        %dma_wait3A_467 = tpu.memref_squeeze %dma_wait3A_466 : memref<1x40x128xf32, #tpu.memory_space<vmem>> -> memref<40x128xf32, #tpu.memory_space<vmem>>
        tpu.wait_dma2 semaphore(%arg24 : memref<!tpu.dma_semaphore, #tpu.memory_space<semaphore_mem>>) src(%dma_wait3A_467 : memref<40x128xf32, #tpu.memory_space<vmem>>) dst(%dma_wait3A_463 : memref<40x128xf32, #tpu.memory_space<hbm>>)
        %dma_wait3A_468 = arith.constant 2 : i32
        %dma_wait3A_469 = arith.constant 0 : i32
        %dma_wait3A_470 = arith.constant 0 : i32
        %dma_wait3A_471 = tpu.memref_slice %arg11[%dma_wait3A_468, %dma_wait3A_469, %dma_wait3A_470] : memref<5x40x128xf32, #tpu.memory_space<vmem>> -> memref<1x40x128xf32, #tpu.memory_space<vmem>>
        %dma_wait3A_472 = tpu.memref_squeeze %dma_wait3A_471 : memref<1x40x128xf32, #tpu.memory_space<vmem>> -> memref<40x128xf32, #tpu.memory_space<vmem>>
        %dma_wait3A_473 = arith.constant 0 : i32
        %dma_wait3A_474 = tpu.memref_slice %arg7[%add3A_454, %dma_wait3A_473] : memref<160000x128xf32, #tpu.memory_space<hbm>> -> memref<40x128xf32, #tpu.memory_space<hbm>>
        %dma_wait3A_475 = arith.constant 0 : i32
        %dma_wait3A_476 = tpu.memref_slice %arg7[%add3A_454, %dma_wait3A_475] : memref<160000x128xf32, #tpu.memory_space<hbm>> -> memref<40x128xf32, #tpu.memory_space<hbm>>
        %dma_wait3A_477 = arith.constant 0 : i32
        %dma_wait3A_478 = arith.constant 0 : i32
        %dma_wait3A_479 = tpu.memref_slice %arg11[%dma_wait3A_468, %dma_wait3A_477, %dma_wait3A_478] : memref<5x40x128xf32, #tpu.memory_space<vmem>> -> memref<1x40x128xf32, #tpu.memory_space<vmem>>
        %dma_wait3A_480 = tpu.memref_squeeze %dma_wait3A_479 : memref<1x40x128xf32, #tpu.memory_space<vmem>> -> memref<40x128xf32, #tpu.memory_space<vmem>>
        tpu.wait_dma2 semaphore(%arg29 : memref<!tpu.dma_semaphore, #tpu.memory_space<semaphore_mem>>) src(%dma_wait3A_480 : memref<40x128xf32, #tpu.memory_space<vmem>>) dst(%dma_wait3A_476 : memref<40x128xf32, #tpu.memory_space<hbm>>)
      } else {
      }
      %add3A_137 = arith.constant 2 : i32
      %add3A_138 = arith.addi %add3A_134, %add3A_137 : i32
      %lt3A = arith.constant 125 : i32
      %lt3A_139 = arith.cmpi slt, %add3A_138, %lt3A : i32
      %convert_element_type3A_140 = arith.extui %lt3A_139 : i1 to i32
      %cond3A_141 = arith.constant 0 : i32
      %cond3A_142 = arith.cmpi ne, %convert_element_type3A_140, %cond3A_141 : i32
      scf.if %cond3A_142 {
        %add3A_452 = arith.constant 2 : i32
        %add3A_453 = arith.addi %add3A_134, %add3A_452 : i32
        %mul3A_454 = arith.constant 40 : i32
        %mul3A_455 = arith.muli %add3A_453, %mul3A_454 : i32
        %dma_start3A_456 = arith.constant 2 : i32
        %dma_start3A_457 = arith.constant 0 : i32
        %dma_start3A_458 = arith.constant 0 : i32
        %dma_start3A_459 = tpu.memref_slice %arg10[%dma_start3A_456, %dma_start3A_457, %dma_start3A_458] : memref<5x40x128xf32, #tpu.memory_space<vmem>> -> memref<1x40x128xf32, #tpu.memory_space<vmem>>
        %dma_start3A_460 = tpu.memref_squeeze %dma_start3A_459 : memref<1x40x128xf32, #tpu.memory_space<vmem>> -> memref<40x128xf32, #tpu.memory_space<vmem>>
        %dma_start3A_461 = tpu.memref_slice %arg8[%mul3A_455] : memref<5000xi32, #tpu.memory_space<vmem>> -> memref<40xi32, #tpu.memory_space<vmem>>
        %dma_start3A_462 = arith.constant 0 : i32
        %dma_start3A_463 = arith.constant 0 : i32
        %dma_start3A_464 = tpu.memref_slice %arg4[%dma_start3A_462, %dma_start3A_463] : memref<10000x128xf32, #tpu.memory_space<hbm>> -> memref<10000x128xf32, #tpu.memory_space<hbm>>
        tpu.enqueue_indirect_dma source(%dma_start3A_464 : memref<10000x128xf32, #tpu.memory_space<hbm>>) target(%dma_start3A_460 : memref<40x128xf32, #tpu.memory_space<vmem>>) offsets(%dma_start3A_461 : memref<40xi32, #tpu.memory_space<vmem>>) semaphore(%arg14 : memref<!tpu.dma_semaphore, #tpu.memory_space<semaphore_mem>>)
        %dma_start3A_465 = arith.constant 2 : i32
        %dma_start3A_466 = arith.constant 0 : i32
        %dma_start3A_467 = arith.constant 0 : i32
        %dma_start3A_468 = tpu.memref_slice %arg11[%dma_start3A_465, %dma_start3A_466, %dma_start3A_467] : memref<5x40x128xf32, #tpu.memory_space<vmem>> -> memref<1x40x128xf32, #tpu.memory_space<vmem>>
        %dma_start3A_469 = tpu.memref_squeeze %dma_start3A_468 : memref<1x40x128xf32, #tpu.memory_space<vmem>> -> memref<40x128xf32, #tpu.memory_space<vmem>>
        %dma_start3A_470 = tpu.memref_slice %arg9[%mul3A_455] : memref<5000xi32, #tpu.memory_space<vmem>> -> memref<40xi32, #tpu.memory_space<vmem>>
        %dma_start3A_471 = arith.constant 0 : i32
        %dma_start3A_472 = arith.constant 0 : i32
        %dma_start3A_473 = tpu.memref_slice %arg5[%dma_start3A_471, %dma_start3A_472] : memref<10000x128xf32, #tpu.memory_space<hbm>> -> memref<10000x128xf32, #tpu.memory_space<hbm>>
        tpu.enqueue_indirect_dma source(%dma_start3A_473 : memref<10000x128xf32, #tpu.memory_space<hbm>>) target(%dma_start3A_469 : memref<40x128xf32, #tpu.memory_space<vmem>>) offsets(%dma_start3A_470 : memref<40xi32, #tpu.memory_space<vmem>>) semaphore(%arg19 : memref<!tpu.dma_semaphore, #tpu.memory_space<semaphore_mem>>)
      } else {
      }
      %mul3A_143 = arith.constant 40 : i32
      %mul3A_144 = arith.muli %add3A_134, %mul3A_143 : i32
      %dma_wait3A_145 = arith.constant 0 : i32
      %dma_wait3A_146 = arith.constant 0 : i32
      %dma_wait3A_147 = arith.constant 0 : i32
      %dma_wait3A_148 = tpu.memref_slice %arg10[%dma_wait3A_145, %dma_wait3A_146, %dma_wait3A_147] : memref<5x40x128xf32, #tpu.memory_space<vmem>> -> memref<1x40x128xf32, #tpu.memory_space<vmem>>
      %dma_wait3A_149 = tpu.memref_squeeze %dma_wait3A_148 : memref<1x40x128xf32, #tpu.memory_space<vmem>> -> memref<40x128xf32, #tpu.memory_space<vmem>>
      %dma_wait3A_150 = tpu.memref_slice %arg8[%mul3A_144] : memref<5000xi32, #tpu.memory_space<vmem>> -> memref<40xi32, #tpu.memory_space<vmem>>
      %dma_wait3A_151 = arith.constant 0 : i32
      %dma_wait3A_152 = arith.constant 0 : i32
      %dma_wait3A_153 = tpu.memref_slice %arg4[%dma_wait3A_151, %dma_wait3A_152] : memref<10000x128xf32, #tpu.memory_space<hbm>> -> memref<10000x128xf32, #tpu.memory_space<hbm>>
      tpu.wait_indirect_dma semaphore(%arg12 : memref<!tpu.dma_semaphore, #tpu.memory_space<semaphore_mem>>) src(%dma_wait3A_153 : memref<10000x128xf32, #tpu.memory_space<hbm>>) dst(%dma_wait3A_149 : memref<40x128xf32, #tpu.memory_space<vmem>>)
      %dma_wait3A_154 = arith.constant 0 : i32
      %dma_wait3A_155 = arith.constant 0 : i32
      %dma_wait3A_156 = arith.constant 0 : i32
      %dma_wait3A_157 = tpu.memref_slice %arg11[%dma_wait3A_154, %dma_wait3A_155, %dma_wait3A_156] : memref<5x40x128xf32, #tpu.memory_space<vmem>> -> memref<1x40x128xf32, #tpu.memory_space<vmem>>
      %dma_wait3A_158 = tpu.memref_squeeze %dma_wait3A_157 : memref<1x40x128xf32, #tpu.memory_space<vmem>> -> memref<40x128xf32, #tpu.memory_space<vmem>>
      %dma_wait3A_159 = tpu.memref_slice %arg9[%mul3A_144] : memref<5000xi32, #tpu.memory_space<vmem>> -> memref<40xi32, #tpu.memory_space<vmem>>
      %dma_wait3A_160 = arith.constant 0 : i32
      %dma_wait3A_161 = arith.constant 0 : i32
      %dma_wait3A_162 = tpu.memref_slice %arg5[%dma_wait3A_160, %dma_wait3A_161] : memref<10000x128xf32, #tpu.memory_space<hbm>> -> memref<10000x128xf32, #tpu.memory_space<hbm>>
      tpu.wait_indirect_dma semaphore(%arg17 : memref<!tpu.dma_semaphore, #tpu.memory_space<semaphore_mem>>) src(%dma_wait3A_162 : memref<10000x128xf32, #tpu.memory_space<hbm>>) dst(%dma_wait3A_158 : memref<40x128xf32, #tpu.memory_space<vmem>>)
      %mul3A_163 = arith.constant 40 : i32
      %mul3A_164 = arith.muli %add3A_134, %mul3A_163 : i32
      %add3A_165 = arith.addi %mul3A_2, %mul3A_164 : i32
      %dma_start3A_166 = arith.constant 0 : i32
      %dma_start3A_167 = arith.constant 0 : i32
      %dma_start3A_168 = arith.constant 0 : i32
      %dma_start3A_169 = tpu.memref_slice %arg10[%dma_start3A_166, %dma_start3A_167, %dma_start3A_168] : memref<5x40x128xf32, #tpu.memory_space<vmem>> -> memref<1x40x128xf32, #tpu.memory_space<vmem>>
      %dma_start3A_170 = tpu.memref_squeeze %dma_start3A_169 : memref<1x40x128xf32, #tpu.memory_space<vmem>> -> memref<40x128xf32, #tpu.memory_space<vmem>>
      %dma_start3A_171 = arith.constant 0 : i32
      %dma_start3A_172 = tpu.memref_slice %arg6[%add3A_165, %dma_start3A_171] : memref<160000x128xf32, #tpu.memory_space<hbm>> -> memref<40x128xf32, #tpu.memory_space<hbm>>
      %dma_start3A_173 = arith.constant 0 : i32
      %dma_start3A_174 = tpu.memref_slice %arg6[%add3A_165, %dma_start3A_173] : memref<160000x128xf32, #tpu.memory_space<hbm>> -> memref<40x128xf32, #tpu.memory_space<hbm>>
      %dma_start3A_175 = arith.constant 0 : i32
      %dma_start3A_176 = arith.constant 0 : i32
      %dma_start3A_177 = tpu.memref_slice %arg10[%dma_start3A_166, %dma_start3A_175, %dma_start3A_176] : memref<5x40x128xf32, #tpu.memory_space<vmem>> -> memref<1x40x128xf32, #tpu.memory_space<vmem>>
      %dma_start3A_178 = tpu.memref_squeeze %dma_start3A_177 : memref<1x40x128xf32, #tpu.memory_space<vmem>> -> memref<40x128xf32, #tpu.memory_space<vmem>>
      tpu.enqueue_dma source(%dma_start3A_178 : memref<40x128xf32, #tpu.memory_space<vmem>>) target(%dma_start3A_174 : memref<40x128xf32, #tpu.memory_space<hbm>>) target_semaphore(%arg22 : memref<!tpu.dma_semaphore, #tpu.memory_space<semaphore_mem>>)
      %dma_start3A_179 = arith.constant 0 : i32
      %dma_start3A_180 = arith.constant 0 : i32
      %dma_start3A_181 = arith.constant 0 : i32
      %dma_start3A_182 = tpu.memref_slice %arg11[%dma_start3A_179, %dma_start3A_180, %dma_start3A_181] : memref<5x40x128xf32, #tpu.memory_space<vmem>> -> memref<1x40x128xf32, #tpu.memory_space<vmem>>
      %dma_start3A_183 = tpu.memref_squeeze %dma_start3A_182 : memref<1x40x128xf32, #tpu.memory_space<vmem>> -> memref<40x128xf32, #tpu.memory_space<vmem>>
      %dma_start3A_184 = arith.constant 0 : i32
      %dma_start3A_185 = tpu.memref_slice %arg7[%add3A_165, %dma_start3A_184] : memref<160000x128xf32, #tpu.memory_space<hbm>> -> memref<40x128xf32, #tpu.memory_space<hbm>>
      %dma_start3A_186 = arith.constant 0 : i32
      %dma_start3A_187 = tpu.memref_slice %arg7[%add3A_165, %dma_start3A_186] : memref<160000x128xf32, #tpu.memory_space<hbm>> -> memref<40x128xf32, #tpu.memory_space<hbm>>
      %dma_start3A_188 = arith.constant 0 : i32
      %dma_start3A_189 = arith.constant 0 : i32
      %dma_start3A_190 = tpu.memref_slice %arg11[%dma_start3A_179, %dma_start3A_188, %dma_start3A_189] : memref<5x40x128xf32, #tpu.memory_space<vmem>> -> memref<1x40x128xf32, #tpu.memory_space<vmem>>
      %dma_start3A_191 = tpu.memref_squeeze %dma_start3A_190 : memref<1x40x128xf32, #tpu.memory_space<vmem>> -> memref<40x128xf32, #tpu.memory_space<vmem>>
      tpu.enqueue_dma source(%dma_start3A_191 : memref<40x128xf32, #tpu.memory_space<vmem>>) target(%dma_start3A_187 : memref<40x128xf32, #tpu.memory_space<hbm>>) target_semaphore(%arg27 : memref<!tpu.dma_semaphore, #tpu.memory_space<semaphore_mem>>)
      %mul3A_192 = arith.constant 5 : i32
      %mul3A_193 = arith.muli %scan3A_130, %mul3A_192 : i32
      %add3A_194 = arith.constant 1 : i32
      %add3A_195 = arith.addi %mul3A_193, %add3A_194 : i32
      %ge3A_196 = arith.constant 3 : i32
      %ge3A_197 = arith.cmpi sge, %add3A_195, %ge3A_196 : i32
      %convert_element_type3A_198 = arith.extui %ge3A_197 : i1 to i32
      %cond3A_199 = arith.constant 0 : i32
      %cond3A_200 = arith.cmpi ne, %convert_element_type3A_198, %cond3A_199 : i32
      scf.if %cond3A_200 {
        %mul3A_452 = arith.constant 40 : i32
        %mul3A_453 = arith.muli %add3A_195, %mul3A_452 : i32
        %add3A_454 = arith.addi %mul3A_2, %mul3A_453 : i32
        %dma_wait3A_455 = arith.constant 3 : i32
        %dma_wait3A_456 = arith.constant 0 : i32
        %dma_wait3A_457 = arith.constant 0 : i32
        %dma_wait3A_458 = tpu.memref_slice %arg10[%dma_wait3A_455, %dma_wait3A_456, %dma_wait3A_457] : memref<5x40x128xf32, #tpu.memory_space<vmem>> -> memref<1x40x128xf32, #tpu.memory_space<vmem>>
        %dma_wait3A_459 = tpu.memref_squeeze %dma_wait3A_458 : memref<1x40x128xf32, #tpu.memory_space<vmem>> -> memref<40x128xf32, #tpu.memory_space<vmem>>
        %dma_wait3A_460 = arith.constant 0 : i32
        %dma_wait3A_461 = tpu.memref_slice %arg6[%add3A_454, %dma_wait3A_460] : memref<160000x128xf32, #tpu.memory_space<hbm>> -> memref<40x128xf32, #tpu.memory_space<hbm>>
        %dma_wait3A_462 = arith.constant 0 : i32
        %dma_wait3A_463 = tpu.memref_slice %arg6[%add3A_454, %dma_wait3A_462] : memref<160000x128xf32, #tpu.memory_space<hbm>> -> memref<40x128xf32, #tpu.memory_space<hbm>>
        %dma_wait3A_464 = arith.constant 0 : i32
        %dma_wait3A_465 = arith.constant 0 : i32
        %dma_wait3A_466 = tpu.memref_slice %arg10[%dma_wait3A_455, %dma_wait3A_464, %dma_wait3A_465] : memref<5x40x128xf32, #tpu.memory_space<vmem>> -> memref<1x40x128xf32, #tpu.memory_space<vmem>>
        %dma_wait3A_467 = tpu.memref_squeeze %dma_wait3A_466 : memref<1x40x128xf32, #tpu.memory_space<vmem>> -> memref<40x128xf32, #tpu.memory_space<vmem>>
        tpu.wait_dma2 semaphore(%arg25 : memref<!tpu.dma_semaphore, #tpu.memory_space<semaphore_mem>>) src(%dma_wait3A_467 : memref<40x128xf32, #tpu.memory_space<vmem>>) dst(%dma_wait3A_463 : memref<40x128xf32, #tpu.memory_space<hbm>>)
        %dma_wait3A_468 = arith.constant 3 : i32
        %dma_wait3A_469 = arith.constant 0 : i32
        %dma_wait3A_470 = arith.constant 0 : i32
        %dma_wait3A_471 = tpu.memref_slice %arg11[%dma_wait3A_468, %dma_wait3A_469, %dma_wait3A_470] : memref<5x40x128xf32, #tpu.memory_space<vmem>> -> memref<1x40x128xf32, #tpu.memory_space<vmem>>
        %dma_wait3A_472 = tpu.memref_squeeze %dma_wait3A_471 : memref<1x40x128xf32, #tpu.memory_space<vmem>> -> memref<40x128xf32, #tpu.memory_space<vmem>>
        %dma_wait3A_473 = arith.constant 0 : i32
        %dma_wait3A_474 = tpu.memref_slice %arg7[%add3A_454, %dma_wait3A_473] : memref<160000x128xf32, #tpu.memory_space<hbm>> -> memref<40x128xf32, #tpu.memory_space<hbm>>
        %dma_wait3A_475 = arith.constant 0 : i32
        %dma_wait3A_476 = tpu.memref_slice %arg7[%add3A_454, %dma_wait3A_475] : memref<160000x128xf32, #tpu.memory_space<hbm>> -> memref<40x128xf32, #tpu.memory_space<hbm>>
        %dma_wait3A_477 = arith.constant 0 : i32
        %dma_wait3A_478 = arith.constant 0 : i32
        %dma_wait3A_479 = tpu.memref_slice %arg11[%dma_wait3A_468, %dma_wait3A_477, %dma_wait3A_478] : memref<5x40x128xf32, #tpu.memory_space<vmem>> -> memref<1x40x128xf32, #tpu.memory_space<vmem>>
        %dma_wait3A_480 = tpu.memref_squeeze %dma_wait3A_479 : memref<1x40x128xf32, #tpu.memory_space<vmem>> -> memref<40x128xf32, #tpu.memory_space<vmem>>
        tpu.wait_dma2 semaphore(%arg30 : memref<!tpu.dma_semaphore, #tpu.memory_space<semaphore_mem>>) src(%dma_wait3A_480 : memref<40x128xf32, #tpu.memory_space<vmem>>) dst(%dma_wait3A_476 : memref<40x128xf32, #tpu.memory_space<hbm>>)
      } else {
      }
      %add3A_201 = arith.constant 2 : i32
      %add3A_202 = arith.addi %add3A_195, %add3A_201 : i32
      %lt3A_203 = arith.constant 125 : i32
      %lt3A_204 = arith.cmpi slt, %add3A_202, %lt3A_203 : i32
      %convert_element_type3A_205 = arith.extui %lt3A_204 : i1 to i32
      %cond3A_206 = arith.constant 0 : i32
      %cond3A_207 = arith.cmpi ne, %convert_element_type3A_205, %cond3A_206 : i32
      scf.if %cond3A_207 {
        %add3A_452 = arith.constant 2 : i32
        %add3A_453 = arith.addi %add3A_195, %add3A_452 : i32
        %mul3A_454 = arith.constant 40 : i32
        %mul3A_455 = arith.muli %add3A_453, %mul3A_454 : i32
        %dma_start3A_456 = arith.constant 3 : i32
        %dma_start3A_457 = arith.constant 0 : i32
        %dma_start3A_458 = arith.constant 0 : i32
        %dma_start3A_459 = tpu.memref_slice %arg10[%dma_start3A_456, %dma_start3A_457, %dma_start3A_458] : memref<5x40x128xf32, #tpu.memory_space<vmem>> -> memref<1x40x128xf32, #tpu.memory_space<vmem>>
        %dma_start3A_460 = tpu.memref_squeeze %dma_start3A_459 : memref<1x40x128xf32, #tpu.memory_space<vmem>> -> memref<40x128xf32, #tpu.memory_space<vmem>>
        %dma_start3A_461 = tpu.memref_slice %arg8[%mul3A_455] : memref<5000xi32, #tpu.memory_space<vmem>> -> memref<40xi32, #tpu.memory_space<vmem>>
        %dma_start3A_462 = arith.constant 0 : i32
        %dma_start3A_463 = arith.constant 0 : i32
        %dma_start3A_464 = tpu.memref_slice %arg4[%dma_start3A_462, %dma_start3A_463] : memref<10000x128xf32, #tpu.memory_space<hbm>> -> memref<10000x128xf32, #tpu.memory_space<hbm>>
        tpu.enqueue_indirect_dma source(%dma_start3A_464 : memref<10000x128xf32, #tpu.memory_space<hbm>>) target(%dma_start3A_460 : memref<40x128xf32, #tpu.memory_space<vmem>>) offsets(%dma_start3A_461 : memref<40xi32, #tpu.memory_space<vmem>>) semaphore(%arg15 : memref<!tpu.dma_semaphore, #tpu.memory_space<semaphore_mem>>)
        %dma_start3A_465 = arith.constant 3 : i32
        %dma_start3A_466 = arith.constant 0 : i32
        %dma_start3A_467 = arith.constant 0 : i32
        %dma_start3A_468 = tpu.memref_slice %arg11[%dma_start3A_465, %dma_start3A_466, %dma_start3A_467] : memref<5x40x128xf32, #tpu.memory_space<vmem>> -> memref<1x40x128xf32, #tpu.memory_space<vmem>>
        %dma_start3A_469 = tpu.memref_squeeze %dma_start3A_468 : memref<1x40x128xf32, #tpu.memory_space<vmem>> -> memref<40x128xf32, #tpu.memory_space<vmem>>
        %dma_start3A_470 = tpu.memref_slice %arg9[%mul3A_455] : memref<5000xi32, #tpu.memory_space<vmem>> -> memref<40xi32, #tpu.memory_space<vmem>>
        %dma_start3A_471 = arith.constant 0 : i32
        %dma_start3A_472 = arith.constant 0 : i32
        %dma_start3A_473 = tpu.memref_slice %arg5[%dma_start3A_471, %dma_start3A_472] : memref<10000x128xf32, #tpu.memory_space<hbm>> -> memref<10000x128xf32, #tpu.memory_space<hbm>>
        tpu.enqueue_indirect_dma source(%dma_start3A_473 : memref<10000x128xf32, #tpu.memory_space<hbm>>) target(%dma_start3A_469 : memref<40x128xf32, #tpu.memory_space<vmem>>) offsets(%dma_start3A_470 : memref<40xi32, #tpu.memory_space<vmem>>) semaphore(%arg20 : memref<!tpu.dma_semaphore, #tpu.memory_space<semaphore_mem>>)
      } else {
      }
      %mul3A_208 = arith.constant 40 : i32
      %mul3A_209 = arith.muli %add3A_195, %mul3A_208 : i32
      %dma_wait3A_210 = arith.constant 1 : i32
      %dma_wait3A_211 = arith.constant 0 : i32
      %dma_wait3A_212 = arith.constant 0 : i32
      %dma_wait3A_213 = tpu.memref_slice %arg10[%dma_wait3A_210, %dma_wait3A_211, %dma_wait3A_212] : memref<5x40x128xf32, #tpu.memory_space<vmem>> -> memref<1x40x128xf32, #tpu.memory_space<vmem>>
      %dma_wait3A_214 = tpu.memref_squeeze %dma_wait3A_213 : memref<1x40x128xf32, #tpu.memory_space<vmem>> -> memref<40x128xf32, #tpu.memory_space<vmem>>
      %dma_wait3A_215 = tpu.memref_slice %arg8[%mul3A_209] : memref<5000xi32, #tpu.memory_space<vmem>> -> memref<40xi32, #tpu.memory_space<vmem>>
      %dma_wait3A_216 = arith.constant 0 : i32
      %dma_wait3A_217 = arith.constant 0 : i32
      %dma_wait3A_218 = tpu.memref_slice %arg4[%dma_wait3A_216, %dma_wait3A_217] : memref<10000x128xf32, #tpu.memory_space<hbm>> -> memref<10000x128xf32, #tpu.memory_space<hbm>>
      tpu.wait_indirect_dma semaphore(%arg13 : memref<!tpu.dma_semaphore, #tpu.memory_space<semaphore_mem>>) src(%dma_wait3A_218 : memref<10000x128xf32, #tpu.memory_space<hbm>>) dst(%dma_wait3A_214 : memref<40x128xf32, #tpu.memory_space<vmem>>)
      %dma_wait3A_219 = arith.constant 1 : i32
      %dma_wait3A_220 = arith.constant 0 : i32
      %dma_wait3A_221 = arith.constant 0 : i32
      %dma_wait3A_222 = tpu.memref_slice %arg11[%dma_wait3A_219, %dma_wait3A_220, %dma_wait3A_221] : memref<5x40x128xf32, #tpu.memory_space<vmem>> -> memref<1x40x128xf32, #tpu.memory_space<vmem>>
      %dma_wait3A_223 = tpu.memref_squeeze %dma_wait3A_222 : memref<1x40x128xf32, #tpu.memory_space<vmem>> -> memref<40x128xf32, #tpu.memory_space<vmem>>
      %dma_wait3A_224 = tpu.memref_slice %arg9[%mul3A_209] : memref<5000xi32, #tpu.memory_space<vmem>> -> memref<40xi32, #tpu.memory_space<vmem>>
      %dma_wait3A_225 = arith.constant 0 : i32
      %dma_wait3A_226 = arith.constant 0 : i32
      %dma_wait3A_227 = tpu.memref_slice %arg5[%dma_wait3A_225, %dma_wait3A_226] : memref<10000x128xf32, #tpu.memory_space<hbm>> -> memref<10000x128xf32, #tpu.memory_space<hbm>>
      tpu.wait_indirect_dma semaphore(%arg18 : memref<!tpu.dma_semaphore, #tpu.memory_space<semaphore_mem>>) src(%dma_wait3A_227 : memref<10000x128xf32, #tpu.memory_space<hbm>>) dst(%dma_wait3A_223 : memref<40x128xf32, #tpu.memory_space<vmem>>)
      %mul3A_228 = arith.constant 40 : i32
      %mul3A_229 = arith.muli %add3A_195, %mul3A_228 : i32
      %add3A_230 = arith.addi %mul3A_2, %mul3A_229 : i32
      %dma_start3A_231 = arith.constant 1 : i32
      %dma_start3A_232 = arith.constant 0 : i32
      %dma_start3A_233 = arith.constant 0 : i32
      %dma_start3A_234 = tpu.memref_slice %arg10[%dma_start3A_231, %dma_start3A_232, %dma_start3A_233] : memref<5x40x128xf32, #tpu.memory_space<vmem>> -> memref<1x40x128xf32, #tpu.memory_space<vmem>>
      %dma_start3A_235 = tpu.memref_squeeze %dma_start3A_234 : memref<1x40x128xf32, #tpu.memory_space<vmem>> -> memref<40x128xf32, #tpu.memory_space<vmem>>
      %dma_start3A_236 = arith.constant 0 : i32
      %dma_start3A_237 = tpu.memref_slice %arg6[%add3A_230, %dma_start3A_236] : memref<160000x128xf32, #tpu.memory_space<hbm>> -> memref<40x128xf32, #tpu.memory_space<hbm>>
      %dma_start3A_238 = arith.constant 0 : i32
      %dma_start3A_239 = tpu.memref_slice %arg6[%add3A_230, %dma_start3A_238] : memref<160000x128xf32, #tpu.memory_space<hbm>> -> memref<40x128xf32, #tpu.memory_space<hbm>>
      %dma_start3A_240 = arith.constant 0 : i32
      %dma_start3A_241 = arith.constant 0 : i32
      %dma_start3A_242 = tpu.memref_slice %arg10[%dma_start3A_231, %dma_start3A_240, %dma_start3A_241] : memref<5x40x128xf32, #tpu.memory_space<vmem>> -> memref<1x40x128xf32, #tpu.memory_space<vmem>>
      %dma_start3A_243 = tpu.memref_squeeze %dma_start3A_242 : memref<1x40x128xf32, #tpu.memory_space<vmem>> -> memref<40x128xf32, #tpu.memory_space<vmem>>
      tpu.enqueue_dma source(%dma_start3A_243 : memref<40x128xf32, #tpu.memory_space<vmem>>) target(%dma_start3A_239 : memref<40x128xf32, #tpu.memory_space<hbm>>) target_semaphore(%arg23 : memref<!tpu.dma_semaphore, #tpu.memory_space<semaphore_mem>>)
      %dma_start3A_244 = arith.constant 1 : i32
      %dma_start3A_245 = arith.constant 0 : i32
      %dma_start3A_246 = arith.constant 0 : i32
      %dma_start3A_247 = tpu.memref_slice %arg11[%dma_start3A_244, %dma_start3A_245, %dma_start3A_246] : memref<5x40x128xf32, #tpu.memory_space<vmem>> -> memref<1x40x128xf32, #tpu.memory_space<vmem>>
      %dma_start3A_248 = tpu.memref_squeeze %dma_start3A_247 : memref<1x40x128xf32, #tpu.memory_space<vmem>> -> memref<40x128xf32, #tpu.memory_space<vmem>>
      %dma_start3A_249 = arith.constant 0 : i32
      %dma_start3A_250 = tpu.memref_slice %arg7[%add3A_230, %dma_start3A_249] : memref<160000x128xf32, #tpu.memory_space<hbm>> -> memref<40x128xf32, #tpu.memory_space<hbm>>
      %dma_start3A_251 = arith.constant 0 : i32
      %dma_start3A_252 = tpu.memref_slice %arg7[%add3A_230, %dma_start3A_251] : memref<160000x128xf32, #tpu.memory_space<hbm>> -> memref<40x128xf32, #tpu.memory_space<hbm>>
      %dma_start3A_253 = arith.constant 0 : i32
      %dma_start3A_254 = arith.constant 0 : i32
      %dma_start3A_255 = tpu.memref_slice %arg11[%dma_start3A_244, %dma_start3A_253, %dma_start3A_254] : memref<5x40x128xf32, #tpu.memory_space<vmem>> -> memref<1x40x128xf32, #tpu.memory_space<vmem>>
      %dma_start3A_256 = tpu.memref_squeeze %dma_start3A_255 : memref<1x40x128xf32, #tpu.memory_space<vmem>> -> memref<40x128xf32, #tpu.memory_space<vmem>>
      tpu.enqueue_dma source(%dma_start3A_256 : memref<40x128xf32, #tpu.memory_space<vmem>>) target(%dma_start3A_252 : memref<40x128xf32, #tpu.memory_space<hbm>>) target_semaphore(%arg28 : memref<!tpu.dma_semaphore, #tpu.memory_space<semaphore_mem>>)
      %mul3A_257 = arith.constant 5 : i32
      %mul3A_258 = arith.muli %scan3A_130, %mul3A_257 : i32
      %add3A_259 = arith.constant 2 : i32
      %add3A_260 = arith.addi %mul3A_258, %add3A_259 : i32
      %ge3A_261 = arith.constant 3 : i32
      %ge3A_262 = arith.cmpi sge, %add3A_260, %ge3A_261 : i32
      %convert_element_type3A_263 = arith.extui %ge3A_262 : i1 to i32
      %cond3A_264 = arith.constant 0 : i32
      %cond3A_265 = arith.cmpi ne, %convert_element_type3A_263, %cond3A_264 : i32
      scf.if %cond3A_265 {
        %mul3A_452 = arith.constant 40 : i32
        %mul3A_453 = arith.muli %add3A_260, %mul3A_452 : i32
        %add3A_454 = arith.addi %mul3A_2, %mul3A_453 : i32
        %dma_wait3A_455 = arith.constant 4 : i32
        %dma_wait3A_456 = arith.constant 0 : i32
        %dma_wait3A_457 = arith.constant 0 : i32
        %dma_wait3A_458 = tpu.memref_slice %arg10[%dma_wait3A_455, %dma_wait3A_456, %dma_wait3A_457] : memref<5x40x128xf32, #tpu.memory_space<vmem>> -> memref<1x40x128xf32, #tpu.memory_space<vmem>>
        %dma_wait3A_459 = tpu.memref_squeeze %dma_wait3A_458 : memref<1x40x128xf32, #tpu.memory_space<vmem>> -> memref<40x128xf32, #tpu.memory_space<vmem>>
        %dma_wait3A_460 = arith.constant 0 : i32
        %dma_wait3A_461 = tpu.memref_slice %arg6[%add3A_454, %dma_wait3A_460] : memref<160000x128xf32, #tpu.memory_space<hbm>> -> memref<40x128xf32, #tpu.memory_space<hbm>>
        %dma_wait3A_462 = arith.constant 0 : i32
        %dma_wait3A_463 = tpu.memref_slice %arg6[%add3A_454, %dma_wait3A_462] : memref<160000x128xf32, #tpu.memory_space<hbm>> -> memref<40x128xf32, #tpu.memory_space<hbm>>
        %dma_wait3A_464 = arith.constant 0 : i32
        %dma_wait3A_465 = arith.constant 0 : i32
        %dma_wait3A_466 = tpu.memref_slice %arg10[%dma_wait3A_455, %dma_wait3A_464, %dma_wait3A_465] : memref<5x40x128xf32, #tpu.memory_space<vmem>> -> memref<1x40x128xf32, #tpu.memory_space<vmem>>
        %dma_wait3A_467 = tpu.memref_squeeze %dma_wait3A_466 : memref<1x40x128xf32, #tpu.memory_space<vmem>> -> memref<40x128xf32, #tpu.memory_space<vmem>>
        tpu.wait_dma2 semaphore(%arg26 : memref<!tpu.dma_semaphore, #tpu.memory_space<semaphore_mem>>) src(%dma_wait3A_467 : memref<40x128xf32, #tpu.memory_space<vmem>>) dst(%dma_wait3A_463 : memref<40x128xf32, #tpu.memory_space<hbm>>)
        %dma_wait3A_468 = arith.constant 4 : i32
        %dma_wait3A_469 = arith.constant 0 : i32
        %dma_wait3A_470 = arith.constant 0 : i32
        %dma_wait3A_471 = tpu.memref_slice %arg11[%dma_wait3A_468, %dma_wait3A_469, %dma_wait3A_470] : memref<5x40x128xf32, #tpu.memory_space<vmem>> -> memref<1x40x128xf32, #tpu.memory_space<vmem>>
        %dma_wait3A_472 = tpu.memref_squeeze %dma_wait3A_471 : memref<1x40x128xf32, #tpu.memory_space<vmem>> -> memref<40x128xf32, #tpu.memory_space<vmem>>
        %dma_wait3A_473 = arith.constant 0 : i32
        %dma_wait3A_474 = tpu.memref_slice %arg7[%add3A_454, %dma_wait3A_473] : memref<160000x128xf32, #tpu.memory_space<hbm>> -> memref<40x128xf32, #tpu.memory_space<hbm>>
        %dma_wait3A_475 = arith.constant 0 : i32
        %dma_wait3A_476 = tpu.memref_slice %arg7[%add3A_454, %dma_wait3A_475] : memref<160000x128xf32, #tpu.memory_space<hbm>> -> memref<40x128xf32, #tpu.memory_space<hbm>>
        %dma_wait3A_477 = arith.constant 0 : i32
        %dma_wait3A_478 = arith.constant 0 : i32
        %dma_wait3A_479 = tpu.memref_slice %arg11[%dma_wait3A_468, %dma_wait3A_477, %dma_wait3A_478] : memref<5x40x128xf32, #tpu.memory_space<vmem>> -> memref<1x40x128xf32, #tpu.memory_space<vmem>>
        %dma_wait3A_480 = tpu.memref_squeeze %dma_wait3A_479 : memref<1x40x128xf32, #tpu.memory_space<vmem>> -> memref<40x128xf32, #tpu.memory_space<vmem>>
        tpu.wait_dma2 semaphore(%arg31 : memref<!tpu.dma_semaphore, #tpu.memory_space<semaphore_mem>>) src(%dma_wait3A_480 : memref<40x128xf32, #tpu.memory_space<vmem>>) dst(%dma_wait3A_476 : memref<40x128xf32, #tpu.memory_space<hbm>>)
      } else {
      }
      %add3A_266 = arith.constant 2 : i32
      %add3A_267 = arith.addi %add3A_260, %add3A_266 : i32
      %lt3A_268 = arith.constant 125 : i32
      %lt3A_269 = arith.cmpi slt, %add3A_267, %lt3A_268 : i32
      %convert_element_type3A_270 = arith.extui %lt3A_269 : i1 to i32
      %cond3A_271 = arith.constant 0 : i32
      %cond3A_272 = arith.cmpi ne, %convert_element_type3A_270, %cond3A_271 : i32
      scf.if %cond3A_272 {
        %add3A_452 = arith.constant 2 : i32
        %add3A_453 = arith.addi %add3A_260, %add3A_452 : i32
        %mul3A_454 = arith.constant 40 : i32
        %mul3A_455 = arith.muli %add3A_453, %mul3A_454 : i32
        %dma_start3A_456 = arith.constant 4 : i32
        %dma_start3A_457 = arith.constant 0 : i32
        %dma_start3A_458 = arith.constant 0 : i32
        %dma_start3A_459 = tpu.memref_slice %arg10[%dma_start3A_456, %dma_start3A_457, %dma_start3A_458] : memref<5x40x128xf32, #tpu.memory_space<vmem>> -> memref<1x40x128xf32, #tpu.memory_space<vmem>>
        %dma_start3A_460 = tpu.memref_squeeze %dma_start3A_459 : memref<1x40x128xf32, #tpu.memory_space<vmem>> -> memref<40x128xf32, #tpu.memory_space<vmem>>
        %dma_start3A_461 = tpu.memref_slice %arg8[%mul3A_455] : memref<5000xi32, #tpu.memory_space<vmem>> -> memref<40xi32, #tpu.memory_space<vmem>>
        %dma_start3A_462 = arith.constant 0 : i32
        %dma_start3A_463 = arith.constant 0 : i32
        %dma_start3A_464 = tpu.memref_slice %arg4[%dma_start3A_462, %dma_start3A_463] : memref<10000x128xf32, #tpu.memory_space<hbm>> -> memref<10000x128xf32, #tpu.memory_space<hbm>>
        tpu.enqueue_indirect_dma source(%dma_start3A_464 : memref<10000x128xf32, #tpu.memory_space<hbm>>) target(%dma_start3A_460 : memref<40x128xf32, #tpu.memory_space<vmem>>) offsets(%dma_start3A_461 : memref<40xi32, #tpu.memory_space<vmem>>) semaphore(%arg16 : memref<!tpu.dma_semaphore, #tpu.memory_space<semaphore_mem>>)
        %dma_start3A_465 = arith.constant 4 : i32
        %dma_start3A_466 = arith.constant 0 : i32
        %dma_start3A_467 = arith.constant 0 : i32
        %dma_start3A_468 = tpu.memref_slice %arg11[%dma_start3A_465, %dma_start3A_466, %dma_start3A_467] : memref<5x40x128xf32, #tpu.memory_space<vmem>> -> memref<1x40x128xf32, #tpu.memory_space<vmem>>
        %dma_start3A_469 = tpu.memref_squeeze %dma_start3A_468 : memref<1x40x128xf32, #tpu.memory_space<vmem>> -> memref<40x128xf32, #tpu.memory_space<vmem>>
        %dma_start3A_470 = tpu.memref_slice %arg9[%mul3A_455] : memref<5000xi32, #tpu.memory_space<vmem>> -> memref<40xi32, #tpu.memory_space<vmem>>
        %dma_start3A_471 = arith.constant 0 : i32
        %dma_start3A_472 = arith.constant 0 : i32
        %dma_start3A_473 = tpu.memref_slice %arg5[%dma_start3A_471, %dma_start3A_472] : memref<10000x128xf32, #tpu.memory_space<hbm>> -> memref<10000x128xf32, #tpu.memory_space<hbm>>
        tpu.enqueue_indirect_dma source(%dma_start3A_473 : memref<10000x128xf32, #tpu.memory_space<hbm>>) target(%dma_start3A_469 : memref<40x128xf32, #tpu.memory_space<vmem>>) offsets(%dma_start3A_470 : memref<40xi32, #tpu.memory_space<vmem>>) semaphore(%arg21 : memref<!tpu.dma_semaphore, #tpu.memory_space<semaphore_mem>>)
      } else {
      }
      %mul3A_273 = arith.constant 40 : i32
      %mul3A_274 = arith.muli %add3A_260, %mul3A_273 : i32
      %dma_wait3A_275 = arith.constant 2 : i32
      %dma_wait3A_276 = arith.constant 0 : i32
      %dma_wait3A_277 = arith.constant 0 : i32
      %dma_wait3A_278 = tpu.memref_slice %arg10[%dma_wait3A_275, %dma_wait3A_276, %dma_wait3A_277] : memref<5x40x128xf32, #tpu.memory_space<vmem>> -> memref<1x40x128xf32, #tpu.memory_space<vmem>>
      %dma_wait3A_279 = tpu.memref_squeeze %dma_wait3A_278 : memref<1x40x128xf32, #tpu.memory_space<vmem>> -> memref<40x128xf32, #tpu.memory_space<vmem>>
      %dma_wait3A_280 = tpu.memref_slice %arg8[%mul3A_274] : memref<5000xi32, #tpu.memory_space<vmem>> -> memref<40xi32, #tpu.memory_space<vmem>>
      %dma_wait3A_281 = arith.constant 0 : i32
      %dma_wait3A_282 = arith.constant 0 : i32
      %dma_wait3A_283 = tpu.memref_slice %arg4[%dma_wait3A_281, %dma_wait3A_282] : memref<10000x128xf32, #tpu.memory_space<hbm>> -> memref<10000x128xf32, #tpu.memory_space<hbm>>
      tpu.wait_indirect_dma semaphore(%arg14 : memref<!tpu.dma_semaphore, #tpu.memory_space<semaphore_mem>>) src(%dma_wait3A_283 : memref<10000x128xf32, #tpu.memory_space<hbm>>) dst(%dma_wait3A_279 : memref<40x128xf32, #tpu.memory_space<vmem>>)
      %dma_wait3A_284 = arith.constant 2 : i32
      %dma_wait3A_285 = arith.constant 0 : i32
      %dma_wait3A_286 = arith.constant 0 : i32
      %dma_wait3A_287 = tpu.memref_slice %arg11[%dma_wait3A_284, %dma_wait3A_285, %dma_wait3A_286] : memref<5x40x128xf32, #tpu.memory_space<vmem>> -> memref<1x40x128xf32, #tpu.memory_space<vmem>>
      %dma_wait3A_288 = tpu.memref_squeeze %dma_wait3A_287 : memref<1x40x128xf32, #tpu.memory_space<vmem>> -> memref<40x128xf32, #tpu.memory_space<vmem>>
      %dma_wait3A_289 = tpu.memref_slice %arg9[%mul3A_274] : memref<5000xi32, #tpu.memory_space<vmem>> -> memref<40xi32, #tpu.memory_space<vmem>>
      %dma_wait3A_290 = arith.constant 0 : i32
      %dma_wait3A_291 = arith.constant 0 : i32
      %dma_wait3A_292 = tpu.memref_slice %arg5[%dma_wait3A_290, %dma_wait3A_291] : memref<10000x128xf32, #tpu.memory_space<hbm>> -> memref<10000x128xf32, #tpu.memory_space<hbm>>
      tpu.wait_indirect_dma semaphore(%arg19 : memref<!tpu.dma_semaphore, #tpu.memory_space<semaphore_mem>>) src(%dma_wait3A_292 : memref<10000x128xf32, #tpu.memory_space<hbm>>) dst(%dma_wait3A_288 : memref<40x128xf32, #tpu.memory_space<vmem>>)
      %mul3A_293 = arith.constant 40 : i32
      %mul3A_294 = arith.muli %add3A_260, %mul3A_293 : i32
      %add3A_295 = arith.addi %mul3A_2, %mul3A_294 : i32
      %dma_start3A_296 = arith.constant 2 : i32
      %dma_start3A_297 = arith.constant 0 : i32
      %dma_start3A_298 = arith.constant 0 : i32
      %dma_start3A_299 = tpu.memref_slice %arg10[%dma_start3A_296, %dma_start3A_297, %dma_start3A_298] : memref<5x40x128xf32, #tpu.memory_space<vmem>> -> memref<1x40x128xf32, #tpu.memory_space<vmem>>
      %dma_start3A_300 = tpu.memref_squeeze %dma_start3A_299 : memref<1x40x128xf32, #tpu.memory_space<vmem>> -> memref<40x128xf32, #tpu.memory_space<vmem>>
      %dma_start3A_301 = arith.constant 0 : i32
      %dma_start3A_302 = tpu.memref_slice %arg6[%add3A_295, %dma_start3A_301] : memref<160000x128xf32, #tpu.memory_space<hbm>> -> memref<40x128xf32, #tpu.memory_space<hbm>>
      %dma_start3A_303 = arith.constant 0 : i32
      %dma_start3A_304 = tpu.memref_slice %arg6[%add3A_295, %dma_start3A_303] : memref<160000x128xf32, #tpu.memory_space<hbm>> -> memref<40x128xf32, #tpu.memory_space<hbm>>
      %dma_start3A_305 = arith.constant 0 : i32
      %dma_start3A_306 = arith.constant 0 : i32
      %dma_start3A_307 = tpu.memref_slice %arg10[%dma_start3A_296, %dma_start3A_305, %dma_start3A_306] : memref<5x40x128xf32, #tpu.memory_space<vmem>> -> memref<1x40x128xf32, #tpu.memory_space<vmem>>
      %dma_start3A_308 = tpu.memref_squeeze %dma_start3A_307 : memref<1x40x128xf32, #tpu.memory_space<vmem>> -> memref<40x128xf32, #tpu.memory_space<vmem>>
      tpu.enqueue_dma source(%dma_start3A_308 : memref<40x128xf32, #tpu.memory_space<vmem>>) target(%dma_start3A_304 : memref<40x128xf32, #tpu.memory_space<hbm>>) target_semaphore(%arg24 : memref<!tpu.dma_semaphore, #tpu.memory_space<semaphore_mem>>)
      %dma_start3A_309 = arith.constant 2 : i32
      %dma_start3A_310 = arith.constant 0 : i32
      %dma_start3A_311 = arith.constant 0 : i32
      %dma_start3A_312 = tpu.memref_slice %arg11[%dma_start3A_309, %dma_start3A_310, %dma_start3A_311] : memref<5x40x128xf32, #tpu.memory_space<vmem>> -> memref<1x40x128xf32, #tpu.memory_space<vmem>>
      %dma_start3A_313 = tpu.memref_squeeze %dma_start3A_312 : memref<1x40x128xf32, #tpu.memory_space<vmem>> -> memref<40x128xf32, #tpu.memory_space<vmem>>
      %dma_start3A_314 = arith.constant 0 : i32
      %dma_start3A_315 = tpu.memref_slice %arg7[%add3A_295, %dma_start3A_314] : memref<160000x128xf32, #tpu.memory_space<hbm>> -> memref<40x128xf32, #tpu.memory_space<hbm>>
      %dma_start3A_316 = arith.constant 0 : i32
      %dma_start3A_317 = tpu.memref_slice %arg7[%add3A_295, %dma_start3A_316] : memref<160000x128xf32, #tpu.memory_space<hbm>> -> memref<40x128xf32, #tpu.memory_space<hbm>>
      %dma_start3A_318 = arith.constant 0 : i32
      %dma_start3A_319 = arith.constant 0 : i32
      %dma_start3A_320 = tpu.memref_slice %arg11[%dma_start3A_309, %dma_start3A_318, %dma_start3A_319] : memref<5x40x128xf32, #tpu.memory_space<vmem>> -> memref<1x40x128xf32, #tpu.memory_space<vmem>>
      %dma_start3A_321 = tpu.memref_squeeze %dma_start3A_320 : memref<1x40x128xf32, #tpu.memory_space<vmem>> -> memref<40x128xf32, #tpu.memory_space<vmem>>
      tpu.enqueue_dma source(%dma_start3A_321 : memref<40x128xf32, #tpu.memory_space<vmem>>) target(%dma_start3A_317 : memref<40x128xf32, #tpu.memory_space<hbm>>) target_semaphore(%arg29 : memref<!tpu.dma_semaphore, #tpu.memory_space<semaphore_mem>>)
      %mul3A_322 = arith.constant 5 : i32
      %mul3A_323 = arith.muli %scan3A_130, %mul3A_322 : i32
      %add3A_324 = arith.constant 3 : i32
      %add3A_325 = arith.addi %mul3A_323, %add3A_324 : i32
      %ge3A_326 = arith.constant 3 : i32
      %ge3A_327 = arith.cmpi sge, %add3A_325, %ge3A_326 : i32
      %convert_element_type3A_328 = arith.extui %ge3A_327 : i1 to i32
      %cond3A_329 = arith.constant 0 : i32
      %cond3A_330 = arith.cmpi ne, %convert_element_type3A_328, %cond3A_329 : i32
      scf.if %cond3A_330 {
        %mul3A_452 = arith.constant 40 : i32
        %mul3A_453 = arith.muli %add3A_325, %mul3A_452 : i32
        %add3A_454 = arith.addi %mul3A_2, %mul3A_453 : i32
        %dma_wait3A_455 = arith.constant 0 : i32
        %dma_wait3A_456 = arith.constant 0 : i32
        %dma_wait3A_457 = arith.constant 0 : i32
        %dma_wait3A_458 = tpu.memref_slice %arg10[%dma_wait3A_455, %dma_wait3A_456, %dma_wait3A_457] : memref<5x40x128xf32, #tpu.memory_space<vmem>> -> memref<1x40x128xf32, #tpu.memory_space<vmem>>
        %dma_wait3A_459 = tpu.memref_squeeze %dma_wait3A_458 : memref<1x40x128xf32, #tpu.memory_space<vmem>> -> memref<40x128xf32, #tpu.memory_space<vmem>>
        %dma_wait3A_460 = arith.constant 0 : i32
        %dma_wait3A_461 = tpu.memref_slice %arg6[%add3A_454, %dma_wait3A_460] : memref<160000x128xf32, #tpu.memory_space<hbm>> -> memref<40x128xf32, #tpu.memory_space<hbm>>
        %dma_wait3A_462 = arith.constant 0 : i32
        %dma_wait3A_463 = tpu.memref_slice %arg6[%add3A_454, %dma_wait3A_462] : memref<160000x128xf32, #tpu.memory_space<hbm>> -> memref<40x128xf32, #tpu.memory_space<hbm>>
        %dma_wait3A_464 = arith.constant 0 : i32
        %dma_wait3A_465 = arith.constant 0 : i32
        %dma_wait3A_466 = tpu.memref_slice %arg10[%dma_wait3A_455, %dma_wait3A_464, %dma_wait3A_465] : memref<5x40x128xf32, #tpu.memory_space<vmem>> -> memref<1x40x128xf32, #tpu.memory_space<vmem>>
        %dma_wait3A_467 = tpu.memref_squeeze %dma_wait3A_466 : memref<1x40x128xf32, #tpu.memory_space<vmem>> -> memref<40x128xf32, #tpu.memory_space<vmem>>
        tpu.wait_dma2 semaphore(%arg22 : memref<!tpu.dma_semaphore, #tpu.memory_space<semaphore_mem>>) src(%dma_wait3A_467 : memref<40x128xf32, #tpu.memory_space<vmem>>) dst(%dma_wait3A_463 : memref<40x128xf32, #tpu.memory_space<hbm>>)
        %dma_wait3A_468 = arith.constant 0 : i32
        %dma_wait3A_469 = arith.constant 0 : i32
        %dma_wait3A_470 = arith.constant 0 : i32
        %dma_wait3A_471 = tpu.memref_slice %arg11[%dma_wait3A_468, %dma_wait3A_469, %dma_wait3A_470] : memref<5x40x128xf32, #tpu.memory_space<vmem>> -> memref<1x40x128xf32, #tpu.memory_space<vmem>>
        %dma_wait3A_472 = tpu.memref_squeeze %dma_wait3A_471 : memref<1x40x128xf32, #tpu.memory_space<vmem>> -> memref<40x128xf32, #tpu.memory_space<vmem>>
        %dma_wait3A_473 = arith.constant 0 : i32
        %dma_wait3A_474 = tpu.memref_slice %arg7[%add3A_454, %dma_wait3A_473] : memref<160000x128xf32, #tpu.memory_space<hbm>> -> memref<40x128xf32, #tpu.memory_space<hbm>>
        %dma_wait3A_475 = arith.constant 0 : i32
        %dma_wait3A_476 = tpu.memref_slice %arg7[%add3A_454, %dma_wait3A_475] : memref<160000x128xf32, #tpu.memory_space<hbm>> -> memref<40x128xf32, #tpu.memory_space<hbm>>
        %dma_wait3A_477 = arith.constant 0 : i32
        %dma_wait3A_478 = arith.constant 0 : i32
        %dma_wait3A_479 = tpu.memref_slice %arg11[%dma_wait3A_468, %dma_wait3A_477, %dma_wait3A_478] : memref<5x40x128xf32, #tpu.memory_space<vmem>> -> memref<1x40x128xf32, #tpu.memory_space<vmem>>
        %dma_wait3A_480 = tpu.memref_squeeze %dma_wait3A_479 : memref<1x40x128xf32, #tpu.memory_space<vmem>> -> memref<40x128xf32, #tpu.memory_space<vmem>>
        tpu.wait_dma2 semaphore(%arg27 : memref<!tpu.dma_semaphore, #tpu.memory_space<semaphore_mem>>) src(%dma_wait3A_480 : memref<40x128xf32, #tpu.memory_space<vmem>>) dst(%dma_wait3A_476 : memref<40x128xf32, #tpu.memory_space<hbm>>)
      } else {
      }
      %add3A_331 = arith.constant 2 : i32
      %add3A_332 = arith.addi %add3A_325, %add3A_331 : i32
      %lt3A_333 = arith.constant 125 : i32
      %lt3A_334 = arith.cmpi slt, %add3A_332, %lt3A_333 : i32
      %convert_element_type3A_335 = arith.extui %lt3A_334 : i1 to i32
      %cond3A_336 = arith.constant 0 : i32
      %cond3A_337 = arith.cmpi ne, %convert_element_type3A_335, %cond3A_336 : i32
      scf.if %cond3A_337 {
        %add3A_452 = arith.constant 2 : i32
        %add3A_453 = arith.addi %add3A_325, %add3A_452 : i32
        %mul3A_454 = arith.constant 40 : i32
        %mul3A_455 = arith.muli %add3A_453, %mul3A_454 : i32
        %dma_start3A_456 = arith.constant 0 : i32
        %dma_start3A_457 = arith.constant 0 : i32
        %dma_start3A_458 = arith.constant 0 : i32
        %dma_start3A_459 = tpu.memref_slice %arg10[%dma_start3A_456, %dma_start3A_457, %dma_start3A_458] : memref<5x40x128xf32, #tpu.memory_space<vmem>> -> memref<1x40x128xf32, #tpu.memory_space<vmem>>
        %dma_start3A_460 = tpu.memref_squeeze %dma_start3A_459 : memref<1x40x128xf32, #tpu.memory_space<vmem>> -> memref<40x128xf32, #tpu.memory_space<vmem>>
        %dma_start3A_461 = tpu.memref_slice %arg8[%mul3A_455] : memref<5000xi32, #tpu.memory_space<vmem>> -> memref<40xi32, #tpu.memory_space<vmem>>
        %dma_start3A_462 = arith.constant 0 : i32
        %dma_start3A_463 = arith.constant 0 : i32
        %dma_start3A_464 = tpu.memref_slice %arg4[%dma_start3A_462, %dma_start3A_463] : memref<10000x128xf32, #tpu.memory_space<hbm>> -> memref<10000x128xf32, #tpu.memory_space<hbm>>
        tpu.enqueue_indirect_dma source(%dma_start3A_464 : memref<10000x128xf32, #tpu.memory_space<hbm>>) target(%dma_start3A_460 : memref<40x128xf32, #tpu.memory_space<vmem>>) offsets(%dma_start3A_461 : memref<40xi32, #tpu.memory_space<vmem>>) semaphore(%arg12 : memref<!tpu.dma_semaphore, #tpu.memory_space<semaphore_mem>>)
        %dma_start3A_465 = arith.constant 0 : i32
        %dma_start3A_466 = arith.constant 0 : i32
        %dma_start3A_467 = arith.constant 0 : i32
        %dma_start3A_468 = tpu.memref_slice %arg11[%dma_start3A_465, %dma_start3A_466, %dma_start3A_467] : memref<5x40x128xf32, #tpu.memory_space<vmem>> -> memref<1x40x128xf32, #tpu.memory_space<vmem>>
        %dma_start3A_469 = tpu.memref_squeeze %dma_start3A_468 : memref<1x40x128xf32, #tpu.memory_space<vmem>> -> memref<40x128xf32, #tpu.memory_space<vmem>>
        %dma_start3A_470 = tpu.memref_slice %arg9[%mul3A_455] : memref<5000xi32, #tpu.memory_space<vmem>> -> memref<40xi32, #tpu.memory_space<vmem>>
        %dma_start3A_471 = arith.constant 0 : i32
        %dma_start3A_472 = arith.constant 0 : i32
        %dma_start3A_473 = tpu.memref_slice %arg5[%dma_start3A_471, %dma_start3A_472] : memref<10000x128xf32, #tpu.memory_space<hbm>> -> memref<10000x128xf32, #tpu.memory_space<hbm>>
        tpu.enqueue_indirect_dma source(%dma_start3A_473 : memref<10000x128xf32, #tpu.memory_space<hbm>>) target(%dma_start3A_469 : memref<40x128xf32, #tpu.memory_space<vmem>>) offsets(%dma_start3A_470 : memref<40xi32, #tpu.memory_space<vmem>>) semaphore(%arg17 : memref<!tpu.dma_semaphore, #tpu.memory_space<semaphore_mem>>)
      } else {
      }
      %mul3A_338 = arith.constant 40 : i32
      %mul3A_339 = arith.muli %add3A_325, %mul3A_338 : i32
      %dma_wait3A_340 = arith.constant 3 : i32
      %dma_wait3A_341 = arith.constant 0 : i32
      %dma_wait3A_342 = arith.constant 0 : i32
      %dma_wait3A_343 = tpu.memref_slice %arg10[%dma_wait3A_340, %dma_wait3A_341, %dma_wait3A_342] : memref<5x40x128xf32, #tpu.memory_space<vmem>> -> memref<1x40x128xf32, #tpu.memory_space<vmem>>
      %dma_wait3A_344 = tpu.memref_squeeze %dma_wait3A_343 : memref<1x40x128xf32, #tpu.memory_space<vmem>> -> memref<40x128xf32, #tpu.memory_space<vmem>>
      %dma_wait3A_345 = tpu.memref_slice %arg8[%mul3A_339] : memref<5000xi32, #tpu.memory_space<vmem>> -> memref<40xi32, #tpu.memory_space<vmem>>
      %dma_wait3A_346 = arith.constant 0 : i32
      %dma_wait3A_347 = arith.constant 0 : i32
      %dma_wait3A_348 = tpu.memref_slice %arg4[%dma_wait3A_346, %dma_wait3A_347] : memref<10000x128xf32, #tpu.memory_space<hbm>> -> memref<10000x128xf32, #tpu.memory_space<hbm>>
      tpu.wait_indirect_dma semaphore(%arg15 : memref<!tpu.dma_semaphore, #tpu.memory_space<semaphore_mem>>) src(%dma_wait3A_348 : memref<10000x128xf32, #tpu.memory_space<hbm>>) dst(%dma_wait3A_344 : memref<40x128xf32, #tpu.memory_space<vmem>>)
      %dma_wait3A_349 = arith.constant 3 : i32
      %dma_wait3A_350 = arith.constant 0 : i32
      %dma_wait3A_351 = arith.constant 0 : i32
      %dma_wait3A_352 = tpu.memref_slice %arg11[%dma_wait3A_349, %dma_wait3A_350, %dma_wait3A_351] : memref<5x40x128xf32, #tpu.memory_space<vmem>> -> memref<1x40x128xf32, #tpu.memory_space<vmem>>
      %dma_wait3A_353 = tpu.memref_squeeze %dma_wait3A_352 : memref<1x40x128xf32, #tpu.memory_space<vmem>> -> memref<40x128xf32, #tpu.memory_space<vmem>>
      %dma_wait3A_354 = tpu.memref_slice %arg9[%mul3A_339] : memref<5000xi32, #tpu.memory_space<vmem>> -> memref<40xi32, #tpu.memory_space<vmem>>
      %dma_wait3A_355 = arith.constant 0 : i32
      %dma_wait3A_356 = arith.constant 0 : i32
      %dma_wait3A_357 = tpu.memref_slice %arg5[%dma_wait3A_355, %dma_wait3A_356] : memref<10000x128xf32, #tpu.memory_space<hbm>> -> memref<10000x128xf32, #tpu.memory_space<hbm>>
      tpu.wait_indirect_dma semaphore(%arg20 : memref<!tpu.dma_semaphore, #tpu.memory_space<semaphore_mem>>) src(%dma_wait3A_357 : memref<10000x128xf32, #tpu.memory_space<hbm>>) dst(%dma_wait3A_353 : memref<40x128xf32, #tpu.memory_space<vmem>>)
      %mul3A_358 = arith.constant 40 : i32
      %mul3A_359 = arith.muli %add3A_325, %mul3A_358 : i32
      %add3A_360 = arith.addi %mul3A_2, %mul3A_359 : i32
      %dma_start3A_361 = arith.constant 3 : i32
      %dma_start3A_362 = arith.constant 0 : i32
      %dma_start3A_363 = arith.constant 0 : i32
      %dma_start3A_364 = tpu.memref_slice %arg10[%dma_start3A_361, %dma_start3A_362, %dma_start3A_363] : memref<5x40x128xf32, #tpu.memory_space<vmem>> -> memref<1x40x128xf32, #tpu.memory_space<vmem>>
      %dma_start3A_365 = tpu.memref_squeeze %dma_start3A_364 : memref<1x40x128xf32, #tpu.memory_space<vmem>> -> memref<40x128xf32, #tpu.memory_space<vmem>>
      %dma_start3A_366 = arith.constant 0 : i32
      %dma_start3A_367 = tpu.memref_slice %arg6[%add3A_360, %dma_start3A_366] : memref<160000x128xf32, #tpu.memory_space<hbm>> -> memref<40x128xf32, #tpu.memory_space<hbm>>
      %dma_start3A_368 = arith.constant 0 : i32
      %dma_start3A_369 = tpu.memref_slice %arg6[%add3A_360, %dma_start3A_368] : memref<160000x128xf32, #tpu.memory_space<hbm>> -> memref<40x128xf32, #tpu.memory_space<hbm>>
      %dma_start3A_370 = arith.constant 0 : i32
      %dma_start3A_371 = arith.constant 0 : i32
      %dma_start3A_372 = tpu.memref_slice %arg10[%dma_start3A_361, %dma_start3A_370, %dma_start3A_371] : memref<5x40x128xf32, #tpu.memory_space<vmem>> -> memref<1x40x128xf32, #tpu.memory_space<vmem>>
      %dma_start3A_373 = tpu.memref_squeeze %dma_start3A_372 : memref<1x40x128xf32, #tpu.memory_space<vmem>> -> memref<40x128xf32, #tpu.memory_space<vmem>>
      tpu.enqueue_dma source(%dma_start3A_373 : memref<40x128xf32, #tpu.memory_space<vmem>>) target(%dma_start3A_369 : memref<40x128xf32, #tpu.memory_space<hbm>>) target_semaphore(%arg25 : memref<!tpu.dma_semaphore, #tpu.memory_space<semaphore_mem>>)
      %dma_start3A_374 = arith.constant 3 : i32
      %dma_start3A_375 = arith.constant 0 : i32
      %dma_start3A_376 = arith.constant 0 : i32
      %dma_start3A_377 = tpu.memref_slice %arg11[%dma_start3A_374, %dma_start3A_375, %dma_start3A_376] : memref<5x40x128xf32, #tpu.memory_space<vmem>> -> memref<1x40x128xf32, #tpu.memory_space<vmem>>
      %dma_start3A_378 = tpu.memref_squeeze %dma_start3A_377 : memref<1x40x128xf32, #tpu.memory_space<vmem>> -> memref<40x128xf32, #tpu.memory_space<vmem>>
      %dma_start3A_379 = arith.constant 0 : i32
      %dma_start3A_380 = tpu.memref_slice %arg7[%add3A_360, %dma_start3A_379] : memref<160000x128xf32, #tpu.memory_space<hbm>> -> memref<40x128xf32, #tpu.memory_space<hbm>>
      %dma_start3A_381 = arith.constant 0 : i32
      %dma_start3A_382 = tpu.memref_slice %arg7[%add3A_360, %dma_start3A_381] : memref<160000x128xf32, #tpu.memory_space<hbm>> -> memref<40x128xf32, #tpu.memory_space<hbm>>
      %dma_start3A_383 = arith.constant 0 : i32
      %dma_start3A_384 = arith.constant 0 : i32
      %dma_start3A_385 = tpu.memref_slice %arg11[%dma_start3A_374, %dma_start3A_383, %dma_start3A_384] : memref<5x40x128xf32, #tpu.memory_space<vmem>> -> memref<1x40x128xf32, #tpu.memory_space<vmem>>
      %dma_start3A_386 = tpu.memref_squeeze %dma_start3A_385 : memref<1x40x128xf32, #tpu.memory_space<vmem>> -> memref<40x128xf32, #tpu.memory_space<vmem>>
      tpu.enqueue_dma source(%dma_start3A_386 : memref<40x128xf32, #tpu.memory_space<vmem>>) target(%dma_start3A_382 : memref<40x128xf32, #tpu.memory_space<hbm>>) target_semaphore(%arg30 : memref<!tpu.dma_semaphore, #tpu.memory_space<semaphore_mem>>)
      %mul3A_387 = arith.constant 5 : i32
      %mul3A_388 = arith.muli %scan3A_130, %mul3A_387 : i32
      %add3A_389 = arith.constant 4 : i32
      %add3A_390 = arith.addi %mul3A_388, %add3A_389 : i32
      %ge3A_391 = arith.constant 3 : i32
      %ge3A_392 = arith.cmpi sge, %add3A_390, %ge3A_391 : i32
      %convert_element_type3A_393 = arith.extui %ge3A_392 : i1 to i32
      %cond3A_394 = arith.constant 0 : i32
      %cond3A_395 = arith.cmpi ne, %convert_element_type3A_393, %cond3A_394 : i32
      scf.if %cond3A_395 {
        %mul3A_452 = arith.constant 40 : i32
        %mul3A_453 = arith.muli %add3A_390, %mul3A_452 : i32
        %add3A_454 = arith.addi %mul3A_2, %mul3A_453 : i32
        %dma_wait3A_455 = arith.constant 1 : i32
        %dma_wait3A_456 = arith.constant 0 : i32
        %dma_wait3A_457 = arith.constant 0 : i32
        %dma_wait3A_458 = tpu.memref_slice %arg10[%dma_wait3A_455, %dma_wait3A_456, %dma_wait3A_457] : memref<5x40x128xf32, #tpu.memory_space<vmem>> -> memref<1x40x128xf32, #tpu.memory_space<vmem>>
        %dma_wait3A_459 = tpu.memref_squeeze %dma_wait3A_458 : memref<1x40x128xf32, #tpu.memory_space<vmem>> -> memref<40x128xf32, #tpu.memory_space<vmem>>
        %dma_wait3A_460 = arith.constant 0 : i32
        %dma_wait3A_461 = tpu.memref_slice %arg6[%add3A_454, %dma_wait3A_460] : memref<160000x128xf32, #tpu.memory_space<hbm>> -> memref<40x128xf32, #tpu.memory_space<hbm>>
        %dma_wait3A_462 = arith.constant 0 : i32
        %dma_wait3A_463 = tpu.memref_slice %arg6[%add3A_454, %dma_wait3A_462] : memref<160000x128xf32, #tpu.memory_space<hbm>> -> memref<40x128xf32, #tpu.memory_space<hbm>>
        %dma_wait3A_464 = arith.constant 0 : i32
        %dma_wait3A_465 = arith.constant 0 : i32
        %dma_wait3A_466 = tpu.memref_slice %arg10[%dma_wait3A_455, %dma_wait3A_464, %dma_wait3A_465] : memref<5x40x128xf32, #tpu.memory_space<vmem>> -> memref<1x40x128xf32, #tpu.memory_space<vmem>>
        %dma_wait3A_467 = tpu.memref_squeeze %dma_wait3A_466 : memref<1x40x128xf32, #tpu.memory_space<vmem>> -> memref<40x128xf32, #tpu.memory_space<vmem>>
        tpu.wait_dma2 semaphore(%arg23 : memref<!tpu.dma_semaphore, #tpu.memory_space<semaphore_mem>>) src(%dma_wait3A_467 : memref<40x128xf32, #tpu.memory_space<vmem>>) dst(%dma_wait3A_463 : memref<40x128xf32, #tpu.memory_space<hbm>>)
        %dma_wait3A_468 = arith.constant 1 : i32
        %dma_wait3A_469 = arith.constant 0 : i32
        %dma_wait3A_470 = arith.constant 0 : i32
        %dma_wait3A_471 = tpu.memref_slice %arg11[%dma_wait3A_468, %dma_wait3A_469, %dma_wait3A_470] : memref<5x40x128xf32, #tpu.memory_space<vmem>> -> memref<1x40x128xf32, #tpu.memory_space<vmem>>
        %dma_wait3A_472 = tpu.memref_squeeze %dma_wait3A_471 : memref<1x40x128xf32, #tpu.memory_space<vmem>> -> memref<40x128xf32, #tpu.memory_space<vmem>>
        %dma_wait3A_473 = arith.constant 0 : i32
        %dma_wait3A_474 = tpu.memref_slice %arg7[%add3A_454, %dma_wait3A_473] : memref<160000x128xf32, #tpu.memory_space<hbm>> -> memref<40x128xf32, #tpu.memory_space<hbm>>
        %dma_wait3A_475 = arith.constant 0 : i32
        %dma_wait3A_476 = tpu.memref_slice %arg7[%add3A_454, %dma_wait3A_475] : memref<160000x128xf32, #tpu.memory_space<hbm>> -> memref<40x128xf32, #tpu.memory_space<hbm>>
        %dma_wait3A_477 = arith.constant 0 : i32
        %dma_wait3A_478 = arith.constant 0 : i32
        %dma_wait3A_479 = tpu.memref_slice %arg11[%dma_wait3A_468, %dma_wait3A_477, %dma_wait3A_478] : memref<5x40x128xf32, #tpu.memory_space<vmem>> -> memref<1x40x128xf32, #tpu.memory_space<vmem>>
        %dma_wait3A_480 = tpu.memref_squeeze %dma_wait3A_479 : memref<1x40x128xf32, #tpu.memory_space<vmem>> -> memref<40x128xf32, #tpu.memory_space<vmem>>
        tpu.wait_dma2 semaphore(%arg28 : memref<!tpu.dma_semaphore, #tpu.memory_space<semaphore_mem>>) src(%dma_wait3A_480 : memref<40x128xf32, #tpu.memory_space<vmem>>) dst(%dma_wait3A_476 : memref<40x128xf32, #tpu.memory_space<hbm>>)
      } else {
      }
      %add3A_396 = arith.constant 2 : i32
      %add3A_397 = arith.addi %add3A_390, %add3A_396 : i32
      %lt3A_398 = arith.constant 125 : i32
      %lt3A_399 = arith.cmpi slt, %add3A_397, %lt3A_398 : i32
      %convert_element_type3A_400 = arith.extui %lt3A_399 : i1 to i32
      %cond3A_401 = arith.constant 0 : i32
      %cond3A_402 = arith.cmpi ne, %convert_element_type3A_400, %cond3A_401 : i32
      scf.if %cond3A_402 {
        %add3A_452 = arith.constant 2 : i32
        %add3A_453 = arith.addi %add3A_390, %add3A_452 : i32
        %mul3A_454 = arith.constant 40 : i32
        %mul3A_455 = arith.muli %add3A_453, %mul3A_454 : i32
        %dma_start3A_456 = arith.constant 1 : i32
        %dma_start3A_457 = arith.constant 0 : i32
        %dma_start3A_458 = arith.constant 0 : i32
        %dma_start3A_459 = tpu.memref_slice %arg10[%dma_start3A_456, %dma_start3A_457, %dma_start3A_458] : memref<5x40x128xf32, #tpu.memory_space<vmem>> -> memref<1x40x128xf32, #tpu.memory_space<vmem>>
        %dma_start3A_460 = tpu.memref_squeeze %dma_start3A_459 : memref<1x40x128xf32, #tpu.memory_space<vmem>> -> memref<40x128xf32, #tpu.memory_space<vmem>>
        %dma_start3A_461 = tpu.memref_slice %arg8[%mul3A_455] : memref<5000xi32, #tpu.memory_space<vmem>> -> memref<40xi32, #tpu.memory_space<vmem>>
        %dma_start3A_462 = arith.constant 0 : i32
        %dma_start3A_463 = arith.constant 0 : i32
        %dma_start3A_464 = tpu.memref_slice %arg4[%dma_start3A_462, %dma_start3A_463] : memref<10000x128xf32, #tpu.memory_space<hbm>> -> memref<10000x128xf32, #tpu.memory_space<hbm>>
        tpu.enqueue_indirect_dma source(%dma_start3A_464 : memref<10000x128xf32, #tpu.memory_space<hbm>>) target(%dma_start3A_460 : memref<40x128xf32, #tpu.memory_space<vmem>>) offsets(%dma_start3A_461 : memref<40xi32, #tpu.memory_space<vmem>>) semaphore(%arg13 : memref<!tpu.dma_semaphore, #tpu.memory_space<semaphore_mem>>)
        %dma_start3A_465 = arith.constant 1 : i32
        %dma_start3A_466 = arith.constant 0 : i32
        %dma_start3A_467 = arith.constant 0 : i32
        %dma_start3A_468 = tpu.memref_slice %arg11[%dma_start3A_465, %dma_start3A_466, %dma_start3A_467] : memref<5x40x128xf32, #tpu.memory_space<vmem>> -> memref<1x40x128xf32, #tpu.memory_space<vmem>>
        %dma_start3A_469 = tpu.memref_squeeze %dma_start3A_468 : memref<1x40x128xf32, #tpu.memory_space<vmem>> -> memref<40x128xf32, #tpu.memory_space<vmem>>
        %dma_start3A_470 = tpu.memref_slice %arg9[%mul3A_455] : memref<5000xi32, #tpu.memory_space<vmem>> -> memref<40xi32, #tpu.memory_space<vmem>>
        %dma_start3A_471 = arith.constant 0 : i32
        %dma_start3A_472 = arith.constant 0 : i32
        %dma_start3A_473 = tpu.memref_slice %arg5[%dma_start3A_471, %dma_start3A_472] : memref<10000x128xf32, #tpu.memory_space<hbm>> -> memref<10000x128xf32, #tpu.memory_space<hbm>>
        tpu.enqueue_indirect_dma source(%dma_start3A_473 : memref<10000x128xf32, #tpu.memory_space<hbm>>) target(%dma_start3A_469 : memref<40x128xf32, #tpu.memory_space<vmem>>) offsets(%dma_start3A_470 : memref<40xi32, #tpu.memory_space<vmem>>) semaphore(%arg18 : memref<!tpu.dma_semaphore, #tpu.memory_space<semaphore_mem>>)
      } else {
      }
      %mul3A_403 = arith.constant 40 : i32
      %mul3A_404 = arith.muli %add3A_390, %mul3A_403 : i32
      %dma_wait3A_405 = arith.constant 4 : i32
      %dma_wait3A_406 = arith.constant 0 : i32
      %dma_wait3A_407 = arith.constant 0 : i32
      %dma_wait3A_408 = tpu.memref_slice %arg10[%dma_wait3A_405, %dma_wait3A_406, %dma_wait3A_407] : memref<5x40x128xf32, #tpu.memory_space<vmem>> -> memref<1x40x128xf32, #tpu.memory_space<vmem>>
      %dma_wait3A_409 = tpu.memref_squeeze %dma_wait3A_408 : memref<1x40x128xf32, #tpu.memory_space<vmem>> -> memref<40x128xf32, #tpu.memory_space<vmem>>
      %dma_wait3A_410 = tpu.memref_slice %arg8[%mul3A_404] : memref<5000xi32, #tpu.memory_space<vmem>> -> memref<40xi32, #tpu.memory_space<vmem>>
      %dma_wait3A_411 = arith.constant 0 : i32
      %dma_wait3A_412 = arith.constant 0 : i32
      %dma_wait3A_413 = tpu.memref_slice %arg4[%dma_wait3A_411, %dma_wait3A_412] : memref<10000x128xf32, #tpu.memory_space<hbm>> -> memref<10000x128xf32, #tpu.memory_space<hbm>>
      tpu.wait_indirect_dma semaphore(%arg16 : memref<!tpu.dma_semaphore, #tpu.memory_space<semaphore_mem>>) src(%dma_wait3A_413 : memref<10000x128xf32, #tpu.memory_space<hbm>>) dst(%dma_wait3A_409 : memref<40x128xf32, #tpu.memory_space<vmem>>)
      %dma_wait3A_414 = arith.constant 4 : i32
      %dma_wait3A_415 = arith.constant 0 : i32
      %dma_wait3A_416 = arith.constant 0 : i32
      %dma_wait3A_417 = tpu.memref_slice %arg11[%dma_wait3A_414, %dma_wait3A_415, %dma_wait3A_416] : memref<5x40x128xf32, #tpu.memory_space<vmem>> -> memref<1x40x128xf32, #tpu.memory_space<vmem>>
      %dma_wait3A_418 = tpu.memref_squeeze %dma_wait3A_417 : memref<1x40x128xf32, #tpu.memory_space<vmem>> -> memref<40x128xf32, #tpu.memory_space<vmem>>
      %dma_wait3A_419 = tpu.memref_slice %arg9[%mul3A_404] : memref<5000xi32, #tpu.memory_space<vmem>> -> memref<40xi32, #tpu.memory_space<vmem>>
      %dma_wait3A_420 = arith.constant 0 : i32
      %dma_wait3A_421 = arith.constant 0 : i32
      %dma_wait3A_422 = tpu.memref_slice %arg5[%dma_wait3A_420, %dma_wait3A_421] : memref<10000x128xf32, #tpu.memory_space<hbm>> -> memref<10000x128xf32, #tpu.memory_space<hbm>>
      tpu.wait_indirect_dma semaphore(%arg21 : memref<!tpu.dma_semaphore, #tpu.memory_space<semaphore_mem>>) src(%dma_wait3A_422 : memref<10000x128xf32, #tpu.memory_space<hbm>>) dst(%dma_wait3A_418 : memref<40x128xf32, #tpu.memory_space<vmem>>)
      %mul3A_423 = arith.constant 40 : i32
      %mul3A_424 = arith.muli %add3A_390, %mul3A_423 : i32
      %add3A_425 = arith.addi %mul3A_2, %mul3A_424 : i32
      %dma_start3A_426 = arith.constant 4 : i32
      %dma_start3A_427 = arith.constant 0 : i32
      %dma_start3A_428 = arith.constant 0 : i32
      %dma_start3A_429 = tpu.memref_slice %arg10[%dma_start3A_426, %dma_start3A_427, %dma_start3A_428] : memref<5x40x128xf32, #tpu.memory_space<vmem>> -> memref<1x40x128xf32, #tpu.memory_space<vmem>>
      %dma_start3A_430 = tpu.memref_squeeze %dma_start3A_429 : memref<1x40x128xf32, #tpu.memory_space<vmem>> -> memref<40x128xf32, #tpu.memory_space<vmem>>
      %dma_start3A_431 = arith.constant 0 : i32
      %dma_start3A_432 = tpu.memref_slice %arg6[%add3A_425, %dma_start3A_431] : memref<160000x128xf32, #tpu.memory_space<hbm>> -> memref<40x128xf32, #tpu.memory_space<hbm>>
      %dma_start3A_433 = arith.constant 0 : i32
      %dma_start3A_434 = tpu.memref_slice %arg6[%add3A_425, %dma_start3A_433] : memref<160000x128xf32, #tpu.memory_space<hbm>> -> memref<40x128xf32, #tpu.memory_space<hbm>>
      %dma_start3A_435 = arith.constant 0 : i32
      %dma_start3A_436 = arith.constant 0 : i32
      %dma_start3A_437 = tpu.memref_slice %arg10[%dma_start3A_426, %dma_start3A_435, %dma_start3A_436] : memref<5x40x128xf32, #tpu.memory_space<vmem>> -> memref<1x40x128xf32, #tpu.memory_space<vmem>>
      %dma_start3A_438 = tpu.memref_squeeze %dma_start3A_437 : memref<1x40x128xf32, #tpu.memory_space<vmem>> -> memref<40x128xf32, #tpu.memory_space<vmem>>
      tpu.enqueue_dma source(%dma_start3A_438 : memref<40x128xf32, #tpu.memory_space<vmem>>) target(%dma_start3A_434 : memref<40x128xf32, #tpu.memory_space<hbm>>) target_semaphore(%arg26 : memref<!tpu.dma_semaphore, #tpu.memory_space<semaphore_mem>>)
      %dma_start3A_439 = arith.constant 4 : i32
      %dma_start3A_440 = arith.constant 0 : i32
      %dma_start3A_441 = arith.constant 0 : i32
      %dma_start3A_442 = tpu.memref_slice %arg11[%dma_start3A_439, %dma_start3A_440, %dma_start3A_441] : memref<5x40x128xf32, #tpu.memory_space<vmem>> -> memref<1x40x128xf32, #tpu.memory_space<vmem>>
      %dma_start3A_443 = tpu.memref_squeeze %dma_start3A_442 : memref<1x40x128xf32, #tpu.memory_space<vmem>> -> memref<40x128xf32, #tpu.memory_space<vmem>>
      %dma_start3A_444 = arith.constant 0 : i32
      %dma_start3A_445 = tpu.memref_slice %arg7[%add3A_425, %dma_start3A_444] : memref<160000x128xf32, #tpu.memory_space<hbm>> -> memref<40x128xf32, #tpu.memory_space<hbm>>
      %dma_start3A_446 = arith.constant 0 : i32
      %dma_start3A_447 = tpu.memref_slice %arg7[%add3A_425, %dma_start3A_446] : memref<160000x128xf32, #tpu.memory_space<hbm>> -> memref<40x128xf32, #tpu.memory_space<hbm>>
      %dma_start3A_448 = arith.constant 0 : i32
      %dma_start3A_449 = arith.constant 0 : i32
      %dma_start3A_450 = tpu.memref_slice %arg11[%dma_start3A_439, %dma_start3A_448, %dma_start3A_449] : memref<5x40x128xf32, #tpu.memory_space<vmem>> -> memref<1x40x128xf32, #tpu.memory_space<vmem>>
      %dma_start3A_451 = tpu.memref_squeeze %dma_start3A_450 : memref<1x40x128xf32, #tpu.memory_space<vmem>> -> memref<40x128xf32, #tpu.memory_space<vmem>>
      tpu.enqueue_dma source(%dma_start3A_451 : memref<40x128xf32, #tpu.memory_space<vmem>>) target(%dma_start3A_447 : memref<40x128xf32, #tpu.memory_space<hbm>>) target_semaphore(%arg31 : memref<!tpu.dma_semaphore, #tpu.memory_space<semaphore_mem>>)
    }
    %scan3A_46 = arith.constant 25 : i32
    %add3A_47 = arith.constant 4880 : i32
    %add3A_48 = arith.addi %mul3A_2, %add3A_47 : i32
    %dma_wait3A = arith.constant 2 : i32
    %dma_wait3A_49 = arith.constant 0 : i32
    %dma_wait3A_50 = arith.constant 0 : i32
    %dma_wait3A_51 = tpu.memref_slice %arg10[%dma_wait3A, %dma_wait3A_49, %dma_wait3A_50] : memref<5x40x128xf32, #tpu.memory_space<vmem>> -> memref<1x40x128xf32, #tpu.memory_space<vmem>>
    %dma_wait3A_52 = tpu.memref_squeeze %dma_wait3A_51 : memref<1x40x128xf32, #tpu.memory_space<vmem>> -> memref<40x128xf32, #tpu.memory_space<vmem>>
    %dma_wait3A_53 = arith.constant 0 : i32
    %dma_wait3A_54 = tpu.memref_slice %arg6[%add3A_48, %dma_wait3A_53] : memref<160000x128xf32, #tpu.memory_space<hbm>> -> memref<40x128xf32, #tpu.memory_space<hbm>>
    %dma_wait3A_55 = arith.constant 0 : i32
    %dma_wait3A_56 = tpu.memref_slice %arg6[%add3A_48, %dma_wait3A_55] : memref<160000x128xf32, #tpu.memory_space<hbm>> -> memref<40x128xf32, #tpu.memory_space<hbm>>
    %dma_wait3A_57 = arith.constant 0 : i32
    %dma_wait3A_58 = arith.constant 0 : i32
    %dma_wait3A_59 = tpu.memref_slice %arg10[%dma_wait3A, %dma_wait3A_57, %dma_wait3A_58] : memref<5x40x128xf32, #tpu.memory_space<vmem>> -> memref<1x40x128xf32, #tpu.memory_space<vmem>>
    %dma_wait3A_60 = tpu.memref_squeeze %dma_wait3A_59 : memref<1x40x128xf32, #tpu.memory_space<vmem>> -> memref<40x128xf32, #tpu.memory_space<vmem>>
    tpu.wait_dma2 semaphore(%arg24 : memref<!tpu.dma_semaphore, #tpu.memory_space<semaphore_mem>>) src(%dma_wait3A_60 : memref<40x128xf32, #tpu.memory_space<vmem>>) dst(%dma_wait3A_56 : memref<40x128xf32, #tpu.memory_space<hbm>>)
    %dma_wait3A_61 = arith.constant 2 : i32
    %dma_wait3A_62 = arith.constant 0 : i32
    %dma_wait3A_63 = arith.constant 0 : i32
    %dma_wait3A_64 = tpu.memref_slice %arg11[%dma_wait3A_61, %dma_wait3A_62, %dma_wait3A_63] : memref<5x40x128xf32, #tpu.memory_space<vmem>> -> memref<1x40x128xf32, #tpu.memory_space<vmem>>
    %dma_wait3A_65 = tpu.memref_squeeze %dma_wait3A_64 : memref<1x40x128xf32, #tpu.memory_space<vmem>> -> memref<40x128xf32, #tpu.memory_space<vmem>>
    %dma_wait3A_66 = arith.constant 0 : i32
    %dma_wait3A_67 = tpu.memref_slice %arg7[%add3A_48, %dma_wait3A_66] : memref<160000x128xf32, #tpu.memory_space<hbm>> -> memref<40x128xf32, #tpu.memory_space<hbm>>
    %dma_wait3A_68 = arith.constant 0 : i32
    %dma_wait3A_69 = tpu.memref_slice %arg7[%add3A_48, %dma_wait3A_68] : memref<160000x128xf32, #tpu.memory_space<hbm>> -> memref<40x128xf32, #tpu.memory_space<hbm>>
    %dma_wait3A_70 = arith.constant 0 : i32
    %dma_wait3A_71 = arith.constant 0 : i32
    %dma_wait3A_72 = tpu.memref_slice %arg11[%dma_wait3A_61, %dma_wait3A_70, %dma_wait3A_71] : memref<5x40x128xf32, #tpu.memory_space<vmem>> -> memref<1x40x128xf32, #tpu.memory_space<vmem>>
    %dma_wait3A_73 = tpu.memref_squeeze %dma_wait3A_72 : memref<1x40x128xf32, #tpu.memory_space<vmem>> -> memref<40x128xf32, #tpu.memory_space<vmem>>
    tpu.wait_dma2 semaphore(%arg29 : memref<!tpu.dma_semaphore, #tpu.memory_space<semaphore_mem>>) src(%dma_wait3A_73 : memref<40x128xf32, #tpu.memory_space<vmem>>) dst(%dma_wait3A_69 : memref<40x128xf32, #tpu.memory_space<hbm>>)
    %add3A_74 = arith.constant 4920 : i32
    %add3A_75 = arith.addi %mul3A_2, %add3A_74 : i32
    %dma_wait3A_76 = arith.constant 3 : i32
    %dma_wait3A_77 = arith.constant 0 : i32
    %dma_wait3A_78 = arith.constant 0 : i32
    %dma_wait3A_79 = tpu.memref_slice %arg10[%dma_wait3A_76, %dma_wait3A_77, %dma_wait3A_78] : memref<5x40x128xf32, #tpu.memory_space<vmem>> -> memref<1x40x128xf32, #tpu.memory_space<vmem>>
    %dma_wait3A_80 = tpu.memref_squeeze %dma_wait3A_79 : memref<1x40x128xf32, #tpu.memory_space<vmem>> -> memref<40x128xf32, #tpu.memory_space<vmem>>
    %dma_wait3A_81 = arith.constant 0 : i32
    %dma_wait3A_82 = tpu.memref_slice %arg6[%add3A_75, %dma_wait3A_81] : memref<160000x128xf32, #tpu.memory_space<hbm>> -> memref<40x128xf32, #tpu.memory_space<hbm>>
    %dma_wait3A_83 = arith.constant 0 : i32
    %dma_wait3A_84 = tpu.memref_slice %arg6[%add3A_75, %dma_wait3A_83] : memref<160000x128xf32, #tpu.memory_space<hbm>> -> memref<40x128xf32, #tpu.memory_space<hbm>>
    %dma_wait3A_85 = arith.constant 0 : i32
    %dma_wait3A_86 = arith.constant 0 : i32
    %dma_wait3A_87 = tpu.memref_slice %arg10[%dma_wait3A_76, %dma_wait3A_85, %dma_wait3A_86] : memref<5x40x128xf32, #tpu.memory_space<vmem>> -> memref<1x40x128xf32, #tpu.memory_space<vmem>>
    %dma_wait3A_88 = tpu.memref_squeeze %dma_wait3A_87 : memref<1x40x128xf32, #tpu.memory_space<vmem>> -> memref<40x128xf32, #tpu.memory_space<vmem>>
    tpu.wait_dma2 semaphore(%arg25 : memref<!tpu.dma_semaphore, #tpu.memory_space<semaphore_mem>>) src(%dma_wait3A_88 : memref<40x128xf32, #tpu.memory_space<vmem>>) dst(%dma_wait3A_84 : memref<40x128xf32, #tpu.memory_space<hbm>>)
    %dma_wait3A_89 = arith.constant 3 : i32
    %dma_wait3A_90 = arith.constant 0 : i32
    %dma_wait3A_91 = arith.constant 0 : i32
    %dma_wait3A_92 = tpu.memref_slice %arg11[%dma_wait3A_89, %dma_wait3A_90, %dma_wait3A_91] : memref<5x40x128xf32, #tpu.memory_space<vmem>> -> memref<1x40x128xf32, #tpu.memory_space<vmem>>
    %dma_wait3A_93 = tpu.memref_squeeze %dma_wait3A_92 : memref<1x40x128xf32, #tpu.memory_space<vmem>> -> memref<40x128xf32, #tpu.memory_space<vmem>>
    %dma_wait3A_94 = arith.constant 0 : i32
    %dma_wait3A_95 = tpu.memref_slice %arg7[%add3A_75, %dma_wait3A_94] : memref<160000x128xf32, #tpu.memory_space<hbm>> -> memref<40x128xf32, #tpu.memory_space<hbm>>
    %dma_wait3A_96 = arith.constant 0 : i32
    %dma_wait3A_97 = tpu.memref_slice %arg7[%add3A_75, %dma_wait3A_96] : memref<160000x128xf32, #tpu.memory_space<hbm>> -> memref<40x128xf32, #tpu.memory_space<hbm>>
    %dma_wait3A_98 = arith.constant 0 : i32
    %dma_wait3A_99 = arith.constant 0 : i32
    %dma_wait3A_100 = tpu.memref_slice %arg11[%dma_wait3A_89, %dma_wait3A_98, %dma_wait3A_99] : memref<5x40x128xf32, #tpu.memory_space<vmem>> -> memref<1x40x128xf32, #tpu.memory_space<vmem>>
    %dma_wait3A_101 = tpu.memref_squeeze %dma_wait3A_100 : memref<1x40x128xf32, #tpu.memory_space<vmem>> -> memref<40x128xf32, #tpu.memory_space<vmem>>
    tpu.wait_dma2 semaphore(%arg30 : memref<!tpu.dma_semaphore, #tpu.memory_space<semaphore_mem>>) src(%dma_wait3A_101 : memref<40x128xf32, #tpu.memory_space<vmem>>) dst(%dma_wait3A_97 : memref<40x128xf32, #tpu.memory_space<hbm>>)
    %add3A_102 = arith.constant 4960 : i32
    %add3A_103 = arith.addi %mul3A_2, %add3A_102 : i32
    %dma_wait3A_104 = arith.constant 4 : i32
    %dma_wait3A_105 = arith.constant 0 : i32
    %dma_wait3A_106 = arith.constant 0 : i32
    %dma_wait3A_107 = tpu.memref_slice %arg10[%dma_wait3A_104, %dma_wait3A_105, %dma_wait3A_106] : memref<5x40x128xf32, #tpu.memory_space<vmem>> -> memref<1x40x128xf32, #tpu.memory_space<vmem>>
    %dma_wait3A_108 = tpu.memref_squeeze %dma_wait3A_107 : memref<1x40x128xf32, #tpu.memory_space<vmem>> -> memref<40x128xf32, #tpu.memory_space<vmem>>
    %dma_wait3A_109 = arith.constant 0 : i32
    %dma_wait3A_110 = tpu.memref_slice %arg6[%add3A_103, %dma_wait3A_109] : memref<160000x128xf32, #tpu.memory_space<hbm>> -> memref<40x128xf32, #tpu.memory_space<hbm>>
    %dma_wait3A_111 = arith.constant 0 : i32
    %dma_wait3A_112 = tpu.memref_slice %arg6[%add3A_103, %dma_wait3A_111] : memref<160000x128xf32, #tpu.memory_space<hbm>> -> memref<40x128xf32, #tpu.memory_space<hbm>>
    %dma_wait3A_113 = arith.constant 0 : i32
    %dma_wait3A_114 = arith.constant 0 : i32
    %dma_wait3A_115 = tpu.memref_slice %arg10[%dma_wait3A_104, %dma_wait3A_113, %dma_wait3A_114] : memref<5x40x128xf32, #tpu.memory_space<vmem>> -> memref<1x40x128xf32, #tpu.memory_space<vmem>>
    %dma_wait3A_116 = tpu.memref_squeeze %dma_wait3A_115 : memref<1x40x128xf32, #tpu.memory_space<vmem>> -> memref<40x128xf32, #tpu.memory_space<vmem>>
    tpu.wait_dma2 semaphore(%arg26 : memref<!tpu.dma_semaphore, #tpu.memory_space<semaphore_mem>>) src(%dma_wait3A_116 : memref<40x128xf32, #tpu.memory_space<vmem>>) dst(%dma_wait3A_112 : memref<40x128xf32, #tpu.memory_space<hbm>>)
    %dma_wait3A_117 = arith.constant 4 : i32
    %dma_wait3A_118 = arith.constant 0 : i32
    %dma_wait3A_119 = arith.constant 0 : i32
    %dma_wait3A_120 = tpu.memref_slice %arg11[%dma_wait3A_117, %dma_wait3A_118, %dma_wait3A_119] : memref<5x40x128xf32, #tpu.memory_space<vmem>> -> memref<1x40x128xf32, #tpu.memory_space<vmem>>
    %dma_wait3A_121 = tpu.memref_squeeze %dma_wait3A_120 : memref<1x40x128xf32, #tpu.memory_space<vmem>> -> memref<40x128xf32, #tpu.memory_space<vmem>>
    %dma_wait3A_122 = arith.constant 0 : i32
    %dma_wait3A_123 = tpu.memref_slice %arg7[%add3A_103, %dma_wait3A_122] : memref<160000x128xf32, #tpu.memory_space<hbm>> -> memref<40x128xf32, #tpu.memory_space<hbm>>
    %dma_wait3A_124 = arith.constant 0 : i32
    %dma_wait3A_125 = tpu.memref_slice %arg7[%add3A_103, %dma_wait3A_124] : memref<160000x128xf32, #tpu.memory_space<hbm>> -> memref<40x128xf32, #tpu.memory_space<hbm>>
    %dma_wait3A_126 = arith.constant 0 : i32
    %dma_wait3A_127 = arith.constant 0 : i32
    %dma_wait3A_128 = tpu.memref_slice %arg11[%dma_wait3A_117, %dma_wait3A_126, %dma_wait3A_127] : memref<5x40x128xf32, #tpu.memory_space<vmem>> -> memref<1x40x128xf32, #tpu.memory_space<vmem>>
    %dma_wait3A_129 = tpu.memref_squeeze %dma_wait3A_128 : memref<1x40x128xf32, #tpu.memory_space<vmem>> -> memref<40x128xf32, #tpu.memory_space<vmem>>
    tpu.wait_dma2 semaphore(%arg31 : memref<!tpu.dma_semaphore, #tpu.memory_space<semaphore_mem>>) src(%dma_wait3A_129 : memref<40x128xf32, #tpu.memory_space<vmem>>) dst(%dma_wait3A_125 : memref<40x128xf32, #tpu.memory_space<hbm>>)
    return
  }
}

module attributes {stable_mosaic.version = 14 : i64} {
  func.func @_node_body(%arg0: i32, %arg1: memref<2000x128xf32, #tpu.memory_space<vmem>>, %arg2: memref<128x128xf32, #tpu.memory_space<vmem>>, %arg3: memref<1x128xf32, #tpu.memory_space<vmem>>, %arg4: memref<128x128xf32, #tpu.memory_space<vmem>>, %arg5: memref<1x128xf32, #tpu.memory_space<vmem>>, %arg6: memref<128x32xf32, #tpu.memory_space<vmem>>, %arg7: memref<1x32xf32, #tpu.memory_space<vmem>>, %arg8: memref<32x8xf32, #tpu.memory_space<vmem>>, %arg9: memref<1x8xf32, #tpu.memory_space<vmem>>, %arg10: memref<8x128xf32, #tpu.memory_space<vmem>>, %arg11: memref<2000x128xf32, #tpu.memory_space<vmem>>, %arg12: memref<2000x128xf32, #tpu.memory_space<vmem>>, %arg13: memref<2000x128xf32, #tpu.memory_space<vmem>>) attributes {dimension_semantics = [#tpu.dimension_semantics<arbitrary>], iteration_bounds = array<i64: 5>, scalar_prefetch = 0 : i64, scratch_operands = 0 : i64, tpu.core_type = #tpu.core_type<tc>, window_params = [{transform_indices = @transform_0, window_bounds = array<i64: 2000, 128>}, {pipeline_mode = #tpu.pipeline_mode<synchronous>, transform_indices = @transform_1, window_bounds = array<i64: 128, 128>}, {pipeline_mode = #tpu.pipeline_mode<synchronous>, transform_indices = @transform_2, window_bounds = array<i64: 1, 128>}, {pipeline_mode = #tpu.pipeline_mode<synchronous>, transform_indices = @transform_3, window_bounds = array<i64: 128, 128>}, {pipeline_mode = #tpu.pipeline_mode<synchronous>, transform_indices = @transform_4, window_bounds = array<i64: 1, 128>}, {pipeline_mode = #tpu.pipeline_mode<synchronous>, transform_indices = @transform_5, window_bounds = array<i64: 128, 32>}, {pipeline_mode = #tpu.pipeline_mode<synchronous>, transform_indices = @transform_6, window_bounds = array<i64: 1, 32>}, {pipeline_mode = #tpu.pipeline_mode<synchronous>, transform_indices = @transform_7, window_bounds = array<i64: 32, 8>}, {pipeline_mode = #tpu.pipeline_mode<synchronous>, transform_indices = @transform_8, window_bounds = array<i64: 1, 8>}, {pipeline_mode = #tpu.pipeline_mode<synchronous>, transform_indices = @transform_9, window_bounds = array<i64: 8, 128>}, {transform_indices = @transform_10, window_bounds = array<i64: 2000, 128>}, {transform_indices = @transform_11, window_bounds = array<i64: 2000, 128>}, {transform_indices = @transform_12, window_bounds = array<i64: 2000, 128>}]} {
    %get3A = arith.constant 0 : index
    %get3A_0 = arith.constant 0 : index
    %get3A_1 = vector.load %arg1[%get3A, %get3A_0] : memref<2000x128xf32, #tpu.memory_space<vmem>>, vector<2000x128xf32>
    %get3A_2 = arith.constant 0 : index
    %get3A_3 = arith.constant 0 : index
    %get3A_4 = vector.load %arg2[%get3A_2, %get3A_3] : memref<128x128xf32, #tpu.memory_space<vmem>>, vector<128x128xf32>
    %dot_general3A = arith.constant dense<0.000000e+00> : vector<2000x128xf32>
    %dot_general3A_5 = tpu.matmul %get3A_1, %get3A_4, %dot_general3A {dimension_numbers = #tpu.dot_dimension_numbers<[1], [0], [0], [1], [0, 0, 1, 1], [], []>, transpose_lhs_hint = false} : vector<2000x128xf32>, vector<128x128xf32>, vector<2000x128xf32> -> vector<2000x128xf32>
    %get3A_6 = arith.constant 0 : index
    %get3A_7 = arith.constant 0 : index
    %get3A_8 = vector.load %arg3[%get3A_6, %get3A_7] : memref<1x128xf32, #tpu.memory_space<vmem>>, vector<1x128xf32>
    %add3A = vector.broadcast %get3A_8 : vector<1x128xf32> to vector<2000x128xf32>
    %add3A_9 = arith.addf %dot_general3A_5, %add3A : vector<2000x128xf32>
    %get3A_10 = arith.constant 0 : index
    %get3A_11 = arith.constant 0 : index
    %get3A_12 = vector.load %arg4[%get3A_10, %get3A_11] : memref<128x128xf32, #tpu.memory_space<vmem>>, vector<128x128xf32>
    %dot_general3A_13 = arith.constant dense<0.000000e+00> : vector<2000x128xf32>
    %dot_general3A_14 = tpu.matmul %get3A_1, %get3A_12, %dot_general3A_13 {dimension_numbers = #tpu.dot_dimension_numbers<[1], [0], [0], [1], [0, 0, 1, 1], [], []>, transpose_lhs_hint = false} : vector<2000x128xf32>, vector<128x128xf32>, vector<2000x128xf32> -> vector<2000x128xf32>
    %get3A_15 = arith.constant 0 : index
    %get3A_16 = arith.constant 0 : index
    %get3A_17 = vector.load %arg5[%get3A_15, %get3A_16] : memref<1x128xf32, #tpu.memory_space<vmem>>, vector<1x128xf32>
    %add3A_18 = vector.broadcast %get3A_17 : vector<1x128xf32> to vector<2000x128xf32>
    %add3A_19 = arith.addf %dot_general3A_14, %add3A_18 : vector<2000x128xf32>
    %swap3A = arith.constant 0 : index
    %swap3A_20 = arith.constant 0 : index
    %swap3A_21 = vector.load %arg11[%swap3A, %swap3A_20] : memref<2000x128xf32, #tpu.memory_space<vmem>>, vector<2000x128xf32>
    tpu.vector_store %arg11[%swap3A, %swap3A_20], %add3A_9 {strides = array<i32>} : memref<2000x128xf32, #tpu.memory_space<vmem>>, vector<2000x128xf32>,
    %swap3A_22 = arith.constant 0 : index
    %swap3A_23 = arith.constant 0 : index
    %swap3A_24 = vector.load %arg12[%swap3A_22, %swap3A_23] : memref<2000x128xf32, #tpu.memory_space<vmem>>, vector<2000x128xf32>
    tpu.vector_store %arg12[%swap3A_22, %swap3A_23], %add3A_19 {strides = array<i32>} : memref<2000x128xf32, #tpu.memory_space<vmem>>, vector<2000x128xf32>,
    %ge3A = arith.constant 0.000000e+00 : f32
    %ge3A_25 = vector.broadcast %ge3A : f32 to vector<2000x128xf32>
    %ge3A_26 = arith.cmpf oge, %add3A_19, %ge3A_25 : vector<2000x128xf32>
    %mul3A = arith.constant 2.000000e-01 : f32
    %mul3A_27 = vector.broadcast %mul3A : f32 to vector<2000x128xf32>
    %mul3A_28 = arith.mulf %mul3A_27, %add3A_19 : vector<2000x128xf32>
    %select_n3A = arith.select %ge3A_26, %add3A_19, %mul3A_28 : vector<2000x128xi1>, vector<2000x128xf32>
    %get3A_29 = arith.constant 0 : index
    %get3A_30 = arith.constant 0 : index
    %get3A_31 = vector.load %arg6[%get3A_29, %get3A_30] : memref<128x32xf32, #tpu.memory_space<vmem>>, vector<128x32xf32>
    %dot_general3A_32 = arith.constant dense<0.000000e+00> : vector<2000x32xf32>
    %dot_general3A_33 = tpu.matmul %select_n3A, %get3A_31, %dot_general3A_32 {dimension_numbers = #tpu.dot_dimension_numbers<[1], [0], [0], [1], [0, 0, 1, 1], [], []>, transpose_lhs_hint = false} : vector<2000x128xf32>, vector<128x32xf32>, vector<2000x32xf32> -> vector<2000x32xf32>
    %get3A_34 = arith.constant 0 : index
    %get3A_35 = arith.constant 0 : index
    %get3A_36 = vector.load %arg7[%get3A_34, %get3A_35] : memref<1x32xf32, #tpu.memory_space<vmem>>, vector<1x32xf32>
    %add3A_37 = vector.broadcast %get3A_36 : vector<1x32xf32> to vector<2000x32xf32>
    %add3A_38 = arith.addf %dot_general3A_33, %add3A_37 : vector<2000x32xf32>
    %ge3A_39 = arith.constant 0.000000e+00 : f32
    %ge3A_40 = vector.broadcast %ge3A_39 : f32 to vector<2000x32xf32>
    %ge3A_41 = arith.cmpf oge, %add3A_38, %ge3A_40 : vector<2000x32xf32>
    %mul3A_42 = arith.constant 2.000000e-01 : f32
    %mul3A_43 = vector.broadcast %mul3A_42 : f32 to vector<2000x32xf32>
    %mul3A_44 = arith.mulf %mul3A_43, %add3A_38 : vector<2000x32xf32>
    %select_n3A_45 = arith.select %ge3A_41, %add3A_38, %mul3A_44 : vector<2000x32xi1>, vector<2000x32xf32>
    %get3A_46 = arith.constant 0 : index
    %get3A_47 = arith.constant 0 : index
    %get3A_48 = vector.load %arg8[%get3A_46, %get3A_47] : memref<32x8xf32, #tpu.memory_space<vmem>>, vector<32x8xf32>
    %dot_general3A_49 = arith.constant dense<0.000000e+00> : vector<2000x8xf32>
    %dot_general3A_50 = tpu.matmul %select_n3A_45, %get3A_48, %dot_general3A_49 {dimension_numbers = #tpu.dot_dimension_numbers<[1], [0], [0], [1], [0, 0, 1, 1], [], []>, transpose_lhs_hint = false} : vector<2000x32xf32>, vector<32x8xf32>, vector<2000x8xf32> -> vector<2000x8xf32>
    %get3A_51 = arith.constant 0 : index
    %get3A_52 = arith.constant 0 : index
    %get3A_53 = vector.load %arg9[%get3A_51, %get3A_52] : memref<1x8xf32, #tpu.memory_space<vmem>>, vector<1x8xf32>
    %add3A_54 = vector.broadcast %get3A_53 : vector<1x8xf32> to vector<2000x8xf32>
    %add3A_55 = arith.addf %dot_general3A_50, %add3A_54 : vector<2000x8xf32>
    %logistic3A = arith.negf %add3A_55 : vector<2000x8xf32>
    %logistic3A_56 = math.exp %logistic3A : vector<2000x8xf32>
    %logistic3A_57 = arith.constant 1.000000e+00 : f32
    %logistic3A_58 = vector.broadcast %logistic3A_57 : f32 to vector<2000x8xf32>
    %logistic3A_59 = arith.addf %logistic3A_58, %logistic3A_56 : vector<2000x8xf32>
    %logistic3A_60 = arith.divf %logistic3A_58, %logistic3A_59 : vector<2000x8xf32>
    %get3A_61 = arith.constant 0 : index
    %get3A_62 = arith.constant 0 : index
    %get3A_63 = vector.load %arg10[%get3A_61, %get3A_62] : memref<8x128xf32, #tpu.memory_space<vmem>>, vector<8x128xf32>
    %dot_general3A_64 = arith.constant dense<0.000000e+00> : vector<2000x128xf32>
    %dot_general3A_65 = tpu.matmul %logistic3A_60, %get3A_63, %dot_general3A_64 {dimension_numbers = #tpu.dot_dimension_numbers<[1], [0], [0], [1], [0, 0, 1, 1], [], []>, transpose_lhs_hint = false} : vector<2000x8xf32>, vector<8x128xf32>, vector<2000x128xf32> -> vector<2000x128xf32>
    %mul3A_66 = arith.mulf %dot_general3A_65, %add3A_19 : vector<2000x128xf32>
    %swap3A_67 = arith.constant 0 : index
    %swap3A_68 = arith.constant 0 : index
    %swap3A_69 = vector.load %arg13[%swap3A_67, %swap3A_68] : memref<2000x128xf32, #tpu.memory_space<vmem>>, vector<2000x128xf32>
    tpu.vector_store %arg13[%swap3A_67, %swap3A_68], %mul3A_66 {strides = array<i32>} : memref<2000x128xf32, #tpu.memory_space<vmem>>, vector<2000x128xf32>,
    return
  }
  func.func @transform_0(%arg0: i32) -> (i32, i32) {
    %c0_i32 = arith.constant 0 : i32
    %c0_i32_0 = arith.constant 0 : i32
    return %arg0, %c0_i32 : i32, i32
  }
  func.func @transform_1(%arg0: i32) -> (i32, i32) {
    %c0_i32 = arith.constant 0 : i32
    %c0_i32_0 = arith.constant 0 : i32
    %c0_i32_1 = arith.constant 0 : i32
    return %c0_i32, %c0_i32_0 : i32, i32
  }
  func.func @transform_2(%arg0: i32) -> (i32, i32) {
    %c0_i32 = arith.constant 0 : i32
    %c0_i32_0 = arith.constant 0 : i32
    %c0_i32_1 = arith.constant 0 : i32
    return %c0_i32, %c0_i32_0 : i32, i32
  }
  func.func @transform_3(%arg0: i32) -> (i32, i32) {
    %c0_i32 = arith.constant 0 : i32
    %c0_i32_0 = arith.constant 0 : i32
    %c0_i32_1 = arith.constant 0 : i32
    return %c0_i32, %c0_i32_0 : i32, i32
  }
  func.func @transform_4(%arg0: i32) -> (i32, i32) {
    %c0_i32 = arith.constant 0 : i32
    %c0_i32_0 = arith.constant 0 : i32
    %c0_i32_1 = arith.constant 0 : i32
    return %c0_i32, %c0_i32_0 : i32, i32
  }
  func.func @transform_5(%arg0: i32) -> (i32, i32) {
    %c0_i32 = arith.constant 0 : i32
    %c0_i32_0 = arith.constant 0 : i32
    %c0_i32_1 = arith.constant 0 : i32
    return %c0_i32, %c0_i32_0 : i32, i32
  }
  func.func @transform_6(%arg0: i32) -> (i32, i32) {
    %c0_i32 = arith.constant 0 : i32
    %c0_i32_0 = arith.constant 0 : i32
    %c0_i32_1 = arith.constant 0 : i32
    return %c0_i32, %c0_i32_0 : i32, i32
  }
  func.func @transform_7(%arg0: i32) -> (i32, i32) {
    %c0_i32 = arith.constant 0 : i32
    %c0_i32_0 = arith.constant 0 : i32
    %c0_i32_1 = arith.constant 0 : i32
    return %c0_i32, %c0_i32_0 : i32, i32
  }
  func.func @transform_8(%arg0: i32) -> (i32, i32) {
    %c0_i32 = arith.constant 0 : i32
    %c0_i32_0 = arith.constant 0 : i32
    %c0_i32_1 = arith.constant 0 : i32
    return %c0_i32, %c0_i32_0 : i32, i32
  }
  func.func @transform_9(%arg0: i32) -> (i32, i32) {
    %c0_i32 = arith.constant 0 : i32
    %c0_i32_0 = arith.constant 0 : i32
    %c0_i32_1 = arith.constant 0 : i32
    return %c0_i32, %c0_i32_0 : i32, i32
  }
  func.func @transform_10(%arg0: i32) -> (i32, i32) {
    %c0_i32 = arith.constant 0 : i32
    %c0_i32_0 = arith.constant 0 : i32
    return %arg0, %c0_i32 : i32, i32
  }
  func.func @transform_11(%arg0: i32) -> (i32, i32) {
    %c0_i32 = arith.constant 0 : i32
    %c0_i32_0 = arith.constant 0 : i32
    return %arg0, %c0_i32 : i32, i32
  }
  func.func @transform_12(%arg0: i32) -> (i32, i32) {
    %c0_i32 = arith.constant 0 : i32
    %c0_i32_0 = arith.constant 0 : i32
    return %arg0, %c0_i32 : i32, i32
  }
}

module attributes {stable_mosaic.version = 14 : i64} {
  func.func @_edge_body(%arg0: i32, %arg1: memref<2000x128xf32, #tpu.memory_space<vmem>>, %arg2: memref<2000x128xf32, #tpu.memory_space<vmem>>, %arg3: memref<128x32xf32, #tpu.memory_space<vmem>>, %arg4: memref<1x32xf32, #tpu.memory_space<vmem>>, %arg5: memref<32x8xf32, #tpu.memory_space<vmem>>, %arg6: memref<1x8xf32, #tpu.memory_space<vmem>>, %arg7: memref<8x128xf32, #tpu.memory_space<vmem>>, %arg8: memref<2000x128xf32, #tpu.memory_space<vmem>>) attributes {dimension_semantics = [#tpu.dimension_semantics<arbitrary>], iteration_bounds = array<i64: 80>, scalar_prefetch = 0 : i64, scratch_operands = 0 : i64, tpu.core_type = #tpu.core_type<tc>, window_params = [{transform_indices = @transform_0, window_bounds = array<i64: 2000, 128>}, {transform_indices = @transform_1, window_bounds = array<i64: 2000, 128>}, {pipeline_mode = #tpu.pipeline_mode<synchronous>, transform_indices = @transform_2, window_bounds = array<i64: 128, 32>}, {pipeline_mode = #tpu.pipeline_mode<synchronous>, transform_indices = @transform_3, window_bounds = array<i64: 1, 32>}, {pipeline_mode = #tpu.pipeline_mode<synchronous>, transform_indices = @transform_4, window_bounds = array<i64: 32, 8>}, {pipeline_mode = #tpu.pipeline_mode<synchronous>, transform_indices = @transform_5, window_bounds = array<i64: 1, 8>}, {pipeline_mode = #tpu.pipeline_mode<synchronous>, transform_indices = @transform_6, window_bounds = array<i64: 8, 128>}, {transform_indices = @transform_7, window_bounds = array<i64: 2000, 128>}]} {
    %get3A = arith.constant 0 : index
    %get3A_0 = arith.constant 0 : index
    %get3A_1 = vector.load %arg1[%get3A, %get3A_0] : memref<2000x128xf32, #tpu.memory_space<vmem>>, vector<2000x128xf32>
    %get3A_2 = arith.constant 0 : index
    %get3A_3 = arith.constant 0 : index
    %get3A_4 = vector.load %arg2[%get3A_2, %get3A_3] : memref<2000x128xf32, #tpu.memory_space<vmem>>, vector<2000x128xf32>
    %add3A = arith.addf %get3A_1, %get3A_4 : vector<2000x128xf32>
    %ge3A = arith.constant 0.000000e+00 : f32
    %ge3A_5 = vector.broadcast %ge3A : f32 to vector<2000x128xf32>
    %ge3A_6 = arith.cmpf oge, %add3A, %ge3A_5 : vector<2000x128xf32>
    %mul3A = arith.constant 2.000000e-01 : f32
    %mul3A_7 = vector.broadcast %mul3A : f32 to vector<2000x128xf32>
    %mul3A_8 = arith.mulf %mul3A_7, %add3A : vector<2000x128xf32>
    %select_n3A = arith.select %ge3A_6, %add3A, %mul3A_8 : vector<2000x128xi1>, vector<2000x128xf32>
    %get3A_9 = arith.constant 0 : index
    %get3A_10 = arith.constant 0 : index
    %get3A_11 = vector.load %arg3[%get3A_9, %get3A_10] : memref<128x32xf32, #tpu.memory_space<vmem>>, vector<128x32xf32>
    %dot_general3A = arith.constant dense<0.000000e+00> : vector<2000x32xf32>
    %dot_general3A_12 = tpu.matmul %select_n3A, %get3A_11, %dot_general3A {dimension_numbers = #tpu.dot_dimension_numbers<[1], [0], [0], [1], [0, 0, 1, 1], [], []>, transpose_lhs_hint = false} : vector<2000x128xf32>, vector<128x32xf32>, vector<2000x32xf32> -> vector<2000x32xf32>
    %get3A_13 = arith.constant 0 : index
    %get3A_14 = arith.constant 0 : index
    %get3A_15 = vector.load %arg4[%get3A_13, %get3A_14] : memref<1x32xf32, #tpu.memory_space<vmem>>, vector<1x32xf32>
    %add3A_16 = vector.broadcast %get3A_15 : vector<1x32xf32> to vector<2000x32xf32>
    %add3A_17 = arith.addf %dot_general3A_12, %add3A_16 : vector<2000x32xf32>
    %ge3A_18 = arith.constant 0.000000e+00 : f32
    %ge3A_19 = vector.broadcast %ge3A_18 : f32 to vector<2000x32xf32>
    %ge3A_20 = arith.cmpf oge, %add3A_17, %ge3A_19 : vector<2000x32xf32>
    %mul3A_21 = arith.constant 2.000000e-01 : f32
    %mul3A_22 = vector.broadcast %mul3A_21 : f32 to vector<2000x32xf32>
    %mul3A_23 = arith.mulf %mul3A_22, %add3A_17 : vector<2000x32xf32>
    %select_n3A_24 = arith.select %ge3A_20, %add3A_17, %mul3A_23 : vector<2000x32xi1>, vector<2000x32xf32>
    %get3A_25 = arith.constant 0 : index
    %get3A_26 = arith.constant 0 : index
    %get3A_27 = vector.load %arg5[%get3A_25, %get3A_26] : memref<32x8xf32, #tpu.memory_space<vmem>>, vector<32x8xf32>
    %dot_general3A_28 = arith.constant dense<0.000000e+00> : vector<2000x8xf32>
    %dot_general3A_29 = tpu.matmul %select_n3A_24, %get3A_27, %dot_general3A_28 {dimension_numbers = #tpu.dot_dimension_numbers<[1], [0], [0], [1], [0, 0, 1, 1], [], []>, transpose_lhs_hint = false} : vector<2000x32xf32>, vector<32x8xf32>, vector<2000x8xf32> -> vector<2000x8xf32>
    %get3A_30 = arith.constant 0 : index
    %get3A_31 = arith.constant 0 : index
    %get3A_32 = vector.load %arg6[%get3A_30, %get3A_31] : memref<1x8xf32, #tpu.memory_space<vmem>>, vector<1x8xf32>
    %add3A_33 = vector.broadcast %get3A_32 : vector<1x8xf32> to vector<2000x8xf32>
    %add3A_34 = arith.addf %dot_general3A_29, %add3A_33 : vector<2000x8xf32>
    %logistic3A = arith.negf %add3A_34 : vector<2000x8xf32>
    %logistic3A_35 = math.exp %logistic3A : vector<2000x8xf32>
    %logistic3A_36 = arith.constant 1.000000e+00 : f32
    %logistic3A_37 = vector.broadcast %logistic3A_36 : f32 to vector<2000x8xf32>
    %logistic3A_38 = arith.addf %logistic3A_37, %logistic3A_35 : vector<2000x8xf32>
    %logistic3A_39 = arith.divf %logistic3A_37, %logistic3A_38 : vector<2000x8xf32>
    %get3A_40 = arith.constant 0 : index
    %get3A_41 = arith.constant 0 : index
    %get3A_42 = vector.load %arg7[%get3A_40, %get3A_41] : memref<8x128xf32, #tpu.memory_space<vmem>>, vector<8x128xf32>
    %dot_general3A_43 = arith.constant dense<0.000000e+00> : vector<2000x128xf32>
    %dot_general3A_44 = tpu.matmul %logistic3A_39, %get3A_42, %dot_general3A_43 {dimension_numbers = #tpu.dot_dimension_numbers<[1], [0], [0], [1], [0, 0, 1, 1], [], []>, transpose_lhs_hint = false} : vector<2000x8xf32>, vector<8x128xf32>, vector<2000x128xf32> -> vector<2000x128xf32>
    %mul3A_45 = arith.mulf %dot_general3A_44, %get3A_1 : vector<2000x128xf32>
    %swap3A = arith.constant 0 : index
    %swap3A_46 = arith.constant 0 : index
    %swap3A_47 = vector.load %arg8[%swap3A, %swap3A_46] : memref<2000x128xf32, #tpu.memory_space<vmem>>, vector<2000x128xf32>
    tpu.vector_store %arg8[%swap3A, %swap3A_46], %mul3A_45 {strides = array<i32>} : memref<2000x128xf32, #tpu.memory_space<vmem>>, vector<2000x128xf32>,
    return
  }
  func.func @transform_0(%arg0: i32) -> (i32, i32) {
    %c0_i32 = arith.constant 0 : i32
    %c0_i32_0 = arith.constant 0 : i32
    return %arg0, %c0_i32 : i32, i32
  }
  func.func @transform_1(%arg0: i32) -> (i32, i32) {
    %c0_i32 = arith.constant 0 : i32
    %c0_i32_0 = arith.constant 0 : i32
    return %arg0, %c0_i32 : i32, i32
  }
  func.func @transform_2(%arg0: i32) -> (i32, i32) {
    %c0_i32 = arith.constant 0 : i32
    %c0_i32_0 = arith.constant 0 : i32
    %c0_i32_1 = arith.constant 0 : i32
    return %c0_i32, %c0_i32_0 : i32, i32
  }
  func.func @transform_3(%arg0: i32) -> (i32, i32) {
    %c0_i32 = arith.constant 0 : i32
    %c0_i32_0 = arith.constant 0 : i32
    %c0_i32_1 = arith.constant 0 : i32
    return %c0_i32, %c0_i32_0 : i32, i32
  }
  func.func @transform_4(%arg0: i32) -> (i32, i32) {
    %c0_i32 = arith.constant 0 : i32
    %c0_i32_0 = arith.constant 0 : i32
    %c0_i32_1 = arith.constant 0 : i32
    return %c0_i32, %c0_i32_0 : i32, i32
  }
  func.func @transform_5(%arg0: i32) -> (i32, i32) {
    %c0_i32 = arith.constant 0 : i32
    %c0_i32_0 = arith.constant 0 : i32
    %c0_i32_1 = arith.constant 0 : i32
    return %c0_i32, %c0_i32_0 : i32, i32
  }
  func.func @transform_6(%arg0: i32) -> (i32, i32) {
    %c0_i32 = arith.constant 0 : i32
    %c0_i32_0 = arith.constant 0 : i32
    %c0_i32_1 = arith.constant 0 : i32
    return %c0_i32, %c0_i32_0 : i32, i32
  }
  func.func @transform_7(%arg0: i32) -> (i32, i32) {
    %c0_i32 = arith.constant 0 : i32
    %c0_i32_0 = arith.constant 0 : i32
    return %arg0, %c0_i32 : i32, i32
  }
}

module attributes {stable_mosaic.version = 14 : i64} {
  func.func @_combine_body(%arg0: i32, %arg1: memref<2000x128xf32, #tpu.memory_space<vmem>>, %arg2: memref<2000x128xf32, #tpu.memory_space<vmem>>, %arg3: memref<2000x128xf32, #tpu.memory_space<vmem>>, %arg4: memref<2000x128xf32, #tpu.memory_space<vmem>>, %arg5: memref<2000x128xf32, #tpu.memory_space<vmem>>, %arg6: memref<2000x128xf32, #tpu.memory_space<vmem>>) attributes {dimension_semantics = [#tpu.dimension_semantics<arbitrary>], iteration_bounds = array<i64: 5>, scalar_prefetch = 0 : i64, scratch_operands = 0 : i64, tpu.core_type = #tpu.core_type<tc>, window_params = [{transform_indices = @transform_0, window_bounds = array<i64: 2000, 128>}, {transform_indices = @transform_1, window_bounds = array<i64: 2000, 128>}, {transform_indices = @transform_2, window_bounds = array<i64: 2000, 128>}, {transform_indices = @transform_3, window_bounds = array<i64: 2000, 128>}, {transform_indices = @transform_4, window_bounds = array<i64: 2000, 128>}, {transform_indices = @transform_5, window_bounds = array<i64: 2000, 128>}]} {
    %get3A = arith.constant 0 : index
    %get3A_0 = arith.constant 0 : index
    %get3A_1 = vector.load %arg1[%get3A, %get3A_0] : memref<2000x128xf32, #tpu.memory_space<vmem>>, vector<2000x128xf32>
    %get3A_2 = arith.constant 0 : index
    %get3A_3 = arith.constant 0 : index
    %get3A_4 = vector.load %arg2[%get3A_2, %get3A_3] : memref<2000x128xf32, #tpu.memory_space<vmem>>, vector<2000x128xf32>
    %add3A = arith.addf %get3A_1, %get3A_4 : vector<2000x128xf32>
    %get3A_5 = arith.constant 0 : index
    %get3A_6 = arith.constant 0 : index
    %get3A_7 = vector.load %arg3[%get3A_5, %get3A_6] : memref<2000x128xf32, #tpu.memory_space<vmem>>, vector<2000x128xf32>
    %add3A_8 = arith.addf %add3A, %get3A_7 : vector<2000x128xf32>
    %get3A_9 = arith.constant 0 : index
    %get3A_10 = arith.constant 0 : index
    %get3A_11 = vector.load %arg4[%get3A_9, %get3A_10] : memref<2000x128xf32, #tpu.memory_space<vmem>>, vector<2000x128xf32>
    %get3A_12 = arith.constant 0 : index
    %get3A_13 = arith.constant 0 : index
    %get3A_14 = vector.load %arg5[%get3A_12, %get3A_13] : memref<2000x128xf32, #tpu.memory_space<vmem>>, vector<2000x128xf32>
    %add3A_15 = arith.addf %get3A_11, %get3A_14 : vector<2000x128xf32>
    %add3A_16 = arith.addf %add3A_8, %add3A_15 : vector<2000x128xf32>
    %swap3A = arith.constant 0 : index
    %swap3A_17 = arith.constant 0 : index
    %swap3A_18 = vector.load %arg6[%swap3A, %swap3A_17] : memref<2000x128xf32, #tpu.memory_space<vmem>>, vector<2000x128xf32>
    tpu.vector_store %arg6[%swap3A, %swap3A_17], %add3A_16 {strides = array<i32>} : memref<2000x128xf32, #tpu.memory_space<vmem>>, vector<2000x128xf32>,
    return
  }
  func.func @transform_0(%arg0: i32) -> (i32, i32) {
    %c0_i32 = arith.constant 0 : i32
    %c0_i32_0 = arith.constant 0 : i32
    return %arg0, %c0_i32 : i32, i32
  }
  func.func @transform_1(%arg0: i32) -> (i32, i32) {
    %c0_i32 = arith.constant 0 : i32
    %c0_i32_0 = arith.constant 0 : i32
    return %arg0, %c0_i32 : i32, i32
  }
  func.func @transform_2(%arg0: i32) -> (i32, i32) {
    %c0_i32 = arith.constant 0 : i32
    %c0_i32_0 = arith.constant 0 : i32
    return %arg0, %c0_i32 : i32, i32
  }
  func.func @transform_3(%arg0: i32) -> (i32, i32) {
    %c0_i32 = arith.constant 0 : i32
    %c0_i32_0 = arith.constant 0 : i32
    return %arg0, %c0_i32 : i32, i32
  }
  func.func @transform_4(%arg0: i32) -> (i32, i32) {
    %c0_i32 = arith.constant 0 : i32
    %c0_i32_0 = arith.constant 0 : i32
    return %arg0, %c0_i32 : i32, i32
  }
  func.func @transform_5(%arg0: i32) -> (i32, i32) {
    %c0_i32 = arith.constant 0 : i32
    %c0_i32_0 = arith.constant 0 : i32
    return %arg0, %c0_i32 : i32, i32
  }
}

</mosaic_0001>

<sc_bundles>
// kernel: kernel.10.cloned.1.call-start
scs
__scs_entry_jumppad:
0x0: {  	(pc) =	sbr.rel $0x88, $3  }
0x1: {  	(tag) =	ssettag $0x0;
	lr =	simm.s32 $0x1  }
0x2: {  	[smem:$0x3F93] =	sst lr;
	_ =	strace $0xD0000000  }
0x3: {  	_ = 	snop  }
0x4: {  	_ = 	snop  }
0x5: {  	_ = 	snop  }
0x6: {  	_ = 	snop  }
0x7: {  	_ = 	snop  }
__scs_overlays_trampoline_lowered:
0x8: {  	[smem:$0x3FA2] =	sst s0  }
0x9: {  	[smem:$0x3FA3] =	sst s1  }
0xa: {  	[smem:$0x3FA4] =	sst s2  }
0xb: {  	[smem:$0x3FA5] =	sst s3  }
0xc: {  	[smem:$0x3FA6] =	sst s4  }
0xd: {  	[smem:$0x3FA7] =	sst s5  }
0xe: {  	[smem:$0x3FA8] =	sst s6  }
0xf: {  	[smem:$0x3FA9] =	sst s7  }
0x10: {  	[smem:$0x3FAA] =	sst s8  }
0x11: {  	[smem:$0x3FAB] =	sst s9;
	s0 =	simm.s32 @!p0 $0x0  }
0x12: {  	s1 =	sld [smem:$0x3F91];
	s0 =	simm.s32 @p0 $0x1  }
0x13: {  	[smem:$0x3FAC] =	sst s0;
	s0 =	simm.s32 @!p1 $0x0  }
0x14: {  	s2 =	sld [smem:$0x3F90];
	s0 =	simm.s32 @p1 $0x1  }
0x15: {  	[smem:$0x3FAD] =	sst s0;
	s0 =	simm.s32 @!p2 $0x0  }
0x16: {  	s3 =	sld [smem:$0x3FDB];
	s0 =	simm.s32 @p2 $0x1  }
0x17: {  	s4 =	simm.s32 $0x1BF5;
	[smem:$0x3FAF] =	sst s0  }
0x18: {  	s0 =	sld [smem:$0x3F92];
	_ =	swait.ge [sflag:s4], $0x0  }
0x19: {  	s7 =	sld [smem:$0x3F93]  }
0x1a: {  	s8 =	sadd.s32 $0xFFFFE003, lr  }
0x1b: {  	s9 =	sadd.s32 $0xFFFFFEF7, lr;
	s5 =	simm.s32 $0xFFFFFFFF;
	p2 =	slt.u32 s8, $0xFFFFF086  }
0x1c: {  	p1 =	slt.u32 s9, $0xF7A;
	s5 =	simm.s32 @!p2 $0x0  }
0x1d: {  	s5 =	simm.s32 @p1 $0x1;
	p0 =	seq.s32 s7, s2  }
0x1e: {  	s7 =	smul.u32 @!p0 $0xF7A, s2;
	p2 =	seq.s32 @!p0 s5, $0x0  }
0x1f: {  	s9 =	smul.u32 $0xF7A, s1;
	s8 =	simm.s32 @!p0 $0x1BF5;
	p2 =	por !p2, p0  }
0x20: {  	[sflag:s8] =	ssyncset.s32 @!p0 $0xFFFFF086;
	s6 =	sadd.s32 @!p0 s3, s7;
	s7 =	simm.s32 @!p0 $0x108  }
0x21: {  	s3 =	sadd.s32 s3, s9;
	s6 =	sadd.s32 @!p0 $0x88, s6;
	s7 =	simm.s32 @p2 $0x1082  }
0x22: {  	[simem:s7], [sflag:s8] =	dma.local @!p0 [hbm:s6], $0xF7A  }
0x23: {  	s9 =	sor.u32 $0xD0000000, s2;
	s6 =	simm.s32 $0x108;
	_ =	swait.ge @!p0 [sflag:s8], $0x0  }
0x24: {  	s3 =	sadd.s32 $0x88, s3;
	s6 =	simm.s32 @!p1 $0x1082;
	[sflag:s4] =	ssyncset.s32 $0xFFFFF086  }
0x25: {  	[simem:s6], [sflag:s4] =	dma.local [hbm:s3], $0xF7A  }
0x26: {  	[smem:$0x3F93] =	sst s1;
	(tag) =	ssettag s2;
	_ =	strace s9  }
0x27: {  	s1 =	sld [smem:$0x3FA3]  }
0x28: {  	s2 =	sld [smem:$0x3FA4]  }
0x29: {  	s4 =	sld [smem:$0x3FA6]  }
0x2a: {  	p0 =	seq.s32 s5, $0x0;
	s5 =	sld [smem:$0x3FA7]  }
0x2b: {  	s6 =	sld [smem:$0x3FA8]  }
0x2c: {  	s7 =	sld [smem:$0x3FA9]  }
0x2d: {  	s3 =	simm.s32 $0x108;
	s8 =	sld [smem:$0x3FAA]  }
0x2e: {  	s3 =	simm.s32 @!p0 $0x1082;
	s9 =	sld [smem:$0x3FAB]  }
0x2f: {  	lr =	sadd.s32 s0, s3;
	s0 =	sld [smem:$0x3FA2]  }
0x30: {  	s3 =	sld [smem:$0x3FA5]  }
0x31: {  	[smem:$0x3FAE] =	sst s10  }
0x32: {  	s10 =	sld [smem:$0x3FAC];
	_ =	sdelay $0x3  }
0x33: {  	p0 =	seq.s32 s10, $0x1;
	s10 =	sld [smem:$0x3FAE];
	_ =	sdelay $0x3  }
0x34: {  	[smem:$0x3FAE] =	sst s10  }
0x35: {  	s10 =	sld [smem:$0x3FAD];
	_ =	sdelay $0x3  }
0x36: {  	p1 =	seq.s32 s10, $0x1;
	s10 =	sld [smem:$0x3FAE];
	_ =	sdelay $0x3  }
0x37: {  	[smem:$0x3FAE] =	sst s10  }
0x38: {  	s10 =	sld [smem:$0x3FAF]  }
0x39: {  	_ = 	snop;
	(pc) =	sbr.ind lr, $3  }
0x3a: {  	_ = 	snop  }
0x3b: {  	_ = 	snop  }
0x3c: {  	p2 =	seq.s32 s10, $0x1;
	s10 =	sld [smem:$0x3FAE]  }
0x3d: {  	_ =	shalt  }
0x3e: {  	_ =	shalt  }
0x3f: {  	_ =	shalt  }
0x40: {  	_ =	shalt  }
0x41: {  	_ =	shalt  }
0x42: {  	_ =	shalt  }
0x43: {  	_ =	shalt  }
0x44: {  	_ =	shalt  }
0x45: {  	_ =	shalt  }
0x46: {  	_ =	shalt  }
0x47: {  	_ =	shalt  }
0x48: {  	_ =	shalt  }
0x49: {  	_ =	shalt  }
0x4a: {  	_ =	shalt  }
0x4b: {  	_ =	shalt  }
0x4c: {  	_ =	shalt  }
0x4d: {  	_ =	shalt  }
0x4e: {  	_ =	shalt  }
0x4f: {  	_ =	shalt  }
0x50: {  	_ =	shalt  }
0x51: {  	_ =	shalt  }
0x52: {  	_ =	shalt  }
0x53: {  	_ =	shalt  }
0x54: {  	_ =	shalt  }
0x55: {  	_ =	shalt  }
0x56: {  	_ =	shalt  }
0x57: {  	_ =	shalt  }
0x58: {  	_ =	shalt  }
0x59: {  	_ =	shalt  }
0x5a: {  	_ =	shalt  }
0x5b: {  	_ =	shalt  }
0x5c: {  	_ =	shalt  }
0x5d: {  	_ =	shalt  }
0x5e: {  	_ =	shalt  }
0x5f: {  	_ =	shalt  }
0x60: {  	_ =	shalt  }
0x61: {  	_ =	shalt  }
0x62: {  	_ =	shalt  }
0x63: {  	_ =	shalt  }
0x64: {  	_ =	shalt  }
0x65: {  	_ =	shalt  }
0x66: {  	_ =	shalt  }
0x67: {  	_ =	shalt  }
0x68: {  	_ =	shalt  }
0x69: {  	_ =	shalt  }
0x6a: {  	_ =	shalt  }
0x6b: {  	_ =	shalt  }
0x6c: {  	_ =	shalt  }
0x6d: {  	_ =	shalt  }
0x6e: {  	_ =	shalt  }
0x6f: {  	_ =	shalt  }
0x70: {  	_ =	shalt  }
0x71: {  	_ =	shalt  }
0x72: {  	_ =	shalt  }
0x73: {  	_ =	shalt  }
0x74: {  	_ =	shalt  }
0x75: {  	_ =	shalt  }
0x76: {  	_ =	shalt  }
0x77: {  	_ =	shalt  }
0x78: {  	_ =	shalt  }
0x79: {  	_ =	shalt  }
0x7a: {  	_ =	shalt  }
0x7b: {  	_ =	shalt  }
0x7c: {  	_ =	shalt  }
0x7d: {  	_ =	shalt  }
0x7e: {  	_ =	shalt  }
0x7f: {  	_ =	shalt  }
0x80: {  	_ =	shalt  }
0x81: {  	_ =	shalt  }
0x82: {  	_ =	shalt  }
0x83: {  	_ =	shalt  }
0x84: {  	_ =	shalt  }
0x85: {  	_ =	shalt  }
0x86: {  	_ =	shalt  }
0x87: {  	_ =	shalt  }
.Lfunc_end0:
.L_simem_size_0:
called_computation_lowered:
.L_overlay_start_0:
0x88: {  	s2 =	sld [smem:$0x3FD9]  }
0x89: {  	s3 =	sld [smem:$0x3FFE];
	_ =	sdelay $0x1  }
0x8a: {  	s1 =	srdreg.scid  }
0x8b: {  	s0 =	sand.u32 $0x1, s1  }
0x8c: {  	s17 =	sshll.u32 s0, $0xA;
	s2 =	sadd.s32 s3, s2  }
0x8d: {  	s2 =	sadd.s32 s2, s17  }
0x8e: {  	[smem:$0x3FBA] =	sst s2  }
0x8f: {  	_ = 	snop  }
0x90: {  	(tm) =	ssettm $0x1  }
0x91: {  	s18 =	sld [smem:$0x3FFB];
	_ =	sdelay $0x3  }
0x92: {  	_ =	strace s18  }
0x93: {  	s2 =	sld [smem:$0x3FFC];
	_ =	sdelay $0x3  }
0x94: {  	_ =	strace s2  }
0x95: {  	s2 =	sld [smem:$0x3FFD];
	_ =	sdelay $0x3  }
0x96: {  	_ =	strace s2  }
0x97: {  	_ =	strace $0x8FFFFFFF  }
0x98: {  	s19 =	sld [smem:$0x3FDB];
	_ =	sdelay $0x1  }
0x99: {  	s20 =	simm.s32 $_scs_section_size  }
0x9a: {  	s4 =	simm.s32 $_size__tile_overlayer_lowered;
	s5 =	simm.s32 $_tile_overlayer_lowered  }
0x9b: {  	s6 =	simm.s32 $0x1BFF;
	s21 =	sshll.u32 s5, $0x1;
	s3 =	sadd.s32 s20, s19  }
0x9c: {  	s22 =	simm.s32 $0x0;
	s4 =	sshll.u32 s4, $0x1;
	s5 =	sadd.s32 s21, s3  }
0x9d: {  	[timem:s22], [sflag:s6] =	dma.local [hbm:s5], s4  }
0x9e: {  	_ =	swait.ge [sflag:s6], s4  }
0x9f: {  	s4 =	ssub.s32 $0x0, s4;
	[sflag:s6] =	ssyncset.done $0x0  }
0xa0: {  	[sflag:s6] =	ssyncadd.s32 s4;
	_ =	sdelay $0x1  }
0xa1: {  	s23 =	simm.s32 $0x1B8B  }
0xa2: {  	_ =	swait.ge [sflag:s23], $0x1  }
0xa3: {  	[sflag:s23] =	ssyncset.done $0x0  }
0xa4: {  	[sflag:s23] =	ssyncadd.s32 $0xFFFFFFFF  }
0xa5: {  	s4 =	sld [smem:$0x0]  }
0xa6: {  	s5 =	sand.u32 $0xFFFFFFFE, s1  }
0xa7: {  	p0 =	sne.s32 s1, s5  }
0xa8: {  	s5 =	sshll.u32 @p0 s5, $0xE  }
0xa9: {  	s5 =	sadd.s32 @p0 $0x11B8D, s5;
	s6 =	sshll.u32 @p0 s4, $0x11  }
0xaa: {  	s5 =	sor.u32 @p0 s6, s5  }
0xab: {  	[sflag:s5] =	ssyncadd.remote.s32 @p0 $0x1;
	_ =	sdelay $0x1  }
0xac: {  	s5 =	simm.s32 @p0 $0x1B8D  }
0xad: {  	_ =	swait.eq @p0 [sflag:s5], $0x1  }
0xae: {  	[sflag:s5] =	ssyncadd.s32 @p0 $0xFFFFFFFF  }
0xaf: {  	s6 =	sshll.u32 @!p0 s1, $0xE  }
0xb0: {  	s6 =	sor.u32 @!p0 $0x4000, s6;
	s5 =	simm.s32 @!p0 $0x1B8D  }
0xb1: {  	s4 =	sshll.u32 @!p0 s4, $0x11;
	s6 =	sadd.s32 @!p0 $0x11B8D, s6;
	_ =	swait.eq @!p0 [sflag:s5], $0x1  }
0xb2: {  	s4 =	sor.u32 @!p0 s4, s6;
	[sflag:s5] =	ssyncadd.s32 @!p0 $0xFFFFFFFF  }
0xb3: {  	s25 =	simm.s32 $0x1B8E;
	s24 =	sld [smem:$0x3FFE];
	[sflag:s4] =	ssyncadd.remote.s32 @!p0 $0x1  }
0xb4: {  	s26 =	simm.s32 $execute0_lowered;
	[smem:$0x3FD2] =	sst s25  }
0xb5: {  	s5 =	sshll.u32 s26, $0x1;
	_ =	strace $0x80000049;
	[dreg:$0x1] =	wrdreg $0xFFFFFFFF  }
0xb6: {  	s28 =	simm.s32 $_size_execute0_lowered;
	s3 =	sadd.s32 s3, s5;
	[dreg:$0x0] =	wrdreg $0x0  }
0xb7: {  	s5 =	sshll.u32 s28, $0x1;
	[dreg:$0x2] =	wrdreg s3  }
0xb8: {  	[dreg:$0x3] =	wrdreg s5  }
0xb9: {  	[dreg:$0x4] =	wrdreg $0xC0  }
0xba: {  	_ =	task [dreg:s22], $0x5FFFF  }
0xbb: {  	[dreg:$0x1] =	wrdreg $0xFFFFFFFF  }
0xbc: {  	[dreg:$0x0] =	wrdreg $0x60  }
0xbd: {  	[dreg:$0x2] =	wrdreg s24  }
0xbe: {  	[dreg:$0x3] =	wrdreg $0x9  }
0xbf: {  	_ =	task.clear_ibuf [dreg:s22], $0x4FFFF;
	_ =	strace $0x90000049  }
0xc0: {  	s29 =	simm.s32 $0x9;
	_ =	strace $0x8000004B  }
0xc1: {  	_ =	swait.ge [sflag:s29], $0x1  }
0xc2: {  	[sflag:s29] =	ssyncadd.s32 $0xFFFFFFFF  }
0xc3: {  	_ =	strace $0x9000004B  }
0xc4: {  	_ =	sfence  }
0xc5: {  	s30 =	sld [smem:$0x0];
	_ =	sdelay $0x2  }
0xc6: {  	s31 =	sshll.u32 s1, $0xD;
	s1 =	sshrl.u32 s1, $0x2  }
0xc7: {  	s4 =	sand.u32 $0x4000, s31;
	s1 =	sadd.s32 s1, s30  }
0xc8: {  	s0 =	sor.u32 s4, s0;
	s1 =	sshll.u32 s1, $0x11  }
0xc9: {  	s0 =	sor.u32 s1, s0  }
0xca: {  	s0 =	sadd.s32 $0x8F2B, s0  }
0xcb: {  	[sflag:s0] =	ssyncadd.remote.s32 $0x1  }
0xcc: {  	_ =	sfence.sel $0xFFFF  }
0xcd: {  	[dreg:$0x0] =	wrdreg $0xFFFFFFFF;
	(pc) =	sbr.abs _section_cstart, $3  }
0xce: {  	[dreg:$0x1] =	wrdreg $0xFFFFFFFF  }
0xcf: {  	_ =	task.clear_ibuf [dreg:s22], $0x2FFFF;
	_ =	strace $0x9FFFFFFF  }
0xd0: {  	(tm) =	ssettm $0x7FFFFFFF  }
0xd1: {  	_ =	shalt  }
tec
execute0_lowered:
.L_overlay_start_1:
0x0: {  	(tag) =	ssettag $0x1  }
0x1: {  	s0 =	srdreg.scid  }
0x2: {  	s3 =	stileid.u32;
	s5 =	rddreg [dreg:$0x0]  }
0x3: {  	s2 =	simm.s32 $0x0;
	s13 =	simm.s32 $0x28;
	s31 =	simm.s32 $0x8  }
0x4: {  	s17 =	simm.s32 $0x4;
	s0 =	sand.u32 $0x1, s0;
	s1 =	sshll.u32 s3, $0x1  }
0x5: {  	s12 =	simm.s32 $0x9;
	s10 =	simm.s32 $0xA;
	s1 =	sor.u32 s0, s1  }
0x6: {  	s14 =	simm.s32 $0x0;
	s30 =	simm.s32 $0xDC00;
	s1 =	smul.u32 $0x1388, s1  }
0x7: {  	s29 =	simm.s32 $0x5000;
	[smem:$0x7FF] =	sst s2;
	s6 =	smul.u32 $0x27100, s3  }
0x8: {  	s3 =	sadd.s32 $0xCC00, s5;
	s4 =	sadd.s32 $0x33E00, s5;
	s1 =	sshrl.u32 s1, $0x3  }
0x9: {  	_ =	strace $0x8000004A;
	s7 =	ssub.s32 $0x2, s0;
	s1 =	sadd.s32 s1, s5  }
0xa: {  	s23 =	sshrl.u32 s7, $0x1;
	s5 =	sadd.s32 s6, s5;
	s24 =	sadd.s32 $0x53D000, s1  }
0xb: {  	s6 =	ssub.s32 s7, s23;
	s1 =	sadd.s32 $0x542000, s1;
	[dreg:$0x2] =	wrdreg s24  }
0xc: {  	s8 =	smul.u32 $0x13880, s0;
	s25 =	smax.u32 s6, $0x1;
	[dreg:$0x3] =	wrdreg s1  }
0xd: {  	s0 =	simm.s32 $0x10;
	s26 =	sadd.s32 $0x547000, s5;
	[dreg:$0x4] =	wrdreg s25  }
0xe: {  	s7 =	simm.s32 $0x5;
	s28 =	sadd.s32 $0x7B8000, s5;
	[dreg:$0x5] =	wrdreg s26  }
0xf: {  	s5 =	simm.s32 $0xC;
	s6 =	simm.s32 $0x11;
	[dreg:$0x6] =	wrdreg s28  }
0x10: {  	s25 =	simm.s32 $0xDC00;
	s1 =	simm.s32 $0xB;
	s26 =	simm.s32 $0x7800  }
.LBB2_1:
0x11: {  	[dreg:$0x7] =	wrdreg s14  }
0x12: {  	s9 =	rddreg [dreg:$0x2];
	s11 =	simm.s32 $0x15  }
0x13: {  	[tilespmem:s2], [sflag:$0x15] =	stream.linear.gather [hbm4b:s9+s2], $0x1388, $0x38;
	[tilespmem:$0xF000] =	vst v63  }
0x14: {  	_ =	swait.ge [sflag:s11], $0x1388  }
0x15: {  	[sflag:s11] =	ssyncset.done $0x0  }
0x16: {  	s23 =	simm.s32 $0x1400;
	s22 =	rddreg [dreg:$0x3];
	[sflag:s11] =	ssyncadd.s32 $0xFFFFEC78  }
0x17: {  	[tilespmem:s23], [sflag:$0x15] =	stream.linear.gather [hbm4b:s22+s2], $0x1388, $0x38;
	[tilespmem:$0xF000] =	vst v63  }
0x18: {  	_ =	swait.ge [sflag:s11], $0x1388  }
0x19: {  	[sflag:s11] =	ssyncset.done $0x0  }
0x1a: {  	s24 =	simm.s32 $0x2800;
	[sflag:s11] =	ssyncadd.s32 $0xFFFFEC78  }
0x1b: {  	[tilespmem:s24], [sflag:$0x1] =	stream.indirect.gather [hbm4b:s3+s13], $0x80, s2, s13, $0xb8;
	[tilespmem:$0xF000] =	vst v63  }
0x1c: {  	s15 =	simm.s32 $0x8C00  }
0x1d: {  	[tilespmem:s15], [sflag:$0x6] =	stream.indirect.gather [hbm4b:s4+s13], $0x80, s23, s13, $0xb8;
	[tilespmem:$0xF000] =	vst v63  }
0x1e: {  	s16 =	simm.s32 $0x3C00;
	p0 =	por $0x1, $0x1  }
0x1f: {  	[tilespmem:s16], [sflag:$0x2] =	stream.indirect.gather [hbm4b:s3+s13], $0x80, s13, s13, $0xb8;
	[tilespmem:$0xF000] =	vst v63  }
0x20: {  	s28 =	simm.s32 $0x1428;
	s20 =	simm.s32 $0xA000;
	s9 =	simm.s32 @!p0 $0xD  }
0x21: {  	[tilespmem:s20], [sflag:$0x7] =	stream.indirect.gather [hbm4b:s4+s13], $0x80, s28, s13, $0xb8;
	[tilespmem:$0xF000] =	vst v63  }
0x22: {  	_ =	swait.ge @!p0 [sflag:s9], $0x1400  }
0x23: {  	[sflag:s9] =	ssyncset.done @!p0 $0x0  }
0x24: {  	[sflag:s9] =	ssyncadd.s32 @!p0 $0xFFFFEC00;
	s9 =	simm.s32 @!p0 $0x12  }
0x25: {  	_ =	swait.ge @!p0 [sflag:s9], $0x1400  }
0x26: {  	[sflag:s9] =	ssyncset.done @!p0 $0x0  }
0x27: {  	s14 =	simm.s32 $0x50;
	s23 =	simm.s32 $0x5000;
	[sflag:s9] =	ssyncadd.s32 @!p0 $0xFFFFEC00  }
0x28: {  	[tilespmem:s23], [sflag:$0x3] =	stream.indirect.gather [hbm4b:s3+s13], $0x80, s14, s13, $0xb8;
	[tilespmem:$0xF000] =	vst v63  }
0x29: {  	s18 =	simm.s32 $0x1450;
	s21 =	simm.s32 $0xB400;
	s19 =	simm.s32 $0x1  }
0x2a: {  	[tilespmem:s21], [sflag:$0x8] =	stream.indirect.gather [hbm4b:s4+s13], $0x80, s18, s13, $0xb8;
	[tilespmem:$0xF000] =	vst v63  }
0x2b: {  	_ =	swait.ge [sflag:s19], $0x1400  }
0x2c: {  	[sflag:s19] =	ssyncset.done $0x0  }
0x2d: {  	s22 =	simm.s32 $0x6;
	[sflag:s19] =	ssyncadd.s32 $0xFFFFEC00  }
0x2e: {  	_ =	swait.ge [sflag:s22], $0x1400  }
0x2f: {  	[sflag:s22] =	ssyncset.done $0x0;
	s18 =	rddreg [dreg:$0x5]  }
0x30: {  	s19 =	rddreg [dreg:$0x6];
	[sflag:s22] =	ssyncadd.s32 $0xFFFFEC00;
	s9 =	sadd.s32 s18, s8  }
0x31: {  	[hbm4b:s9+s2] =	stream.linear.scatter [tilespmem:s24], [sflag:$0xB], $0x1400, $0x38;
	[tilespmem:$0xF000] =	vst v63  }
0x32: {  	s11 =	simm.s32 @!p0 $0xE;
	s14 =	sadd.s32 s19, s8  }
0x33: {  	[hbm4b:s14+s2] =	stream.linear.scatter [tilespmem:s15], [sflag:$0x10], $0x1400, $0x38;
	[tilespmem:$0xF000] =	vst v63  }
0x34: {  	_ =	swait.ge @!p0 [sflag:s11], $0x1400  }
0x35: {  	[sflag:s11] =	ssyncset.done @!p0 $0x0  }
0x36: {  	[sflag:s11] =	ssyncadd.s32 @!p0 $0xFFFFEC00;
	s11 =	simm.s32 @!p0 $0x13  }
0x37: {  	_ =	swait.ge @!p0 [sflag:s11], $0x1400  }
0x38: {  	[sflag:s11] =	ssyncset.done @!p0 $0x0  }
0x39: {  	s22 =	simm.s32 $0x6400;
	s24 =	simm.s32 $0x78;
	[sflag:s11] =	ssyncadd.s32 @!p0 $0xFFFFEC00  }
0x3a: {  	[tilespmem:s22], [sflag:$0x4] =	stream.indirect.gather [hbm4b:s3+s13], $0x80, s24, s13, $0xb8;
	[tilespmem:$0xF000] =	vst v63  }
0x3b: {  	s28 =	simm.s32 $0x1478;
	s15 =	simm.s32 $0x2;
	s24 =	simm.s32 $0xC800  }
0x3c: {  	[tilespmem:s24], [sflag:$0x9] =	stream.indirect.gather [hbm4b:s4+s13], $0x80, s28, s13, $0xb8;
	[tilespmem:$0xF000] =	vst v63  }
0x3d: {  	_ =	swait.ge [sflag:s15], $0x1400  }
0x3e: {  	[sflag:s15] =	ssyncset.done $0x0  }
0x3f: {  	s28 =	simm.s32 $0x7;
	[sflag:s15] =	ssyncadd.s32 $0xFFFFEC00  }
0x40: {  	_ =	swait.ge [sflag:s28], $0x1400  }
0x41: {  	[sflag:s28] =	ssyncset.done $0x0  }
0x42: {  	s15 =	sadd.s32 $0x280, s9;
	[sflag:s28] =	ssyncadd.s32 $0xFFFFEC00  }
0x43: {  	[hbm4b:s15+s2] =	stream.linear.scatter [tilespmem:s16], [sflag:$0xC], $0x1400, $0x38;
	[tilespmem:$0xF000] =	vst v63  }
0x44: {  	s28 =	sadd.s32 $0x280, s14;
	s15 =	simm.s32 @!p0 $0xF  }
0x45: {  	[hbm4b:s28+s2] =	stream.linear.scatter [tilespmem:s20], [sflag:$0x11], $0x1400, $0x38;
	[tilespmem:$0xF000] =	vst v63  }
0x46: {  	_ =	swait.ge @!p0 [sflag:s15], $0x1400  }
0x47: {  	[sflag:s15] =	ssyncset.done @!p0 $0x0  }
0x48: {  	s11 =	simm.s32 @!p0 $0x14;
	[sflag:s15] =	ssyncadd.s32 @!p0 $0xFFFFEC00  }
0x49: {  	_ =	swait.ge @!p0 [sflag:s11], $0x1400  }
0x4a: {  	[sflag:s11] =	ssyncset.done @!p0 $0x0  }
0x4b: {  	s16 =	simm.s32 $0xA0;
	s20 =	simm.s32 $0x7800;
	[sflag:s11] =	ssyncadd.s32 @!p0 $0xFFFFEC00  }
0x4c: {  	[tilespmem:s20], [sflag:$0x5] =	stream.indirect.gather [hbm4b:s3+s13], $0x80, s16, s13, $0xb8;
	[tilespmem:$0xF000] =	vst v63  }
0x4d: {  	s28 =	simm.s32 $0x14A0;
	s15 =	simm.s32 $0x3  }
0x4e: {  	[tilespmem:s25], [sflag:$0xA] =	stream.indirect.gather [hbm4b:s4+s13], $0x80, s28, s13, $0xb8;
	[tilespmem:$0xF000] =	vst v63  }
0x4f: {  	_ =	swait.ge [sflag:s15], $0x1400  }
0x50: {  	[sflag:s15] =	ssyncset.done $0x0  }
0x51: {  	[sflag:s15] =	ssyncadd.s32 $0xFFFFEC00  }
0x52: {  	_ =	swait.ge [sflag:s31], $0x1400  }
0x53: {  	[sflag:s31] =	ssyncset.done $0x0  }
0x54: {  	s16 =	sadd.s32 $0x500, s9;
	[sflag:s31] =	ssyncadd.s32 $0xFFFFEC00  }
0x55: {  	[hbm4b:s16+s2] =	stream.linear.scatter [tilespmem:s23], [sflag:$0xD], $0x1400, $0x38;
	[tilespmem:$0xF000] =	vst v63  }
0x56: {  	s23 =	sadd.s32 $0x500, s14  }
0x57: {  	[hbm4b:s23+s2] =	stream.linear.scatter [tilespmem:s21], [sflag:$0x12], $0x1400, $0x38;
	[tilespmem:$0xF000] =	vst v63  }
0x58: {  	_ =	swait.ge [sflag:s1], $0x1400  }
0x59: {  	[sflag:s1] =	ssyncset.done $0x0  }
0x5a: {  	[sflag:s1] =	ssyncadd.s32 $0xFFFFEC00  }
0x5b: {  	p0 =	por $0x0, $0x0;
	_ =	swait.ge [sflag:s0], $0x1400  }
0x5c: {  	s11 =	simm.s32 @!p0 $0x2800;
	[sflag:s0] =	ssyncset.done $0x0  }
0x5d: {  	s15 =	simm.s32 @!p0 $0xC8;
	s16 =	simm.s32 @!p0 $0x28;
	[sflag:s0] =	ssyncadd.s32 $0xFFFFEC00  }
0x5e: {  	[tilespmem:s11], [sflag:$0x1] =	stream.indirect.gather @!p0 [hbm4b:s3+s16], $0x80, s15, s16, $0xb8;
	[tilespmem:$0xF000] =	vst v63  }
0x5f: {  	s11 =	simm.s32 @!p0 $0x14C8;
	s15 =	simm.s32 @!p0 $0x8C00  }
0x60: {  	[tilespmem:s15], [sflag:$0x6] =	stream.indirect.gather @!p0 [hbm4b:s4+s16], $0x80, s11, s16, $0xb8;
	[tilespmem:$0xF000] =	vst v63  }
0x61: {  	_ =	swait.ge [sflag:s17], $0x1400  }
0x62: {  	[sflag:s17] =	ssyncset.done $0x0  }
0x63: {  	[sflag:s17] =	ssyncadd.s32 $0xFFFFEC00  }
0x64: {  	_ =	swait.ge [sflag:s12], $0x1400  }
0x65: {  	[sflag:s12] =	ssyncset.done $0x0  }
0x66: {  	s25 =	sadd.s32 $0x780, s9;
	[sflag:s12] =	ssyncadd.s32 $0xFFFFEC00  }
0x67: {  	[hbm4b:s25+s2] =	stream.linear.scatter [tilespmem:s22], [sflag:$0xE], $0x1400, $0x38;
	[tilespmem:$0xF000] =	vst v63  }
0x68: {  	s28 =	sadd.s32 $0x780, s14  }
0x69: {  	[hbm4b:s28+s2] =	stream.linear.scatter [tilespmem:s24], [sflag:$0x13], $0x1400, $0x38;
	[tilespmem:$0xF000] =	vst v63  }
0x6a: {  	_ =	swait.ge [sflag:s5], $0x1400  }
0x6b: {  	[sflag:s5] =	ssyncset.done $0x0  }
0x6c: {  	[sflag:s5] =	ssyncadd.s32 $0xFFFFEC00  }
0x6d: {  	_ =	swait.ge [sflag:s6], $0x1400  }
0x6e: {  	[sflag:s6] =	ssyncset.done $0x0  }
0x6f: {  	s11 =	simm.s32 @!p0 $0xF0;
	s15 =	simm.s32 @!p0 $0x3C00;
	[sflag:s6] =	ssyncadd.s32 $0xFFFFEC00  }
0x70: {  	[tilespmem:s15], [sflag:$0x2] =	stream.indirect.gather @!p0 [hbm4b:s3+s16], $0x80, s11, s16, $0xb8;
	[tilespmem:$0xF000] =	vst v63  }
0x71: {  	s11 =	simm.s32 @!p0 $0x14F0;
	s15 =	simm.s32 @!p0 $0xA000  }
0x72: {  	[tilespmem:s15], [sflag:$0x7] =	stream.indirect.gather @!p0 [hbm4b:s4+s16], $0x80, s11, s16, $0xb8;
	[tilespmem:$0xF000] =	vst v63  }
0x73: {  	_ =	swait.ge [sflag:s7], $0x1400  }
0x74: {  	[sflag:s7] =	ssyncset.done $0x0  }
0x75: {  	[sflag:s7] =	ssyncadd.s32 $0xFFFFEC00  }
0x76: {  	_ =	swait.ge [sflag:s10], $0x1400  }
0x77: {  	p1 =	por $0x0, $0x0;
	s9 =	sadd.s32 $0xA00, s9;
	[sflag:s10] =	ssyncset.done $0x0  }
0x78: {  	s11 =	simm.s32 $0x320;
	s15 =	simm.s32 $0x640;
	[sflag:s10] =	ssyncadd.s32 $0xFFFFEC00  }
0x79: {  	[hbm4b:s9+s2] =	stream.linear.scatter [tilespmem:s20], [sflag:$0xF], $0x1400, $0x38;
	[tilespmem:$0xF000] =	vst v63  }
0x7a: {  	s16 =	sadd.s32 $0xA00, s14;
	s14 =	smov.u32 s18;
	s9 =	sadd.s32 $0xC80, s19  }
.LBB2_2:
0x7b: {  	s18 =	simm.s32 @!p1 $0xD  }
0x7c: {  	s14 =	sadd.s32 $0xC80, s14;
	s19 =	smov.u32 s15;
	s15 =	sadd.s32 $0x320, s15  }
0x7d: {  	[hbm4b:s16+s2] =	stream.linear.scatter [tilespmem:s30], [sflag:$0x14], $0x1400, $0x38;
	[tilespmem:$0xF000] =	vst v63  }
0x7e: {  	p0 =	sne.s32 s15, $0x4E20;
	_ =	swait.ge @!p1 [sflag:s18], $0x1400  }
0x7f: {  	[sflag:s18] =	ssyncset.done @!p1 $0x0  }
0x80: {  	s16 =	simm.s32 @!p1 $0x12;
	[sflag:s18] =	ssyncadd.s32 @!p1 $0xFFFFEC00  }
0x81: {  	_ =	swait.ge @!p1 [sflag:s16], $0x1400  }
0x82: {  	s20 =	sshra.s32 s11, $0x2;
	[sflag:s16] =	ssyncset.done @!p1 $0x0  }
0x83: {  	[sflag:s16] =	ssyncadd.s32 @!p1 $0xFFFFEC00;
	s16 =	sadd.s32 $0x50, s20  }
0x84: {  	[tilespmem:s29], [sflag:$0x3] =	stream.indirect.gather [hbm4b:s3+s13], $0x80, s16, s13, $0xb8;
	[tilespmem:$0xF000] =	vst v63  }
0x85: {  	s21 =	simm.s32 $0xB400;
	s16 =	sadd.s32 $0x1450, s20  }
0x86: {  	[tilespmem:s21], [sflag:$0x8] =	stream.indirect.gather [hbm4b:s4+s13], $0x80, s16, s13, $0xb8;
	[tilespmem:$0xF000] =	vst v63  }
0x87: {  	s16 =	simm.s32 $0x1  }
0x88: {  	_ =	swait.ge [sflag:s16], $0x1400  }
0x89: {  	[sflag:s16] =	ssyncset.done $0x0  }
0x8a: {  	[sflag:s16] =	ssyncadd.s32 $0xFFFFEC00;
	s16 =	simm.s32 $0x6  }
0x8b: {  	_ =	swait.ge [sflag:s16], $0x1400  }
0x8c: {  	[sflag:s16] =	ssyncset.done $0x0  }
0x8d: {  	s18 =	sadd.s32 s14, s8;
	[sflag:s16] =	ssyncadd.s32 $0xFFFFEC00;
	s16 =	simm.s32 $0x2800  }
0x8e: {  	[hbm4b:s18+s2] =	stream.linear.scatter [tilespmem:s16], [sflag:$0xB], $0x1400, $0x38;
	[tilespmem:$0xF000] =	vst v63  }
0x8f: {  	s23 =	simm.s32 @!p1 $0xE;
	s24 =	simm.s32 $0x8C00;
	s16 =	sadd.s32 s9, s8  }
0x90: {  	[hbm4b:s16+s2] =	stream.linear.scatter [tilespmem:s24], [sflag:$0x10], $0x1400, $0x38;
	[tilespmem:$0xF000] =	vst v63  }
0x91: {  	_ =	swait.ge @!p1 [sflag:s23], $0x1400  }
0x92: {  	[sflag:s23] =	ssyncset.done @!p1 $0x0  }
0x93: {  	[sflag:s23] =	ssyncadd.s32 @!p1 $0xFFFFEC00;
	s23 =	simm.s32 @!p1 $0x13  }
0x94: {  	_ =	swait.ge @!p1 [sflag:s23], $0x1400  }
0x95: {  	[sflag:s23] =	ssyncset.done @!p1 $0x0  }
0x96: {  	s22 =	simm.s32 $0x6400;
	[sflag:s23] =	ssyncadd.s32 @!p1 $0xFFFFEC00;
	s23 =	sadd.s32 $0x78, s20  }
0x97: {  	[tilespmem:s22], [sflag:$0x4] =	stream.indirect.gather [hbm4b:s3+s13], $0x80, s23, s13, $0xb8;
	[tilespmem:$0xF000] =	vst v63  }
0x98: {  	s25 =	simm.s32 $0xC800;
	s23 =	sadd.s32 $0x1478, s20  }
0x99: {  	[tilespmem:s25], [sflag:$0x9] =	stream.indirect.gather [hbm4b:s4+s13], $0x80, s23, s13, $0xb8;
	[tilespmem:$0xF000] =	vst v63  }
0x9a: {  	s23 =	simm.s32 $0x2  }
0x9b: {  	_ =	swait.ge [sflag:s23], $0x1400  }
0x9c: {  	[sflag:s23] =	ssyncset.done $0x0  }
0x9d: {  	[sflag:s23] =	ssyncadd.s32 $0xFFFFEC00;
	s23 =	simm.s32 $0x7  }
0x9e: {  	_ =	swait.ge [sflag:s23], $0x1400  }
0x9f: {  	[sflag:s23] =	ssyncset.done $0x0  }
0xa0: {  	s24 =	simm.s32 $0x3C00;
	[sflag:s23] =	ssyncadd.s32 $0xFFFFEC00;
	s23 =	sadd.s32 $0x280, s18  }
0xa1: {  	[hbm4b:s23+s2] =	stream.linear.scatter [tilespmem:s24], [sflag:$0xC], $0x1400, $0x38;
	[tilespmem:$0xF000] =	vst v63  }
0xa2: {  	s28 =	simm.s32 $0xA000;
	s23 =	sadd.s32 $0x280, s16;
	s24 =	simm.s32 @!p1 $0xF  }
0xa3: {  	[hbm4b:s23+s2] =	stream.linear.scatter [tilespmem:s28], [sflag:$0x11], $0x1400, $0x38;
	[tilespmem:$0xF000] =	vst v63  }
0xa4: {  	_ =	swait.ge @!p1 [sflag:s24], $0x1400  }
0xa5: {  	[sflag:s24] =	ssyncset.done @!p1 $0x0  }
0xa6: {  	s23 =	simm.s32 @!p1 $0x14;
	[sflag:s24] =	ssyncadd.s32 @!p1 $0xFFFFEC00  }
0xa7: {  	_ =	swait.ge @!p1 [sflag:s23], $0x1400  }
0xa8: {  	[sflag:s23] =	ssyncset.done @!p1 $0x0  }
0xa9: {  	[sflag:s23] =	ssyncadd.s32 @!p1 $0xFFFFEC00;
	s23 =	sadd.s32 $0xA0, s20  }
0xaa: {  	[tilespmem:s26], [sflag:$0x5] =	stream.indirect.gather [hbm4b:s3+s13], $0x80, s23, s13, $0xb8;
	[tilespmem:$0xF000] =	vst v63  }
0xab: {  	s20 =	sadd.s32 $0x14A0, s20  }
0xac: {  	[tilespmem:s30], [sflag:$0xA] =	stream.indirect.gather [hbm4b:s4+s13], $0x80, s20, s13, $0xb8;
	[tilespmem:$0xF000] =	vst v63  }
0xad: {  	s20 =	simm.s32 $0x3  }
0xae: {  	_ =	swait.ge [sflag:s20], $0x1400  }
0xaf: {  	[sflag:s20] =	ssyncset.done $0x0  }
0xb0: {  	[sflag:s20] =	ssyncadd.s32 $0xFFFFEC00  }
0xb1: {  	_ =	swait.ge [sflag:s31], $0x1400  }
0xb2: {  	[sflag:s31] =	ssyncset.done $0x0  }
0xb3: {  	s20 =	sadd.s32 $0x500, s18;
	[sflag:s31] =	ssyncadd.s32 $0xFFFFEC00  }
0xb4: {  	[hbm4b:s20+s2] =	stream.linear.scatter [tilespmem:s29], [sflag:$0xD], $0x1400, $0x38;
	[tilespmem:$0xF000] =	vst v63  }
0xb5: {  	s20 =	sadd.s32 $0x500, s16  }
0xb6: {  	[hbm4b:s20+s2] =	stream.linear.scatter [tilespmem:s21], [sflag:$0x12], $0x1400, $0x38;
	[tilespmem:$0xF000] =	vst v63  }
0xb7: {  	_ =	swait.ge [sflag:s1], $0x1400  }
0xb8: {  	[sflag:s1] =	ssyncset.done $0x0  }
0xb9: {  	[sflag:s1] =	ssyncadd.s32 $0xFFFFEC00  }
0xba: {  	p1 =	seq.s32 s11, $0x4B00;
	_ =	swait.ge [sflag:s0], $0x1400  }
0xbb: {  	s11 =	sshra.s32 @!p1 s11, $0x2;
	s20 =	simm.s32 @!p1 $0x2800;
	[sflag:s0] =	ssyncset.done $0x0  }
0xbc: {  	s24 =	simm.s32 @!p1 $0x28;
	s23 =	sadd.s32 @!p1 $0xC8, s11;
	[sflag:s0] =	ssyncadd.s32 $0xFFFFEC00  }
0xbd: {  	[tilespmem:s20], [sflag:$0x1] =	stream.indirect.gather @!p1 [hbm4b:s3+s24], $0x80, s23, s24, $0xb8;
	[tilespmem:$0xF000] =	vst v63  }
0xbe: {  	s28 =	sadd.s32 @!p1 $0xF0, s11;
	s20 =	sadd.s32 @!p1 $0x14C8, s11;
	s23 =	simm.s32 @!p1 $0x8C00  }
0xbf: {  	[tilespmem:s23], [sflag:$0x6] =	stream.indirect.gather @!p1 [hbm4b:s4+s24], $0x80, s20, s24, $0xb8;
	[tilespmem:$0xF000] =	vst v63  }
0xc0: {  	s20 =	sadd.s32 @!p1 $0x14F0, s11;
	s11 =	smov.u32 s19;
	_ =	swait.ge [sflag:s17], $0x1400  }
0xc1: {  	[sflag:s17] =	ssyncset.done $0x0  }
0xc2: {  	[sflag:s17] =	ssyncadd.s32 $0xFFFFEC00  }
0xc3: {  	_ =	swait.ge [sflag:s12], $0x1400  }
0xc4: {  	[sflag:s12] =	ssyncset.done $0x0  }
0xc5: {  	s19 =	sadd.s32 $0x780, s18;
	[sflag:s12] =	ssyncadd.s32 $0xFFFFEC00  }
0xc6: {  	[hbm4b:s19+s2] =	stream.linear.scatter [tilespmem:s22], [sflag:$0xE], $0x1400, $0x38;
	[tilespmem:$0xF000] =	vst v63  }
0xc7: {  	s19 =	sadd.s32 $0x780, s16  }
0xc8: {  	[hbm4b:s19+s2] =	stream.linear.scatter [tilespmem:s25], [sflag:$0x13], $0x1400, $0x38;
	[tilespmem:$0xF000] =	vst v63  }
0xc9: {  	_ =	swait.ge [sflag:s5], $0x1400  }
0xca: {  	[sflag:s5] =	ssyncset.done $0x0  }
0xcb: {  	[sflag:s5] =	ssyncadd.s32 $0xFFFFEC00  }
0xcc: {  	_ =	swait.ge [sflag:s6], $0x1400  }
0xcd: {  	[sflag:s6] =	ssyncset.done $0x0  }
0xce: {  	s19 =	simm.s32 @!p1 $0x3C00;
	[sflag:s6] =	ssyncadd.s32 $0xFFFFEC00  }
0xcf: {  	[tilespmem:s19], [sflag:$0x2] =	stream.indirect.gather @!p1 [hbm4b:s3+s24], $0x80, s28, s24, $0xb8;
	[tilespmem:$0xF000] =	vst v63  }
0xd0: {  	s19 =	simm.s32 @!p1 $0xA000  }
0xd1: {  	[tilespmem:s19], [sflag:$0x7] =	stream.indirect.gather @!p1 [hbm4b:s4+s24], $0x80, s20, s24, $0xb8;
	[tilespmem:$0xF000] =	vst v63  }
0xd2: {  	_ =	swait.ge [sflag:s7], $0x1400  }
0xd3: {  	[sflag:s7] =	ssyncset.done $0x0  }
.Ltmp0:
0xd4: {  	[sflag:s7] =	ssyncadd.s32 $0xFFFFEC00;
	(pc) =	sbr.rel @p0 .LBB2_2-.Ltmp0, $4  }
0xd5: {  	_ =	swait.ge [sflag:s10], $0x1400  }
0xd6: {  	s9 =	sadd.s32 $0xC80, s9;
	s18 =	sadd.s32 $0xA00, s18;
	[sflag:s10] =	ssyncset.done $0x0  }
0xd7: {  	s16 =	sadd.s32 $0xA00, s16;
	p1 =	seq.s32 s11, $0x0;
	[sflag:s10] =	ssyncadd.s32 $0xFFFFEC00  }
0xd8: {  	[hbm4b:s18+s2] =	stream.linear.scatter [tilespmem:s26], [sflag:$0xF], $0x1400, $0x38;
	[tilespmem:$0xF000] =	vst v63  }
0xd9: {  	s15 =	simm.s32 @!p1 $0xD;
	s24 =	simm.s32 $0xDC00  }
0xda: {  	[hbm4b:s16+s2] =	stream.linear.scatter [tilespmem:s24], [sflag:$0x14], $0x1400, $0x38;
	[tilespmem:$0xF000] =	vst v63  }
0xdb: {  	_ =	swait.ge @!p1 [sflag:s15], $0x1400  }
0xdc: {  	[sflag:s15] =	ssyncset.done @!p1 $0x0  }
0xdd: {  	[sflag:s15] =	ssyncadd.s32 @!p1 $0xFFFFEC00;
	s15 =	simm.s32 @!p1 $0x12  }
0xde: {  	_ =	swait.ge @!p1 [sflag:s15], $0x1400  }
0xdf: {  	s16 =	sshra.s32 s11, $0x2;
	[sflag:s15] =	ssyncset.done @!p1 $0x0  }
0xe0: {  	s20 =	simm.s32 $0x5000;
	s25 =	sadd.s32 $0x50, s16;
	[sflag:s15] =	ssyncadd.s32 @!p1 $0xFFFFEC00  }
0xe1: {  	[tilespmem:s20], [sflag:$0x3] =	stream.indirect.gather [hbm4b:s3+s13], $0x80, s25, s13, $0xb8;
	[tilespmem:$0xF000] =	vst v63  }
0xe2: {  	s21 =	simm.s32 $0xB400;
	s18 =	simm.s32 $0x1;
	s28 =	sadd.s32 $0x1450, s16  }
0xe3: {  	[tilespmem:s21], [sflag:$0x8] =	stream.indirect.gather [hbm4b:s4+s13], $0x80, s28, s13, $0xb8;
	[tilespmem:$0xF000] =	vst v63  }
0xe4: {  	_ =	swait.ge [sflag:s18], $0x1400  }
0xe5: {  	[sflag:s18] =	ssyncset.done $0x0  }
0xe6: {  	s19 =	simm.s32 $0x6;
	[sflag:s18] =	ssyncadd.s32 $0xFFFFEC00  }
0xe7: {  	_ =	swait.ge [sflag:s19], $0x1400  }
0xe8: {  	s14 =	sadd.s32 $0xC80, s14;
	[sflag:s19] =	ssyncset.done $0x0  }
0xe9: {  	s22 =	simm.s32 $0x2800;
	s14 =	sadd.s32 s14, s8;
	[sflag:s19] =	ssyncadd.s32 $0xFFFFEC00  }
0xea: {  	[hbm4b:s14+s2] =	stream.linear.scatter [tilespmem:s22], [sflag:$0xB], $0x1400, $0x38;
	[tilespmem:$0xF000] =	vst v63  }
0xeb: {  	s9 =	sadd.s32 s9, s8;
	s15 =	simm.s32 @!p1 $0xE;
	s18 =	simm.s32 $0x8C00  }
0xec: {  	[hbm4b:s9+s2] =	stream.linear.scatter [tilespmem:s18], [sflag:$0x10], $0x1400, $0x38;
	[tilespmem:$0xF000] =	vst v63  }
0xed: {  	_ =	swait.ge @!p1 [sflag:s15], $0x1400  }
0xee: {  	[sflag:s15] =	ssyncset.done @!p1 $0x0  }
0xef: {  	[sflag:s15] =	ssyncadd.s32 @!p1 $0xFFFFEC00;
	s15 =	simm.s32 @!p1 $0x13  }
0xf0: {  	_ =	swait.ge @!p1 [sflag:s15], $0x1400  }
0xf1: {  	[sflag:s15] =	ssyncset.done @!p1 $0x0  }
0xf2: {  	s23 =	sadd.s32 $0x78, s16;
	s22 =	simm.s32 $0x6400;
	[sflag:s15] =	ssyncadd.s32 @!p1 $0xFFFFEC00  }
0xf3: {  	[tilespmem:s22], [sflag:$0x4] =	stream.indirect.gather [hbm4b:s3+s13], $0x80, s23, s13, $0xb8;
	[tilespmem:$0xF000] =	vst v63  }
0xf4: {  	s25 =	sadd.s32 $0x1478, s16;
	s28 =	simm.s32 $0x2;
	s23 =	simm.s32 $0xC800  }
0xf5: {  	[tilespmem:s23], [sflag:$0x9] =	stream.indirect.gather [hbm4b:s4+s13], $0x80, s25, s13, $0xb8;
	[tilespmem:$0xF000] =	vst v63  }
0xf6: {  	_ =	swait.ge [sflag:s28], $0x1400  }
0xf7: {  	[sflag:s28] =	ssyncset.done $0x0  }
0xf8: {  	s18 =	simm.s32 $0x7;
	[sflag:s28] =	ssyncadd.s32 $0xFFFFEC00  }
0xf9: {  	_ =	swait.ge [sflag:s18], $0x1400  }
0xfa: {  	[sflag:s18] =	ssyncset.done $0x0  }
0xfb: {  	s19 =	sadd.s32 $0x280, s14;
	s25 =	simm.s32 $0x3C00;
	[sflag:s18] =	ssyncadd.s32 $0xFFFFEC00  }
0xfc: {  	[hbm4b:s19+s2] =	stream.linear.scatter [tilespmem:s25], [sflag:$0xC], $0x1400, $0x38;
	[tilespmem:$0xF000] =	vst v63  }
0xfd: {  	s28 =	sadd.s32 $0x280, s9;
	s18 =	simm.s32 @!p1 $0xF;
	s19 =	simm.s32 $0xA000  }
0xfe: {  	[hbm4b:s28+s2] =	stream.linear.scatter [tilespmem:s19], [sflag:$0x11], $0x1400, $0x38;
	[tilespmem:$0xF000] =	vst v63  }
0xff: {  	_ =	swait.ge @!p1 [sflag:s18], $0x1400  }
0x100: {  	[sflag:s18] =	ssyncset.done @!p1 $0x0  }
0x101: {  	s15 =	simm.s32 @!p1 $0x14;
	[sflag:s18] =	ssyncadd.s32 @!p1 $0xFFFFEC00  }
0x102: {  	_ =	swait.ge @!p1 [sflag:s15], $0x1400  }
0x103: {  	[sflag:s15] =	ssyncset.done @!p1 $0x0  }
0x104: {  	s25 =	sadd.s32 $0xA0, s16;
	s19 =	simm.s32 $0x7800;
	[sflag:s15] =	ssyncadd.s32 @!p1 $0xFFFFEC00  }
0x105: {  	[tilespmem:s19], [sflag:$0x5] =	stream.indirect.gather [hbm4b:s3+s13], $0x80, s25, s13, $0xb8;
	[tilespmem:$0xF000] =	vst v63  }
0x106: {  	s28 =	sadd.s32 $0x14A0, s16;
	s16 =	simm.s32 $0x3  }
0x107: {  	[tilespmem:s24], [sflag:$0xA] =	stream.indirect.gather [hbm4b:s4+s13], $0x80, s28, s13, $0xb8;
	[tilespmem:$0xF000] =	vst v63  }
0x108: {  	_ =	swait.ge [sflag:s16], $0x1400  }
0x109: {  	[sflag:s16] =	ssyncset.done $0x0  }
0x10a: {  	[sflag:s16] =	ssyncadd.s32 $0xFFFFEC00  }
0x10b: {  	_ =	swait.ge [sflag:s31], $0x1400  }
0x10c: {  	[sflag:s31] =	ssyncset.done $0x0  }
0x10d: {  	s18 =	sadd.s32 $0x500, s14;
	[sflag:s31] =	ssyncadd.s32 $0xFFFFEC00  }
0x10e: {  	[hbm4b:s18+s2] =	stream.linear.scatter [tilespmem:s20], [sflag:$0xD], $0x1400, $0x38;
	[tilespmem:$0xF000] =	vst v63  }
0x10f: {  	s20 =	sadd.s32 $0x500, s9  }
0x110: {  	[hbm4b:s20+s2] =	stream.linear.scatter [tilespmem:s21], [sflag:$0x12], $0x1400, $0x38;
	[tilespmem:$0xF000] =	vst v63  }
0x111: {  	_ =	swait.ge [sflag:s1], $0x1400  }
0x112: {  	[sflag:s1] =	ssyncset.done $0x0  }
0x113: {  	[sflag:s1] =	ssyncadd.s32 $0xFFFFEC00  }
0x114: {  	p0 =	seq.s32 s11, $0x4B00;
	_ =	swait.ge [sflag:s0], $0x1400  }
0x115: {  	s11 =	sshra.s32 @!p0 s11, $0x2;
	s15 =	simm.s32 @!p0 $0x2800;
	[sflag:s0] =	ssyncset.done $0x0  }
0x116: {  	s16 =	sadd.s32 @!p0 $0xC8, s11;
	s18 =	simm.s32 @!p0 $0x28;
	[sflag:s0] =	ssyncadd.s32 $0xFFFFEC00  }
0x117: {  	[tilespmem:s15], [sflag:$0x1] =	stream.indirect.gather @!p0 [hbm4b:s3+s18], $0x80, s16, s18, $0xb8;
	[tilespmem:$0xF000] =	vst v63  }
0x118: {  	s15 =	sadd.s32 @!p0 $0x14C8, s11;
	s16 =	simm.s32 @!p0 $0x8C00  }
0x119: {  	[tilespmem:s16], [sflag:$0x6] =	stream.indirect.gather @!p0 [hbm4b:s4+s18], $0x80, s15, s18, $0xb8;
	[tilespmem:$0xF000] =	vst v63  }
0x11a: {  	_ =	swait.ge [sflag:s17], $0x1400  }
0x11b: {  	[sflag:s17] =	ssyncset.done $0x0  }
0x11c: {  	[sflag:s17] =	ssyncadd.s32 $0xFFFFEC00  }
0x11d: {  	_ =	swait.ge [sflag:s12], $0x1400  }
0x11e: {  	[sflag:s12] =	ssyncset.done $0x0  }
0x11f: {  	s25 =	sadd.s32 $0x780, s14;
	[sflag:s12] =	ssyncadd.s32 $0xFFFFEC00  }
0x120: {  	[hbm4b:s25+s2] =	stream.linear.scatter [tilespmem:s22], [sflag:$0xE], $0x1400, $0x38;
	[tilespmem:$0xF000] =	vst v63  }
0x121: {  	s28 =	sadd.s32 $0x780, s9  }
0x122: {  	[hbm4b:s28+s2] =	stream.linear.scatter [tilespmem:s23], [sflag:$0x13], $0x1400, $0x38;
	[tilespmem:$0xF000] =	vst v63  }
0x123: {  	_ =	swait.ge [sflag:s5], $0x1400  }
0x124: {  	[sflag:s5] =	ssyncset.done $0x0  }
0x125: {  	[sflag:s5] =	ssyncadd.s32 $0xFFFFEC00  }
0x126: {  	_ =	swait.ge [sflag:s6], $0x1400  }
0x127: {  	[sflag:s6] =	ssyncset.done $0x0  }
0x128: {  	s15 =	sadd.s32 @!p0 $0xF0, s11;
	s16 =	simm.s32 @!p0 $0x3C00;
	[sflag:s6] =	ssyncadd.s32 $0xFFFFEC00  }
0x129: {  	[tilespmem:s16], [sflag:$0x2] =	stream.indirect.gather @!p0 [hbm4b:s3+s18], $0x80, s15, s18, $0xb8;
	[tilespmem:$0xF000] =	vst v63  }
0x12a: {  	s11 =	sadd.s32 @!p0 $0x14F0, s11;
	s15 =	simm.s32 @!p0 $0xA000  }
0x12b: {  	[tilespmem:s15], [sflag:$0x7] =	stream.indirect.gather @!p0 [hbm4b:s4+s18], $0x80, s11, s18, $0xb8;
	[tilespmem:$0xF000] =	vst v63  }
0x12c: {  	_ =	swait.ge [sflag:s7], $0x1400  }
0x12d: {  	[sflag:s7] =	ssyncset.done $0x0  }
0x12e: {  	[sflag:s7] =	ssyncadd.s32 $0xFFFFEC00  }
0x12f: {  	_ =	swait.ge [sflag:s10], $0x1400  }
0x130: {  	[sflag:s10] =	ssyncset.done $0x0  }
0x131: {  	s16 =	sadd.s32 $0xA00, s14;
	[sflag:s10] =	ssyncadd.s32 $0xFFFFEC00  }
0x132: {  	[hbm4b:s16+s2] =	stream.linear.scatter [tilespmem:s19], [sflag:$0xF], $0x1400, $0x38;
	[tilespmem:$0xF000] =	vst v63  }
0x133: {  	s9 =	sadd.s32 $0xA00, s9;
	s18 =	simm.s32 $0xD  }
0x134: {  	[hbm4b:s9+s2] =	stream.linear.scatter [tilespmem:s24], [sflag:$0x14], $0x1400, $0x38;
	[tilespmem:$0xF000] =	vst v63  }
0x135: {  	_ =	swait.ge [sflag:s18], $0x1400  }
0x136: {  	[sflag:s18] =	ssyncset.done $0x0  }
0x137: {  	s19 =	simm.s32 $0x12;
	[sflag:s18] =	ssyncadd.s32 $0xFFFFEC00  }
0x138: {  	_ =	swait.ge [sflag:s19], $0x1400  }
0x139: {  	[sflag:s19] =	ssyncset.done $0x0  }
0x13a: {  	s20 =	simm.s32 $0xE;
	[sflag:s19] =	ssyncadd.s32 $0xFFFFEC00  }
0x13b: {  	_ =	swait.ge [sflag:s20], $0x1400  }
0x13c: {  	[sflag:s20] =	ssyncset.done $0x0  }
0x13d: {  	s21 =	simm.s32 $0x13;
	[sflag:s20] =	ssyncadd.s32 $0xFFFFEC00  }
0x13e: {  	_ =	swait.ge [sflag:s21], $0x1400  }
0x13f: {  	[sflag:s21] =	ssyncset.done $0x0  }
0x140: {  	s22 =	simm.s32 $0xF;
	[sflag:s21] =	ssyncadd.s32 $0xFFFFEC00  }
0x141: {  	_ =	swait.ge [sflag:s22], $0x1400  }
0x142: {  	[sflag:s22] =	ssyncset.done $0x0  }
0x143: {  	s23 =	simm.s32 $0x14;
	[sflag:s22] =	ssyncadd.s32 $0xFFFFEC00  }
0x144: {  	_ =	swait.ge [sflag:s23], $0x1400  }
0x145: {  	s24 =	rddreg [dreg:$0x7]  }
0x146: {  	s28 =	rddreg [dreg:$0x4];
	s14 =	sadd.s32 $0x1, s24  }
0x147: {  	p0 =	sne.s32 s14, s28  }
.Ltmp1:
0x148: {  	_ = 	snop;
	(pc) =	sbr.rel @p0 .LBB2_1-.Ltmp1, $3  }
0x149: {  	_ =	sdelay $0x1  }
0x14a: {  	[sflag:s23] =	ssyncset.done $0x0  }
0x14b: {  	s25 =	simm.s32 $0xDC00;
	[sflag:s23] =	ssyncadd.s32 $0xFFFFEC00  }
0x14c: {  	_ =	sfence.sel $0x180000  }
0x14d: {  	[bflag:$0x0] =	sbarrier.arrive $0xFFFF  }
0x14e: {  	_ =	strace $0x9000004A  }
0x14f: {  	s0 =	stileid.u32;
	[bflag:$0x2] =	sbarrier.arrive $0xFFFF  }
0x150: {  	p0 =	sne.s32 s0, $0x0;
	s0 =	rddreg [dreg:$0x1]  }
0x151: {  	s0 =	sadd.s32 @!p0 $0x100000, s0  }
0x152: {  	[sflag:s0] =	ssyncadd.tile.s32 @!p0 $0x1;
	_ =	shalt  }
.Lfunc_end2:
_tile_overlayer_lowered:
.L_overlay_start_2:
0x153: {  	(tag) =	ssettag $0x2  }
0x154: {  	s0 =	rddreg [dreg:$0x0];
	s2 =	stileid.u32  }
0x155: {  	s1 =	rddreg [dreg:$0x1];
	p0 =	sne.s32 s2, $0x0  }
0x156: {  	s3 =	rddreg [dreg:$0x2];
	[bflag:$0x3] =	sbarrier.arrive $0xFFFF;
	s2 =	simm.s32 @!p0 $0x1C15  }
0x157: {  	[timem:s3], [sflag:s2] =	dma.local @!p0 [hbm:s0], s1  }
0x158: {  	s0 =	simm.s32 @!p0 $0x15  }
0x159: {  	_ =	swait.ge @!p0 [sflag:s0], s1  }
0x15a: {  	s1 =	ssub.s32 @!p0 $0x0, s1;
	[sflag:s0] =	ssyncset.done @!p0 $0x0  }
0x15b: {  	[sflag:s0] =	ssyncadd.s32 @!p0 s1  }
0x15c: {  	[bflag:$0x3] =	sbarrier.arrive $0xFFFF  }
0x15d: {  	_ =	shalt  }

// kernel: kernel.13.cloned.1.call-start
scs
__scs_entry_jumppad:
0x0: {  	(pc) =	sbr.rel $0x88, $3  }
0x1: {  	(tag) =	ssettag $0x0;
	lr =	simm.s32 $0x1  }
0x2: {  	[smem:$0x3F93] =	sst lr;
	_ =	strace $0xD0000000  }
0x3: {  	_ = 	snop  }
0x4: {  	_ = 	snop  }
0x5: {  	_ = 	snop  }
0x6: {  	_ = 	snop  }
0x7: {  	_ = 	snop  }
__scs_overlays_trampoline_lowered:
0x8: {  	[smem:$0x3FA2] =	sst s0  }
0x9: {  	[smem:$0x3FA3] =	sst s1  }
0xa: {  	[smem:$0x3FA4] =	sst s2  }
0xb: {  	[smem:$0x3FA5] =	sst s3  }
0xc: {  	[smem:$0x3FA6] =	sst s4  }
0xd: {  	[smem:$0x3FA7] =	sst s5  }
0xe: {  	[smem:$0x3FA8] =	sst s6  }
0xf: {  	[smem:$0x3FA9] =	sst s7  }
0x10: {  	[smem:$0x3FAA] =	sst s8  }
0x11: {  	[smem:$0x3FAB] =	sst s9;
	s0 =	simm.s32 @!p0 $0x0  }
0x12: {  	s1 =	sld [smem:$0x3F91];
	s0 =	simm.s32 @p0 $0x1  }
0x13: {  	[smem:$0x3FAC] =	sst s0;
	s0 =	simm.s32 @!p1 $0x0  }
0x14: {  	s2 =	sld [smem:$0x3F90];
	s0 =	simm.s32 @p1 $0x1  }
0x15: {  	[smem:$0x3FAD] =	sst s0;
	s0 =	simm.s32 @!p2 $0x0  }
0x16: {  	s3 =	sld [smem:$0x3FDB];
	s0 =	simm.s32 @p2 $0x1  }
0x17: {  	s4 =	simm.s32 $0x1BF5;
	[smem:$0x3FAF] =	sst s0  }
0x18: {  	s0 =	sld [smem:$0x3F92];
	_ =	swait.ge [sflag:s4], $0x0  }
0x19: {  	s7 =	sld [smem:$0x3F93]  }
0x1a: {  	s8 =	sadd.s32 $0xFFFFE003, lr  }
0x1b: {  	s9 =	sadd.s32 $0xFFFFFEF7, lr;
	s5 =	simm.s32 $0xFFFFFFFF;
	p2 =	slt.u32 s8, $0xFFFFF086  }
0x1c: {  	p1 =	slt.u32 s9, $0xF7A;
	s5 =	simm.s32 @!p2 $0x0  }
0x1d: {  	s5 =	simm.s32 @p1 $0x1;
	p0 =	seq.s32 s7, s2  }
0x1e: {  	s7 =	smul.u32 @!p0 $0xF7A, s2;
	p2 =	seq.s32 @!p0 s5, $0x0  }
0x1f: {  	s9 =	smul.u32 $0xF7A, s1;
	s8 =	simm.s32 @!p0 $0x1BF5;
	p2 =	por !p2, p0  }
0x20: {  	[sflag:s8] =	ssyncset.s32 @!p0 $0xFFFFF086;
	s6 =	sadd.s32 @!p0 s3, s7;
	s7 =	simm.s32 @!p0 $0x108  }
0x21: {  	s3 =	sadd.s32 s3, s9;
	s6 =	sadd.s32 @!p0 $0x88, s6;
	s7 =	simm.s32 @p2 $0x1082  }
0x22: {  	[simem:s7], [sflag:s8] =	dma.local @!p0 [hbm:s6], $0xF7A  }
0x23: {  	s9 =	sor.u32 $0xD0000000, s2;
	s6 =	simm.s32 $0x108;
	_ =	swait.ge @!p0 [sflag:s8], $0x0  }
0x24: {  	s3 =	sadd.s32 $0x88, s3;
	s6 =	simm.s32 @!p1 $0x1082;
	[sflag:s4] =	ssyncset.s32 $0xFFFFF086  }
0x25: {  	[simem:s6], [sflag:s4] =	dma.local [hbm:s3], $0xF7A  }
0x26: {  	[smem:$0x3F93] =	sst s1;
	(tag) =	ssettag s2;
	_ =	strace s9  }
0x27: {  	s1 =	sld [smem:$0x3FA3]  }
0x28: {  	s2 =	sld [smem:$0x3FA4]  }
0x29: {  	s4 =	sld [smem:$0x3FA6]  }
0x2a: {  	p0 =	seq.s32 s5, $0x0;
	s5 =	sld [smem:$0x3FA7]  }
0x2b: {  	s6 =	sld [smem:$0x3FA8]  }
0x2c: {  	s7 =	sld [smem:$0x3FA9]  }
0x2d: {  	s3 =	simm.s32 $0x108;
	s8 =	sld [smem:$0x3FAA]  }
0x2e: {  	s3 =	simm.s32 @!p0 $0x1082;
	s9 =	sld [smem:$0x3FAB]  }
0x2f: {  	lr =	sadd.s32 s0, s3;
	s0 =	sld [smem:$0x3FA2]  }
0x30: {  	s3 =	sld [smem:$0x3FA5]  }
0x31: {  	[smem:$0x3FAE] =	sst s10  }
0x32: {  	s10 =	sld [smem:$0x3FAC];
	_ =	sdelay $0x3  }
0x33: {  	p0 =	seq.s32 s10, $0x1;
	s10 =	sld [smem:$0x3FAE];
	_ =	sdelay $0x3  }
0x34: {  	[smem:$0x3FAE] =	sst s10  }
0x35: {  	s10 =	sld [smem:$0x3FAD];
	_ =	sdelay $0x3  }
0x36: {  	p1 =	seq.s32 s10, $0x1;
	s10 =	sld [smem:$0x3FAE];
	_ =	sdelay $0x3  }
0x37: {  	[smem:$0x3FAE] =	sst s10  }
0x38: {  	s10 =	sld [smem:$0x3FAF]  }
0x39: {  	_ = 	snop;
	(pc) =	sbr.ind lr, $3  }
0x3a: {  	_ = 	snop  }
0x3b: {  	_ = 	snop  }
0x3c: {  	p2 =	seq.s32 s10, $0x1;
	s10 =	sld [smem:$0x3FAE]  }
0x3d: {  	_ =	shalt  }
0x3e: {  	_ =	shalt  }
0x3f: {  	_ =	shalt  }
0x40: {  	_ =	shalt  }
0x41: {  	_ =	shalt  }
0x42: {  	_ =	shalt  }
0x43: {  	_ =	shalt  }
0x44: {  	_ =	shalt  }
0x45: {  	_ =	shalt  }
0x46: {  	_ =	shalt  }
0x47: {  	_ =	shalt  }
0x48: {  	_ =	shalt  }
0x49: {  	_ =	shalt  }
0x4a: {  	_ =	shalt  }
0x4b: {  	_ =	shalt  }
0x4c: {  	_ =	shalt  }
0x4d: {  	_ =	shalt  }
0x4e: {  	_ =	shalt  }
0x4f: {  	_ =	shalt  }
0x50: {  	_ =	shalt  }
0x51: {  	_ =	shalt  }
0x52: {  	_ =	shalt  }
0x53: {  	_ =	shalt  }
0x54: {  	_ =	shalt  }
0x55: {  	_ =	shalt  }
0x56: {  	_ =	shalt  }
0x57: {  	_ =	shalt  }
0x58: {  	_ =	shalt  }
0x59: {  	_ =	shalt  }
0x5a: {  	_ =	shalt  }
0x5b: {  	_ =	shalt  }
0x5c: {  	_ =	shalt  }
0x5d: {  	_ =	shalt  }
0x5e: {  	_ =	shalt  }
0x5f: {  	_ =	shalt  }
0x60: {  	_ =	shalt  }
0x61: {  	_ =	shalt  }
0x62: {  	_ =	shalt  }
0x63: {  	_ =	shalt  }
0x64: {  	_ =	shalt  }
0x65: {  	_ =	shalt  }
0x66: {  	_ =	shalt  }
0x67: {  	_ =	shalt  }
0x68: {  	_ =	shalt  }
0x69: {  	_ =	shalt  }
0x6a: {  	_ =	shalt  }
0x6b: {  	_ =	shalt  }
0x6c: {  	_ =	shalt  }
0x6d: {  	_ =	shalt  }
0x6e: {  	_ =	shalt  }
0x6f: {  	_ =	shalt  }
0x70: {  	_ =	shalt  }
0x71: {  	_ =	shalt  }
0x72: {  	_ =	shalt  }
0x73: {  	_ =	shalt  }
0x74: {  	_ =	shalt  }
0x75: {  	_ =	shalt  }
0x76: {  	_ =	shalt  }
0x77: {  	_ =	shalt  }
0x78: {  	_ =	shalt  }
0x79: {  	_ =	shalt  }
0x7a: {  	_ =	shalt  }
0x7b: {  	_ =	shalt  }
0x7c: {  	_ =	shalt  }
0x7d: {  	_ =	shalt  }
0x7e: {  	_ =	shalt  }
0x7f: {  	_ =	shalt  }
0x80: {  	_ =	shalt  }
0x81: {  	_ =	shalt  }
0x82: {  	_ =	shalt  }
0x83: {  	_ =	shalt  }
0x84: {  	_ =	shalt  }
0x85: {  	_ =	shalt  }
0x86: {  	_ =	shalt  }
0x87: {  	_ =	shalt  }
.Lfunc_end0:
.L_simem_size_0:
called_computation.1_lowered:
.L_overlay_start_0:
0x88: {  	s2 =	sld [smem:$0x3FD9]  }
0x89: {  	s3 =	sld [smem:$0x3FFE];
	_ =	sdelay $0x1  }
0x8a: {  	s1 =	srdreg.scid  }
0x8b: {  	s0 =	sand.u32 $0x1, s1  }
0x8c: {  	s16 =	sshll.u32 s0, $0xA;
	s2 =	sadd.s32 s3, s2  }
0x8d: {  	s2 =	sadd.s32 s2, s16  }
0x8e: {  	[smem:$0x3FBA] =	sst s2  }
0x8f: {  	_ = 	snop  }
0x90: {  	(tm) =	ssettm $0x1  }
0x91: {  	s17 =	sld [smem:$0x3FFB];
	_ =	sdelay $0x3  }
0x92: {  	_ =	strace s17  }
0x93: {  	s2 =	sld [smem:$0x3FFC];
	_ =	sdelay $0x3  }
0x94: {  	_ =	strace s2  }
0x95: {  	s2 =	sld [smem:$0x3FFD];
	_ =	sdelay $0x3  }
0x96: {  	_ =	strace s2  }
0x97: {  	_ =	strace $0x8FFFFFFF  }
0x98: {  	s18 =	sld [smem:$0x3FDB];
	_ =	sdelay $0x1  }
0x99: {  	s19 =	simm.s32 $_scs_section_size  }
0x9a: {  	s4 =	simm.s32 $_size__tile_overlayer_lowered;
	s5 =	simm.s32 $_tile_overlayer_lowered  }
0x9b: {  	s22 =	simm.s32 $0x1BFF;
	s21 =	sshll.u32 s5, $0x1;
	s2 =	sadd.s32 s19, s18  }
0x9c: {  	s6 =	simm.s32 $0x0;
	s20 =	sshll.u32 s4, $0x1;
	s4 =	sadd.s32 s21, s2  }
0x9d: {  	[timem:s6], [sflag:s22] =	dma.local [hbm:s4], s20  }
0x9e: {  	_ =	swait.ge [sflag:s22], s20  }
0x9f: {  	s3 =	ssub.s32 $0x0, s20;
	[sflag:s22] =	ssyncset.done $0x0  }
0xa0: {  	[sflag:s22] =	ssyncadd.s32 s3;
	_ =	sdelay $0x1  }
0xa1: {  	s23 =	simm.s32 $0x1B8B  }
0xa2: {  	_ =	swait.ge [sflag:s23], $0x1  }
0xa3: {  	[sflag:s23] =	ssyncset.done $0x0  }
0xa4: {  	s25 =	simm.s32 $0x1B8E;
	s24 =	sld [smem:$0x3FFE];
	[sflag:s23] =	ssyncadd.s32 $0xFFFFFFFF  }
0xa5: {  	s26 =	simm.s32 $execute0_lowered;
	[smem:$0x3FD2] =	sst s25  }
0xa6: {  	s4 =	sshll.u32 s26, $0x1;
	_ =	strace $0x80000046;
	[dreg:$0x1] =	wrdreg $0xFFFFFFFF  }
0xa7: {  	s28 =	simm.s32 $_size_execute0_lowered;
	s2 =	sadd.s32 s2, s4;
	[dreg:$0x0] =	wrdreg $0x0  }
0xa8: {  	s4 =	sshll.u32 s28, $0x1;
	[dreg:$0x2] =	wrdreg s2  }
0xa9: {  	[dreg:$0x3] =	wrdreg s4  }
0xaa: {  	[dreg:$0x4] =	wrdreg $0xC0  }
0xab: {  	_ =	task [dreg:s6], $0x5FFFF  }
0xac: {  	[dreg:$0x1] =	wrdreg $0xFFFFFFFF  }
0xad: {  	[dreg:$0x0] =	wrdreg $0x60  }
0xae: {  	[dreg:$0x2] =	wrdreg s24  }
0xaf: {  	[dreg:$0x3] =	wrdreg $0xA  }
0xb0: {  	_ =	task.clear_ibuf [dreg:s6], $0x4FFFF;
	_ =	strace $0x90000046  }
0xb1: {  	s29 =	simm.s32 $0xA;
	_ =	strace $0x80000048  }
0xb2: {  	_ =	swait.ge [sflag:s29], $0x1  }
0xb3: {  	[sflag:s29] =	ssyncadd.s32 $0xFFFFFFFF  }
0xb4: {  	_ =	strace $0x90000048  }
0xb5: {  	_ =	sfence  }
0xb6: {  	s30 =	sld [smem:$0x0];
	_ =	sdelay $0x2  }
0xb7: {  	s31 =	sshll.u32 s1, $0xD;
	s1 =	sshrl.u32 s1, $0x2  }
0xb8: {  	s3 =	sand.u32 $0x4000, s31;
	s1 =	sadd.s32 s1, s30  }
0xb9: {  	s0 =	sor.u32 s3, s0;
	s1 =	sshll.u32 s1, $0x11  }
0xba: {  	s0 =	sor.u32 s1, s0  }
0xbb: {  	s0 =	sadd.s32 $0x8F2B, s0  }
0xbc: {  	[sflag:s0] =	ssyncadd.remote.s32 $0x1  }
0xbd: {  	_ =	sfence.sel $0xFFFF  }
0xbe: {  	[dreg:$0x0] =	wrdreg $0xFFFFFFFF;
	(pc) =	sbr.abs _section_cstart, $3  }
0xbf: {  	[dreg:$0x1] =	wrdreg $0xFFFFFFFF  }
0xc0: {  	_ =	task.clear_ibuf [dreg:s6], $0x2FFFF;
	_ =	strace $0x9FFFFFFF  }
0xc1: {  	(tm) =	ssettm $0x7FFFFFFF  }
tec
execute0_lowered:
.L_overlay_start_1:
0x0: {  	(tag) =	ssettag $0x1  }
0x1: {  	s0 =	srdreg.scid  }
0x2: {  	s3 =	stileid.u32;
	s5 =	rddreg [dreg:$0x0]  }
0x3: {  	s2 =	simm.s32 $0x0;
	s13 =	simm.s32 $0x28;
	s31 =	simm.s32 $0x8  }
0x4: {  	s17 =	simm.s32 $0x4;
	s0 =	sand.u32 $0x1, s0;
	s1 =	sshll.u32 s3, $0x1  }
0x5: {  	s12 =	simm.s32 $0x9;
	s10 =	simm.s32 $0xA;
	s1 =	sor.u32 s0, s1  }
0x6: {  	s14 =	simm.s32 $0x0;
	s30 =	simm.s32 $0xDC00;
	s1 =	smul.u32 $0x1388, s1  }
0x7: {  	s29 =	simm.s32 $0x5000;
	[smem:$0x7FF] =	sst s2;
	s6 =	smul.u32 $0x27100, s3  }
0x8: {  	s3 =	sadd.s32 $0xCC00, s5;
	s4 =	sadd.s32 $0x33E00, s5;
	s1 =	sshrl.u32 s1, $0x3  }
0x9: {  	_ =	strace $0x80000047;
	s7 =	ssub.s32 $0x2, s0;
	s1 =	sadd.s32 s1, s5  }
0xa: {  	s23 =	sshrl.u32 s7, $0x1;
	s5 =	sadd.s32 s6, s5;
	s24 =	sadd.s32 $0x7C00, s1  }
0xb: {  	s6 =	ssub.s32 s7, s23;
	s1 =	sadd.s32 $0x2C00, s1;
	[dreg:$0x2] =	wrdreg s24  }
0xc: {  	s8 =	smul.u32 $0x13880, s0;
	s25 =	smax.u32 s6, $0x1;
	[dreg:$0x3] =	wrdreg s1  }
0xd: {  	s0 =	simm.s32 $0x10;
	s26 =	sadd.s32 $0x5B000, s5;
	[dreg:$0x4] =	wrdreg s25  }
0xe: {  	s7 =	simm.s32 $0x5;
	s28 =	sadd.s32 $0x2CC000, s5;
	[dreg:$0x5] =	wrdreg s26  }
0xf: {  	s5 =	simm.s32 $0xC;
	s6 =	simm.s32 $0x11;
	[dreg:$0x6] =	wrdreg s28  }
0x10: {  	s25 =	simm.s32 $0xDC00;
	s1 =	simm.s32 $0xB;
	s26 =	simm.s32 $0x7800  }
.LBB2_1:
0x11: {  	[dreg:$0x7] =	wrdreg s14  }
0x12: {  	s9 =	rddreg [dreg:$0x2];
	s11 =	simm.s32 $0x15  }
0x13: {  	[tilespmem:s2], [sflag:$0x15] =	stream.linear.gather [hbm4b:s9+s2], $0x1388, $0x38;
	[tilespmem:$0xF000] =	vst v63  }
0x14: {  	_ =	swait.ge [sflag:s11], $0x1388  }
0x15: {  	[sflag:s11] =	ssyncset.done $0x0  }
0x16: {  	s23 =	simm.s32 $0x1400;
	s22 =	rddreg [dreg:$0x3];
	[sflag:s11] =	ssyncadd.s32 $0xFFFFEC78  }
0x17: {  	[tilespmem:s23], [sflag:$0x15] =	stream.linear.gather [hbm4b:s22+s2], $0x1388, $0x38;
	[tilespmem:$0xF000] =	vst v63  }
0x18: {  	_ =	swait.ge [sflag:s11], $0x1388  }
0x19: {  	[sflag:s11] =	ssyncset.done $0x0  }
0x1a: {  	s24 =	simm.s32 $0x2800;
	[sflag:s11] =	ssyncadd.s32 $0xFFFFEC78  }
0x1b: {  	[tilespmem:s24], [sflag:$0x1] =	stream.indirect.gather [hbm4b:s3+s13], $0x80, s2, s13, $0xb8;
	[tilespmem:$0xF000] =	vst v63  }
0x1c: {  	s15 =	simm.s32 $0x8C00  }
0x1d: {  	[tilespmem:s15], [sflag:$0x6] =	stream.indirect.gather [hbm4b:s4+s13], $0x80, s23, s13, $0xb8;
	[tilespmem:$0xF000] =	vst v63  }
0x1e: {  	s16 =	simm.s32 $0x3C00;
	p0 =	por $0x1, $0x1  }
0x1f: {  	[tilespmem:s16], [sflag:$0x2] =	stream.indirect.gather [hbm4b:s3+s13], $0x80, s13, s13, $0xb8;
	[tilespmem:$0xF000] =	vst v63  }
0x20: {  	s28 =	simm.s32 $0x1428;
	s20 =	simm.s32 $0xA000;
	s9 =	simm.s32 @!p0 $0xD  }
0x21: {  	[tilespmem:s20], [sflag:$0x7] =	stream.indirect.gather [hbm4b:s4+s13], $0x80, s28, s13, $0xb8;
	[tilespmem:$0xF000] =	vst v63  }
0x22: {  	_ =	swait.ge @!p0 [sflag:s9], $0x1400  }
0x23: {  	[sflag:s9] =	ssyncset.done @!p0 $0x0  }
0x24: {  	[sflag:s9] =	ssyncadd.s32 @!p0 $0xFFFFEC00;
	s9 =	simm.s32 @!p0 $0x12  }
0x25: {  	_ =	swait.ge @!p0 [sflag:s9], $0x1400  }
0x26: {  	[sflag:s9] =	ssyncset.done @!p0 $0x0  }
0x27: {  	s14 =	simm.s32 $0x50;
	s23 =	simm.s32 $0x5000;
	[sflag:s9] =	ssyncadd.s32 @!p0 $0xFFFFEC00  }
0x28: {  	[tilespmem:s23], [sflag:$0x3] =	stream.indirect.gather [hbm4b:s3+s13], $0x80, s14, s13, $0xb8;
	[tilespmem:$0xF000] =	vst v63  }
0x29: {  	s18 =	simm.s32 $0x1450;
	s21 =	simm.s32 $0xB400;
	s19 =	simm.s32 $0x1  }
0x2a: {  	[tilespmem:s21], [sflag:$0x8] =	stream.indirect.gather [hbm4b:s4+s13], $0x80, s18, s13, $0xb8;
	[tilespmem:$0xF000] =	vst v63  }
0x2b: {  	_ =	swait.ge [sflag:s19], $0x1400  }
0x2c: {  	[sflag:s19] =	ssyncset.done $0x0  }
0x2d: {  	s22 =	simm.s32 $0x6;
	[sflag:s19] =	ssyncadd.s32 $0xFFFFEC00  }
0x2e: {  	_ =	swait.ge [sflag:s22], $0x1400  }
0x2f: {  	[sflag:s22] =	ssyncset.done $0x0;
	s18 =	rddreg [dreg:$0x5]  }
0x30: {  	s19 =	rddreg [dreg:$0x6];
	[sflag:s22] =	ssyncadd.s32 $0xFFFFEC00;
	s9 =	sadd.s32 s18, s8  }
0x31: {  	[hbm4b:s9+s2] =	stream.linear.scatter [tilespmem:s24], [sflag:$0xB], $0x1400, $0x38;
	[tilespmem:$0xF000] =	vst v63  }
0x32: {  	s11 =	simm.s32 @!p0 $0xE;
	s14 =	sadd.s32 s19, s8  }
0x33: {  	[hbm4b:s14+s2] =	stream.linear.scatter [tilespmem:s15], [sflag:$0x10], $0x1400, $0x38;
	[tilespmem:$0xF000] =	vst v63  }
0x34: {  	_ =	swait.ge @!p0 [sflag:s11], $0x1400  }
0x35: {  	[sflag:s11] =	ssyncset.done @!p0 $0x0  }
0x36: {  	[sflag:s11] =	ssyncadd.s32 @!p0 $0xFFFFEC00;
	s11 =	simm.s32 @!p0 $0x13  }
0x37: {  	_ =	swait.ge @!p0 [sflag:s11], $0x1400  }
0x38: {  	[sflag:s11] =	ssyncset.done @!p0 $0x0  }
0x39: {  	s22 =	simm.s32 $0x6400;
	s24 =	simm.s32 $0x78;
	[sflag:s11] =	ssyncadd.s32 @!p0 $0xFFFFEC00  }
0x3a: {  	[tilespmem:s22], [sflag:$0x4] =	stream.indirect.gather [hbm4b:s3+s13], $0x80, s24, s13, $0xb8;
	[tilespmem:$0xF000] =	vst v63  }
0x3b: {  	s28 =	simm.s32 $0x1478;
	s15 =	simm.s32 $0x2;
	s24 =	simm.s32 $0xC800  }
0x3c: {  	[tilespmem:s24], [sflag:$0x9] =	stream.indirect.gather [hbm4b:s4+s13], $0x80, s28, s13, $0xb8;
	[tilespmem:$0xF000] =	vst v63  }
0x3d: {  	_ =	swait.ge [sflag:s15], $0x1400  }
0x3e: {  	[sflag:s15] =	ssyncset.done $0x0  }
0x3f: {  	s28 =	simm.s32 $0x7;
	[sflag:s15] =	ssyncadd.s32 $0xFFFFEC00  }
0x40: {  	_ =	swait.ge [sflag:s28], $0x1400  }
0x41: {  	[sflag:s28] =	ssyncset.done $0x0  }
0x42: {  	s15 =	sadd.s32 $0x280, s9;
	[sflag:s28] =	ssyncadd.s32 $0xFFFFEC00  }
0x43: {  	[hbm4b:s15+s2] =	stream.linear.scatter [tilespmem:s16], [sflag:$0xC], $0x1400, $0x38;
	[tilespmem:$0xF000] =	vst v63  }
0x44: {  	s28 =	sadd.s32 $0x280, s14;
	s15 =	simm.s32 @!p0 $0xF  }
0x45: {  	[hbm4b:s28+s2] =	stream.linear.scatter [tilespmem:s20], [sflag:$0x11], $0x1400, $0x38;
	[tilespmem:$0xF000] =	vst v63  }
0x46: {  	_ =	swait.ge @!p0 [sflag:s15], $0x1400  }
0x47: {  	[sflag:s15] =	ssyncset.done @!p0 $0x0  }
0x48: {  	s11 =	simm.s32 @!p0 $0x14;
	[sflag:s15] =	ssyncadd.s32 @!p0 $0xFFFFEC00  }
0x49: {  	_ =	swait.ge @!p0 [sflag:s11], $0x1400  }
0x4a: {  	[sflag:s11] =	ssyncset.done @!p0 $0x0  }
0x4b: {  	s16 =	simm.s32 $0xA0;
	s20 =	simm.s32 $0x7800;
	[sflag:s11] =	ssyncadd.s32 @!p0 $0xFFFFEC00  }
0x4c: {  	[tilespmem:s20], [sflag:$0x5] =	stream.indirect.gather [hbm4b:s3+s13], $0x80, s16, s13, $0xb8;
	[tilespmem:$0xF000] =	vst v63  }
0x4d: {  	s28 =	simm.s32 $0x14A0;
	s15 =	simm.s32 $0x3  }
0x4e: {  	[tilespmem:s25], [sflag:$0xA] =	stream.indirect.gather [hbm4b:s4+s13], $0x80, s28, s13, $0xb8;
	[tilespmem:$0xF000] =	vst v63  }
0x4f: {  	_ =	swait.ge [sflag:s15], $0x1400  }
0x50: {  	[sflag:s15] =	ssyncset.done $0x0  }
0x51: {  	[sflag:s15] =	ssyncadd.s32 $0xFFFFEC00  }
0x52: {  	_ =	swait.ge [sflag:s31], $0x1400  }
0x53: {  	[sflag:s31] =	ssyncset.done $0x0  }
0x54: {  	s16 =	sadd.s32 $0x500, s9;
	[sflag:s31] =	ssyncadd.s32 $0xFFFFEC00  }
0x55: {  	[hbm4b:s16+s2] =	stream.linear.scatter [tilespmem:s23], [sflag:$0xD], $0x1400, $0x38;
	[tilespmem:$0xF000] =	vst v63  }
0x56: {  	s23 =	sadd.s32 $0x500, s14  }
0x57: {  	[hbm4b:s23+s2] =	stream.linear.scatter [tilespmem:s21], [sflag:$0x12], $0x1400, $0x38;
	[tilespmem:$0xF000] =	vst v63  }
0x58: {  	_ =	swait.ge [sflag:s1], $0x1400  }
0x59: {  	[sflag:s1] =	ssyncset.done $0x0  }
0x5a: {  	[sflag:s1] =	ssyncadd.s32 $0xFFFFEC00  }
0x5b: {  	p0 =	por $0x0, $0x0;
	_ =	swait.ge [sflag:s0], $0x1400  }
0x5c: {  	s11 =	simm.s32 @!p0 $0x2800;
	[sflag:s0] =	ssyncset.done $0x0  }
0x5d: {  	s15 =	simm.s32 @!p0 $0xC8;
	s16 =	simm.s32 @!p0 $0x28;
	[sflag:s0] =	ssyncadd.s32 $0xFFFFEC00  }
0x5e: {  	[tilespmem:s11], [sflag:$0x1] =	stream.indirect.gather @!p0 [hbm4b:s3+s16], $0x80, s15, s16, $0xb8;
	[tilespmem:$0xF000] =	vst v63  }
0x5f: {  	s11 =	simm.s32 @!p0 $0x14C8;
	s15 =	simm.s32 @!p0 $0x8C00  }
0x60: {  	[tilespmem:s15], [sflag:$0x6] =	stream.indirect.gather @!p0 [hbm4b:s4+s16], $0x80, s11, s16, $0xb8;
	[tilespmem:$0xF000] =	vst v63  }
0x61: {  	_ =	swait.ge [sflag:s17], $0x1400  }
0x62: {  	[sflag:s17] =	ssyncset.done $0x0  }
0x63: {  	[sflag:s17] =	ssyncadd.s32 $0xFFFFEC00  }
0x64: {  	_ =	swait.ge [sflag:s12], $0x1400  }
0x65: {  	[sflag:s12] =	ssyncset.done $0x0  }
0x66: {  	s25 =	sadd.s32 $0x780, s9;
	[sflag:s12] =	ssyncadd.s32 $0xFFFFEC00  }
0x67: {  	[hbm4b:s25+s2] =	stream.linear.scatter [tilespmem:s22], [sflag:$0xE], $0x1400, $0x38;
	[tilespmem:$0xF000] =	vst v63  }
0x68: {  	s28 =	sadd.s32 $0x780, s14  }
0x69: {  	[hbm4b:s28+s2] =	stream.linear.scatter [tilespmem:s24], [sflag:$0x13], $0x1400, $0x38;
	[tilespmem:$0xF000] =	vst v63  }
0x6a: {  	_ =	swait.ge [sflag:s5], $0x1400  }
0x6b: {  	[sflag:s5] =	ssyncset.done $0x0  }
0x6c: {  	[sflag:s5] =	ssyncadd.s32 $0xFFFFEC00  }
0x6d: {  	_ =	swait.ge [sflag:s6], $0x1400  }
0x6e: {  	[sflag:s6] =	ssyncset.done $0x0  }
0x6f: {  	s11 =	simm.s32 @!p0 $0xF0;
	s15 =	simm.s32 @!p0 $0x3C00;
	[sflag:s6] =	ssyncadd.s32 $0xFFFFEC00  }
0x70: {  	[tilespmem:s15], [sflag:$0x2] =	stream.indirect.gather @!p0 [hbm4b:s3+s16], $0x80, s11, s16, $0xb8;
	[tilespmem:$0xF000] =	vst v63  }
0x71: {  	s11 =	simm.s32 @!p0 $0x14F0;
	s15 =	simm.s32 @!p0 $0xA000  }
0x72: {  	[tilespmem:s15], [sflag:$0x7] =	stream.indirect.gather @!p0 [hbm4b:s4+s16], $0x80, s11, s16, $0xb8;
	[tilespmem:$0xF000] =	vst v63  }
0x73: {  	_ =	swait.ge [sflag:s7], $0x1400  }
0x74: {  	[sflag:s7] =	ssyncset.done $0x0  }
0x75: {  	[sflag:s7] =	ssyncadd.s32 $0xFFFFEC00  }
0x76: {  	_ =	swait.ge [sflag:s10], $0x1400  }
0x77: {  	p1 =	por $0x0, $0x0;
	s9 =	sadd.s32 $0xA00, s9;
	[sflag:s10] =	ssyncset.done $0x0  }
0x78: {  	s11 =	simm.s32 $0x320;
	s15 =	simm.s32 $0x640;
	[sflag:s10] =	ssyncadd.s32 $0xFFFFEC00  }
0x79: {  	[hbm4b:s9+s2] =	stream.linear.scatter [tilespmem:s20], [sflag:$0xF], $0x1400, $0x38;
	[tilespmem:$0xF000] =	vst v63  }
0x7a: {  	s16 =	sadd.s32 $0xA00, s14;
	s14 =	smov.u32 s18;
	s9 =	sadd.s32 $0xC80, s19  }
.LBB2_2:
0x7b: {  	s18 =	simm.s32 @!p1 $0xD  }
0x7c: {  	s14 =	sadd.s32 $0xC80, s14;
	s19 =	smov.u32 s15;
	s15 =	sadd.s32 $0x320, s15  }
0x7d: {  	[hbm4b:s16+s2] =	stream.linear.scatter [tilespmem:s30], [sflag:$0x14], $0x1400, $0x38;
	[tilespmem:$0xF000] =	vst v63  }
0x7e: {  	p0 =	sne.s32 s15, $0x4E20;
	_ =	swait.ge @!p1 [sflag:s18], $0x1400  }
0x7f: {  	[sflag:s18] =	ssyncset.done @!p1 $0x0  }
0x80: {  	s16 =	simm.s32 @!p1 $0x12;
	[sflag:s18] =	ssyncadd.s32 @!p1 $0xFFFFEC00  }
0x81: {  	_ =	swait.ge @!p1 [sflag:s16], $0x1400  }
0x82: {  	s20 =	sshra.s32 s11, $0x2;
	[sflag:s16] =	ssyncset.done @!p1 $0x0  }
0x83: {  	[sflag:s16] =	ssyncadd.s32 @!p1 $0xFFFFEC00;
	s16 =	sadd.s32 $0x50, s20  }
0x84: {  	[tilespmem:s29], [sflag:$0x3] =	stream.indirect.gather [hbm4b:s3+s13], $0x80, s16, s13, $0xb8;
	[tilespmem:$0xF000] =	vst v63  }
0x85: {  	s21 =	simm.s32 $0xB400;
	s16 =	sadd.s32 $0x1450, s20  }
0x86: {  	[tilespmem:s21], [sflag:$0x8] =	stream.indirect.gather [hbm4b:s4+s13], $0x80, s16, s13, $0xb8;
	[tilespmem:$0xF000] =	vst v63  }
0x87: {  	s16 =	simm.s32 $0x1  }
0x88: {  	_ =	swait.ge [sflag:s16], $0x1400  }
0x89: {  	[sflag:s16] =	ssyncset.done $0x0  }
0x8a: {  	[sflag:s16] =	ssyncadd.s32 $0xFFFFEC00;
	s16 =	simm.s32 $0x6  }
0x8b: {  	_ =	swait.ge [sflag:s16], $0x1400  }
0x8c: {  	[sflag:s16] =	ssyncset.done $0x0  }
0x8d: {  	s18 =	sadd.s32 s14, s8;
	[sflag:s16] =	ssyncadd.s32 $0xFFFFEC00;
	s16 =	simm.s32 $0x2800  }
0x8e: {  	[hbm4b:s18+s2] =	stream.linear.scatter [tilespmem:s16], [sflag:$0xB], $0x1400, $0x38;
	[tilespmem:$0xF000] =	vst v63  }
0x8f: {  	s23 =	simm.s32 @!p1 $0xE;
	s24 =	simm.s32 $0x8C00;
	s16 =	sadd.s32 s9, s8  }
0x90: {  	[hbm4b:s16+s2] =	stream.linear.scatter [tilespmem:s24], [sflag:$0x10], $0x1400, $0x38;
	[tilespmem:$0xF000] =	vst v63  }
0x91: {  	_ =	swait.ge @!p1 [sflag:s23], $0x1400  }
0x92: {  	[sflag:s23] =	ssyncset.done @!p1 $0x0  }
0x93: {  	[sflag:s23] =	ssyncadd.s32 @!p1 $0xFFFFEC00;
	s23 =	simm.s32 @!p1 $0x13  }
0x94: {  	_ =	swait.ge @!p1 [sflag:s23], $0x1400  }
0x95: {  	[sflag:s23] =	ssyncset.done @!p1 $0x0  }
0x96: {  	s22 =	simm.s32 $0x6400;
	[sflag:s23] =	ssyncadd.s32 @!p1 $0xFFFFEC00;
	s23 =	sadd.s32 $0x78, s20  }
0x97: {  	[tilespmem:s22], [sflag:$0x4] =	stream.indirect.gather [hbm4b:s3+s13], $0x80, s23, s13, $0xb8;
	[tilespmem:$0xF000] =	vst v63  }
0x98: {  	s25 =	simm.s32 $0xC800;
	s23 =	sadd.s32 $0x1478, s20  }
0x99: {  	[tilespmem:s25], [sflag:$0x9] =	stream.indirect.gather [hbm4b:s4+s13], $0x80, s23, s13, $0xb8;
	[tilespmem:$0xF000] =	vst v63  }
0x9a: {  	s23 =	simm.s32 $0x2  }
0x9b: {  	_ =	swait.ge [sflag:s23], $0x1400  }
0x9c: {  	[sflag:s23] =	ssyncset.done $0x0  }
0x9d: {  	[sflag:s23] =	ssyncadd.s32 $0xFFFFEC00;
	s23 =	simm.s32 $0x7  }
0x9e: {  	_ =	swait.ge [sflag:s23], $0x1400  }
0x9f: {  	[sflag:s23] =	ssyncset.done $0x0  }
0xa0: {  	s24 =	simm.s32 $0x3C00;
	[sflag:s23] =	ssyncadd.s32 $0xFFFFEC00;
	s23 =	sadd.s32 $0x280, s18  }
0xa1: {  	[hbm4b:s23+s2] =	stream.linear.scatter [tilespmem:s24], [sflag:$0xC], $0x1400, $0x38;
	[tilespmem:$0xF000] =	vst v63  }
0xa2: {  	s28 =	simm.s32 $0xA000;
	s23 =	sadd.s32 $0x280, s16;
	s24 =	simm.s32 @!p1 $0xF  }
0xa3: {  	[hbm4b:s23+s2] =	stream.linear.scatter [tilespmem:s28], [sflag:$0x11], $0x1400, $0x38;
	[tilespmem:$0xF000] =	vst v63  }
0xa4: {  	_ =	swait.ge @!p1 [sflag:s24], $0x1400  }
0xa5: {  	[sflag:s24] =	ssyncset.done @!p1 $0x0  }
0xa6: {  	s23 =	simm.s32 @!p1 $0x14;
	[sflag:s24] =	ssyncadd.s32 @!p1 $0xFFFFEC00  }
0xa7: {  	_ =	swait.ge @!p1 [sflag:s23], $0x1400  }
0xa8: {  	[sflag:s23] =	ssyncset.done @!p1 $0x0  }
0xa9: {  	[sflag:s23] =	ssyncadd.s32 @!p1 $0xFFFFEC00;
	s23 =	sadd.s32 $0xA0, s20  }
0xaa: {  	[tilespmem:s26], [sflag:$0x5] =	stream.indirect.gather [hbm4b:s3+s13], $0x80, s23, s13, $0xb8;
	[tilespmem:$0xF000] =	vst v63  }
0xab: {  	s20 =	sadd.s32 $0x14A0, s20  }
0xac: {  	[tilespmem:s30], [sflag:$0xA] =	stream.indirect.gather [hbm4b:s4+s13], $0x80, s20, s13, $0xb8;
	[tilespmem:$0xF000] =	vst v63  }
0xad: {  	s20 =	simm.s32 $0x3  }
0xae: {  	_ =	swait.ge [sflag:s20], $0x1400  }
0xaf: {  	[sflag:s20] =	ssyncset.done $0x0  }
0xb0: {  	[sflag:s20] =	ssyncadd.s32 $0xFFFFEC00  }
0xb1: {  	_ =	swait.ge [sflag:s31], $0x1400  }
0xb2: {  	[sflag:s31] =	ssyncset.done $0x0  }
0xb3: {  	s20 =	sadd.s32 $0x500, s18;
	[sflag:s31] =	ssyncadd.s32 $0xFFFFEC00  }
0xb4: {  	[hbm4b:s20+s2] =	stream.linear.scatter [tilespmem:s29], [sflag:$0xD], $0x1400, $0x38;
	[tilespmem:$0xF000] =	vst v63  }
0xb5: {  	s20 =	sadd.s32 $0x500, s16  }
0xb6: {  	[hbm4b:s20+s2] =	stream.linear.scatter [tilespmem:s21], [sflag:$0x12], $0x1400, $0x38;
	[tilespmem:$0xF000] =	vst v63  }
0xb7: {  	_ =	swait.ge [sflag:s1], $0x1400  }
0xb8: {  	[sflag:s1] =	ssyncset.done $0x0  }
0xb9: {  	[sflag:s1] =	ssyncadd.s32 $0xFFFFEC00  }
0xba: {  	p1 =	seq.s32 s11, $0x4B00;
	_ =	swait.ge [sflag:s0], $0x1400  }
0xbb: {  	s11 =	sshra.s32 @!p1 s11, $0x2;
	s20 =	simm.s32 @!p1 $0x2800;
	[sflag:s0] =	ssyncset.done $0x0  }
0xbc: {  	s24 =	simm.s32 @!p1 $0x28;
	s23 =	sadd.s32 @!p1 $0xC8, s11;
	[sflag:s0] =	ssyncadd.s32 $0xFFFFEC00  }
0xbd: {  	[tilespmem:s20], [sflag:$0x1] =	stream.indirect.gather @!p1 [hbm4b:s3+s24], $0x80, s23, s24, $0xb8;
	[tilespmem:$0xF000] =	vst v63  }
0xbe: {  	s28 =	sadd.s32 @!p1 $0xF0, s11;
	s20 =	sadd.s32 @!p1 $0x14C8, s11;
	s23 =	simm.s32 @!p1 $0x8C00  }
0xbf: {  	[tilespmem:s23], [sflag:$0x6] =	stream.indirect.gather @!p1 [hbm4b:s4+s24], $0x80, s20, s24, $0xb8;
	[tilespmem:$0xF000] =	vst v63  }
0xc0: {  	s20 =	sadd.s32 @!p1 $0x14F0, s11;
	s11 =	smov.u32 s19;
	_ =	swait.ge [sflag:s17], $0x1400  }
0xc1: {  	[sflag:s17] =	ssyncset.done $0x0  }
0xc2: {  	[sflag:s17] =	ssyncadd.s32 $0xFFFFEC00  }
0xc3: {  	_ =	swait.ge [sflag:s12], $0x1400  }
0xc4: {  	[sflag:s12] =	ssyncset.done $0x0  }
0xc5: {  	s19 =	sadd.s32 $0x780, s18;
	[sflag:s12] =	ssyncadd.s32 $0xFFFFEC00  }
0xc6: {  	[hbm4b:s19+s2] =	stream.linear.scatter [tilespmem:s22], [sflag:$0xE], $0x1400, $0x38;
	[tilespmem:$0xF000] =	vst v63  }
0xc7: {  	s19 =	sadd.s32 $0x780, s16  }
0xc8: {  	[hbm4b:s19+s2] =	stream.linear.scatter [tilespmem:s25], [sflag:$0x13], $0x1400, $0x38;
	[tilespmem:$0xF000] =	vst v63  }
0xc9: {  	_ =	swait.ge [sflag:s5], $0x1400  }
0xca: {  	[sflag:s5] =	ssyncset.done $0x0  }
0xcb: {  	[sflag:s5] =	ssyncadd.s32 $0xFFFFEC00  }
0xcc: {  	_ =	swait.ge [sflag:s6], $0x1400  }
0xcd: {  	[sflag:s6] =	ssyncset.done $0x0  }
0xce: {  	s19 =	simm.s32 @!p1 $0x3C00;
	[sflag:s6] =	ssyncadd.s32 $0xFFFFEC00  }
0xcf: {  	[tilespmem:s19], [sflag:$0x2] =	stream.indirect.gather @!p1 [hbm4b:s3+s24], $0x80, s28, s24, $0xb8;
	[tilespmem:$0xF000] =	vst v63  }
0xd0: {  	s19 =	simm.s32 @!p1 $0xA000  }
0xd1: {  	[tilespmem:s19], [sflag:$0x7] =	stream.indirect.gather @!p1 [hbm4b:s4+s24], $0x80, s20, s24, $0xb8;
	[tilespmem:$0xF000] =	vst v63  }
0xd2: {  	_ =	swait.ge [sflag:s7], $0x1400  }
0xd3: {  	[sflag:s7] =	ssyncset.done $0x0  }
.Ltmp0:
0xd4: {  	[sflag:s7] =	ssyncadd.s32 $0xFFFFEC00;
	(pc) =	sbr.rel @p0 .LBB2_2-.Ltmp0, $4  }
0xd5: {  	_ =	swait.ge [sflag:s10], $0x1400  }
0xd6: {  	s9 =	sadd.s32 $0xC80, s9;
	s18 =	sadd.s32 $0xA00, s18;
	[sflag:s10] =	ssyncset.done $0x0  }
0xd7: {  	s16 =	sadd.s32 $0xA00, s16;
	p1 =	seq.s32 s11, $0x0;
	[sflag:s10] =	ssyncadd.s32 $0xFFFFEC00  }
0xd8: {  	[hbm4b:s18+s2] =	stream.linear.scatter [tilespmem:s26], [sflag:$0xF], $0x1400, $0x38;
	[tilespmem:$0xF000] =	vst v63  }
0xd9: {  	s15 =	simm.s32 @!p1 $0xD;
	s24 =	simm.s32 $0xDC00  }
0xda: {  	[hbm4b:s16+s2] =	stream.linear.scatter [tilespmem:s24], [sflag:$0x14], $0x1400, $0x38;
	[tilespmem:$0xF000] =	vst v63  }
0xdb: {  	_ =	swait.ge @!p1 [sflag:s15], $0x1400  }
0xdc: {  	[sflag:s15] =	ssyncset.done @!p1 $0x0  }
0xdd: {  	[sflag:s15] =	ssyncadd.s32 @!p1 $0xFFFFEC00;
	s15 =	simm.s32 @!p1 $0x12  }
0xde: {  	_ =	swait.ge @!p1 [sflag:s15], $0x1400  }
0xdf: {  	s16 =	sshra.s32 s11, $0x2;
	[sflag:s15] =	ssyncset.done @!p1 $0x0  }
0xe0: {  	s20 =	simm.s32 $0x5000;
	s25 =	sadd.s32 $0x50, s16;
	[sflag:s15] =	ssyncadd.s32 @!p1 $0xFFFFEC00  }
0xe1: {  	[tilespmem:s20], [sflag:$0x3] =	stream.indirect.gather [hbm4b:s3+s13], $0x80, s25, s13, $0xb8;
	[tilespmem:$0xF000] =	vst v63  }
0xe2: {  	s21 =	simm.s32 $0xB400;
	s18 =	simm.s32 $0x1;
	s28 =	sadd.s32 $0x1450, s16  }
0xe3: {  	[tilespmem:s21], [sflag:$0x8] =	stream.indirect.gather [hbm4b:s4+s13], $0x80, s28, s13, $0xb8;
	[tilespmem:$0xF000] =	vst v63  }
0xe4: {  	_ =	swait.ge [sflag:s18], $0x1400  }
0xe5: {  	[sflag:s18] =	ssyncset.done $0x0  }
0xe6: {  	s19 =	simm.s32 $0x6;
	[sflag:s18] =	ssyncadd.s32 $0xFFFFEC00  }
0xe7: {  	_ =	swait.ge [sflag:s19], $0x1400  }
0xe8: {  	s14 =	sadd.s32 $0xC80, s14;
	[sflag:s19] =	ssyncset.done $0x0  }
0xe9: {  	s22 =	simm.s32 $0x2800;
	s14 =	sadd.s32 s14, s8;
	[sflag:s19] =	ssyncadd.s32 $0xFFFFEC00  }
0xea: {  	[hbm4b:s14+s2] =	stream.linear.scatter [tilespmem:s22], [sflag:$0xB], $0x1400, $0x38;
	[tilespmem:$0xF000] =	vst v63  }
0xeb: {  	s9 =	sadd.s32 s9, s8;
	s15 =	simm.s32 @!p1 $0xE;
	s18 =	simm.s32 $0x8C00  }
0xec: {  	[hbm4b:s9+s2] =	stream.linear.scatter [tilespmem:s18], [sflag:$0x10], $0x1400, $0x38;
	[tilespmem:$0xF000] =	vst v63  }
0xed: {  	_ =	swait.ge @!p1 [sflag:s15], $0x1400  }
0xee: {  	[sflag:s15] =	ssyncset.done @!p1 $0x0  }
0xef: {  	[sflag:s15] =	ssyncadd.s32 @!p1 $0xFFFFEC00;
	s15 =	simm.s32 @!p1 $0x13  }
0xf0: {  	_ =	swait.ge @!p1 [sflag:s15], $0x1400  }
0xf1: {  	[sflag:s15] =	ssyncset.done @!p1 $0x0  }
0xf2: {  	s23 =	sadd.s32 $0x78, s16;
	s22 =	simm.s32 $0x6400;
	[sflag:s15] =	ssyncadd.s32 @!p1 $0xFFFFEC00  }
0xf3: {  	[tilespmem:s22], [sflag:$0x4] =	stream.indirect.gather [hbm4b:s3+s13], $0x80, s23, s13, $0xb8;
	[tilespmem:$0xF000] =	vst v63  }
0xf4: {  	s25 =	sadd.s32 $0x1478, s16;
	s28 =	simm.s32 $0x2;
	s23 =	simm.s32 $0xC800  }
0xf5: {  	[tilespmem:s23], [sflag:$0x9] =	stream.indirect.gather [hbm4b:s4+s13], $0x80, s25, s13, $0xb8;
	[tilespmem:$0xF000] =	vst v63  }
0xf6: {  	_ =	swait.ge [sflag:s28], $0x1400  }
0xf7: {  	[sflag:s28] =	ssyncset.done $0x0  }
0xf8: {  	s18 =	simm.s32 $0x7;
	[sflag:s28] =	ssyncadd.s32 $0xFFFFEC00  }
0xf9: {  	_ =	swait.ge [sflag:s18], $0x1400  }
0xfa: {  	[sflag:s18] =	ssyncset.done $0x0  }
0xfb: {  	s19 =	sadd.s32 $0x280, s14;
	s25 =	simm.s32 $0x3C00;
	[sflag:s18] =	ssyncadd.s32 $0xFFFFEC00  }
0xfc: {  	[hbm4b:s19+s2] =	stream.linear.scatter [tilespmem:s25], [sflag:$0xC], $0x1400, $0x38;
	[tilespmem:$0xF000] =	vst v63  }
0xfd: {  	s28 =	sadd.s32 $0x280, s9;
	s18 =	simm.s32 @!p1 $0xF;
	s19 =	simm.s32 $0xA000  }
0xfe: {  	[hbm4b:s28+s2] =	stream.linear.scatter [tilespmem:s19], [sflag:$0x11], $0x1400, $0x38;
	[tilespmem:$0xF000] =	vst v63  }
0xff: {  	_ =	swait.ge @!p1 [sflag:s18], $0x1400  }
0x100: {  	[sflag:s18] =	ssyncset.done @!p1 $0x0  }
0x101: {  	s15 =	simm.s32 @!p1 $0x14;
	[sflag:s18] =	ssyncadd.s32 @!p1 $0xFFFFEC00  }
0x102: {  	_ =	swait.ge @!p1 [sflag:s15], $0x1400  }
0x103: {  	[sflag:s15] =	ssyncset.done @!p1 $0x0  }
0x104: {  	s25 =	sadd.s32 $0xA0, s16;
	s19 =	simm.s32 $0x7800;
	[sflag:s15] =	ssyncadd.s32 @!p1 $0xFFFFEC00  }
0x105: {  	[tilespmem:s19], [sflag:$0x5] =	stream.indirect.gather [hbm4b:s3+s13], $0x80, s25, s13, $0xb8;
	[tilespmem:$0xF000] =	vst v63  }
0x106: {  	s28 =	sadd.s32 $0x14A0, s16;
	s16 =	simm.s32 $0x3  }
0x107: {  	[tilespmem:s24], [sflag:$0xA] =	stream.indirect.gather [hbm4b:s4+s13], $0x80, s28, s13, $0xb8;
	[tilespmem:$0xF000] =	vst v63  }
0x108: {  	_ =	swait.ge [sflag:s16], $0x1400  }
0x109: {  	[sflag:s16] =	ssyncset.done $0x0  }
0x10a: {  	[sflag:s16] =	ssyncadd.s32 $0xFFFFEC00  }
0x10b: {  	_ =	swait.ge [sflag:s31], $0x1400  }
0x10c: {  	[sflag:s31] =	ssyncset.done $0x0  }
0x10d: {  	s18 =	sadd.s32 $0x500, s14;
	[sflag:s31] =	ssyncadd.s32 $0xFFFFEC00  }
0x10e: {  	[hbm4b:s18+s2] =	stream.linear.scatter [tilespmem:s20], [sflag:$0xD], $0x1400, $0x38;
	[tilespmem:$0xF000] =	vst v63  }
0x10f: {  	s20 =	sadd.s32 $0x500, s9  }
0x110: {  	[hbm4b:s20+s2] =	stream.linear.scatter [tilespmem:s21], [sflag:$0x12], $0x1400, $0x38;
	[tilespmem:$0xF000] =	vst v63  }
0x111: {  	_ =	swait.ge [sflag:s1], $0x1400  }
0x112: {  	[sflag:s1] =	ssyncset.done $0x0  }
0x113: {  	[sflag:s1] =	ssyncadd.s32 $0xFFFFEC00  }
0x114: {  	p0 =	seq.s32 s11, $0x4B00;
	_ =	swait.ge [sflag:s0], $0x1400  }
0x115: {  	s11 =	sshra.s32 @!p0 s11, $0x2;
	s15 =	simm.s32 @!p0 $0x2800;
	[sflag:s0] =	ssyncset.done $0x0  }
0x116: {  	s16 =	sadd.s32 @!p0 $0xC8, s11;
	s18 =	simm.s32 @!p0 $0x28;
	[sflag:s0] =	ssyncadd.s32 $0xFFFFEC00  }
0x117: {  	[tilespmem:s15], [sflag:$0x1] =	stream.indirect.gather @!p0 [hbm4b:s3+s18], $0x80, s16, s18, $0xb8;
	[tilespmem:$0xF000] =	vst v63  }
0x118: {  	s15 =	sadd.s32 @!p0 $0x14C8, s11;
	s16 =	simm.s32 @!p0 $0x8C00  }
0x119: {  	[tilespmem:s16], [sflag:$0x6] =	stream.indirect.gather @!p0 [hbm4b:s4+s18], $0x80, s15, s18, $0xb8;
	[tilespmem:$0xF000] =	vst v63  }
0x11a: {  	_ =	swait.ge [sflag:s17], $0x1400  }
0x11b: {  	[sflag:s17] =	ssyncset.done $0x0  }
0x11c: {  	[sflag:s17] =	ssyncadd.s32 $0xFFFFEC00  }
0x11d: {  	_ =	swait.ge [sflag:s12], $0x1400  }
0x11e: {  	[sflag:s12] =	ssyncset.done $0x0  }
0x11f: {  	s25 =	sadd.s32 $0x780, s14;
	[sflag:s12] =	ssyncadd.s32 $0xFFFFEC00  }
0x120: {  	[hbm4b:s25+s2] =	stream.linear.scatter [tilespmem:s22], [sflag:$0xE], $0x1400, $0x38;
	[tilespmem:$0xF000] =	vst v63  }
0x121: {  	s28 =	sadd.s32 $0x780, s9  }
0x122: {  	[hbm4b:s28+s2] =	stream.linear.scatter [tilespmem:s23], [sflag:$0x13], $0x1400, $0x38;
	[tilespmem:$0xF000] =	vst v63  }
0x123: {  	_ =	swait.ge [sflag:s5], $0x1400  }
0x124: {  	[sflag:s5] =	ssyncset.done $0x0  }
0x125: {  	[sflag:s5] =	ssyncadd.s32 $0xFFFFEC00  }
0x126: {  	_ =	swait.ge [sflag:s6], $0x1400  }
0x127: {  	[sflag:s6] =	ssyncset.done $0x0  }
0x128: {  	s15 =	sadd.s32 @!p0 $0xF0, s11;
	s16 =	simm.s32 @!p0 $0x3C00;
	[sflag:s6] =	ssyncadd.s32 $0xFFFFEC00  }
0x129: {  	[tilespmem:s16], [sflag:$0x2] =	stream.indirect.gather @!p0 [hbm4b:s3+s18], $0x80, s15, s18, $0xb8;
	[tilespmem:$0xF000] =	vst v63  }
0x12a: {  	s11 =	sadd.s32 @!p0 $0x14F0, s11;
	s15 =	simm.s32 @!p0 $0xA000  }
0x12b: {  	[tilespmem:s15], [sflag:$0x7] =	stream.indirect.gather @!p0 [hbm4b:s4+s18], $0x80, s11, s18, $0xb8;
	[tilespmem:$0xF000] =	vst v63  }
0x12c: {  	_ =	swait.ge [sflag:s7], $0x1400  }
0x12d: {  	[sflag:s7] =	ssyncset.done $0x0  }
0x12e: {  	[sflag:s7] =	ssyncadd.s32 $0xFFFFEC00  }
0x12f: {  	_ =	swait.ge [sflag:s10], $0x1400  }
0x130: {  	[sflag:s10] =	ssyncset.done $0x0  }
0x131: {  	s16 =	sadd.s32 $0xA00, s14;
	[sflag:s10] =	ssyncadd.s32 $0xFFFFEC00  }
0x132: {  	[hbm4b:s16+s2] =	stream.linear.scatter [tilespmem:s19], [sflag:$0xF], $0x1400, $0x38;
	[tilespmem:$0xF000] =	vst v63  }
0x133: {  	s9 =	sadd.s32 $0xA00, s9;
	s18 =	simm.s32 $0xD  }
0x134: {  	[hbm4b:s9+s2] =	stream.linear.scatter [tilespmem:s24], [sflag:$0x14], $0x1400, $0x38;
	[tilespmem:$0xF000] =	vst v63  }
0x135: {  	_ =	swait.ge [sflag:s18], $0x1400  }
0x136: {  	[sflag:s18] =	ssyncset.done $0x0  }
0x137: {  	s19 =	simm.s32 $0x12;
	[sflag:s18] =	ssyncadd.s32 $0xFFFFEC00  }
0x138: {  	_ =	swait.ge [sflag:s19], $0x1400  }
0x139: {  	[sflag:s19] =	ssyncset.done $0x0  }
0x13a: {  	s20 =	simm.s32 $0xE;
	[sflag:s19] =	ssyncadd.s32 $0xFFFFEC00  }
0x13b: {  	_ =	swait.ge [sflag:s20], $0x1400  }
0x13c: {  	[sflag:s20] =	ssyncset.done $0x0  }
0x13d: {  	s21 =	simm.s32 $0x13;
	[sflag:s20] =	ssyncadd.s32 $0xFFFFEC00  }
0x13e: {  	_ =	swait.ge [sflag:s21], $0x1400  }
0x13f: {  	[sflag:s21] =	ssyncset.done $0x0  }
0x140: {  	s22 =	simm.s32 $0xF;
	[sflag:s21] =	ssyncadd.s32 $0xFFFFEC00  }
0x141: {  	_ =	swait.ge [sflag:s22], $0x1400  }
0x142: {  	[sflag:s22] =	ssyncset.done $0x0  }
0x143: {  	s23 =	simm.s32 $0x14;
	[sflag:s22] =	ssyncadd.s32 $0xFFFFEC00  }
0x144: {  	_ =	swait.ge [sflag:s23], $0x1400  }
0x145: {  	s24 =	rddreg [dreg:$0x7]  }
0x146: {  	s28 =	rddreg [dreg:$0x4];
	s14 =	sadd.s32 $0x1, s24  }
0x147: {  	p0 =	sne.s32 s14, s28  }
.Ltmp1:
0x148: {  	_ = 	snop;
	(pc) =	sbr.rel @p0 .LBB2_1-.Ltmp1, $3  }
0x149: {  	_ =	sdelay $0x1  }
0x14a: {  	[sflag:s23] =	ssyncset.done $0x0  }
0x14b: {  	s25 =	simm.s32 $0xDC00;
	[sflag:s23] =	ssyncadd.s32 $0xFFFFEC00  }
0x14c: {  	_ =	sfence.sel $0x180000  }
0x14d: {  	[bflag:$0x0] =	sbarrier.arrive $0xFFFF  }
0x14e: {  	_ =	strace $0x90000047  }
0x14f: {  	s0 =	stileid.u32;
	[bflag:$0x2] =	sbarrier.arrive $0xFFFF  }
0x150: {  	p0 =	sne.s32 s0, $0x0;
	s0 =	rddreg [dreg:$0x1]  }
0x151: {  	s0 =	sadd.s32 @!p0 $0x100000, s0  }
0x152: {  	[sflag:s0] =	ssyncadd.tile.s32 @!p0 $0x1;
	_ =	shalt  }
.Lfunc_end2:
_tile_overlayer_lowered:
.L_overlay_start_2:
0x153: {  	(tag) =	ssettag $0x2  }
0x154: {  	s0 =	rddreg [dreg:$0x0];
	s2 =	stileid.u32  }
0x155: {  	s1 =	rddreg [dreg:$0x1];
	p0 =	sne.s32 s2, $0x0  }
0x156: {  	s3 =	rddreg [dreg:$0x2];
	[bflag:$0x3] =	sbarrier.arrive $0xFFFF;
	s2 =	simm.s32 @!p0 $0x1C15  }
0x157: {  	[timem:s3], [sflag:s2] =	dma.local @!p0 [hbm:s0], s1  }
0x158: {  	s0 =	simm.s32 @!p0 $0x15  }
0x159: {  	_ =	swait.ge @!p0 [sflag:s0], s1  }
0x15a: {  	s1 =	ssub.s32 @!p0 $0x0, s1;
	[sflag:s0] =	ssyncset.done @!p0 $0x0  }
0x15b: {  	[sflag:s0] =	ssyncadd.s32 @!p0 s1  }
0x15c: {  	[bflag:$0x3] =	sbarrier.arrive $0xFFFF  }
0x15d: {  	_ =	shalt  }

// kernel: kernel.16.cloned.1.call-start
scs
__scs_entry_jumppad:
0x0: {  	(pc) =	sbr.rel $0x88, $3  }
0x1: {  	(tag) =	ssettag $0x0;
	lr =	simm.s32 $0x1  }
0x2: {  	[smem:$0x3F93] =	sst lr;
	_ =	strace $0xD0000000  }
0x3: {  	_ = 	snop  }
0x4: {  	_ = 	snop  }
0x5: {  	_ = 	snop  }
0x6: {  	_ = 	snop  }
0x7: {  	_ = 	snop  }
__scs_overlays_trampoline_lowered:
0x8: {  	[smem:$0x3FA2] =	sst s0  }
0x9: {  	[smem:$0x3FA3] =	sst s1  }
0xa: {  	[smem:$0x3FA4] =	sst s2  }
0xb: {  	[smem:$0x3FA5] =	sst s3  }
0xc: {  	[smem:$0x3FA6] =	sst s4  }
0xd: {  	[smem:$0x3FA7] =	sst s5  }
0xe: {  	[smem:$0x3FA8] =	sst s6  }
0xf: {  	[smem:$0x3FA9] =	sst s7  }
0x10: {  	[smem:$0x3FAA] =	sst s8  }
0x11: {  	[smem:$0x3FAB] =	sst s9;
	s0 =	simm.s32 @!p0 $0x0  }
0x12: {  	s1 =	sld [smem:$0x3F91];
	s0 =	simm.s32 @p0 $0x1  }
0x13: {  	[smem:$0x3FAC] =	sst s0;
	s0 =	simm.s32 @!p1 $0x0  }
0x14: {  	s2 =	sld [smem:$0x3F90];
	s0 =	simm.s32 @p1 $0x1  }
0x15: {  	[smem:$0x3FAD] =	sst s0;
	s0 =	simm.s32 @!p2 $0x0  }
0x16: {  	s3 =	sld [smem:$0x3FDB];
	s0 =	simm.s32 @p2 $0x1  }
0x17: {  	s4 =	simm.s32 $0x1BF5;
	[smem:$0x3FAF] =	sst s0  }
0x18: {  	s0 =	sld [smem:$0x3F92];
	_ =	swait.ge [sflag:s4], $0x0  }
0x19: {  	s7 =	sld [smem:$0x3F93]  }
0x1a: {  	s8 =	sadd.s32 $0xFFFFE003, lr  }
0x1b: {  	s9 =	sadd.s32 $0xFFFFFEF7, lr;
	s5 =	simm.s32 $0xFFFFFFFF;
	p2 =	slt.u32 s8, $0xFFFFF086  }
0x1c: {  	p1 =	slt.u32 s9, $0xF7A;
	s5 =	simm.s32 @!p2 $0x0  }
0x1d: {  	s5 =	simm.s32 @p1 $0x1;
	p0 =	seq.s32 s7, s2  }
0x1e: {  	s7 =	smul.u32 @!p0 $0xF7A, s2;
	p2 =	seq.s32 @!p0 s5, $0x0  }
0x1f: {  	s9 =	smul.u32 $0xF7A, s1;
	s8 =	simm.s32 @!p0 $0x1BF5;
	p2 =	por !p2, p0  }
0x20: {  	[sflag:s8] =	ssyncset.s32 @!p0 $0xFFFFF086;
	s6 =	sadd.s32 @!p0 s3, s7;
	s7 =	simm.s32 @!p0 $0x108  }
0x21: {  	s3 =	sadd.s32 s3, s9;
	s6 =	sadd.s32 @!p0 $0x88, s6;
	s7 =	simm.s32 @p2 $0x1082  }
0x22: {  	[simem:s7], [sflag:s8] =	dma.local @!p0 [hbm:s6], $0xF7A  }
0x23: {  	s9 =	sor.u32 $0xD0000000, s2;
	s6 =	simm.s32 $0x108;
	_ =	swait.ge @!p0 [sflag:s8], $0x0  }
0x24: {  	s3 =	sadd.s32 $0x88, s3;
	s6 =	simm.s32 @!p1 $0x1082;
	[sflag:s4] =	ssyncset.s32 $0xFFFFF086  }
0x25: {  	[simem:s6], [sflag:s4] =	dma.local [hbm:s3], $0xF7A  }
0x26: {  	[smem:$0x3F93] =	sst s1;
	(tag) =	ssettag s2;
	_ =	strace s9  }
0x27: {  	s1 =	sld [smem:$0x3FA3]  }
0x28: {  	s2 =	sld [smem:$0x3FA4]  }
0x29: {  	s4 =	sld [smem:$0x3FA6]  }
0x2a: {  	p0 =	seq.s32 s5, $0x0;
	s5 =	sld [smem:$0x3FA7]  }
0x2b: {  	s6 =	sld [smem:$0x3FA8]  }
0x2c: {  	s7 =	sld [smem:$0x3FA9]  }
0x2d: {  	s3 =	simm.s32 $0x108;
	s8 =	sld [smem:$0x3FAA]  }
0x2e: {  	s3 =	simm.s32 @!p0 $0x1082;
	s9 =	sld [smem:$0x3FAB]  }
0x2f: {  	lr =	sadd.s32 s0, s3;
	s0 =	sld [smem:$0x3FA2]  }
0x30: {  	s3 =	sld [smem:$0x3FA5]  }
0x31: {  	[smem:$0x3FAE] =	sst s10  }
0x32: {  	s10 =	sld [smem:$0x3FAC];
	_ =	sdelay $0x3  }
0x33: {  	p0 =	seq.s32 s10, $0x1;
	s10 =	sld [smem:$0x3FAE];
	_ =	sdelay $0x3  }
0x34: {  	[smem:$0x3FAE] =	sst s10  }
0x35: {  	s10 =	sld [smem:$0x3FAD];
	_ =	sdelay $0x3  }
0x36: {  	p1 =	seq.s32 s10, $0x1;
	s10 =	sld [smem:$0x3FAE];
	_ =	sdelay $0x3  }
0x37: {  	[smem:$0x3FAE] =	sst s10  }
0x38: {  	s10 =	sld [smem:$0x3FAF]  }
0x39: {  	_ = 	snop;
	(pc) =	sbr.ind lr, $3  }
0x3a: {  	_ = 	snop  }
0x3b: {  	_ = 	snop  }
0x3c: {  	p2 =	seq.s32 s10, $0x1;
	s10 =	sld [smem:$0x3FAE]  }
0x3d: {  	_ =	shalt  }
0x3e: {  	_ =	shalt  }
0x3f: {  	_ =	shalt  }
0x40: {  	_ =	shalt  }
0x41: {  	_ =	shalt  }
0x42: {  	_ =	shalt  }
0x43: {  	_ =	shalt  }
0x44: {  	_ =	shalt  }
0x45: {  	_ =	shalt  }
0x46: {  	_ =	shalt  }
0x47: {  	_ =	shalt  }
0x48: {  	_ =	shalt  }
0x49: {  	_ =	shalt  }
0x4a: {  	_ =	shalt  }
0x4b: {  	_ =	shalt  }
0x4c: {  	_ =	shalt  }
0x4d: {  	_ =	shalt  }
0x4e: {  	_ =	shalt  }
0x4f: {  	_ =	shalt  }
0x50: {  	_ =	shalt  }
0x51: {  	_ =	shalt  }
0x52: {  	_ =	shalt  }
0x53: {  	_ =	shalt  }
0x54: {  	_ =	shalt  }
0x55: {  	_ =	shalt  }
0x56: {  	_ =	shalt  }
0x57: {  	_ =	shalt  }
0x58: {  	_ =	shalt  }
0x59: {  	_ =	shalt  }
0x5a: {  	_ =	shalt  }
0x5b: {  	_ =	shalt  }
0x5c: {  	_ =	shalt  }
0x5d: {  	_ =	shalt  }
0x5e: {  	_ =	shalt  }
0x5f: {  	_ =	shalt  }
0x60: {  	_ =	shalt  }
0x61: {  	_ =	shalt  }
0x62: {  	_ =	shalt  }
0x63: {  	_ =	shalt  }
0x64: {  	_ =	shalt  }
0x65: {  	_ =	shalt  }
0x66: {  	_ =	shalt  }
0x67: {  	_ =	shalt  }
0x68: {  	_ =	shalt  }
0x69: {  	_ =	shalt  }
0x6a: {  	_ =	shalt  }
0x6b: {  	_ =	shalt  }
0x6c: {  	_ =	shalt  }
0x6d: {  	_ =	shalt  }
0x6e: {  	_ =	shalt  }
0x6f: {  	_ =	shalt  }
0x70: {  	_ =	shalt  }
0x71: {  	_ =	shalt  }
0x72: {  	_ =	shalt  }
0x73: {  	_ =	shalt  }
0x74: {  	_ =	shalt  }
0x75: {  	_ =	shalt  }
0x76: {  	_ =	shalt  }
0x77: {  	_ =	shalt  }
0x78: {  	_ =	shalt  }
0x79: {  	_ =	shalt  }
0x7a: {  	_ =	shalt  }
0x7b: {  	_ =	shalt  }
0x7c: {  	_ =	shalt  }
0x7d: {  	_ =	shalt  }
0x7e: {  	_ =	shalt  }
0x7f: {  	_ =	shalt  }
0x80: {  	_ =	shalt  }
0x81: {  	_ =	shalt  }
0x82: {  	_ =	shalt  }
0x83: {  	_ =	shalt  }
0x84: {  	_ =	shalt  }
0x85: {  	_ =	shalt  }
0x86: {  	_ =	shalt  }
0x87: {  	_ =	shalt  }
.Lfunc_end0:
.L_simem_size_0:
called_computation.2_lowered:
.L_overlay_start_0:
0x88: {  	s2 =	sld [smem:$0x3FD9]  }
0x89: {  	s3 =	sld [smem:$0x3FFE];
	_ =	sdelay $0x1  }
0x8a: {  	s1 =	srdreg.scid  }
0x8b: {  	s0 =	sand.u32 $0x1, s1  }
0x8c: {  	s17 =	sshll.u32 s0, $0xA;
	s2 =	sadd.s32 s3, s2  }
0x8d: {  	s2 =	sadd.s32 s2, s17  }
0x8e: {  	[smem:$0x3FBA] =	sst s2  }
0x8f: {  	_ = 	snop  }
0x90: {  	(tm) =	ssettm $0x1  }
0x91: {  	s18 =	sld [smem:$0x3FFB];
	_ =	sdelay $0x3  }
0x92: {  	_ =	strace s18  }
0x93: {  	s2 =	sld [smem:$0x3FFC];
	_ =	sdelay $0x3  }
0x94: {  	_ =	strace s2  }
0x95: {  	s2 =	sld [smem:$0x3FFD];
	_ =	sdelay $0x3  }
0x96: {  	_ =	strace s2  }
0x97: {  	_ =	strace $0x8FFFFFFF  }
0x98: {  	s19 =	sld [smem:$0x3FDB];
	_ =	sdelay $0x1  }
0x99: {  	s20 =	simm.s32 $_scs_section_size  }
0x9a: {  	s4 =	simm.s32 $_size__tile_overlayer_lowered;
	s5 =	simm.s32 $_tile_overlayer_lowered  }
0x9b: {  	s6 =	simm.s32 $0x1BFF;
	s21 =	sshll.u32 s5, $0x1;
	s3 =	sadd.s32 s20, s19  }
0x9c: {  	s22 =	simm.s32 $0x0;
	s4 =	sshll.u32 s4, $0x1;
	s5 =	sadd.s32 s21, s3  }
0x9d: {  	[timem:s22], [sflag:s6] =	dma.local [hbm:s5], s4  }
0x9e: {  	_ =	swait.ge [sflag:s6], s4  }
0x9f: {  	s4 =	ssub.s32 $0x0, s4;
	[sflag:s6] =	ssyncset.done $0x0  }
0xa0: {  	[sflag:s6] =	ssyncadd.s32 s4;
	_ =	sdelay $0x1  }
0xa1: {  	s23 =	simm.s32 $0x1B8B  }
0xa2: {  	_ =	swait.ge [sflag:s23], $0x1  }
0xa3: {  	[sflag:s23] =	ssyncset.done $0x0  }
0xa4: {  	[sflag:s23] =	ssyncadd.s32 $0xFFFFFFFF  }
0xa5: {  	s4 =	sld [smem:$0x0]  }
0xa6: {  	s5 =	sand.u32 $0xFFFFFFFE, s1  }
0xa7: {  	p0 =	sne.s32 s1, s5  }
0xa8: {  	s5 =	sshll.u32 @p0 s5, $0xE  }
0xa9: {  	s5 =	sadd.s32 @p0 $0x11B8D, s5;
	s6 =	sshll.u32 @p0 s4, $0x11  }
0xaa: {  	s5 =	sor.u32 @p0 s6, s5  }
0xab: {  	[sflag:s5] =	ssyncadd.remote.s32 @p0 $0x1;
	_ =	sdelay $0x1  }
0xac: {  	s5 =	simm.s32 @p0 $0x1B8D  }
0xad: {  	_ =	swait.eq @p0 [sflag:s5], $0x1  }
0xae: {  	[sflag:s5] =	ssyncadd.s32 @p0 $0xFFFFFFFF  }
0xaf: {  	s6 =	sshll.u32 @!p0 s1, $0xE  }
0xb0: {  	s6 =	sor.u32 @!p0 $0x4000, s6;
	s5 =	simm.s32 @!p0 $0x1B8D  }
0xb1: {  	s4 =	sshll.u32 @!p0 s4, $0x11;
	s6 =	sadd.s32 @!p0 $0x11B8D, s6;
	_ =	swait.eq @!p0 [sflag:s5], $0x1  }
0xb2: {  	s4 =	sor.u32 @!p0 s4, s6;
	[sflag:s5] =	ssyncadd.s32 @!p0 $0xFFFFFFFF  }
0xb3: {  	s25 =	simm.s32 $0x1B8E;
	s24 =	sld [smem:$0x3FFE];
	[sflag:s4] =	ssyncadd.remote.s32 @!p0 $0x1  }
0xb4: {  	s26 =	simm.s32 $execute0_lowered;
	[smem:$0x3FD2] =	sst s25  }
0xb5: {  	s5 =	sshll.u32 s26, $0x1;
	_ =	strace $0x8000004F;
	[dreg:$0x1] =	wrdreg $0xFFFFFFFF  }
0xb6: {  	s28 =	simm.s32 $_size_execute0_lowered;
	s3 =	sadd.s32 s3, s5;
	[dreg:$0x0] =	wrdreg $0x0  }
0xb7: {  	s5 =	sshll.u32 s28, $0x1;
	[dreg:$0x2] =	wrdreg s3  }
0xb8: {  	[dreg:$0x3] =	wrdreg s5  }
0xb9: {  	[dreg:$0x4] =	wrdreg $0xC0  }
0xba: {  	_ =	task [dreg:s22], $0x5FFFF  }
0xbb: {  	[dreg:$0x1] =	wrdreg $0xFFFFFFFF  }
0xbc: {  	[dreg:$0x0] =	wrdreg $0x60  }
0xbd: {  	[dreg:$0x2] =	wrdreg s24  }
0xbe: {  	[dreg:$0x3] =	wrdreg $0x0  }
0xbf: {  	[dreg:$0x4] =	wrdreg $0x9  }
0xc0: {  	_ =	task.clear_ibuf [dreg:s22], $0x5FFFF;
	_ =	strace $0x9000004F  }
0xc1: {  	s29 =	simm.s32 $0x9;
	_ =	strace $0x80000051  }
0xc2: {  	_ =	swait.ge [sflag:s29], $0x1  }
0xc3: {  	[sflag:s29] =	ssyncadd.s32 $0xFFFFFFFF  }
0xc4: {  	_ =	strace $0x90000051  }
0xc5: {  	_ =	sfence  }
0xc6: {  	s30 =	sld [smem:$0x0];
	_ =	sdelay $0x2  }
0xc7: {  	s31 =	sshll.u32 s1, $0xD;
	s1 =	sshrl.u32 s1, $0x2  }
0xc8: {  	s4 =	sand.u32 $0x4000, s31;
	s1 =	sadd.s32 s1, s30  }
0xc9: {  	s0 =	sor.u32 s4, s0;
	s1 =	sshll.u32 s1, $0x11  }
0xca: {  	s0 =	sor.u32 s1, s0  }
0xcb: {  	s0 =	sadd.s32 $0x8F2B, s0  }
0xcc: {  	[sflag:s0] =	ssyncadd.remote.s32 $0x1  }
0xcd: {  	_ =	sfence.sel $0xFFFF  }
0xce: {  	[dreg:$0x0] =	wrdreg $0xFFFFFFFF;
	(pc) =	sbr.abs _section_cstart, $3  }
0xcf: {  	[dreg:$0x1] =	wrdreg $0xFFFFFFFF  }
0xd0: {  	_ =	task.clear_ibuf [dreg:s22], $0x2FFFF;
	_ =	strace $0x9FFFFFFF  }
0xd1: {  	(tm) =	ssettm $0x7FFFFFFF  }
tec
execute0_lowered:
.L_overlay_start_1:
0x0: {  	(tag) =	ssettag $0x1  }
0x1: {  	s0 =	rddreg [dreg:$0x0]  }
0x2: {  	s1 =	rddreg [dreg:$0x1]  }
0x3: {  	s2 =	simm.s32 $0x0;
	s4 =	stileid.u32;
	s6 =	srdreg.scid  }
0x4: {  	s28 =	simm.s32 $0x13980;
	s29 =	simm.s32 $0x16300;
	s30 =	simm.s32 $0x1  }
0x5: {  	s31 =	simm.s32 $0x6;
	[smem:$0x7FF] =	sst s2;
	s5 =	smul.u32 $0x13800, s4  }
0x6: {  	s3 =	sadd.s32 $0x542000, s0;
	s7 =	sadd.s32 $0xD0400, s0;
	s6 =	sand.u32 $0x1, s6  }
0x7: {  	s10 =	smul.u32 $0x4E000, s4;
	s11 =	sadd.s32 $0x7C00, s0;
	s13 =	sshll.u32 s4, $0x1  }
0x8: {  	s17 =	sshll.u32 s4, $0x6;
	s18 =	sadd.s32 $0x138000, s1;
	s26 =	smul.u32 $0x2710, s4  }
0x9: {  	s15 =	smul.u32 $0x27100, s4;
	p0 =	sne.s32 s4, $0x0;
	s4 =	simm.s32 $0x2  }
0xa: {  	_ =	strace $0x80000050;
	s9 =	ssub.s32 $0x2, s6;
	s16 =	sor.u32 s6, s13  }
0xb: {  	s14 =	sor.u32 $0x1C10, s17;
	[dreg:$0x9] =	wrdreg s18;
	s23 =	smul.u32 $0x138800, s6  }
0xc: {  	[dreg:$0x5] =	wrdreg s3;
	s8 =	sshrl.u32 s5, $0x3;
	s13 =	smul.u32 $0x1388, s16  }
0xd: {  	s12 =	sshrl.u32 s9, $0x1;
	s10 =	sshrl.u32 s10, $0x2;
	s19 =	smul.u32 $0x13880, s16  }
0xe: {  	s16 =	sadd.s32 s15, s7;
	s15 =	simm.s32 $0x10;
	[dreg:$0x8] =	wrdreg s14  }
0xf: {  	s8 =	sadd.s32 s8, s0;
	s9 =	ssub.s32 s9, s12;
	s10 =	sadd.s32 s10, s1  }
0x10: {  	s0 =	sadd.s32 $0x82000, s0;
	s5 =	sadd.s32 s5, s23;
	s12 =	smul.u32 $0x1388, s6  }
0x11: {  	s6 =	smul.u32 $0x13880, s6;
	[dreg:$0x6] =	wrdreg s10;
	s8 =	sadd.s32 $0x5B000, s8  }
0x12: {  	[dreg:$0xa] =	wrdreg s0;
	s20 =	sadd.s32 $0x28, s13;
	s21 =	sshrl.u32 s13, $0x3  }
0x13: {  	s0 =	sadd.s32 s7, s19;
	s13 =	sshrl.u32 s23, $0x3;
	s18 =	smax.u32 s9, $0x1  }
0x14: {  	s9 =	simm.s32 $0x3;
	[dreg:$0x7] =	wrdreg s8;
	s22 =	sshrl.u32 s20, $0x3  }
0x15: {  	s10 =	sadd.s32 s3, s21;
	[dreg:$0xc] =	wrdreg s0;
	s25 =	sshll.u32 s20, $0x4  }
0x16: {  	[dreg:$0x11] =	wrdreg s18;
	s16 =	sadd.s32 s6, s16;
	s8 =	simm.s32 $0x18B00  }
0x17: {  	[dreg:$0xb] =	wrdreg s10;
	s24 =	sadd.s32 s3, s22;
	s0 =	sadd.s32 s7, s25  }
0x18: {  	s10 =	sshrl.u32 s5, $0x3;
	s5 =	sadd.s32 s12, s26;
	s25 =	simm.s32 $0x13A00  }
0x19: {  	s26 =	simm.s32 $0x17700;
	s7 =	simm.s32 $0x13A80;
	[dreg:$0xd] =	wrdreg s24  }
0x1a: {  	s12 =	simm.s32 $0x5;
	[dreg:$0xe] =	wrdreg s0;
	s0 =	sadd.s32 s11, s10  }
0x1b: {  	s17 =	sadd.s32 $0xF0, s5;
	s20 =	sadd.s32 $0xC8, s5;
	[dreg:$0x3] =	wrdreg s25  }
0x1c: {  	s21 =	sadd.s32 $0xA0, s5;
	s22 =	sadd.s32 $0x78, s5;
	[dreg:$0x4] =	wrdreg s26  }
0x1d: {  	s5 =	sadd.s32 $0x50, s5;
	s10 =	simm.s32 $0x8;
	[dreg:$0xf] =	wrdreg s0  }
0x1e: {  	s0 =	sadd.s32 s11, s13;
	s19 =	sshrl.u32 s17, $0x3;
	[dreg:$0x13] =	wrdreg s20  }
0x1f: {  	s23 =	sshrl.u32 s22, $0x3;
	s5 =	sshrl.u32 s5, $0x3;
	s0 =	sadd.s32 $0x27000, s0  }
0x20: {  	s11 =	simm.s32 $0xB;
	[dreg:$0x10] =	wrdreg s0;
	s0 =	sadd.s32 s19, s3  }
0x21: {  	s24 =	sadd.s32 s5, s3;
	[dreg:$0x12] =	wrdreg s0;
	s0 =	sshrl.u32 s21, $0x3  }
0x22: {  	s13 =	simm.s32 $0xA;
	[dreg:$0x16] =	wrdreg s24;
	s0 =	sadd.s32 s0, s3  }
0x23: {  	s17 =	simm.s32 $0x0;
	[dreg:$0x14] =	wrdreg s0;
	s0 =	sadd.s32 s23, s3  }
0x24: {  	s5 =	simm.s32 $0x7;
	[dreg:$0x15] =	wrdreg s0;
	s0 =	simm.s32 $0x28  }
.LBB2_1:
0x25: {  	[dreg:$0x17] =	wrdreg s17  }
0x26: {  	s3 =	rddreg [dreg:$0x6]  }
0x27: {  	s22 =	rddreg [dreg:$0x7];
	s6 =	sshrl.u32 s3, $0x3  }
0x28: {  	[dreg:$0x18] =	wrdreg s6  }
0x29: {  	[spmem:s6], [sflag:s14] =	dma.local [hbm:s22], $0x2700  }
0x2a: {  	_ =	swait.ge [sflag:s15], $0x2700  }
0x2b: {  	s3 =	rddreg [dreg:$0x9]  }
0x2c: {  	[sflag:s15] =	ssyncset.done $0x0;
	s6 =	sshrl.u32 @!p0 s3, $0x3;
	s3 =	rddreg [dreg:$0xa]  }
0x2d: {  	[sflag:s15] =	ssyncadd.s32 $0xFFFFD900;
	[dreg:$0x19] =	wrdreg s6  }
0x2e: {  	[spmem:s6], [sflag:s14] =	dma.local @!p0 [hbm:s3], $0x100  }
0x2f: {  	s6 =	simm.s32 @!p0 $0x10  }
0x30: {  	_ =	swait.ge @!p0 [sflag:s6], $0x100  }
0x31: {  	[sflag:s6] =	ssyncset.done @!p0 $0x0  }
0x32: {  	[sflag:s6] =	ssyncadd.s32 @!p0 $0xFFFFFF00  }
0x33: {  	[bflag:$0x0] =	sbarrier.arrive $0xFFFF  }
0x34: {  	s24 =	simm.s32 $0x13880;
	s23 =	rddreg [dreg:$0xb]  }
0x35: {  	[tilespmem:s24], [sflag:$0x1] =	stream.linear.gather [hbm4b:s23+s2], $0x28, $0x38;
	[tilespmem:$0x19F00] =	vst v63  }
0x36: {  	s26 =	simm.s32 $0x13B00;
	s25 =	rddreg [dreg:$0xc]  }
0x37: {  	[tilespmem:s26], [sflag:$0x6] =	stream.linear.gather [hbm4b:s25+s2], $0x1400, $0x38;
	[tilespmem:$0x19F00] =	vst v63  }
0x38: {  	s18 =	simm.s32 $0x13900;
	p1 =	por $0x1, $0x1;
	s6 =	rddreg [dreg:$0xd]  }
0x39: {  	[tilespmem:s18], [sflag:$0x2] =	stream.linear.gather [hbm4b:s6+s2], $0x28, $0x38;
	[tilespmem:$0x19F00] =	vst v63  }
0x3a: {  	s19 =	simm.s32 $0x14F00;
	s14 =	rddreg [dreg:$0xe];
	s6 =	simm.s32 @!p1 $0xD  }
0x3b: {  	[tilespmem:s19], [sflag:$0x7] =	stream.linear.gather [hbm4b:s14+s2], $0x1400, $0x38;
	[tilespmem:$0x19F00] =	vst v63  }
0x3c: {  	_ =	swait.ge @!p1 [sflag:s6], $0x1400  }
0x3d: {  	[sflag:s6] =	ssyncset.done @!p1 $0x0  }
0x3e: {  	s20 =	sadd.s32 $0x0, s16;
	s23 =	rddreg [dreg:$0x16];
	[sflag:s6] =	ssyncadd.s32 @!p1 $0xFFFFEC00  }
0x3f: {  	[tilespmem:s28], [sflag:$0x3] =	stream.linear.gather [hbm4b:s23+s2], $0x28, $0x38;
	[tilespmem:$0x19F00] =	vst v63  }
0x40: {  	s22 =	sadd.s32 $0x500, s20  }
0x41: {  	[tilespmem:s29], [sflag:$0x8] =	stream.linear.gather [hbm4b:s22+s2], $0x1400, $0x38;
	[tilespmem:$0x19F00] =	vst v63  }
0x42: {  	_ =	swait.ge [sflag:s30], $0x28  }
0x43: {  	[sflag:s30] =	ssyncset.done $0x0  }
0x44: {  	[sflag:s30] =	ssyncadd.s32 $0xFFFFFFD8  }
0x45: {  	_ =	swait.ge [sflag:s31], $0x1400  }
0x46: {  	[sflag:s31] =	ssyncset.done $0x0  }
0x47: {  	s14 =	simm.s32 @!p1 $0xE;
	[sflag:s31] =	ssyncadd.s32 $0xFFFFEC00  }
0x48: {  	[spmem:s1] =	stream.indirect.scatter.add.f32 [tilespmem:s26], [sflag:$0xB], $0x80, s24, s0, $0xb8;
	[tilespmem:$0x19F00] =	vst v63  }
0x49: {  	_ =	swait.ge @!p1 [sflag:s14], $0x1400  }
0x4a: {  	s24 =	rddreg [dreg:$0x3];
	[sflag:s14] =	ssyncset.done @!p1 $0x0  }
0x4b: {  	s22 =	rddreg [dreg:$0x15];
	[sflag:s14] =	ssyncadd.s32 @!p1 $0xFFFFEC00  }
0x4c: {  	[tilespmem:s24], [sflag:$0x4] =	stream.linear.gather [hbm4b:s22+s2], $0x28, $0x38;
	[tilespmem:$0x19F00] =	vst v63  }
0x4d: {  	s26 =	sadd.s32 $0x780, s20;
	s25 =	rddreg [dreg:$0x4]  }
0x4e: {  	[tilespmem:s25], [sflag:$0x9] =	stream.linear.gather [hbm4b:s26+s2], $0x1400, $0x38;
	[tilespmem:$0x19F00] =	vst v63  }
0x4f: {  	_ =	swait.ge [sflag:s4], $0x28  }
0x50: {  	[sflag:s4] =	ssyncset.done $0x0  }
0x51: {  	[sflag:s4] =	ssyncadd.s32 $0xFFFFFFD8  }
0x52: {  	_ =	swait.ge [sflag:s5], $0x1400  }
0x53: {  	[sflag:s5] =	ssyncset.done $0x0  }
0x54: {  	s14 =	simm.s32 @!p1 $0xF;
	[sflag:s5] =	ssyncadd.s32 $0xFFFFEC00  }
0x55: {  	[spmem:s1] =	stream.indirect.scatter.add.f32 [tilespmem:s19], [sflag:$0xC], $0x80, s18, s0, $0xb8;
	[tilespmem:$0x19F00] =	vst v63  }
0x56: {  	_ =	swait.ge @!p1 [sflag:s14], $0x1400  }
0x57: {  	[sflag:s14] =	ssyncset.done @!p1 $0x0  }
0x58: {  	s21 =	rddreg [dreg:$0x14];
	[sflag:s14] =	ssyncadd.s32 @!p1 $0xFFFFEC00  }
0x59: {  	[tilespmem:s7], [sflag:$0x5] =	stream.linear.gather [hbm4b:s21+s2], $0x28, $0x38;
	[tilespmem:$0x19F00] =	vst v63  }
0x5a: {  	s6 =	sadd.s32 $0xA00, s20  }
0x5b: {  	[tilespmem:s8], [sflag:$0xA] =	stream.linear.gather [hbm4b:s6+s2], $0x1400, $0x38;
	[tilespmem:$0x19F00] =	vst v63  }
0x5c: {  	_ =	swait.ge [sflag:s9], $0x28  }
0x5d: {  	[sflag:s9] =	ssyncset.done $0x0  }
0x5e: {  	[sflag:s9] =	ssyncadd.s32 $0xFFFFFFD8  }
0x5f: {  	_ =	swait.ge [sflag:s10], $0x1400  }
0x60: {  	[sflag:s10] =	ssyncset.done $0x0  }
0x61: {  	[sflag:s10] =	ssyncadd.s32 $0xFFFFEC00  }
0x62: {  	[spmem:s1] =	stream.indirect.scatter.add.f32 [tilespmem:s29], [sflag:$0xD], $0x80, s28, s0, $0xb8;
	[tilespmem:$0x19F00] =	vst v63  }
0x63: {  	_ =	swait.ge [sflag:s11], $0x1400  }
0x64: {  	p1 =	por $0x0, $0x0;
	[sflag:s11] =	ssyncset.done $0x0  }
0x65: {  	s6 =	simm.s32 @p1 $0x4;
	[sflag:s11] =	ssyncadd.s32 $0xFFFFEC00  }
0x66: {  	_ =	swait.ge @p1 [sflag:s6], $0x28  }
0x67: {  	[sflag:s6] =	ssyncset.done @p1 $0x0  }
0x68: {  	[sflag:s6] =	ssyncadd.s32 @p1 $0xFFFFFFD8;
	s6 =	simm.s32 @p1 $0x9  }
0x69: {  	s14 =	simm.s32 @p1 $0x17700;
	_ =	swait.ge @p1 [sflag:s6], $0x1400  }
0x6a: {  	s15 =	simm.s32 @p1 $0xC;
	s17 =	simm.s32 @p1 $0x13A00;
	[sflag:s6] =	ssyncset.done @p1 $0x0  }
0x6b: {  	s20 =	rddreg [dreg:$0x13];
	[sflag:s6] =	ssyncadd.s32 @p1 $0xFFFFEC00;
	s6 =	simm.s32 @p1 $0x28  }
0x6c: {  	[spmem:s1] =	stream.indirect.scatter.add.f32 @p1 [tilespmem:s14], [sflag:$0xE], $0x80, s17, s6, $0xb8;
	[tilespmem:$0x19F00] =	vst v63  }
0x6d: {  	s6 =	sshrl.u32 @!p1 s20, $0x3;
	s14 =	sadd.s32 @!p1 $0x0, s16;
	_ =	swait.ge @p1 [sflag:s15], $0x1400  }
0x6e: {  	s17 =	simm.s32 @!p1 $0x13880;
	s3 =	rddreg [dreg:$0x5];
	[sflag:s15] =	ssyncset.done @p1 $0x0  }
0x6f: {  	s6 =	sadd.s32 @!p1 s3, s6;
	[sflag:s15] =	ssyncadd.s32 @p1 $0xFFFFEC00;
	s15 =	simm.s32 @!p1 $0x0  }
0x70: {  	[tilespmem:s17], [sflag:$0x1] =	stream.linear.gather @!p1 [hbm4b:s6+s15], $0x28, $0x38;
	[tilespmem:$0x19F00] =	vst v63  }
0x71: {  	s18 =	simm.s32 @!p1 $0x4;
	s6 =	sadd.s32 @!p1 $0xC80, s14;
	s17 =	simm.s32 @!p1 $0x13B00  }
0x72: {  	[tilespmem:s17], [sflag:$0x6] =	stream.linear.gather @!p1 [hbm4b:s6+s15], $0x1400, $0x38;
	[tilespmem:$0x19F00] =	vst v63  }
0x73: {  	_ =	swait.ge @!p1 [sflag:s18], $0x28  }
0x74: {  	[sflag:s18] =	ssyncset.done @!p1 $0x0  }
0x75: {  	s6 =	simm.s32 @!p1 $0x9;
	[sflag:s18] =	ssyncadd.s32 @!p1 $0xFFFFFFD8  }
0x76: {  	_ =	swait.ge @!p1 [sflag:s6], $0x1400  }
0x77: {  	s19 =	simm.s32 @!p1 $0x13A00;
	s17 =	simm.s32 @!p1 $0x17700;
	[sflag:s6] =	ssyncset.done @!p1 $0x0  }
0x78: {  	s18 =	simm.s32 @!p1 $0xC;
	[sflag:s6] =	ssyncadd.s32 @!p1 $0xFFFFEC00;
	s6 =	simm.s32 @!p1 $0x28  }
0x79: {  	[spmem:s1] =	stream.indirect.scatter.add.f32 @!p1 [tilespmem:s17], [sflag:$0xE], $0x80, s19, s6, $0xb8;
	[tilespmem:$0x19F00] =	vst v63  }
0x7a: {  	_ =	swait.ge @!p1 [sflag:s18], $0x1400  }
0x7b: {  	[sflag:s18] =	ssyncset.done @!p1 $0x0  }
0x7c: {  	s6 =	simm.s32 @!p1 $0x13900;
	s3 =	rddreg [dreg:$0x12];
	[sflag:s18] =	ssyncadd.s32 @!p1 $0xFFFFEC00  }
0x7d: {  	[tilespmem:s6], [sflag:$0x2] =	stream.linear.gather @!p1 [hbm4b:s3+s15], $0x28, $0x38;
	[tilespmem:$0x19F00] =	vst v63  }
0x7e: {  	s6 =	sadd.s32 @!p1 $0xF00, s14;
	s14 =	simm.s32 @!p1 $0x14F00  }
0x7f: {  	[tilespmem:s14], [sflag:$0x7] =	stream.linear.gather @!p1 [hbm4b:s6+s15], $0x1400, $0x38;
	[tilespmem:$0x19F00] =	vst v63  }
0x80: {  	_ =	swait.ge [sflag:s12], $0x28  }
0x81: {  	p2 =	por $0x0, $0x0;
	s22 =	sadd.s32 $0x19, s22;
	[sflag:s12] =	ssyncset.done $0x0  }
0x82: {  	s21 =	sadd.s32 $0x19, s21;
	s20 =	sadd.s32 $0xC8, s20;
	[sflag:s12] =	ssyncadd.s32 $0xFFFFFFD8  }
0x83: {  	s19 =	simm.s32 $0xC80;
	s17 =	simm.s32 $0x1900;
	_ =	swait.ge [sflag:s13], $0x1400  }
0x84: {  	s18 =	sadd.s32 $0x19, s3;
	s14 =	sadd.s32 $0x19, s23;
	[sflag:s13] =	ssyncset.done $0x0  }
.LBB2_2:
0x85: {  	s15 =	simm.s32 @!p2 $0xD;
	[sflag:s13] =	ssyncadd.s32 $0xFFFFEC00  }
0x86: {  	[spmem:s1] =	stream.indirect.scatter.add.f32 [tilespmem:s8], [sflag:$0xF], $0x80, s7, s0, $0xb8;
	[tilespmem:$0x19F00] =	vst v63  }
0x87: {  	_ =	swait.ge @!p2 [sflag:s15], $0x1400  }
0x88: {  	[sflag:s15] =	ssyncset.done @!p2 $0x0  }
0x89: {  	[sflag:s15] =	ssyncadd.s32 @!p2 $0xFFFFEC00;
	s15 =	sadd.s32 s19, s16  }
0x8a: {  	[tilespmem:s28], [sflag:$0x3] =	stream.linear.gather [hbm4b:s14+s2], $0x28, $0x38;
	[tilespmem:$0x19F00] =	vst v63  }
0x8b: {  	s23 =	sadd.s32 $0x500, s15  }
0x8c: {  	[tilespmem:s29], [sflag:$0x8] =	stream.linear.gather [hbm4b:s23+s2], $0x1400, $0x38;
	[tilespmem:$0x19F00] =	vst v63  }
0x8d: {  	_ =	swait.ge [sflag:s30], $0x28  }
0x8e: {  	[sflag:s30] =	ssyncset.done $0x0  }
0x8f: {  	[sflag:s30] =	ssyncadd.s32 $0xFFFFFFD8  }
0x90: {  	_ =	swait.ge [sflag:s31], $0x1400  }
0x91: {  	s3 =	simm.s32 $0x13880;
	[sflag:s31] =	ssyncset.done $0x0  }
0x92: {  	s24 =	simm.s32 $0x13B00;
	s23 =	simm.s32 @!p2 $0xE;
	[sflag:s31] =	ssyncadd.s32 $0xFFFFEC00  }
0x93: {  	[spmem:s1] =	stream.indirect.scatter.add.f32 [tilespmem:s24], [sflag:$0xB], $0x80, s3, s0, $0xb8;
	[tilespmem:$0x19F00] =	vst v63  }
0x94: {  	_ =	swait.ge @!p2 [sflag:s23], $0x1400  }
0x95: {  	[sflag:s23] =	ssyncset.done @!p2 $0x0  }
0x96: {  	s25 =	rddreg [dreg:$0x3];
	[sflag:s23] =	ssyncadd.s32 @!p2 $0xFFFFEC00  }
0x97: {  	[tilespmem:s25], [sflag:$0x4] =	stream.linear.gather [hbm4b:s22+s2], $0x28, $0x38;
	[tilespmem:$0x19F00] =	vst v63  }
0x98: {  	s3 =	sadd.s32 $0x780, s15;
	s26 =	rddreg [dreg:$0x4]  }
0x99: {  	[tilespmem:s26], [sflag:$0x9] =	stream.linear.gather [hbm4b:s3+s2], $0x1400, $0x38;
	[tilespmem:$0x19F00] =	vst v63  }
0x9a: {  	_ =	swait.ge [sflag:s4], $0x28  }
0x9b: {  	[sflag:s4] =	ssyncset.done $0x0  }
0x9c: {  	[sflag:s4] =	ssyncadd.s32 $0xFFFFFFD8  }
0x9d: {  	_ =	swait.ge [sflag:s5], $0x1400  }
0x9e: {  	s23 =	simm.s32 @!p2 $0xF;
	[sflag:s5] =	ssyncset.done $0x0  }
0x9f: {  	s25 =	simm.s32 $0x13900;
	s26 =	simm.s32 $0x14F00;
	[sflag:s5] =	ssyncadd.s32 $0xFFFFEC00  }
0xa0: {  	[spmem:s1] =	stream.indirect.scatter.add.f32 [tilespmem:s26], [sflag:$0xC], $0x80, s25, s0, $0xb8;
	[tilespmem:$0x19F00] =	vst v63  }
0xa1: {  	_ =	swait.ge @!p2 [sflag:s23], $0x1400  }
0xa2: {  	[sflag:s23] =	ssyncset.done @!p2 $0x0  }
0xa3: {  	[sflag:s23] =	ssyncadd.s32 @!p2 $0xFFFFEC00  }
0xa4: {  	[tilespmem:s7], [sflag:$0x5] =	stream.linear.gather [hbm4b:s21+s2], $0x28, $0x38;
	[tilespmem:$0x19F00] =	vst v63  }
0xa5: {  	s15 =	sadd.s32 $0xA00, s15  }
0xa6: {  	[tilespmem:s8], [sflag:$0xA] =	stream.linear.gather [hbm4b:s15+s2], $0x1400, $0x38;
	[tilespmem:$0x19F00] =	vst v63  }
0xa7: {  	_ =	swait.ge [sflag:s9], $0x28  }
0xa8: {  	[sflag:s9] =	ssyncset.done $0x0  }
0xa9: {  	[sflag:s9] =	ssyncadd.s32 $0xFFFFFFD8  }
0xaa: {  	_ =	swait.ge [sflag:s10], $0x1400  }
0xab: {  	[sflag:s10] =	ssyncset.done $0x0  }
0xac: {  	[sflag:s10] =	ssyncadd.s32 $0xFFFFEC00  }
0xad: {  	[spmem:s1] =	stream.indirect.scatter.add.f32 [tilespmem:s29], [sflag:$0xD], $0x80, s28, s0, $0xb8;
	[tilespmem:$0x19F00] =	vst v63  }
0xae: {  	_ =	swait.ge [sflag:s11], $0x1400  }
0xaf: {  	p2 =	seq.s32 s19, $0x12C00;
	[sflag:s11] =	ssyncset.done $0x0  }
0xb0: {  	s23 =	simm.s32 @p2 $0x4;
	[sflag:s11] =	ssyncadd.s32 $0xFFFFEC00  }
0xb1: {  	s6 =	smov.u32 s17;
	_ =	swait.ge @p2 [sflag:s23], $0x28  }
0xb2: {  	s26 =	simm.s32 @p2 $0xC;
	s15 =	sshrl.u32 @!p2 s20, $0x3;
	[sflag:s23] =	ssyncset.done @p2 $0x0  }
0xb3: {  	s3 =	rddreg [dreg:$0x5];
	[sflag:s23] =	ssyncadd.s32 @p2 $0xFFFFFFD8;
	s23 =	simm.s32 @p2 $0x9  }
0xb4: {  	s24 =	sadd.s32 @!p2 s3, s15;
	s15 =	sadd.s32 @!p2 s19, s16;
	_ =	swait.ge @p2 [sflag:s23], $0x1400  }
0xb5: {  	s19 =	smov.u32 s6;
	s6 =	simm.s32 @p2 $0x17700;
	[sflag:s23] =	ssyncset.done @p2 $0x0  }
0xb6: {  	s3 =	simm.s32 @p2 $0x13A00;
	[sflag:s23] =	ssyncadd.s32 @p2 $0xFFFFEC00;
	s23 =	simm.s32 @p2 $0x28  }
0xb7: {  	[spmem:s1] =	stream.indirect.scatter.add.f32 @p2 [tilespmem:s6], [sflag:$0xE], $0x80, s3, s23, $0xb8;
	[tilespmem:$0x19F00] =	vst v63  }
0xb8: {  	_ =	swait.ge @p2 [sflag:s26], $0x1400  }
0xb9: {  	[sflag:s26] =	ssyncset.done @p2 $0x0  }
0xba: {  	s3 =	simm.s32 @!p2 $0x0;
	s6 =	simm.s32 @!p2 $0x13880;
	[sflag:s26] =	ssyncadd.s32 @p2 $0xFFFFEC00  }
0xbb: {  	[tilespmem:s6], [sflag:$0x1] =	stream.linear.gather @!p2 [hbm4b:s24+s3], $0x28, $0x38;
	[tilespmem:$0x19F00] =	vst v63  }
0xbc: {  	s25 =	sadd.s32 @!p2 $0xC80, s15;
	s23 =	simm.s32 @!p2 $0x4;
	s6 =	simm.s32 @!p2 $0x13B00  }
0xbd: {  	[tilespmem:s6], [sflag:$0x6] =	stream.linear.gather @!p2 [hbm4b:s25+s3], $0x1400, $0x38;
	[tilespmem:$0x19F00] =	vst v63  }
0xbe: {  	_ =	swait.ge @!p2 [sflag:s23], $0x28  }
0xbf: {  	[sflag:s23] =	ssyncset.done @!p2 $0x0  }
0xc0: {  	s6 =	simm.s32 @!p2 $0x9;
	[sflag:s23] =	ssyncadd.s32 @!p2 $0xFFFFFFD8  }
0xc1: {  	_ =	swait.ge @!p2 [sflag:s6], $0x1400  }
0xc2: {  	s24 =	simm.s32 @!p2 $0xC;
	s25 =	simm.s32 @!p2 $0x13A00;
	[sflag:s6] =	ssyncset.done @!p2 $0x0  }
0xc3: {  	s23 =	simm.s32 @!p2 $0x17700;
	[sflag:s6] =	ssyncadd.s32 @!p2 $0xFFFFEC00;
	s6 =	simm.s32 @!p2 $0x28  }
0xc4: {  	[spmem:s1] =	stream.indirect.scatter.add.f32 @!p2 [tilespmem:s23], [sflag:$0xE], $0x80, s25, s6, $0xb8;
	[tilespmem:$0x19F00] =	vst v63  }
0xc5: {  	_ =	swait.ge @!p2 [sflag:s24], $0x1400  }
0xc6: {  	[sflag:s24] =	ssyncset.done @!p2 $0x0  }
0xc7: {  	s17 =	sadd.s32 $0xC80, s17;
	s6 =	simm.s32 @!p2 $0x13900;
	[sflag:s24] =	ssyncadd.s32 @!p2 $0xFFFFEC00  }
0xc8: {  	[tilespmem:s6], [sflag:$0x2] =	stream.linear.gather @!p2 [hbm4b:s18+s3], $0x28, $0x38;
	[tilespmem:$0x19F00] =	vst v63  }
0xc9: {  	p1 =	sne.s32 s17, $0x13880;
	s15 =	sadd.s32 @!p2 $0xF00, s15;
	s6 =	simm.s32 @!p2 $0x14F00  }
0xca: {  	[tilespmem:s6], [sflag:$0x7] =	stream.linear.gather @!p2 [hbm4b:s15+s3], $0x1400, $0x38;
	[tilespmem:$0x19F00] =	vst v63  }
.Ltmp0:
0xcb: {  	_ =	swait.ge [sflag:s12], $0x28;
	(pc) =	sbr.rel @p1 .LBB2_2-.Ltmp0, $4  }
0xcc: {  	[sflag:s12] =	ssyncset.done $0x0  }
0xcd: {  	s14 =	sadd.s32 $0x19, s14;
	s22 =	sadd.s32 $0x19, s22;
	[sflag:s12] =	ssyncadd.s32 $0xFFFFFFD8  }
0xce: {  	s21 =	sadd.s32 $0x19, s21;
	s20 =	sadd.s32 $0xC8, s20;
	_ =	swait.ge [sflag:s13], $0x1400  }
0xcf: {  	s18 =	sadd.s32 $0x19, s18;
	p2 =	seq.s32 s19, $0x0;
	[sflag:s13] =	ssyncset.done $0x0  }
0xd0: {  	s3 =	simm.s32 @!p2 $0xD;
	[sflag:s13] =	ssyncadd.s32 $0xFFFFEC00  }
0xd1: {  	[spmem:s1] =	stream.indirect.scatter.add.f32 [tilespmem:s8], [sflag:$0xF], $0x80, s7, s0, $0xb8;
	[tilespmem:$0x19F00] =	vst v63  }
0xd2: {  	_ =	swait.ge @!p2 [sflag:s3], $0x1400  }
0xd3: {  	[sflag:s3] =	ssyncset.done @!p2 $0x0  }
0xd4: {  	[sflag:s3] =	ssyncadd.s32 @!p2 $0xFFFFEC00;
	s3 =	sadd.s32 s19, s16  }
0xd5: {  	[tilespmem:s28], [sflag:$0x3] =	stream.linear.gather [hbm4b:s14+s2], $0x28, $0x38;
	[tilespmem:$0x19F00] =	vst v63  }
0xd6: {  	s6 =	sadd.s32 $0x500, s3  }
0xd7: {  	[tilespmem:s29], [sflag:$0x8] =	stream.linear.gather [hbm4b:s6+s2], $0x1400, $0x38;
	[tilespmem:$0x19F00] =	vst v63  }
0xd8: {  	_ =	swait.ge [sflag:s30], $0x28  }
0xd9: {  	[sflag:s30] =	ssyncset.done $0x0  }
0xda: {  	[sflag:s30] =	ssyncadd.s32 $0xFFFFFFD8  }
0xdb: {  	_ =	swait.ge [sflag:s31], $0x1400  }
0xdc: {  	s23 =	simm.s32 $0x13880;
	[sflag:s31] =	ssyncset.done $0x0  }
0xdd: {  	s15 =	simm.s32 $0x13B00;
	s6 =	simm.s32 @!p2 $0xE;
	[sflag:s31] =	ssyncadd.s32 $0xFFFFEC00  }
0xde: {  	[spmem:s1] =	stream.indirect.scatter.add.f32 [tilespmem:s15], [sflag:$0xB], $0x80, s23, s0, $0xb8;
	[tilespmem:$0x19F00] =	vst v63  }
0xdf: {  	_ =	swait.ge @!p2 [sflag:s6], $0x1400  }
0xe0: {  	[sflag:s6] =	ssyncset.done @!p2 $0x0  }
0xe1: {  	s24 =	rddreg [dreg:$0x3];
	[sflag:s6] =	ssyncadd.s32 @!p2 $0xFFFFEC00  }
0xe2: {  	[tilespmem:s24], [sflag:$0x4] =	stream.linear.gather [hbm4b:s22+s2], $0x28, $0x38;
	[tilespmem:$0x19F00] =	vst v63  }
0xe3: {  	s26 =	sadd.s32 $0x780, s3;
	s25 =	rddreg [dreg:$0x4]  }
0xe4: {  	[tilespmem:s25], [sflag:$0x9] =	stream.linear.gather [hbm4b:s26+s2], $0x1400, $0x38;
	[tilespmem:$0x19F00] =	vst v63  }
0xe5: {  	_ =	swait.ge [sflag:s4], $0x28  }
0xe6: {  	[sflag:s4] =	ssyncset.done $0x0  }
0xe7: {  	[sflag:s4] =	ssyncadd.s32 $0xFFFFFFD8  }
0xe8: {  	_ =	swait.ge [sflag:s5], $0x1400  }
0xe9: {  	s17 =	simm.s32 $0x14F00;
	[sflag:s5] =	ssyncset.done $0x0  }
0xea: {  	s15 =	simm.s32 $0x13900;
	s6 =	simm.s32 @!p2 $0xF;
	[sflag:s5] =	ssyncadd.s32 $0xFFFFEC00  }
0xeb: {  	[spmem:s1] =	stream.indirect.scatter.add.f32 [tilespmem:s17], [sflag:$0xC], $0x80, s15, s0, $0xb8;
	[tilespmem:$0x19F00] =	vst v63  }
0xec: {  	_ =	swait.ge @!p2 [sflag:s6], $0x1400  }
0xed: {  	[sflag:s6] =	ssyncset.done @!p2 $0x0  }
0xee: {  	[sflag:s6] =	ssyncadd.s32 @!p2 $0xFFFFEC00  }
0xef: {  	[tilespmem:s7], [sflag:$0x5] =	stream.linear.gather [hbm4b:s21+s2], $0x28, $0x38;
	[tilespmem:$0x19F00] =	vst v63  }
0xf0: {  	s3 =	sadd.s32 $0xA00, s3  }
0xf1: {  	[tilespmem:s8], [sflag:$0xA] =	stream.linear.gather [hbm4b:s3+s2], $0x1400, $0x38;
	[tilespmem:$0x19F00] =	vst v63  }
0xf2: {  	_ =	swait.ge [sflag:s9], $0x28  }
0xf3: {  	[sflag:s9] =	ssyncset.done $0x0  }
0xf4: {  	[sflag:s9] =	ssyncadd.s32 $0xFFFFFFD8  }
0xf5: {  	_ =	swait.ge [sflag:s10], $0x1400  }
0xf6: {  	[sflag:s10] =	ssyncset.done $0x0  }
0xf7: {  	[sflag:s10] =	ssyncadd.s32 $0xFFFFEC00  }
0xf8: {  	[spmem:s1] =	stream.indirect.scatter.add.f32 [tilespmem:s29], [sflag:$0xD], $0x80, s28, s0, $0xb8;
	[tilespmem:$0x19F00] =	vst v63  }
0xf9: {  	_ =	swait.ge [sflag:s11], $0x1400  }
0xfa: {  	p1 =	seq.s32 s19, $0x12C00;
	[sflag:s11] =	ssyncset.done $0x0  }
0xfb: {  	s3 =	simm.s32 @p1 $0x4;
	[sflag:s11] =	ssyncadd.s32 $0xFFFFEC00  }
0xfc: {  	_ =	swait.ge @p1 [sflag:s3], $0x28  }
0xfd: {  	[sflag:s3] =	ssyncset.done @p1 $0x0  }
0xfe: {  	[sflag:s3] =	ssyncadd.s32 @p1 $0xFFFFFFD8;
	s3 =	simm.s32 @p1 $0x9  }
0xff: {  	_ =	swait.ge @p1 [sflag:s3], $0x1400  }
0x100: {  	s14 =	simm.s32 @p1 $0x13A00;
	[sflag:s3] =	ssyncset.done @p1 $0x0  }
0x101: {  	s6 =	simm.s32 @p1 $0x17700;
	[sflag:s3] =	ssyncadd.s32 @p1 $0xFFFFEC00;
	s3 =	simm.s32 @p1 $0x28  }
0x102: {  	[spmem:s1] =	stream.indirect.scatter.add.f32 @p1 [tilespmem:s6], [sflag:$0xE], $0x80, s14, s3, $0xb8;
	[tilespmem:$0x19F00] =	vst v63  }
0x103: {  	s3 =	simm.s32 @p1 $0xC  }
0x104: {  	_ =	swait.ge @p1 [sflag:s3], $0x1400  }
0x105: {  	s6 =	sshrl.u32 @!p1 s20, $0x3;
	s14 =	rddreg [dreg:$0x5]  }
0x106: {  	s15 =	simm.s32 @!p1 $0x13880;
	[sflag:s3] =	ssyncset.done @p1 $0x0;
	s6 =	sadd.s32 @!p1 s14, s6  }
0x107: {  	s14 =	sadd.s32 @!p1 s19, s16;
	[sflag:s3] =	ssyncadd.s32 @p1 $0xFFFFEC00;
	s3 =	simm.s32 @!p1 $0x0  }
0x108: {  	[tilespmem:s15], [sflag:$0x1] =	stream.linear.gather @!p1 [hbm4b:s6+s3], $0x28, $0x38;
	[tilespmem:$0x19F00] =	vst v63  }
0x109: {  	s17 =	simm.s32 @!p1 $0x4;
	s6 =	sadd.s32 @!p1 $0xC80, s14;
	s15 =	simm.s32 @!p1 $0x13B00  }
0x10a: {  	[tilespmem:s15], [sflag:$0x6] =	stream.linear.gather @!p1 [hbm4b:s6+s3], $0x1400, $0x38;
	[tilespmem:$0x19F00] =	vst v63  }
0x10b: {  	_ =	swait.ge @!p1 [sflag:s17], $0x28  }
0x10c: {  	[sflag:s17] =	ssyncset.done @!p1 $0x0  }
0x10d: {  	s6 =	simm.s32 @!p1 $0x9;
	[sflag:s17] =	ssyncadd.s32 @!p1 $0xFFFFFFD8  }
0x10e: {  	_ =	swait.ge @!p1 [sflag:s6], $0x1400  }
0x10f: {  	s15 =	simm.s32 @!p1 $0x17700;
	[sflag:s6] =	ssyncset.done @!p1 $0x0  }
0x110: {  	s17 =	simm.s32 @!p1 $0x13A00;
	[sflag:s6] =	ssyncadd.s32 @!p1 $0xFFFFEC00;
	s6 =	simm.s32 @!p1 $0x28  }
0x111: {  	[spmem:s1] =	stream.indirect.scatter.add.f32 @!p1 [tilespmem:s15], [sflag:$0xE], $0x80, s17, s6, $0xb8;
	[tilespmem:$0x19F00] =	vst v63  }
0x112: {  	s6 =	simm.s32 @!p1 $0xC  }
0x113: {  	_ =	swait.ge @!p1 [sflag:s6], $0x1400  }
0x114: {  	[sflag:s6] =	ssyncset.done @!p1 $0x0  }
0x115: {  	[sflag:s6] =	ssyncadd.s32 @!p1 $0xFFFFEC00;
	s6 =	simm.s32 @!p1 $0x13900  }
0x116: {  	[tilespmem:s6], [sflag:$0x2] =	stream.linear.gather @!p1 [hbm4b:s18+s3], $0x28, $0x38;
	[tilespmem:$0x19F00] =	vst v63  }
0x117: {  	s6 =	sadd.s32 @!p1 $0xF00, s14;
	s14 =	simm.s32 @!p1 $0x14F00  }
0x118: {  	[tilespmem:s14], [sflag:$0x7] =	stream.linear.gather @!p1 [hbm4b:s6+s3], $0x1400, $0x38;
	[tilespmem:$0x19F00] =	vst v63  }
0x119: {  	_ =	swait.ge [sflag:s12], $0x28  }
0x11a: {  	[sflag:s12] =	ssyncset.done $0x0  }
0x11b: {  	[sflag:s12] =	ssyncadd.s32 $0xFFFFFFD8  }
0x11c: {  	_ =	swait.ge [sflag:s13], $0x1400  }
0x11d: {  	[sflag:s13] =	ssyncset.done $0x0  }
0x11e: {  	s20 =	simm.s32 $0xD;
	[sflag:s13] =	ssyncadd.s32 $0xFFFFEC00  }
0x11f: {  	[spmem:s1] =	stream.indirect.scatter.add.f32 [tilespmem:s8], [sflag:$0xF], $0x80, s7, s0, $0xb8;
	[tilespmem:$0x19F00] =	vst v63  }
0x120: {  	_ =	swait.ge [sflag:s20], $0x1400  }
0x121: {  	[sflag:s20] =	ssyncset.done $0x0  }
0x122: {  	s21 =	simm.s32 $0xE;
	[sflag:s20] =	ssyncadd.s32 $0xFFFFEC00  }
0x123: {  	_ =	swait.ge [sflag:s21], $0x1400  }
0x124: {  	[sflag:s21] =	ssyncset.done $0x0  }
0x125: {  	s22 =	simm.s32 $0xF;
	[sflag:s21] =	ssyncadd.s32 $0xFFFFEC00  }
0x126: {  	_ =	swait.ge [sflag:s22], $0x1400  }
0x127: {  	[sflag:s22] =	ssyncset.done $0x0  }
0x128: {  	[sflag:s22] =	ssyncadd.s32 $0xFFFFEC00  }
0x129: {  	[bflag:$0x0] =	sbarrier.arrive $0xFFFF  }
0x12a: {  	s14 =	rddreg [dreg:$0x8]  }
0x12b: {  	s23 =	rddreg [dreg:$0xf]  }
0x12c: {  	s15 =	simm.s32 $0x10;
	s24 =	rddreg [dreg:$0x18]  }
0x12d: {  	[hbm:s23], [sflag:s14] =	dma.local [spmem:s24], $0x2700  }
0x12e: {  	_ =	swait.ge [sflag:s15], $0x2700  }
0x12f: {  	[sflag:s15] =	ssyncset.done $0x0;
	s3 =	rddreg [dreg:$0x10]  }
0x130: {  	s6 =	rddreg [dreg:$0x19];
	[sflag:s15] =	ssyncadd.s32 $0xFFFFD900  }
0x131: {  	[hbm:s3], [sflag:s14] =	dma.local @!p0 [spmem:s6], $0x100  }
0x132: {  	s3 =	simm.s32 @!p0 $0x10  }
0x133: {  	_ =	swait.ge @!p0 [sflag:s3], $0x100  }
0x134: {  	s25 =	rddreg [dreg:$0x17]  }
0x135: {  	s26 =	rddreg [dreg:$0x11];
	s17 =	sadd.s32 $0x1, s25  }
0x136: {  	p1 =	sne.s32 s17, s26  }
.Ltmp1:
0x137: {  	_ = 	snop;
	(pc) =	sbr.rel @p1 .LBB2_1-.Ltmp1, $3  }
0x138: {  	_ =	sdelay $0x1  }
0x139: {  	[sflag:s3] =	ssyncset.done @!p0 $0x0  }
0x13a: {  	[sflag:s3] =	ssyncadd.s32 @!p0 $0xFFFFFF00  }
0x13b: {  	_ =	sfence.sel $0x180000  }
0x13c: {  	[bflag:$0x0] =	sbarrier.arrive $0xFFFF  }
0x13d: {  	_ =	strace $0x90000050  }
0x13e: {  	[bflag:$0x2] =	sbarrier.arrive $0xFFFF  }
0x13f: {  	s0 =	rddreg [dreg:$0x2]  }
0x140: {  	s0 =	sadd.s32 @!p0 $0x100000, s0  }
0x141: {  	[sflag:s0] =	ssyncadd.tile.s32 @!p0 $0x1;
	_ =	shalt  }
.Lfunc_end2:
_tile_overlayer_lowered:
.L_overlay_start_2:
0x142: {  	(tag) =	ssettag $0x2  }
0x143: {  	s0 =	rddreg [dreg:$0x0];
	s2 =	stileid.u32  }
0x144: {  	s1 =	rddreg [dreg:$0x1];
	p0 =	sne.s32 s2, $0x0  }
0x145: {  	s3 =	rddreg [dreg:$0x2];
	[bflag:$0x3] =	sbarrier.arrive $0xFFFF;
	s2 =	simm.s32 @!p0 $0x1C10  }
0x146: {  	[timem:s3], [sflag:s2] =	dma.local @!p0 [hbm:s0], s1  }
0x147: {  	s0 =	simm.s32 @!p0 $0x10  }
0x148: {  	_ =	swait.ge @!p0 [sflag:s0], s1  }
0x149: {  	s1 =	ssub.s32 @!p0 $0x0, s1;
	[sflag:s0] =	ssyncset.done @!p0 $0x0  }
0x14a: {  	[sflag:s0] =	ssyncadd.s32 @!p0 s1  }
0x14b: {  	[bflag:$0x3] =	sbarrier.arrive $0xFFFF  }
0x14c: {  	_ =	shalt  }

// kernel: kernel.19.cloned.1.call-start
scs
__scs_entry_jumppad:
0x0: {  	(pc) =	sbr.rel $0x88, $3  }
0x1: {  	(tag) =	ssettag $0x0;
	lr =	simm.s32 $0x1  }
0x2: {  	[smem:$0x3F93] =	sst lr;
	_ =	strace $0xD0000000  }
0x3: {  	_ = 	snop  }
0x4: {  	_ = 	snop  }
0x5: {  	_ = 	snop  }
0x6: {  	_ = 	snop  }
0x7: {  	_ = 	snop  }
__scs_overlays_trampoline_lowered:
0x8: {  	[smem:$0x3FA2] =	sst s0  }
0x9: {  	[smem:$0x3FA3] =	sst s1  }
0xa: {  	[smem:$0x3FA4] =	sst s2  }
0xb: {  	[smem:$0x3FA5] =	sst s3  }
0xc: {  	[smem:$0x3FA6] =	sst s4  }
0xd: {  	[smem:$0x3FA7] =	sst s5  }
0xe: {  	[smem:$0x3FA8] =	sst s6  }
0xf: {  	[smem:$0x3FA9] =	sst s7  }
0x10: {  	[smem:$0x3FAA] =	sst s8  }
0x11: {  	[smem:$0x3FAB] =	sst s9;
	s0 =	simm.s32 @!p0 $0x0  }
0x12: {  	s1 =	sld [smem:$0x3F91];
	s0 =	simm.s32 @p0 $0x1  }
0x13: {  	[smem:$0x3FAC] =	sst s0;
	s0 =	simm.s32 @!p1 $0x0  }
0x14: {  	s2 =	sld [smem:$0x3F90];
	s0 =	simm.s32 @p1 $0x1  }
0x15: {  	[smem:$0x3FAD] =	sst s0;
	s0 =	simm.s32 @!p2 $0x0  }
0x16: {  	s3 =	sld [smem:$0x3FDB];
	s0 =	simm.s32 @p2 $0x1  }
0x17: {  	s4 =	simm.s32 $0x1BF5;
	[smem:$0x3FAF] =	sst s0  }
0x18: {  	s0 =	sld [smem:$0x3F92];
	_ =	swait.ge [sflag:s4], $0x0  }
0x19: {  	s7 =	sld [smem:$0x3F93]  }
0x1a: {  	s8 =	sadd.s32 $0xFFFFE003, lr  }
0x1b: {  	s9 =	sadd.s32 $0xFFFFFEF7, lr;
	s5 =	simm.s32 $0xFFFFFFFF;
	p2 =	slt.u32 s8, $0xFFFFF086  }
0x1c: {  	p1 =	slt.u32 s9, $0xF7A;
	s5 =	simm.s32 @!p2 $0x0  }
0x1d: {  	s5 =	simm.s32 @p1 $0x1;
	p0 =	seq.s32 s7, s2  }
0x1e: {  	s7 =	smul.u32 @!p0 $0xF7A, s2;
	p2 =	seq.s32 @!p0 s5, $0x0  }
0x1f: {  	s9 =	smul.u32 $0xF7A, s1;
	s8 =	simm.s32 @!p0 $0x1BF5;
	p2 =	por !p2, p0  }
0x20: {  	[sflag:s8] =	ssyncset.s32 @!p0 $0xFFFFF086;
	s6 =	sadd.s32 @!p0 s3, s7;
	s7 =	simm.s32 @!p0 $0x108  }
0x21: {  	s3 =	sadd.s32 s3, s9;
	s6 =	sadd.s32 @!p0 $0x88, s6;
	s7 =	simm.s32 @p2 $0x1082  }
0x22: {  	[simem:s7], [sflag:s8] =	dma.local @!p0 [hbm:s6], $0xF7A  }
0x23: {  	s9 =	sor.u32 $0xD0000000, s2;
	s6 =	simm.s32 $0x108;
	_ =	swait.ge @!p0 [sflag:s8], $0x0  }
0x24: {  	s3 =	sadd.s32 $0x88, s3;
	s6 =	simm.s32 @!p1 $0x1082;
	[sflag:s4] =	ssyncset.s32 $0xFFFFF086  }
0x25: {  	[simem:s6], [sflag:s4] =	dma.local [hbm:s3], $0xF7A  }
0x26: {  	[smem:$0x3F93] =	sst s1;
	(tag) =	ssettag s2;
	_ =	strace s9  }
0x27: {  	s1 =	sld [smem:$0x3FA3]  }
0x28: {  	s2 =	sld [smem:$0x3FA4]  }
0x29: {  	s4 =	sld [smem:$0x3FA6]  }
0x2a: {  	p0 =	seq.s32 s5, $0x0;
	s5 =	sld [smem:$0x3FA7]  }
0x2b: {  	s6 =	sld [smem:$0x3FA8]  }
0x2c: {  	s7 =	sld [smem:$0x3FA9]  }
0x2d: {  	s3 =	simm.s32 $0x108;
	s8 =	sld [smem:$0x3FAA]  }
0x2e: {  	s3 =	simm.s32 @!p0 $0x1082;
	s9 =	sld [smem:$0x3FAB]  }
0x2f: {  	lr =	sadd.s32 s0, s3;
	s0 =	sld [smem:$0x3FA2]  }
0x30: {  	s3 =	sld [smem:$0x3FA5]  }
0x31: {  	[smem:$0x3FAE] =	sst s10  }
0x32: {  	s10 =	sld [smem:$0x3FAC];
	_ =	sdelay $0x3  }
0x33: {  	p0 =	seq.s32 s10, $0x1;
	s10 =	sld [smem:$0x3FAE];
	_ =	sdelay $0x3  }
0x34: {  	[smem:$0x3FAE] =	sst s10  }
0x35: {  	s10 =	sld [smem:$0x3FAD];
	_ =	sdelay $0x3  }
0x36: {  	p1 =	seq.s32 s10, $0x1;
	s10 =	sld [smem:$0x3FAE];
	_ =	sdelay $0x3  }
0x37: {  	[smem:$0x3FAE] =	sst s10  }
0x38: {  	s10 =	sld [smem:$0x3FAF]  }
0x39: {  	_ = 	snop;
	(pc) =	sbr.ind lr, $3  }
0x3a: {  	_ = 	snop  }
0x3b: {  	_ = 	snop  }
0x3c: {  	p2 =	seq.s32 s10, $0x1;
	s10 =	sld [smem:$0x3FAE]  }
0x3d: {  	_ =	shalt  }
0x3e: {  	_ =	shalt  }
0x3f: {  	_ =	shalt  }
0x40: {  	_ =	shalt  }
0x41: {  	_ =	shalt  }
0x42: {  	_ =	shalt  }
0x43: {  	_ =	shalt  }
0x44: {  	_ =	shalt  }
0x45: {  	_ =	shalt  }
0x46: {  	_ =	shalt  }
0x47: {  	_ =	shalt  }
0x48: {  	_ =	shalt  }
0x49: {  	_ =	shalt  }
0x4a: {  	_ =	shalt  }
0x4b: {  	_ =	shalt  }
0x4c: {  	_ =	shalt  }
0x4d: {  	_ =	shalt  }
0x4e: {  	_ =	shalt  }
0x4f: {  	_ =	shalt  }
0x50: {  	_ =	shalt  }
0x51: {  	_ =	shalt  }
0x52: {  	_ =	shalt  }
0x53: {  	_ =	shalt  }
0x54: {  	_ =	shalt  }
0x55: {  	_ =	shalt  }
0x56: {  	_ =	shalt  }
0x57: {  	_ =	shalt  }
0x58: {  	_ =	shalt  }
0x59: {  	_ =	shalt  }
0x5a: {  	_ =	shalt  }
0x5b: {  	_ =	shalt  }
0x5c: {  	_ =	shalt  }
0x5d: {  	_ =	shalt  }
0x5e: {  	_ =	shalt  }
0x5f: {  	_ =	shalt  }
0x60: {  	_ =	shalt  }
0x61: {  	_ =	shalt  }
0x62: {  	_ =	shalt  }
0x63: {  	_ =	shalt  }
0x64: {  	_ =	shalt  }
0x65: {  	_ =	shalt  }
0x66: {  	_ =	shalt  }
0x67: {  	_ =	shalt  }
0x68: {  	_ =	shalt  }
0x69: {  	_ =	shalt  }
0x6a: {  	_ =	shalt  }
0x6b: {  	_ =	shalt  }
0x6c: {  	_ =	shalt  }
0x6d: {  	_ =	shalt  }
0x6e: {  	_ =	shalt  }
0x6f: {  	_ =	shalt  }
0x70: {  	_ =	shalt  }
0x71: {  	_ =	shalt  }
0x72: {  	_ =	shalt  }
0x73: {  	_ =	shalt  }
0x74: {  	_ =	shalt  }
0x75: {  	_ =	shalt  }
0x76: {  	_ =	shalt  }
0x77: {  	_ =	shalt  }
0x78: {  	_ =	shalt  }
0x79: {  	_ =	shalt  }
0x7a: {  	_ =	shalt  }
0x7b: {  	_ =	shalt  }
0x7c: {  	_ =	shalt  }
0x7d: {  	_ =	shalt  }
0x7e: {  	_ =	shalt  }
0x7f: {  	_ =	shalt  }
0x80: {  	_ =	shalt  }
0x81: {  	_ =	shalt  }
0x82: {  	_ =	shalt  }
0x83: {  	_ =	shalt  }
0x84: {  	_ =	shalt  }
0x85: {  	_ =	shalt  }
0x86: {  	_ =	shalt  }
0x87: {  	_ =	shalt  }
.Lfunc_end0:
.L_simem_size_0:
called_computation.3_lowered:
.L_overlay_start_0:
0x88: {  	s2 =	sld [smem:$0x3FD9]  }
0x89: {  	s3 =	sld [smem:$0x3FFE];
	_ =	sdelay $0x1  }
0x8a: {  	s1 =	srdreg.scid  }
0x8b: {  	s0 =	sand.u32 $0x1, s1  }
0x8c: {  	s17 =	sshll.u32 s0, $0xA;
	s2 =	sadd.s32 s3, s2  }
0x8d: {  	s2 =	sadd.s32 s2, s17  }
0x8e: {  	[smem:$0x3FBA] =	sst s2  }
0x8f: {  	_ = 	snop  }
0x90: {  	(tm) =	ssettm $0x1  }
0x91: {  	s18 =	sld [smem:$0x3FFB];
	_ =	sdelay $0x3  }
0x92: {  	_ =	strace s18  }
0x93: {  	s2 =	sld [smem:$0x3FFC];
	_ =	sdelay $0x3  }
0x94: {  	_ =	strace s2  }
0x95: {  	s2 =	sld [smem:$0x3FFD];
	_ =	sdelay $0x3  }
0x96: {  	_ =	strace s2  }
0x97: {  	_ =	strace $0x8FFFFFFF  }
0x98: {  	s19 =	sld [smem:$0x3FDB];
	_ =	sdelay $0x1  }
0x99: {  	s20 =	simm.s32 $_scs_section_size  }
0x9a: {  	s4 =	simm.s32 $_size__tile_overlayer_lowered;
	s5 =	simm.s32 $_tile_overlayer_lowered  }
0x9b: {  	s6 =	simm.s32 $0x1BFF;
	s21 =	sshll.u32 s5, $0x1;
	s3 =	sadd.s32 s20, s19  }
0x9c: {  	s22 =	simm.s32 $0x0;
	s4 =	sshll.u32 s4, $0x1;
	s5 =	sadd.s32 s21, s3  }
0x9d: {  	[timem:s22], [sflag:s6] =	dma.local [hbm:s5], s4  }
0x9e: {  	_ =	swait.ge [sflag:s6], s4  }
0x9f: {  	s4 =	ssub.s32 $0x0, s4;
	[sflag:s6] =	ssyncset.done $0x0  }
0xa0: {  	[sflag:s6] =	ssyncadd.s32 s4;
	_ =	sdelay $0x1  }
0xa1: {  	s23 =	simm.s32 $0x1B8B  }
0xa2: {  	_ =	swait.ge [sflag:s23], $0x1  }
0xa3: {  	[sflag:s23] =	ssyncset.done $0x0  }
0xa4: {  	[sflag:s23] =	ssyncadd.s32 $0xFFFFFFFF  }
0xa5: {  	s4 =	sld [smem:$0x0]  }
0xa6: {  	s5 =	sand.u32 $0xFFFFFFFE, s1  }
0xa7: {  	p0 =	sne.s32 s1, s5  }
0xa8: {  	s5 =	sshll.u32 @p0 s5, $0xE  }
0xa9: {  	s5 =	sadd.s32 @p0 $0x11B8D, s5;
	s6 =	sshll.u32 @p0 s4, $0x11  }
0xaa: {  	s5 =	sor.u32 @p0 s6, s5  }
0xab: {  	[sflag:s5] =	ssyncadd.remote.s32 @p0 $0x1;
	_ =	sdelay $0x1  }
0xac: {  	s5 =	simm.s32 @p0 $0x1B8D  }
0xad: {  	_ =	swait.eq @p0 [sflag:s5], $0x1  }
0xae: {  	[sflag:s5] =	ssyncadd.s32 @p0 $0xFFFFFFFF  }
0xaf: {  	s6 =	sshll.u32 @!p0 s1, $0xE  }
0xb0: {  	s6 =	sor.u32 @!p0 $0x4000, s6;
	s5 =	simm.s32 @!p0 $0x1B8D  }
0xb1: {  	s4 =	sshll.u32 @!p0 s4, $0x11;
	s6 =	sadd.s32 @!p0 $0x11B8D, s6;
	_ =	swait.eq @!p0 [sflag:s5], $0x1  }
0xb2: {  	s4 =	sor.u32 @!p0 s4, s6;
	[sflag:s5] =	ssyncadd.s32 @!p0 $0xFFFFFFFF  }
0xb3: {  	s25 =	simm.s32 $0x1B8E;
	s24 =	sld [smem:$0x3FFE];
	[sflag:s4] =	ssyncadd.remote.s32 @!p0 $0x1  }
0xb4: {  	s26 =	simm.s32 $execute0_lowered;
	[smem:$0x3FD2] =	sst s25  }
0xb5: {  	s5 =	sshll.u32 s26, $0x1;
	_ =	strace $0x8000004C;
	[dreg:$0x1] =	wrdreg $0xFFFFFFFF  }
0xb6: {  	s28 =	simm.s32 $_size_execute0_lowered;
	s3 =	sadd.s32 s3, s5;
	[dreg:$0x0] =	wrdreg $0x0  }
0xb7: {  	s5 =	sshll.u32 s28, $0x1;
	[dreg:$0x2] =	wrdreg s3  }
0xb8: {  	[dreg:$0x3] =	wrdreg s5  }
0xb9: {  	[dreg:$0x4] =	wrdreg $0xC0  }
0xba: {  	_ =	task [dreg:s22], $0x5FFFF  }
0xbb: {  	[dreg:$0x1] =	wrdreg $0xFFFFFFFF  }
0xbc: {  	[dreg:$0x0] =	wrdreg $0x60  }
0xbd: {  	[dreg:$0x2] =	wrdreg s24  }
0xbe: {  	[dreg:$0x3] =	wrdreg $0x0  }
0xbf: {  	[dreg:$0x4] =	wrdreg $0xA  }
0xc0: {  	_ =	task.clear_ibuf [dreg:s22], $0x5FFFF;
	_ =	strace $0x9000004C  }
0xc1: {  	s29 =	simm.s32 $0xA;
	_ =	strace $0x8000004E  }
0xc2: {  	_ =	swait.ge [sflag:s29], $0x1  }
0xc3: {  	[sflag:s29] =	ssyncadd.s32 $0xFFFFFFFF  }
0xc4: {  	_ =	strace $0x9000004E  }
0xc5: {  	_ =	sfence  }
0xc6: {  	s30 =	sld [smem:$0x0];
	_ =	sdelay $0x2  }
0xc7: {  	s31 =	sshll.u32 s1, $0xD;
	s1 =	sshrl.u32 s1, $0x2  }
0xc8: {  	s4 =	sand.u32 $0x4000, s31;
	s1 =	sadd.s32 s1, s30  }
0xc9: {  	s0 =	sor.u32 s4, s0;
	s1 =	sshll.u32 s1, $0x11  }
0xca: {  	s0 =	sor.u32 s1, s0  }
0xcb: {  	s0 =	sadd.s32 $0x8F2B, s0  }
0xcc: {  	[sflag:s0] =	ssyncadd.remote.s32 $0x1  }
0xcd: {  	_ =	sfence.sel $0xFFFF  }
0xce: {  	[dreg:$0x0] =	wrdreg $0xFFFFFFFF;
	(pc) =	sbr.abs _section_cstart, $3  }
0xcf: {  	[dreg:$0x1] =	wrdreg $0xFFFFFFFF  }
0xd0: {  	_ =	task.clear_ibuf [dreg:s22], $0x2FFFF;
	_ =	strace $0x9FFFFFFF  }
0xd1: {  	(tm) =	ssettm $0x7FFFFFFF  }
tec
execute0_lowered:
.L_overlay_start_1:
0x0: {  	(tag) =	ssettag $0x1  }
0x1: {  	s0 =	rddreg [dreg:$0x0]  }
0x2: {  	s1 =	rddreg [dreg:$0x1]  }
0x3: {  	s2 =	simm.s32 $0x0;
	s4 =	stileid.u32;
	s6 =	srdreg.scid  }
0x4: {  	s28 =	simm.s32 $0x13980;
	s29 =	simm.s32 $0x16300;
	s30 =	simm.s32 $0x1  }
0x5: {  	s31 =	simm.s32 $0x6;
	[smem:$0x7FF] =	sst s2;
	s5 =	smul.u32 $0x13800, s4  }
0x6: {  	s3 =	sadd.s32 $0x2C00, s0;
	s7 =	sadd.s32 $0xA29000, s0;
	s6 =	sand.u32 $0x1, s6  }
0x7: {  	s10 =	smul.u32 $0x4E000, s4;
	s11 =	sadd.s32 $0x82200, s0;
	s13 =	sshll.u32 s4, $0x1  }
0x8: {  	s17 =	sshll.u32 s4, $0x6;
	s18 =	sadd.s32 $0x138000, s1;
	s26 =	smul.u32 $0x2710, s4  }
0x9: {  	s15 =	smul.u32 $0x27100, s4;
	p0 =	sne.s32 s4, $0x0;
	s4 =	simm.s32 $0x2  }
0xa: {  	_ =	strace $0x8000004D;
	s9 =	ssub.s32 $0x2, s6;
	s16 =	sor.u32 s6, s13  }
0xb: {  	s14 =	sor.u32 $0x1C10, s17;
	[dreg:$0x9] =	wrdreg s18;
	s23 =	smul.u32 $0x138800, s6  }
0xc: {  	[dreg:$0x5] =	wrdreg s3;
	s8 =	sshrl.u32 s5, $0x3;
	s13 =	smul.u32 $0x1388, s16  }
0xd: {  	s12 =	sshrl.u32 s9, $0x1;
	s10 =	sshrl.u32 s10, $0x2;
	s19 =	smul.u32 $0x13880, s16  }
0xe: {  	s16 =	sadd.s32 s15, s7;
	s15 =	simm.s32 $0x10;
	[dreg:$0x8] =	wrdreg s14  }
0xf: {  	s8 =	sadd.s32 s8, s0;
	s9 =	ssub.s32 s9, s12;
	s10 =	sadd.s32 s10, s1  }
0x10: {  	s0 =	sadd.s32 $0x82000, s0;
	s5 =	sadd.s32 s5, s23;
	s12 =	smul.u32 $0x1388, s6  }
0x11: {  	s6 =	smul.u32 $0x13880, s6;
	[dreg:$0x6] =	wrdreg s10;
	s8 =	sadd.s32 $0x5B000, s8  }
0x12: {  	[dreg:$0xa] =	wrdreg s0;
	s20 =	sadd.s32 $0x28, s13;
	s21 =	sshrl.u32 s13, $0x3  }
0x13: {  	s0 =	sadd.s32 s7, s19;
	s13 =	sshrl.u32 s23, $0x3;
	s18 =	smax.u32 s9, $0x1  }
0x14: {  	s9 =	simm.s32 $0x3;
	[dreg:$0x7] =	wrdreg s8;
	s22 =	sshrl.u32 s20, $0x3  }
0x15: {  	s10 =	sadd.s32 s3, s21;
	[dreg:$0xc] =	wrdreg s0;
	s25 =	sshll.u32 s20, $0x4  }
0x16: {  	[dreg:$0x11] =	wrdreg s18;
	s16 =	sadd.s32 s6, s16;
	s8 =	simm.s32 $0x18B00  }
0x17: {  	[dreg:$0xb] =	wrdreg s10;
	s24 =	sadd.s32 s3, s22;
	s0 =	sadd.s32 s7, s25  }
0x18: {  	s10 =	sshrl.u32 s5, $0x3;
	s5 =	sadd.s32 s12, s26;
	s25 =	simm.s32 $0x13A00  }
0x19: {  	s26 =	simm.s32 $0x17700;
	s7 =	simm.s32 $0x13A80;
	[dreg:$0xd] =	wrdreg s24  }
0x1a: {  	s12 =	simm.s32 $0x5;
	[dreg:$0xe] =	wrdreg s0;
	s0 =	sadd.s32 s11, s10  }
0x1b: {  	s17 =	sadd.s32 $0xF0, s5;
	s20 =	sadd.s32 $0xC8, s5;
	[dreg:$0x3] =	wrdreg s25  }
0x1c: {  	s21 =	sadd.s32 $0xA0, s5;
	s22 =	sadd.s32 $0x78, s5;
	[dreg:$0x4] =	wrdreg s26  }
0x1d: {  	s5 =	sadd.s32 $0x50, s5;
	s10 =	simm.s32 $0x8;
	[dreg:$0xf] =	wrdreg s0  }
0x1e: {  	s0 =	sadd.s32 s11, s13;
	s19 =	sshrl.u32 s17, $0x3;
	[dreg:$0x13] =	wrdreg s20  }
0x1f: {  	s23 =	sshrl.u32 s22, $0x3;
	s5 =	sshrl.u32 s5, $0x3;
	s0 =	sadd.s32 $0x27000, s0  }
0x20: {  	s11 =	simm.s32 $0xB;
	[dreg:$0x10] =	wrdreg s0;
	s0 =	sadd.s32 s19, s3  }
0x21: {  	s24 =	sadd.s32 s5, s3;
	[dreg:$0x12] =	wrdreg s0;
	s0 =	sshrl.u32 s21, $0x3  }
0x22: {  	s13 =	simm.s32 $0xA;
	[dreg:$0x16] =	wrdreg s24;
	s0 =	sadd.s32 s0, s3  }
0x23: {  	s17 =	simm.s32 $0x0;
	[dreg:$0x14] =	wrdreg s0;
	s0 =	sadd.s32 s23, s3  }
0x24: {  	s5 =	simm.s32 $0x7;
	[dreg:$0x15] =	wrdreg s0;
	s0 =	simm.s32 $0x28  }
.LBB2_1:
0x25: {  	[dreg:$0x17] =	wrdreg s17  }
0x26: {  	s3 =	rddreg [dreg:$0x6]  }
0x27: {  	s22 =	rddreg [dreg:$0x7];
	s6 =	sshrl.u32 s3, $0x3  }
0x28: {  	[dreg:$0x18] =	wrdreg s6  }
0x29: {  	[spmem:s6], [sflag:s14] =	dma.local [hbm:s22], $0x2700  }
0x2a: {  	_ =	swait.ge [sflag:s15], $0x2700  }
0x2b: {  	s3 =	rddreg [dreg:$0x9]  }
0x2c: {  	[sflag:s15] =	ssyncset.done $0x0;
	s6 =	sshrl.u32 @!p0 s3, $0x3;
	s3 =	rddreg [dreg:$0xa]  }
0x2d: {  	[sflag:s15] =	ssyncadd.s32 $0xFFFFD900;
	[dreg:$0x19] =	wrdreg s6  }
0x2e: {  	[spmem:s6], [sflag:s14] =	dma.local @!p0 [hbm:s3], $0x100  }
0x2f: {  	s6 =	simm.s32 @!p0 $0x10  }
0x30: {  	_ =	swait.ge @!p0 [sflag:s6], $0x100  }
0x31: {  	[sflag:s6] =	ssyncset.done @!p0 $0x0  }
0x32: {  	[sflag:s6] =	ssyncadd.s32 @!p0 $0xFFFFFF00  }
0x33: {  	[bflag:$0x0] =	sbarrier.arrive $0xFFFF  }
0x34: {  	s24 =	simm.s32 $0x13880;
	s23 =	rddreg [dreg:$0xb]  }
0x35: {  	[tilespmem:s24], [sflag:$0x1] =	stream.linear.gather [hbm4b:s23+s2], $0x28, $0x38;
	[tilespmem:$0x19F00] =	vst v63  }
0x36: {  	s26 =	simm.s32 $0x13B00;
	s25 =	rddreg [dreg:$0xc]  }
0x37: {  	[tilespmem:s26], [sflag:$0x6] =	stream.linear.gather [hbm4b:s25+s2], $0x1400, $0x38;
	[tilespmem:$0x19F00] =	vst v63  }
0x38: {  	s18 =	simm.s32 $0x13900;
	p1 =	por $0x1, $0x1;
	s6 =	rddreg [dreg:$0xd]  }
0x39: {  	[tilespmem:s18], [sflag:$0x2] =	stream.linear.gather [hbm4b:s6+s2], $0x28, $0x38;
	[tilespmem:$0x19F00] =	vst v63  }
0x3a: {  	s19 =	simm.s32 $0x14F00;
	s14 =	rddreg [dreg:$0xe];
	s6 =	simm.s32 @!p1 $0xD  }
0x3b: {  	[tilespmem:s19], [sflag:$0x7] =	stream.linear.gather [hbm4b:s14+s2], $0x1400, $0x38;
	[tilespmem:$0x19F00] =	vst v63  }
0x3c: {  	_ =	swait.ge @!p1 [sflag:s6], $0x1400  }
0x3d: {  	[sflag:s6] =	ssyncset.done @!p1 $0x0  }
0x3e: {  	s20 =	sadd.s32 $0x0, s16;
	s23 =	rddreg [dreg:$0x16];
	[sflag:s6] =	ssyncadd.s32 @!p1 $0xFFFFEC00  }
0x3f: {  	[tilespmem:s28], [sflag:$0x3] =	stream.linear.gather [hbm4b:s23+s2], $0x28, $0x38;
	[tilespmem:$0x19F00] =	vst v63  }
0x40: {  	s22 =	sadd.s32 $0x500, s20  }
0x41: {  	[tilespmem:s29], [sflag:$0x8] =	stream.linear.gather [hbm4b:s22+s2], $0x1400, $0x38;
	[tilespmem:$0x19F00] =	vst v63  }
0x42: {  	_ =	swait.ge [sflag:s30], $0x28  }
0x43: {  	[sflag:s30] =	ssyncset.done $0x0  }
0x44: {  	[sflag:s30] =	ssyncadd.s32 $0xFFFFFFD8  }
0x45: {  	_ =	swait.ge [sflag:s31], $0x1400  }
0x46: {  	[sflag:s31] =	ssyncset.done $0x0  }
0x47: {  	s14 =	simm.s32 @!p1 $0xE;
	[sflag:s31] =	ssyncadd.s32 $0xFFFFEC00  }
0x48: {  	[spmem:s1] =	stream.indirect.scatter.add.f32 [tilespmem:s26], [sflag:$0xB], $0x80, s24, s0, $0xb8;
	[tilespmem:$0x19F00] =	vst v63  }
0x49: {  	_ =	swait.ge @!p1 [sflag:s14], $0x1400  }
0x4a: {  	s24 =	rddreg [dreg:$0x3];
	[sflag:s14] =	ssyncset.done @!p1 $0x0  }
0x4b: {  	s22 =	rddreg [dreg:$0x15];
	[sflag:s14] =	ssyncadd.s32 @!p1 $0xFFFFEC00  }
0x4c: {  	[tilespmem:s24], [sflag:$0x4] =	stream.linear.gather [hbm4b:s22+s2], $0x28, $0x38;
	[tilespmem:$0x19F00] =	vst v63  }
0x4d: {  	s26 =	sadd.s32 $0x780, s20;
	s25 =	rddreg [dreg:$0x4]  }
0x4e: {  	[tilespmem:s25], [sflag:$0x9] =	stream.linear.gather [hbm4b:s26+s2], $0x1400, $0x38;
	[tilespmem:$0x19F00] =	vst v63  }
0x4f: {  	_ =	swait.ge [sflag:s4], $0x28  }
0x50: {  	[sflag:s4] =	ssyncset.done $0x0  }
0x51: {  	[sflag:s4] =	ssyncadd.s32 $0xFFFFFFD8  }
0x52: {  	_ =	swait.ge [sflag:s5], $0x1400  }
0x53: {  	[sflag:s5] =	ssyncset.done $0x0  }
0x54: {  	s14 =	simm.s32 @!p1 $0xF;
	[sflag:s5] =	ssyncadd.s32 $0xFFFFEC00  }
0x55: {  	[spmem:s1] =	stream.indirect.scatter.add.f32 [tilespmem:s19], [sflag:$0xC], $0x80, s18, s0, $0xb8;
	[tilespmem:$0x19F00] =	vst v63  }
0x56: {  	_ =	swait.ge @!p1 [sflag:s14], $0x1400  }
0x57: {  	[sflag:s14] =	ssyncset.done @!p1 $0x0  }
0x58: {  	s21 =	rddreg [dreg:$0x14];
	[sflag:s14] =	ssyncadd.s32 @!p1 $0xFFFFEC00  }
0x59: {  	[tilespmem:s7], [sflag:$0x5] =	stream.linear.gather [hbm4b:s21+s2], $0x28, $0x38;
	[tilespmem:$0x19F00] =	vst v63  }
0x5a: {  	s6 =	sadd.s32 $0xA00, s20  }
0x5b: {  	[tilespmem:s8], [sflag:$0xA] =	stream.linear.gather [hbm4b:s6+s2], $0x1400, $0x38;
	[tilespmem:$0x19F00] =	vst v63  }
0x5c: {  	_ =	swait.ge [sflag:s9], $0x28  }
0x5d: {  	[sflag:s9] =	ssyncset.done $0x0  }
0x5e: {  	[sflag:s9] =	ssyncadd.s32 $0xFFFFFFD8  }
0x5f: {  	_ =	swait.ge [sflag:s10], $0x1400  }
0x60: {  	[sflag:s10] =	ssyncset.done $0x0  }
0x61: {  	[sflag:s10] =	ssyncadd.s32 $0xFFFFEC00  }
0x62: {  	[spmem:s1] =	stream.indirect.scatter.add.f32 [tilespmem:s29], [sflag:$0xD], $0x80, s28, s0, $0xb8;
	[tilespmem:$0x19F00] =	vst v63  }
0x63: {  	_ =	swait.ge [sflag:s11], $0x1400  }
0x64: {  	p1 =	por $0x0, $0x0;
	[sflag:s11] =	ssyncset.done $0x0  }
0x65: {  	s6 =	simm.s32 @p1 $0x4;
	[sflag:s11] =	ssyncadd.s32 $0xFFFFEC00  }
0x66: {  	_ =	swait.ge @p1 [sflag:s6], $0x28  }
0x67: {  	[sflag:s6] =	ssyncset.done @p1 $0x0  }
0x68: {  	[sflag:s6] =	ssyncadd.s32 @p1 $0xFFFFFFD8;
	s6 =	simm.s32 @p1 $0x9  }
0x69: {  	s14 =	simm.s32 @p1 $0x17700;
	_ =	swait.ge @p1 [sflag:s6], $0x1400  }
0x6a: {  	s15 =	simm.s32 @p1 $0xC;
	s17 =	simm.s32 @p1 $0x13A00;
	[sflag:s6] =	ssyncset.done @p1 $0x0  }
0x6b: {  	s20 =	rddreg [dreg:$0x13];
	[sflag:s6] =	ssyncadd.s32 @p1 $0xFFFFEC00;
	s6 =	simm.s32 @p1 $0x28  }
0x6c: {  	[spmem:s1] =	stream.indirect.scatter.add.f32 @p1 [tilespmem:s14], [sflag:$0xE], $0x80, s17, s6, $0xb8;
	[tilespmem:$0x19F00] =	vst v63  }
0x6d: {  	s6 =	sshrl.u32 @!p1 s20, $0x3;
	s14 =	sadd.s32 @!p1 $0x0, s16;
	_ =	swait.ge @p1 [sflag:s15], $0x1400  }
0x6e: {  	s17 =	simm.s32 @!p1 $0x13880;
	s3 =	rddreg [dreg:$0x5];
	[sflag:s15] =	ssyncset.done @p1 $0x0  }
0x6f: {  	s6 =	sadd.s32 @!p1 s3, s6;
	[sflag:s15] =	ssyncadd.s32 @p1 $0xFFFFEC00;
	s15 =	simm.s32 @!p1 $0x0  }
0x70: {  	[tilespmem:s17], [sflag:$0x1] =	stream.linear.gather @!p1 [hbm4b:s6+s15], $0x28, $0x38;
	[tilespmem:$0x19F00] =	vst v63  }
0x71: {  	s18 =	simm.s32 @!p1 $0x4;
	s6 =	sadd.s32 @!p1 $0xC80, s14;
	s17 =	simm.s32 @!p1 $0x13B00  }
0x72: {  	[tilespmem:s17], [sflag:$0x6] =	stream.linear.gather @!p1 [hbm4b:s6+s15], $0x1400, $0x38;
	[tilespmem:$0x19F00] =	vst v63  }
0x73: {  	_ =	swait.ge @!p1 [sflag:s18], $0x28  }
0x74: {  	[sflag:s18] =	ssyncset.done @!p1 $0x0  }
0x75: {  	s6 =	simm.s32 @!p1 $0x9;
	[sflag:s18] =	ssyncadd.s32 @!p1 $0xFFFFFFD8  }
0x76: {  	_ =	swait.ge @!p1 [sflag:s6], $0x1400  }
0x77: {  	s19 =	simm.s32 @!p1 $0x13A00;
	s17 =	simm.s32 @!p1 $0x17700;
	[sflag:s6] =	ssyncset.done @!p1 $0x0  }
0x78: {  	s18 =	simm.s32 @!p1 $0xC;
	[sflag:s6] =	ssyncadd.s32 @!p1 $0xFFFFEC00;
	s6 =	simm.s32 @!p1 $0x28  }
0x79: {  	[spmem:s1] =	stream.indirect.scatter.add.f32 @!p1 [tilespmem:s17], [sflag:$0xE], $0x80, s19, s6, $0xb8;
	[tilespmem:$0x19F00] =	vst v63  }
0x7a: {  	_ =	swait.ge @!p1 [sflag:s18], $0x1400  }
0x7b: {  	[sflag:s18] =	ssyncset.done @!p1 $0x0  }
0x7c: {  	s6 =	simm.s32 @!p1 $0x13900;
	s3 =	rddreg [dreg:$0x12];
	[sflag:s18] =	ssyncadd.s32 @!p1 $0xFFFFEC00  }
0x7d: {  	[tilespmem:s6], [sflag:$0x2] =	stream.linear.gather @!p1 [hbm4b:s3+s15], $0x28, $0x38;
	[tilespmem:$0x19F00] =	vst v63  }
0x7e: {  	s6 =	sadd.s32 @!p1 $0xF00, s14;
	s14 =	simm.s32 @!p1 $0x14F00  }
0x7f: {  	[tilespmem:s14], [sflag:$0x7] =	stream.linear.gather @!p1 [hbm4b:s6+s15], $0x1400, $0x38;
	[tilespmem:$0x19F00] =	vst v63  }
0x80: {  	_ =	swait.ge [sflag:s12], $0x28  }
0x81: {  	p2 =	por $0x0, $0x0;
	s22 =	sadd.s32 $0x19, s22;
	[sflag:s12] =	ssyncset.done $0x0  }
0x82: {  	s21 =	sadd.s32 $0x19, s21;
	s20 =	sadd.s32 $0xC8, s20;
	[sflag:s12] =	ssyncadd.s32 $0xFFFFFFD8  }
0x83: {  	s19 =	simm.s32 $0xC80;
	s17 =	simm.s32 $0x1900;
	_ =	swait.ge [sflag:s13], $0x1400  }
0x84: {  	s18 =	sadd.s32 $0x19, s3;
	s14 =	sadd.s32 $0x19, s23;
	[sflag:s13] =	ssyncset.done $0x0  }
.LBB2_2:
0x85: {  	s15 =	simm.s32 @!p2 $0xD;
	[sflag:s13] =	ssyncadd.s32 $0xFFFFEC00  }
0x86: {  	[spmem:s1] =	stream.indirect.scatter.add.f32 [tilespmem:s8], [sflag:$0xF], $0x80, s7, s0, $0xb8;
	[tilespmem:$0x19F00] =	vst v63  }
0x87: {  	_ =	swait.ge @!p2 [sflag:s15], $0x1400  }
0x88: {  	[sflag:s15] =	ssyncset.done @!p2 $0x0  }
0x89: {  	[sflag:s15] =	ssyncadd.s32 @!p2 $0xFFFFEC00;
	s15 =	sadd.s32 s19, s16  }
0x8a: {  	[tilespmem:s28], [sflag:$0x3] =	stream.linear.gather [hbm4b:s14+s2], $0x28, $0x38;
	[tilespmem:$0x19F00] =	vst v63  }
0x8b: {  	s23 =	sadd.s32 $0x500, s15  }
0x8c: {  	[tilespmem:s29], [sflag:$0x8] =	stream.linear.gather [hbm4b:s23+s2], $0x1400, $0x38;
	[tilespmem:$0x19F00] =	vst v63  }
0x8d: {  	_ =	swait.ge [sflag:s30], $0x28  }
0x8e: {  	[sflag:s30] =	ssyncset.done $0x0  }
0x8f: {  	[sflag:s30] =	ssyncadd.s32 $0xFFFFFFD8  }
0x90: {  	_ =	swait.ge [sflag:s31], $0x1400  }
0x91: {  	s3 =	simm.s32 $0x13880;
	[sflag:s31] =	ssyncset.done $0x0  }
0x92: {  	s24 =	simm.s32 $0x13B00;
	s23 =	simm.s32 @!p2 $0xE;
	[sflag:s31] =	ssyncadd.s32 $0xFFFFEC00  }
0x93: {  	[spmem:s1] =	stream.indirect.scatter.add.f32 [tilespmem:s24], [sflag:$0xB], $0x80, s3, s0, $0xb8;
	[tilespmem:$0x19F00] =	vst v63  }
0x94: {  	_ =	swait.ge @!p2 [sflag:s23], $0x1400  }
0x95: {  	[sflag:s23] =	ssyncset.done @!p2 $0x0  }
0x96: {  	s25 =	rddreg [dreg:$0x3];
	[sflag:s23] =	ssyncadd.s32 @!p2 $0xFFFFEC00  }
0x97: {  	[tilespmem:s25], [sflag:$0x4] =	stream.linear.gather [hbm4b:s22+s2], $0x28, $0x38;
	[tilespmem:$0x19F00] =	vst v63  }
0x98: {  	s3 =	sadd.s32 $0x780, s15;
	s26 =	rddreg [dreg:$0x4]  }
0x99: {  	[tilespmem:s26], [sflag:$0x9] =	stream.linear.gather [hbm4b:s3+s2], $0x1400, $0x38;
	[tilespmem:$0x19F00] =	vst v63  }
0x9a: {  	_ =	swait.ge [sflag:s4], $0x28  }
0x9b: {  	[sflag:s4] =	ssyncset.done $0x0  }
0x9c: {  	[sflag:s4] =	ssyncadd.s32 $0xFFFFFFD8  }
0x9d: {  	_ =	swait.ge [sflag:s5], $0x1400  }
0x9e: {  	s23 =	simm.s32 @!p2 $0xF;
	[sflag:s5] =	ssyncset.done $0x0  }
0x9f: {  	s25 =	simm.s32 $0x13900;
	s26 =	simm.s32 $0x14F00;
	[sflag:s5] =	ssyncadd.s32 $0xFFFFEC00  }
0xa0: {  	[spmem:s1] =	stream.indirect.scatter.add.f32 [tilespmem:s26], [sflag:$0xC], $0x80, s25, s0, $0xb8;
	[tilespmem:$0x19F00] =	vst v63  }
0xa1: {  	_ =	swait.ge @!p2 [sflag:s23], $0x1400  }
0xa2: {  	[sflag:s23] =	ssyncset.done @!p2 $0x0  }
0xa3: {  	[sflag:s23] =	ssyncadd.s32 @!p2 $0xFFFFEC00  }
0xa4: {  	[tilespmem:s7], [sflag:$0x5] =	stream.linear.gather [hbm4b:s21+s2], $0x28, $0x38;
	[tilespmem:$0x19F00] =	vst v63  }
0xa5: {  	s15 =	sadd.s32 $0xA00, s15  }
0xa6: {  	[tilespmem:s8], [sflag:$0xA] =	stream.linear.gather [hbm4b:s15+s2], $0x1400, $0x38;
	[tilespmem:$0x19F00] =	vst v63  }
0xa7: {  	_ =	swait.ge [sflag:s9], $0x28  }
0xa8: {  	[sflag:s9] =	ssyncset.done $0x0  }
0xa9: {  	[sflag:s9] =	ssyncadd.s32 $0xFFFFFFD8  }
0xaa: {  	_ =	swait.ge [sflag:s10], $0x1400  }
0xab: {  	[sflag:s10] =	ssyncset.done $0x0  }
0xac: {  	[sflag:s10] =	ssyncadd.s32 $0xFFFFEC00  }
0xad: {  	[spmem:s1] =	stream.indirect.scatter.add.f32 [tilespmem:s29], [sflag:$0xD], $0x80, s28, s0, $0xb8;
	[tilespmem:$0x19F00] =	vst v63  }
0xae: {  	_ =	swait.ge [sflag:s11], $0x1400  }
0xaf: {  	p2 =	seq.s32 s19, $0x12C00;
	[sflag:s11] =	ssyncset.done $0x0  }
0xb0: {  	s23 =	simm.s32 @p2 $0x4;
	[sflag:s11] =	ssyncadd.s32 $0xFFFFEC00  }
0xb1: {  	s6 =	smov.u32 s17;
	_ =	swait.ge @p2 [sflag:s23], $0x28  }
0xb2: {  	s26 =	simm.s32 @p2 $0xC;
	s15 =	sshrl.u32 @!p2 s20, $0x3;
	[sflag:s23] =	ssyncset.done @p2 $0x0  }
0xb3: {  	s3 =	rddreg [dreg:$0x5];
	[sflag:s23] =	ssyncadd.s32 @p2 $0xFFFFFFD8;
	s23 =	simm.s32 @p2 $0x9  }
0xb4: {  	s24 =	sadd.s32 @!p2 s3, s15;
	s15 =	sadd.s32 @!p2 s19, s16;
	_ =	swait.ge @p2 [sflag:s23], $0x1400  }
0xb5: {  	s19 =	smov.u32 s6;
	s6 =	simm.s32 @p2 $0x17700;
	[sflag:s23] =	ssyncset.done @p2 $0x0  }
0xb6: {  	s3 =	simm.s32 @p2 $0x13A00;
	[sflag:s23] =	ssyncadd.s32 @p2 $0xFFFFEC00;
	s23 =	simm.s32 @p2 $0x28  }
0xb7: {  	[spmem:s1] =	stream.indirect.scatter.add.f32 @p2 [tilespmem:s6], [sflag:$0xE], $0x80, s3, s23, $0xb8;
	[tilespmem:$0x19F00] =	vst v63  }
0xb8: {  	_ =	swait.ge @p2 [sflag:s26], $0x1400  }
0xb9: {  	[sflag:s26] =	ssyncset.done @p2 $0x0  }
0xba: {  	s3 =	simm.s32 @!p2 $0x0;
	s6 =	simm.s32 @!p2 $0x13880;
	[sflag:s26] =	ssyncadd.s32 @p2 $0xFFFFEC00  }
0xbb: {  	[tilespmem:s6], [sflag:$0x1] =	stream.linear.gather @!p2 [hbm4b:s24+s3], $0x28, $0x38;
	[tilespmem:$0x19F00] =	vst v63  }
0xbc: {  	s25 =	sadd.s32 @!p2 $0xC80, s15;
	s23 =	simm.s32 @!p2 $0x4;
	s6 =	simm.s32 @!p2 $0x13B00  }
0xbd: {  	[tilespmem:s6], [sflag:$0x6] =	stream.linear.gather @!p2 [hbm4b:s25+s3], $0x1400, $0x38;
	[tilespmem:$0x19F00] =	vst v63  }
0xbe: {  	_ =	swait.ge @!p2 [sflag:s23], $0x28  }
0xbf: {  	[sflag:s23] =	ssyncset.done @!p2 $0x0  }
0xc0: {  	s6 =	simm.s32 @!p2 $0x9;
	[sflag:s23] =	ssyncadd.s32 @!p2 $0xFFFFFFD8  }
0xc1: {  	_ =	swait.ge @!p2 [sflag:s6], $0x1400  }
0xc2: {  	s24 =	simm.s32 @!p2 $0xC;
	s25 =	simm.s32 @!p2 $0x13A00;
	[sflag:s6] =	ssyncset.done @!p2 $0x0  }
0xc3: {  	s23 =	simm.s32 @!p2 $0x17700;
	[sflag:s6] =	ssyncadd.s32 @!p2 $0xFFFFEC00;
	s6 =	simm.s32 @!p2 $0x28  }
0xc4: {  	[spmem:s1] =	stream.indirect.scatter.add.f32 @!p2 [tilespmem:s23], [sflag:$0xE], $0x80, s25, s6, $0xb8;
	[tilespmem:$0x19F00] =	vst v63  }
0xc5: {  	_ =	swait.ge @!p2 [sflag:s24], $0x1400  }
0xc6: {  	[sflag:s24] =	ssyncset.done @!p2 $0x0  }
0xc7: {  	s17 =	sadd.s32 $0xC80, s17;
	s6 =	simm.s32 @!p2 $0x13900;
	[sflag:s24] =	ssyncadd.s32 @!p2 $0xFFFFEC00  }
0xc8: {  	[tilespmem:s6], [sflag:$0x2] =	stream.linear.gather @!p2 [hbm4b:s18+s3], $0x28, $0x38;
	[tilespmem:$0x19F00] =	vst v63  }
0xc9: {  	p1 =	sne.s32 s17, $0x13880;
	s15 =	sadd.s32 @!p2 $0xF00, s15;
	s6 =	simm.s32 @!p2 $0x14F00  }
0xca: {  	[tilespmem:s6], [sflag:$0x7] =	stream.linear.gather @!p2 [hbm4b:s15+s3], $0x1400, $0x38;
	[tilespmem:$0x19F00] =	vst v63  }
.Ltmp0:
0xcb: {  	_ =	swait.ge [sflag:s12], $0x28;
	(pc) =	sbr.rel @p1 .LBB2_2-.Ltmp0, $4  }
0xcc: {  	[sflag:s12] =	ssyncset.done $0x0  }
0xcd: {  	s14 =	sadd.s32 $0x19, s14;
	s22 =	sadd.s32 $0x19, s22;
	[sflag:s12] =	ssyncadd.s32 $0xFFFFFFD8  }
0xce: {  	s21 =	sadd.s32 $0x19, s21;
	s20 =	sadd.s32 $0xC8, s20;
	_ =	swait.ge [sflag:s13], $0x1400  }
0xcf: {  	s18 =	sadd.s32 $0x19, s18;
	p2 =	seq.s32 s19, $0x0;
	[sflag:s13] =	ssyncset.done $0x0  }
0xd0: {  	s3 =	simm.s32 @!p2 $0xD;
	[sflag:s13] =	ssyncadd.s32 $0xFFFFEC00  }
0xd1: {  	[spmem:s1] =	stream.indirect.scatter.add.f32 [tilespmem:s8], [sflag:$0xF], $0x80, s7, s0, $0xb8;
	[tilespmem:$0x19F00] =	vst v63  }
0xd2: {  	_ =	swait.ge @!p2 [sflag:s3], $0x1400  }
0xd3: {  	[sflag:s3] =	ssyncset.done @!p2 $0x0  }
0xd4: {  	[sflag:s3] =	ssyncadd.s32 @!p2 $0xFFFFEC00;
	s3 =	sadd.s32 s19, s16  }
0xd5: {  	[tilespmem:s28], [sflag:$0x3] =	stream.linear.gather [hbm4b:s14+s2], $0x28, $0x38;
	[tilespmem:$0x19F00] =	vst v63  }
0xd6: {  	s6 =	sadd.s32 $0x500, s3  }
0xd7: {  	[tilespmem:s29], [sflag:$0x8] =	stream.linear.gather [hbm4b:s6+s2], $0x1400, $0x38;
	[tilespmem:$0x19F00] =	vst v63  }
0xd8: {  	_ =	swait.ge [sflag:s30], $0x28  }
0xd9: {  	[sflag:s30] =	ssyncset.done $0x0  }
0xda: {  	[sflag:s30] =	ssyncadd.s32 $0xFFFFFFD8  }
0xdb: {  	_ =	swait.ge [sflag:s31], $0x1400  }
0xdc: {  	s23 =	simm.s32 $0x13880;
	[sflag:s31] =	ssyncset.done $0x0  }
0xdd: {  	s15 =	simm.s32 $0x13B00;
	s6 =	simm.s32 @!p2 $0xE;
	[sflag:s31] =	ssyncadd.s32 $0xFFFFEC00  }
0xde: {  	[spmem:s1] =	stream.indirect.scatter.add.f32 [tilespmem:s15], [sflag:$0xB], $0x80, s23, s0, $0xb8;
	[tilespmem:$0x19F00] =	vst v63  }
0xdf: {  	_ =	swait.ge @!p2 [sflag:s6], $0x1400  }
0xe0: {  	[sflag:s6] =	ssyncset.done @!p2 $0x0  }
0xe1: {  	s24 =	rddreg [dreg:$0x3];
	[sflag:s6] =	ssyncadd.s32 @!p2 $0xFFFFEC00  }
0xe2: {  	[tilespmem:s24], [sflag:$0x4] =	stream.linear.gather [hbm4b:s22+s2], $0x28, $0x38;
	[tilespmem:$0x19F00] =	vst v63  }
0xe3: {  	s26 =	sadd.s32 $0x780, s3;
	s25 =	rddreg [dreg:$0x4]  }
0xe4: {  	[tilespmem:s25], [sflag:$0x9] =	stream.linear.gather [hbm4b:s26+s2], $0x1400, $0x38;
	[tilespmem:$0x19F00] =	vst v63  }
0xe5: {  	_ =	swait.ge [sflag:s4], $0x28  }
0xe6: {  	[sflag:s4] =	ssyncset.done $0x0  }
0xe7: {  	[sflag:s4] =	ssyncadd.s32 $0xFFFFFFD8  }
0xe8: {  	_ =	swait.ge [sflag:s5], $0x1400  }
0xe9: {  	s17 =	simm.s32 $0x14F00;
	[sflag:s5] =	ssyncset.done $0x0  }
0xea: {  	s15 =	simm.s32 $0x13900;
	s6 =	simm.s32 @!p2 $0xF;
	[sflag:s5] =	ssyncadd.s32 $0xFFFFEC00  }
0xeb: {  	[spmem:s1] =	stream.indirect.scatter.add.f32 [tilespmem:s17], [sflag:$0xC], $0x80, s15, s0, $0xb8;
	[tilespmem:$0x19F00] =	vst v63  }
0xec: {  	_ =	swait.ge @!p2 [sflag:s6], $0x1400  }
0xed: {  	[sflag:s6] =	ssyncset.done @!p2 $0x0  }
0xee: {  	[sflag:s6] =	ssyncadd.s32 @!p2 $0xFFFFEC00  }
0xef: {  	[tilespmem:s7], [sflag:$0x5] =	stream.linear.gather [hbm4b:s21+s2], $0x28, $0x38;
	[tilespmem:$0x19F00] =	vst v63  }
0xf0: {  	s3 =	sadd.s32 $0xA00, s3  }
0xf1: {  	[tilespmem:s8], [sflag:$0xA] =	stream.linear.gather [hbm4b:s3+s2], $0x1400, $0x38;
	[tilespmem:$0x19F00] =	vst v63  }
0xf2: {  	_ =	swait.ge [sflag:s9], $0x28  }
0xf3: {  	[sflag:s9] =	ssyncset.done $0x0  }
0xf4: {  	[sflag:s9] =	ssyncadd.s32 $0xFFFFFFD8  }
0xf5: {  	_ =	swait.ge [sflag:s10], $0x1400  }
0xf6: {  	[sflag:s10] =	ssyncset.done $0x0  }
0xf7: {  	[sflag:s10] =	ssyncadd.s32 $0xFFFFEC00  }
0xf8: {  	[spmem:s1] =	stream.indirect.scatter.add.f32 [tilespmem:s29], [sflag:$0xD], $0x80, s28, s0, $0xb8;
	[tilespmem:$0x19F00] =	vst v63  }
0xf9: {  	_ =	swait.ge [sflag:s11], $0x1400  }
0xfa: {  	p1 =	seq.s32 s19, $0x12C00;
	[sflag:s11] =	ssyncset.done $0x0  }
0xfb: {  	s3 =	simm.s32 @p1 $0x4;
	[sflag:s11] =	ssyncadd.s32 $0xFFFFEC00  }
0xfc: {  	_ =	swait.ge @p1 [sflag:s3], $0x28  }
0xfd: {  	[sflag:s3] =	ssyncset.done @p1 $0x0  }
0xfe: {  	[sflag:s3] =	ssyncadd.s32 @p1 $0xFFFFFFD8;
	s3 =	simm.s32 @p1 $0x9  }
0xff: {  	_ =	swait.ge @p1 [sflag:s3], $0x1400  }
0x100: {  	s14 =	simm.s32 @p1 $0x13A00;
	[sflag:s3] =	ssyncset.done @p1 $0x0  }
0x101: {  	s6 =	simm.s32 @p1 $0x17700;
	[sflag:s3] =	ssyncadd.s32 @p1 $0xFFFFEC00;
	s3 =	simm.s32 @p1 $0x28  }
0x102: {  	[spmem:s1] =	stream.indirect.scatter.add.f32 @p1 [tilespmem:s6], [sflag:$0xE], $0x80, s14, s3, $0xb8;
	[tilespmem:$0x19F00] =	vst v63  }
0x103: {  	s3 =	simm.s32 @p1 $0xC  }
0x104: {  	_ =	swait.ge @p1 [sflag:s3], $0x1400  }
0x105: {  	s6 =	sshrl.u32 @!p1 s20, $0x3;
	s14 =	rddreg [dreg:$0x5]  }
0x106: {  	s15 =	simm.s32 @!p1 $0x13880;
	[sflag:s3] =	ssyncset.done @p1 $0x0;
	s6 =	sadd.s32 @!p1 s14, s6  }
0x107: {  	s14 =	sadd.s32 @!p1 s19, s16;
	[sflag:s3] =	ssyncadd.s32 @p1 $0xFFFFEC00;
	s3 =	simm.s32 @!p1 $0x0  }
0x108: {  	[tilespmem:s15], [sflag:$0x1] =	stream.linear.gather @!p1 [hbm4b:s6+s3], $0x28, $0x38;
	[tilespmem:$0x19F00] =	vst v63  }
0x109: {  	s17 =	simm.s32 @!p1 $0x4;
	s6 =	sadd.s32 @!p1 $0xC80, s14;
	s15 =	simm.s32 @!p1 $0x13B00  }
0x10a: {  	[tilespmem:s15], [sflag:$0x6] =	stream.linear.gather @!p1 [hbm4b:s6+s3], $0x1400, $0x38;
	[tilespmem:$0x19F00] =	vst v63  }
0x10b: {  	_ =	swait.ge @!p1 [sflag:s17], $0x28  }
0x10c: {  	[sflag:s17] =	ssyncset.done @!p1 $0x0  }
0x10d: {  	s6 =	simm.s32 @!p1 $0x9;
	[sflag:s17] =	ssyncadd.s32 @!p1 $0xFFFFFFD8  }
0x10e: {  	_ =	swait.ge @!p1 [sflag:s6], $0x1400  }
0x10f: {  	s15 =	simm.s32 @!p1 $0x17700;
	[sflag:s6] =	ssyncset.done @!p1 $0x0  }
0x110: {  	s17 =	simm.s32 @!p1 $0x13A00;
	[sflag:s6] =	ssyncadd.s32 @!p1 $0xFFFFEC00;
	s6 =	simm.s32 @!p1 $0x28  }
0x111: {  	[spmem:s1] =	stream.indirect.scatter.add.f32 @!p1 [tilespmem:s15], [sflag:$0xE], $0x80, s17, s6, $0xb8;
	[tilespmem:$0x19F00] =	vst v63  }
0x112: {  	s6 =	simm.s32 @!p1 $0xC  }
0x113: {  	_ =	swait.ge @!p1 [sflag:s6], $0x1400  }
0x114: {  	[sflag:s6] =	ssyncset.done @!p1 $0x0  }
0x115: {  	[sflag:s6] =	ssyncadd.s32 @!p1 $0xFFFFEC00;
	s6 =	simm.s32 @!p1 $0x13900  }
0x116: {  	[tilespmem:s6], [sflag:$0x2] =	stream.linear.gather @!p1 [hbm4b:s18+s3], $0x28, $0x38;
	[tilespmem:$0x19F00] =	vst v63  }
0x117: {  	s6 =	sadd.s32 @!p1 $0xF00, s14;
	s14 =	simm.s32 @!p1 $0x14F00  }
0x118: {  	[tilespmem:s14], [sflag:$0x7] =	stream.linear.gather @!p1 [hbm4b:s6+s3], $0x1400, $0x38;
	[tilespmem:$0x19F00] =	vst v63  }
0x119: {  	_ =	swait.ge [sflag:s12], $0x28  }
0x11a: {  	[sflag:s12] =	ssyncset.done $0x0  }
0x11b: {  	[sflag:s12] =	ssyncadd.s32 $0xFFFFFFD8  }
0x11c: {  	_ =	swait.ge [sflag:s13], $0x1400  }
0x11d: {  	[sflag:s13] =	ssyncset.done $0x0  }
0x11e: {  	s20 =	simm.s32 $0xD;
	[sflag:s13] =	ssyncadd.s32 $0xFFFFEC00  }
0x11f: {  	[spmem:s1] =	stream.indirect.scatter.add.f32 [tilespmem:s8], [sflag:$0xF], $0x80, s7, s0, $0xb8;
	[tilespmem:$0x19F00] =	vst v63  }
0x120: {  	_ =	swait.ge [sflag:s20], $0x1400  }
0x121: {  	[sflag:s20] =	ssyncset.done $0x0  }
0x122: {  	s21 =	simm.s32 $0xE;
	[sflag:s20] =	ssyncadd.s32 $0xFFFFEC00  }
0x123: {  	_ =	swait.ge [sflag:s21], $0x1400  }
0x124: {  	[sflag:s21] =	ssyncset.done $0x0  }
0x125: {  	s22 =	simm.s32 $0xF;
	[sflag:s21] =	ssyncadd.s32 $0xFFFFEC00  }
0x126: {  	_ =	swait.ge [sflag:s22], $0x1400  }
0x127: {  	[sflag:s22] =	ssyncset.done $0x0  }
0x128: {  	[sflag:s22] =	ssyncadd.s32 $0xFFFFEC00  }
0x129: {  	[bflag:$0x0] =	sbarrier.arrive $0xFFFF  }
0x12a: {  	s14 =	rddreg [dreg:$0x8]  }
0x12b: {  	s23 =	rddreg [dreg:$0xf]  }
0x12c: {  	s15 =	simm.s32 $0x10;
	s24 =	rddreg [dreg:$0x18]  }
0x12d: {  	[hbm:s23], [sflag:s14] =	dma.local [spmem:s24], $0x2700  }
0x12e: {  	_ =	swait.ge [sflag:s15], $0x2700  }
0x12f: {  	[sflag:s15] =	ssyncset.done $0x0;
	s3 =	rddreg [dreg:$0x10]  }
0x130: {  	s6 =	rddreg [dreg:$0x19];
	[sflag:s15] =	ssyncadd.s32 $0xFFFFD900  }
0x131: {  	[hbm:s3], [sflag:s14] =	dma.local @!p0 [spmem:s6], $0x100  }
0x132: {  	s3 =	simm.s32 @!p0 $0x10  }
0x133: {  	_ =	swait.ge @!p0 [sflag:s3], $0x100  }
0x134: {  	s25 =	rddreg [dreg:$0x17]  }
0x135: {  	s26 =	rddreg [dreg:$0x11];
	s17 =	sadd.s32 $0x1, s25  }
0x136: {  	p1 =	sne.s32 s17, s26  }
.Ltmp1:
0x137: {  	_ = 	snop;
	(pc) =	sbr.rel @p1 .LBB2_1-.Ltmp1, $3  }
0x138: {  	_ =	sdelay $0x1  }
0x139: {  	[sflag:s3] =	ssyncset.done @!p0 $0x0  }
0x13a: {  	[sflag:s3] =	ssyncadd.s32 @!p0 $0xFFFFFF00  }
0x13b: {  	_ =	sfence.sel $0x180000  }
0x13c: {  	[bflag:$0x0] =	sbarrier.arrive $0xFFFF  }
0x13d: {  	_ =	strace $0x9000004D  }
0x13e: {  	[bflag:$0x2] =	sbarrier.arrive $0xFFFF  }
0x13f: {  	s0 =	rddreg [dreg:$0x2]  }
0x140: {  	s0 =	sadd.s32 @!p0 $0x100000, s0  }
0x141: {  	[sflag:s0] =	ssyncadd.tile.s32 @!p0 $0x1;
	_ =	shalt  }
.Lfunc_end2:
_tile_overlayer_lowered:
.L_overlay_start_2:
0x142: {  	(tag) =	ssettag $0x2  }
0x143: {  	s0 =	rddreg [dreg:$0x0];
	s2 =	stileid.u32  }
0x144: {  	s1 =	rddreg [dreg:$0x1];
	p0 =	sne.s32 s2, $0x0  }
0x145: {  	s3 =	rddreg [dreg:$0x2];
	[bflag:$0x3] =	sbarrier.arrive $0xFFFF;
	s2 =	simm.s32 @!p0 $0x1C10  }
0x146: {  	[timem:s3], [sflag:s2] =	dma.local @!p0 [hbm:s0], s1  }
0x147: {  	s0 =	simm.s32 @!p0 $0x10  }
0x148: {  	_ =	swait.ge @!p0 [sflag:s0], s1  }
0x149: {  	s1 =	ssub.s32 @!p0 $0x0, s1;
	[sflag:s0] =	ssyncset.done @!p0 $0x0  }
0x14a: {  	[sflag:s0] =	ssyncadd.s32 @!p0 s1  }
0x14b: {  	[bflag:$0x3] =	sbarrier.arrive $0xFFFF  }
0x14c: {  	_ =	shalt  }

</sc_bundles>
